<compile_context>
chip_gen: v7x
topology: tpu7x:2x2x1
jax: 0.10.2.dev20260603
libtpu: 0.0.44.dev20260713+nightly
codegen_flags: <defaults>
</compile_context>

<pallas_src>
import functools

import jax
import jax.numpy as jnp
from jax import lax
from jax.experimental import pallas as pl
from jax.experimental.pallas import tpu as pltpu
from jax.experimental.pallas import tpu_sc as plsc

_B = 1024
_DIM_IN = 512
_N_ATOMS = 64
_F = 4
_DIM_REST = _DIM_IN - _N_ATOMS * 3
_E = 1024
_MSG_H = 16
_GNN_OUT = _N_ATOMS * _F

_NC = 2
_NS = 16
_NW = _NC * _NS
_LPW = _B // _NW
_L = 16

_BLK = 128

_O_WM1 = 0
_O_BM1 = 112
_O_WM2 = 128
_O_BM2 = 192
_O_WN = 196
_O_BN = 224


def _sqrt_sc(s):
    t = s
    m = jnp.full((_L,), 1.0, jnp.float32)
    for e2 in (16, 8, 4, 2, 1):
        f = float(2 ** e2)
        big = t > f
        t = jnp.where(big, t * (1.0 / f), t)
        m = jnp.where(big, m * float(2.0 ** (e2 / 2)), m)
    for e2 in (16, 8, 4, 2, 1):
        f = float(2 ** e2)
        small = t < (1.0 / f)
        t = jnp.where(small, t * f, t)
        m = jnp.where(small, m * float(2.0 ** (-e2 / 2)), m)
    y = 1.69 - 0.535 * t
    for _ in range(4):
        y = y * (1.5 - 0.5 * t * y * y)
    return m * t * y


def _tanh(z):
    e = jnp.exp(-2.0 * jnp.abs(z))
    return jnp.sign(z) * (1.0 - e) / (1.0 + e)


def _gnn_sc_body(pos_hbm, ei_hbm, wpack_hbm, out_hbm, pos_v, ei_v, h_v, w_v,
                 u_v, vv_v):
    wid = lax.axis_index("s") * _NC + lax.axis_index("c")

    pltpu.sync_copy(pos_hbm.at[wid], pos_v)
    pltpu.sync_copy(ei_hbm, ei_v)
    pltpu.sync_copy(wpack_hbm, w_v)

    wrow = [w_v[r, pl.ds(0, _L)] for r in range(16)]
    sc = lambda k: wrow[k // 16][k % 16]
    w1 = [[sc(_O_WM1 + c * 16 + h) for c in range(7)] for h in range(_MSG_H)]
    b1 = [sc(_O_BM1 + h) for h in range(_MSG_H)]
    w2 = [[sc(_O_WM2 + h * 4 + f) for h in range(_MSG_H)] for f in range(_F)]
    b2 = [sc(_O_BM2 + f) for f in range(_F)]
    wn = [[sc(_O_WN + c * 4 + f) for c in range(7)] for f in range(_F)]
    bn = [sc(_O_BN + f) for f in range(_F)]

    def _zero(r, _):
        for v in range(_LPW // _L):
            h_v[r, pl.ds(v * _L, _L)] = jnp.zeros((_L,), jnp.float32)
        return 0
    lax.fori_loop(0, _GNN_OUT, _zero, 0)

    def _pre(a, _):
        ra = a * 3
        ro = a * _MSG_H
        for v in range(_LPW // _L):
            ln = pl.ds(v * _L, _L)
            px = pos_v[ra, ln]
            py = pos_v[ra + 1, ln]
            pz = pos_v[ra + 2, ln]
            for h in range(_MSG_H):
                u_v[ro + h, ln] = (b1[h] + w1[h][0] * px + w1[h][1] * py
                                   + w1[h][2] * pz)
                vv_v[ro + h, ln] = (w1[h][3] * px + w1[h][4] * py
                                    + w1[h][5] * pz)
        return 0
    lax.fori_loop(0, _N_ATOMS, _pre, 0)

    def _edge(e, _):
        iv = ei_v[e, pl.ds(0, _L)]
        s = iv[0]
        t = iv[1]
        rs = s * 3
        rt = t * 3
        us = s * _MSG_H
        ut = t * _MSG_H
        for v in range(_LPW // _L):
            ln = pl.ds(v * _L, _L)
            psx = pos_v[rs, ln]
            psy = pos_v[rs + 1, ln]
            psz = pos_v[rs + 2, ln]
            pdx = pos_v[rt, ln]
            pdy = pos_v[rt + 1, ln]
            pdz = pos_v[rt + 2, ln]
            dx = psx - pdx
            dy = psy - pdy
            dz = psz - pdz
            ss = dx * dx + dy * dy + dz * dz + 1e-8
            dist = _sqrt_sc(ss)
            hid = []
            for h in range(_MSG_H):
                acc = u_v[us + h, ln] + vv_v[ut + h, ln] + w1[h][6] * dist
                hid.append(jnp.maximum(acc, 0.0))
            for f in range(_F):
                mf = b2[f]
                for h in range(_MSG_H):
                    mf = mf + w2[f][h] * hid[h]
                row = t * _F + f
                h_v[row, ln] = h_v[row, ln] + mf
        return 0
    lax.fori_loop(0, _E, _edge, 0)

    def _node(a, _):
        ra = a * 3
        ro = a * _F
        for v in range(_LPW // _L):
            ln = pl.ds(v * _L, _L)
            px = pos_v[ra, ln]
            py = pos_v[ra + 1, ln]
            pz = pos_v[ra + 2, ln]
            g = [h_v[ro + f, ln] for f in range(_F)]
            for f in range(_F):
                z = bn[f] + wn[f][0] * px + wn[f][1] * py + wn[f][2] * pz
                for k in range(_F):
                    z = z + wn[f][3 + k] * g[k]
                h_v[ro + f, ln] = _tanh(z)
        return 0
    lax.fori_loop(0, _N_ATOMS, _node, 0)

    pltpu.sync_copy(h_v, out_hbm.at[wid])


def _dense_tc(xr_ref, g_ref, dw0t_ref, dw0g_ref, db0_ref, dw1_ref, db1_ref,
              dw2_ref, db2_ref, out_ref):
    f32 = jnp.float32
    l0 = jnp.dot(xr_ref[...], dw0t_ref[...], preferred_element_type=f32)
    l0 = l0 + jax.lax.dot_general(g_ref[...], dw0g_ref[...],
                                  (((0,), (0,)), ((), ())),
                                  preferred_element_type=f32)
    h1 = jnp.maximum(l0 + db0_ref[0, :][None, :], 0.0)
    h2 = jnp.maximum(jnp.dot(h1, dw1_ref[...], preferred_element_type=f32)
                     + db1_ref[0, :][None, :], 0.0)
    out_ref[...] = jnp.dot(h2, dw2_ref[...], preferred_element_type=f32) \
        + db2_ref[0, :][None, :]


def kernel(x, edge_index, Wm1, bm1, Wm2, bm2, Wn, bn, Dw0, Db0, Dw1, Db1, Dw2, Db2):
    f32 = jnp.float32
    x_rest = x[:, :_DIM_REST]
    pos_w = x[:, _DIM_REST:].T.reshape(_N_ATOMS * 3, _NW, _LPW).transpose(1, 0, 2)

    wpack = jnp.concatenate([
        Wm1.reshape(-1), bm1, Wm2.reshape(-1), bm2, Wn.reshape(-1), bn,
        jnp.zeros((256 - _O_BN - _F,), f32)]).reshape(16, 16)
    ei_rows = jnp.concatenate(
        [edge_index.T, jnp.zeros((_E, 14), jnp.int32)], axis=1)

    gnn_sc = functools.partial(
        pl.kernel,
        out_type=jax.ShapeDtypeStruct((_NW, _GNN_OUT, _LPW), f32),
        mesh=plsc.VectorSubcoreMesh(core_axis_name="c", subcore_axis_name="s",
                                    num_cores=_NC, num_subcores=_NS),
        compiler_params=pltpu.CompilerParams(use_tc_tiling_on_sc=False),
        scratch_types=[
            pltpu.VMEM((_N_ATOMS * 3, _LPW), f32),
            pltpu.VMEM((_E, _L), jnp.int32),
            pltpu.VMEM((_GNN_OUT, _LPW), f32),
            pltpu.VMEM((16, 16), f32),
            pltpu.VMEM((_N_ATOMS * _MSG_H, _LPW), f32),
            pltpu.VMEM((_N_ATOMS * _MSG_H, _LPW), f32),
        ],
    )(_gnn_sc_body)
    out_w = gnn_sc(pos_w, ei_rows, wpack)
    gnnT = out_w.transpose(1, 0, 2).reshape(_GNN_OUT, _B)

    dw0_top = Dw0[:_DIM_REST]
    dw0_gnn = Dw0[_DIM_REST:]

    grid = (_B // _BLK,)
    full = lambda shape: pl.BlockSpec(shape, lambda i: (0,) * len(shape))
    out = pl.pallas_call(
        _dense_tc,
        grid=grid,
        in_specs=[
            pl.BlockSpec((_BLK, _DIM_REST), lambda i: (i, 0)),
            pl.BlockSpec((_GNN_OUT, _BLK), lambda i: (0, i)),
            full(dw0_top.shape),
            full(dw0_gnn.shape),
            full((1, Db0.shape[0])),
            full(Dw1.shape),
            full((1, Db1.shape[0])),
            full(Dw2.shape),
            full((1, Db2.shape[0])),
        ],
        out_specs=pl.BlockSpec((_BLK, Dw2.shape[1]), lambda i: (i, 0)),
        out_shape=jax.ShapeDtypeStruct((_B, Dw2.shape[1]), f32),
    )(x_rest, gnnT, dw0_top, dw0_gnn, Db0.reshape(1, -1), Dw1,
      Db1.reshape(1, -1), Dw2, Db2.reshape(1, -1))
    return out

# --- scband reference (transcript-rebuilt; emitter-appended) ---
"""Pipeline reference for scband-gnnconditioner-54391465837272 (READ-ONLY COPY).

The authoritative reference and input builder live on the scoring server;
editing this copy changes nothing except your own understanding.
"""

import jax, jax.numpy as jnp
import numpy as np

B = 1024
DIM_IN = 512
N_ATOMS = 64
N_CART = N_ATOMS * 3
F = 4
GNN_OUT = N_ATOMS * F
DIM_REST = DIM_IN - N_CART
E = 1024
MSG_H = 16
HIDDEN = (1024, 1024)
DIM_OUT = 512
DENSE_IN = DIM_REST + GNN_OUT


def setup_inputs(seed: int = 0) -> dict:
    key = jax.random.key(seed)
    ks = jax.random.split(key, 16)
    inp = {}
    inp["x"] = jax.random.normal(ks[0], (B, DIM_IN), dtype=jnp.float32)
    # fixed molecular graph topology (buffer, shared across batch)
    inp["edge_index"] = jax.random.randint(ks[1], (2, E), 0, N_ATOMS, dtype=jnp.int32)
    # GNN message-MLP params
    inp["Wm1"] = jax.random.normal(ks[2], (7, MSG_H), dtype=jnp.float32) * (1.0 / np.sqrt(7))
    inp["bm1"] = jnp.zeros((MSG_H,), dtype=jnp.float32)
    inp["Wm2"] = jax.random.normal(ks[3], (MSG_H, F), dtype=jnp.float32) * (1.0 / np.sqrt(MSG_H))
    inp["bm2"] = jnp.zeros((F,), dtype=jnp.float32)
    # GNN node-update params
    inp["Wn"] = jax.random.normal(ks[4], (3 + F, F), dtype=jnp.float32) * (1.0 / np.sqrt(3 + F))
    inp["bn"] = jnp.zeros((F,), dtype=jnp.float32)
    # DenseNet params: [DENSE_IN, 1024, 1024, DIM_OUT]
    dims = [DENSE_IN] + list(HIDDEN) + [DIM_OUT]
    for i in range(3):
        inp["Dw%d" % i] = jax.random.normal(ks[5 + i], (dims[i], dims[i + 1]), dtype=jnp.float32) * (1.0 / np.sqrt(dims[i]))
        inp["Db%d" % i] = jnp.zeros((dims[i + 1],), dtype=jnp.float32)
    return inp


def _gnn(pos, edge_index, Wm1, bm1, Wm2, bm2, Wn, bn):
    # pos: [B, N_ATOMS, 3]; message passing over fixed edge topology
    src = edge_index[0]
    dst = edge_index[1]
    ps = pos[:, src, :]  # gather source atom coords [B, E, 3]
    pd = pos[:, dst, :]  # gather dest atom coords   [B, E, 3]
    diff = ps - pd
    d = jnp.sqrt(jnp.sum(diff * diff, axis=-1, keepdims=True) + 1e-8)
    e_in = jnp.concatenate([ps, pd, d], axis=-1)  # [B, E, 7]
    m = jax.nn.relu(e_in @ Wm1 + bm1) @ Wm2 + bm2  # [B, E, F]
    # scatter-add messages to destination atoms
    agg = jax.vmap(lambda mm: jax.ops.segment_sum(mm, dst, num_segments=N_ATOMS))(m)  # [B, N_ATOMS, F]
    h = jnp.tanh(jnp.concatenate([pos, agg], axis=-1) @ Wn + bn)  # [B, N_ATOMS, F]
    return h


def reference(x, edge_index, Wm1, bm1, Wm2, bm2, Wn, bn, Dw0, Db0, Dw1, Db1, Dw2, Db2):
    # split into non-cartesian (rest) and cartesian parts
    x_rest = x[:, :DIM_REST]
    x_cart = x[:, DIM_REST:]
    pos = x_cart.reshape(B, N_ATOMS, 3)
    gnn_out = _gnn(pos, edge_index, Wm1, bm1, Wm2, bm2, Wn, bn)
    formatted = gnn_out.reshape(B, -1)  # [B, GNN_OUT]
    feat = jnp.concatenate([x_rest, formatted], axis=-1)  # [B, DENSE_IN]
    h = jax.nn.relu(feat @ Dw0 + Db0)
    h = jax.nn.relu(h @ Dw1 + Db1)
    out = h @ Dw2 + Db2
    return out

if __name__ == "__main__":
    import jax
    _d = setup_inputs()
    print(jax.jit(kernel)(*tuple(_d.values())))

</pallas_src>

<mosaic_0001>
#map = affine_map<(d0, d1) -> (0, 0, 0)>
#map1 = affine_map<(d0, d1) -> (0, 0)>
module attributes {stable_mosaic.version = 14 : i64} {
  func.func @_gnn_sc_body(%arg0: i32, %arg1: i32, %arg2: memref<32x192x32xf32, #tpu.memory_space<hbm>>, %arg3: memref<1024x16xi32, #tpu.memory_space<hbm>>, %arg4: memref<16x16xf32, #tpu.memory_space<hbm>>, %arg5: memref<32x256x32xf32, #tpu.memory_space<hbm>>, %arg6: memref<192x32xf32, #tpu.memory_space<vmem>>, %arg7: memref<1024x16xi32, #tpu.memory_space<vmem>>, %arg8: memref<256x32xf32, #tpu.memory_space<vmem>>, %arg9: memref<16x16xf32, #tpu.memory_space<vmem>>, %arg10: memref<1024x32xf32, #tpu.memory_space<vmem>>, %arg11: memref<1024x32xf32, #tpu.memory_space<vmem>>) attributes {dimension_semantics = [#tpu.dimension_semantics<core_parallel>, #tpu.dimension_semantics<subcore_parallel>], iteration_bounds = array<i64: 2, 16>, scalar_prefetch = 0 : i64, scratch_operands = 6 : i64, tpu.core_type = #tpu.core_type<sc_vector_subcore>, window_params = [{transform_indices = #map}, {transform_indices = #map1}, {transform_indices = #map1}, {transform_indices = #map}]} {
    %mul3A = arith.constant 2 : i32
    %mul3A_0 = arith.muli %arg1, %mul3A : i32
    %add3A = arith.addi %mul3A_0, %arg0 : i32
    "tpu.region"() ({
      %run_scoped3A = tpu.sem_alloc : memref<!tpu.dma_semaphore, #tpu.memory_space<semaphore_mem>>
      %dma_start3A = arith.constant 0 : i32
      %dma_start3A_561 = arith.constant 0 : i32
      %dma_start3A_562 = tpu.memref_slice %arg2[%add3A, %dma_start3A, %dma_start3A_561] : memref<32x192x32xf32, #tpu.memory_space<hbm>> -> memref<1x192x32xf32, #tpu.memory_space<hbm>>
      %dma_start3A_563 = tpu.memref_squeeze %dma_start3A_562 : memref<1x192x32xf32, #tpu.memory_space<hbm>> -> memref<192x32xf32, #tpu.memory_space<hbm>>
      %dma_start3A_564 = arith.constant 0 : i32
      %dma_start3A_565 = arith.constant 0 : i32
      %dma_start3A_566 = tpu.memref_slice %arg2[%add3A, %dma_start3A_564, %dma_start3A_565] : memref<32x192x32xf32, #tpu.memory_space<hbm>> -> memref<1x192x32xf32, #tpu.memory_space<hbm>>
      %dma_start3A_567 = tpu.memref_squeeze %dma_start3A_566 : memref<1x192x32xf32, #tpu.memory_space<hbm>> -> memref<192x32xf32, #tpu.memory_space<hbm>>
      tpu.enqueue_dma source(%dma_start3A_567 : memref<192x32xf32, #tpu.memory_space<hbm>>) target(%arg6 : memref<192x32xf32, #tpu.memory_space<vmem>>) target_semaphore(%run_scoped3A : memref<!tpu.dma_semaphore, #tpu.memory_space<semaphore_mem>>)
      %dma_wait3A = arith.constant 0 : i32
      %dma_wait3A_568 = arith.constant 0 : i32
      %dma_wait3A_569 = tpu.memref_slice %arg2[%add3A, %dma_wait3A, %dma_wait3A_568] : memref<32x192x32xf32, #tpu.memory_space<hbm>> -> memref<1x192x32xf32, #tpu.memory_space<hbm>>
      %dma_wait3A_570 = tpu.memref_squeeze %dma_wait3A_569 : memref<1x192x32xf32, #tpu.memory_space<hbm>> -> memref<192x32xf32, #tpu.memory_space<hbm>>
      %dma_wait3A_571 = arith.constant 0 : i32
      %dma_wait3A_572 = arith.constant 0 : i32
      %dma_wait3A_573 = tpu.memref_slice %arg2[%add3A, %dma_wait3A_571, %dma_wait3A_572] : memref<32x192x32xf32, #tpu.memory_space<hbm>> -> memref<1x192x32xf32, #tpu.memory_space<hbm>>
      %dma_wait3A_574 = tpu.memref_squeeze %dma_wait3A_573 : memref<1x192x32xf32, #tpu.memory_space<hbm>> -> memref<192x32xf32, #tpu.memory_space<hbm>>
      tpu.wait_dma2 semaphore(%run_scoped3A : memref<!tpu.dma_semaphore, #tpu.memory_space<semaphore_mem>>) src(%dma_wait3A_574 : memref<192x32xf32, #tpu.memory_space<hbm>>) dst(%arg6 : memref<192x32xf32, #tpu.memory_space<vmem>>)
      tpu.yield
    }) : () -> ()
    "tpu.region"() ({
      %run_scoped3A = tpu.sem_alloc : memref<!tpu.dma_semaphore, #tpu.memory_space<semaphore_mem>>
      tpu.enqueue_dma source(%arg3 : memref<1024x16xi32, #tpu.memory_space<hbm>>) target(%arg7 : memref<1024x16xi32, #tpu.memory_space<vmem>>) target_semaphore(%run_scoped3A : memref<!tpu.dma_semaphore, #tpu.memory_space<semaphore_mem>>)
      tpu.wait_dma2 semaphore(%run_scoped3A : memref<!tpu.dma_semaphore, #tpu.memory_space<semaphore_mem>>) src(%arg3 : memref<1024x16xi32, #tpu.memory_space<hbm>>) dst(%arg7 : memref<1024x16xi32, #tpu.memory_space<vmem>>)
      tpu.yield
    }) : () -> ()
    "tpu.region"() ({
      %run_scoped3A = tpu.sem_alloc : memref<!tpu.dma_semaphore, #tpu.memory_space<semaphore_mem>>
      tpu.enqueue_dma source(%arg4 : memref<16x16xf32, #tpu.memory_space<hbm>>) target(%arg9 : memref<16x16xf32, #tpu.memory_space<vmem>>) target_semaphore(%run_scoped3A : memref<!tpu.dma_semaphore, #tpu.memory_space<semaphore_mem>>)
      tpu.wait_dma2 semaphore(%run_scoped3A : memref<!tpu.dma_semaphore, #tpu.memory_space<semaphore_mem>>) src(%arg4 : memref<16x16xf32, #tpu.memory_space<hbm>>) dst(%arg9 : memref<16x16xf32, #tpu.memory_space<vmem>>)
      tpu.yield
    }) : () -> ()
    %get3A = arith.constant 0 : i32
    %get3A_1 = arith.index_cast %get3A : i32 to index
    %get3A_2 = arith.constant 0 : index
    %get3A_3 = tpu.vector_load %arg9[%get3A_1, %get3A_2] {strides = array<i32>} : memref<16x16xf32, #tpu.memory_space<vmem>>, vector<1x16xf32>,
    %get3A_4 = vector.shape_cast %get3A_3 : vector<1x16xf32> to vector<16xf32>
    %get3A_5 = arith.constant 1 : i32
    %get3A_6 = arith.index_cast %get3A_5 : i32 to index
    %get3A_7 = arith.constant 0 : index
    %get3A_8 = tpu.vector_load %arg9[%get3A_6, %get3A_7] {strides = array<i32>} : memref<16x16xf32, #tpu.memory_space<vmem>>, vector<1x16xf32>,
    %get3A_9 = vector.shape_cast %get3A_8 : vector<1x16xf32> to vector<16xf32>
    %get3A_10 = arith.constant 2 : i32
    %get3A_11 = arith.index_cast %get3A_10 : i32 to index
    %get3A_12 = arith.constant 0 : index
    %get3A_13 = tpu.vector_load %arg9[%get3A_11, %get3A_12] {strides = array<i32>} : memref<16x16xf32, #tpu.memory_space<vmem>>, vector<1x16xf32>,
    %get3A_14 = vector.shape_cast %get3A_13 : vector<1x16xf32> to vector<16xf32>
    %get3A_15 = arith.constant 3 : i32
    %get3A_16 = arith.index_cast %get3A_15 : i32 to index
    %get3A_17 = arith.constant 0 : index
    %get3A_18 = tpu.vector_load %arg9[%get3A_16, %get3A_17] {strides = array<i32>} : memref<16x16xf32, #tpu.memory_space<vmem>>, vector<1x16xf32>,
    %get3A_19 = vector.shape_cast %get3A_18 : vector<1x16xf32> to vector<16xf32>
    %get3A_20 = arith.constant 4 : i32
    %get3A_21 = arith.index_cast %get3A_20 : i32 to index
    %get3A_22 = arith.constant 0 : index
    %get3A_23 = tpu.vector_load %arg9[%get3A_21, %get3A_22] {strides = array<i32>} : memref<16x16xf32, #tpu.memory_space<vmem>>, vector<1x16xf32>,
    %get3A_24 = vector.shape_cast %get3A_23 : vector<1x16xf32> to vector<16xf32>
    %get3A_25 = arith.constant 5 : i32
    %get3A_26 = arith.index_cast %get3A_25 : i32 to index
    %get3A_27 = arith.constant 0 : index
    %get3A_28 = tpu.vector_load %arg9[%get3A_26, %get3A_27] {strides = array<i32>} : memref<16x16xf32, #tpu.memory_space<vmem>>, vector<1x16xf32>,
    %get3A_29 = vector.shape_cast %get3A_28 : vector<1x16xf32> to vector<16xf32>
    %get3A_30 = arith.constant 6 : i32
    %get3A_31 = arith.index_cast %get3A_30 : i32 to index
    %get3A_32 = arith.constant 0 : index
    %get3A_33 = tpu.vector_load %arg9[%get3A_31, %get3A_32] {strides = array<i32>} : memref<16x16xf32, #tpu.memory_space<vmem>>, vector<1x16xf32>,
    %get3A_34 = vector.shape_cast %get3A_33 : vector<1x16xf32> to vector<16xf32>
    %get3A_35 = arith.constant 7 : i32
    %get3A_36 = arith.index_cast %get3A_35 : i32 to index
    %get3A_37 = arith.constant 0 : index
    %get3A_38 = tpu.vector_load %arg9[%get3A_36, %get3A_37] {strides = array<i32>} : memref<16x16xf32, #tpu.memory_space<vmem>>, vector<1x16xf32>,
    %get3A_39 = vector.shape_cast %get3A_38 : vector<1x16xf32> to vector<16xf32>
    %get3A_40 = arith.constant 8 : i32
    %get3A_41 = arith.index_cast %get3A_40 : i32 to index
    %get3A_42 = arith.constant 0 : index
    %get3A_43 = tpu.vector_load %arg9[%get3A_41, %get3A_42] {strides = array<i32>} : memref<16x16xf32, #tpu.memory_space<vmem>>, vector<1x16xf32>,
    %get3A_44 = vector.shape_cast %get3A_43 : vector<1x16xf32> to vector<16xf32>
    %get3A_45 = arith.constant 9 : i32
    %get3A_46 = arith.index_cast %get3A_45 : i32 to index
    %get3A_47 = arith.constant 0 : index
    %get3A_48 = tpu.vector_load %arg9[%get3A_46, %get3A_47] {strides = array<i32>} : memref<16x16xf32, #tpu.memory_space<vmem>>, vector<1x16xf32>,
    %get3A_49 = vector.shape_cast %get3A_48 : vector<1x16xf32> to vector<16xf32>
    %get3A_50 = arith.constant 10 : i32
    %get3A_51 = arith.index_cast %get3A_50 : i32 to index
    %get3A_52 = arith.constant 0 : index
    %get3A_53 = tpu.vector_load %arg9[%get3A_51, %get3A_52] {strides = array<i32>} : memref<16x16xf32, #tpu.memory_space<vmem>>, vector<1x16xf32>,
    %get3A_54 = vector.shape_cast %get3A_53 : vector<1x16xf32> to vector<16xf32>
    %get3A_55 = arith.constant 11 : i32
    %get3A_56 = arith.index_cast %get3A_55 : i32 to index
    %get3A_57 = arith.constant 0 : index
    %get3A_58 = tpu.vector_load %arg9[%get3A_56, %get3A_57] {strides = array<i32>} : memref<16x16xf32, #tpu.memory_space<vmem>>, vector<1x16xf32>,
    %get3A_59 = vector.shape_cast %get3A_58 : vector<1x16xf32> to vector<16xf32>
    %get3A_60 = arith.constant 12 : i32
    %get3A_61 = arith.index_cast %get3A_60 : i32 to index
    %get3A_62 = arith.constant 0 : index
    %get3A_63 = tpu.vector_load %arg9[%get3A_61, %get3A_62] {strides = array<i32>} : memref<16x16xf32, #tpu.memory_space<vmem>>, vector<1x16xf32>,
    %get3A_64 = vector.shape_cast %get3A_63 : vector<1x16xf32> to vector<16xf32>
    %get3A_65 = arith.constant 13 : i32
    %get3A_66 = arith.index_cast %get3A_65 : i32 to index
    %get3A_67 = arith.constant 0 : index
    %get3A_68 = tpu.vector_load %arg9[%get3A_66, %get3A_67] {strides = array<i32>} : memref<16x16xf32, #tpu.memory_space<vmem>>, vector<1x16xf32>,
    %get3A_69 = vector.shape_cast %get3A_68 : vector<1x16xf32> to vector<16xf32>
    %get3A_70 = arith.constant 14 : i32
    %get3A_71 = arith.index_cast %get3A_70 : i32 to index
    %get3A_72 = arith.constant 0 : index
    %get3A_73 = tpu.vector_load %arg9[%get3A_71, %get3A_72] {strides = array<i32>} : memref<16x16xf32, #tpu.memory_space<vmem>>, vector<1x16xf32>,
    %get3A_74 = vector.shape_cast %get3A_73 : vector<1x16xf32> to vector<16xf32>
    %get3A_75 = arith.constant 15 : i32
    %get3A_76 = arith.index_cast %get3A_75 : i32 to index
    %get3A_77 = arith.constant 0 : index
    %get3A_78 = tpu.vector_load %arg9[%get3A_76, %get3A_77] {strides = array<i32>} : memref<16x16xf32, #tpu.memory_space<vmem>>, vector<1x16xf32>,
    %get3A_79 = vector.shape_cast %get3A_78 : vector<1x16xf32> to vector<16xf32>
    %slice3A = vector.extract_strided_slice %get3A_4 {offsets = [0], sizes = [1], strides = [1]} : vector<16xf32> to vector<1xf32>
    %squeeze3A = vector.extract %slice3A[0] : f32 from vector<1xf32>
    %slice3A_80 = vector.extract_strided_slice %get3A_9 {offsets = [0], sizes = [1], strides = [1]} : vector<16xf32> to vector<1xf32>
    %squeeze3A_81 = vector.extract %slice3A_80[0] : f32 from vector<1xf32>
    %slice3A_82 = vector.extract_strided_slice %get3A_14 {offsets = [0], sizes = [1], strides = [1]} : vector<16xf32> to vector<1xf32>
    %squeeze3A_83 = vector.extract %slice3A_82[0] : f32 from vector<1xf32>
    %slice3A_84 = vector.extract_strided_slice %get3A_19 {offsets = [0], sizes = [1], strides = [1]} : vector<16xf32> to vector<1xf32>
    %squeeze3A_85 = vector.extract %slice3A_84[0] : f32 from vector<1xf32>
    %slice3A_86 = vector.extract_strided_slice %get3A_24 {offsets = [0], sizes = [1], strides = [1]} : vector<16xf32> to vector<1xf32>
    %squeeze3A_87 = vector.extract %slice3A_86[0] : f32 from vector<1xf32>
    %slice3A_88 = vector.extract_strided_slice %get3A_29 {offsets = [0], sizes = [1], strides = [1]} : vector<16xf32> to vector<1xf32>
    %squeeze3A_89 = vector.extract %slice3A_88[0] : f32 from vector<1xf32>
    %slice3A_90 = vector.extract_strided_slice %get3A_34 {offsets = [0], sizes = [1], strides = [1]} : vector<16xf32> to vector<1xf32>
    %squeeze3A_91 = vector.extract %slice3A_90[0] : f32 from vector<1xf32>
    %slice3A_92 = vector.extract_strided_slice %get3A_4 {offsets = [1], sizes = [1], strides = [1]} : vector<16xf32> to vector<1xf32>
    %squeeze3A_93 = vector.extract %slice3A_92[0] : f32 from vector<1xf32>
    %slice3A_94 = vector.extract_strided_slice %get3A_9 {offsets = [1], sizes = [1], strides = [1]} : vector<16xf32> to vector<1xf32>
    %squeeze3A_95 = vector.extract %slice3A_94[0] : f32 from vector<1xf32>
    %slice3A_96 = vector.extract_strided_slice %get3A_14 {offsets = [1], sizes = [1], strides = [1]} : vector<16xf32> to vector<1xf32>
    %squeeze3A_97 = vector.extract %slice3A_96[0] : f32 from vector<1xf32>
    %slice3A_98 = vector.extract_strided_slice %get3A_19 {offsets = [1], sizes = [1], strides = [1]} : vector<16xf32> to vector<1xf32>
    %squeeze3A_99 = vector.extract %slice3A_98[0] : f32 from vector<1xf32>
    %slice3A_100 = vector.extract_strided_slice %get3A_24 {offsets = [1], sizes = [1], strides = [1]} : vector<16xf32> to vector<1xf32>
    %squeeze3A_101 = vector.extract %slice3A_100[0] : f32 from vector<1xf32>
    %slice3A_102 = vector.extract_strided_slice %get3A_29 {offsets = [1], sizes = [1], strides = [1]} : vector<16xf32> to vector<1xf32>
    %squeeze3A_103 = vector.extract %slice3A_102[0] : f32 from vector<1xf32>
    %slice3A_104 = vector.extract_strided_slice %get3A_34 {offsets = [1], sizes = [1], strides = [1]} : vector<16xf32> to vector<1xf32>
    %squeeze3A_105 = vector.extract %slice3A_104[0] : f32 from vector<1xf32>
    %slice3A_106 = vector.extract_strided_slice %get3A_4 {offsets = [2], sizes = [1], strides = [1]} : vector<16xf32> to vector<1xf32>
    %squeeze3A_107 = vector.extract %slice3A_106[0] : f32 from vector<1xf32>
    %slice3A_108 = vector.extract_strided_slice %get3A_9 {offsets = [2], sizes = [1], strides = [1]} : vector<16xf32> to vector<1xf32>
    %squeeze3A_109 = vector.extract %slice3A_108[0] : f32 from vector<1xf32>
    %slice3A_110 = vector.extract_strided_slice %get3A_14 {offsets = [2], sizes = [1], strides = [1]} : vector<16xf32> to vector<1xf32>
    %squeeze3A_111 = vector.extract %slice3A_110[0] : f32 from vector<1xf32>
    %slice3A_112 = vector.extract_strided_slice %get3A_19 {offsets = [2], sizes = [1], strides = [1]} : vector<16xf32> to vector<1xf32>
    %squeeze3A_113 = vector.extract %slice3A_112[0] : f32 from vector<1xf32>
    %slice3A_114 = vector.extract_strided_slice %get3A_24 {offsets = [2], sizes = [1], strides = [1]} : vector<16xf32> to vector<1xf32>
    %squeeze3A_115 = vector.extract %slice3A_114[0] : f32 from vector<1xf32>
    %slice3A_116 = vector.extract_strided_slice %get3A_29 {offsets = [2], sizes = [1], strides = [1]} : vector<16xf32> to vector<1xf32>
    %squeeze3A_117 = vector.extract %slice3A_116[0] : f32 from vector<1xf32>
    %slice3A_118 = vector.extract_strided_slice %get3A_34 {offsets = [2], sizes = [1], strides = [1]} : vector<16xf32> to vector<1xf32>
    %squeeze3A_119 = vector.extract %slice3A_118[0] : f32 from vector<1xf32>
    %slice3A_120 = vector.extract_strided_slice %get3A_4 {offsets = [3], sizes = [1], strides = [1]} : vector<16xf32> to vector<1xf32>
    %squeeze3A_121 = vector.extract %slice3A_120[0] : f32 from vector<1xf32>
    %slice3A_122 = vector.extract_strided_slice %get3A_9 {offsets = [3], sizes = [1], strides = [1]} : vector<16xf32> to vector<1xf32>
    %squeeze3A_123 = vector.extract %slice3A_122[0] : f32 from vector<1xf32>
    %slice3A_124 = vector.extract_strided_slice %get3A_14 {offsets = [3], sizes = [1], strides = [1]} : vector<16xf32> to vector<1xf32>
    %squeeze3A_125 = vector.extract %slice3A_124[0] : f32 from vector<1xf32>
    %slice3A_126 = vector.extract_strided_slice %get3A_19 {offsets = [3], sizes = [1], strides = [1]} : vector<16xf32> to vector<1xf32>
    %squeeze3A_127 = vector.extract %slice3A_126[0] : f32 from vector<1xf32>
    %slice3A_128 = vector.extract_strided_slice %get3A_24 {offsets = [3], sizes = [1], strides = [1]} : vector<16xf32> to vector<1xf32>
    %squeeze3A_129 = vector.extract %slice3A_128[0] : f32 from vector<1xf32>
    %slice3A_130 = vector.extract_strided_slice %get3A_29 {offsets = [3], sizes = [1], strides = [1]} : vector<16xf32> to vector<1xf32>
    %squeeze3A_131 = vector.extract %slice3A_130[0] : f32 from vector<1xf32>
    %slice3A_132 = vector.extract_strided_slice %get3A_34 {offsets = [3], sizes = [1], strides = [1]} : vector<16xf32> to vector<1xf32>
    %squeeze3A_133 = vector.extract %slice3A_132[0] : f32 from vector<1xf32>
    %slice3A_134 = vector.extract_strided_slice %get3A_4 {offsets = [4], sizes = [1], strides = [1]} : vector<16xf32> to vector<1xf32>
    %squeeze3A_135 = vector.extract %slice3A_134[0] : f32 from vector<1xf32>
    %slice3A_136 = vector.extract_strided_slice %get3A_9 {offsets = [4], sizes = [1], strides = [1]} : vector<16xf32> to vector<1xf32>
    %squeeze3A_137 = vector.extract %slice3A_136[0] : f32 from vector<1xf32>
    %slice3A_138 = vector.extract_strided_slice %get3A_14 {offsets = [4], sizes = [1], strides = [1]} : vector<16xf32> to vector<1xf32>
    %squeeze3A_139 = vector.extract %slice3A_138[0] : f32 from vector<1xf32>
    %slice3A_140 = vector.extract_strided_slice %get3A_19 {offsets = [4], sizes = [1], strides = [1]} : vector<16xf32> to vector<1xf32>
    %squeeze3A_141 = vector.extract %slice3A_140[0] : f32 from vector<1xf32>
    %slice3A_142 = vector.extract_strided_slice %get3A_24 {offsets = [4], sizes = [1], strides = [1]} : vector<16xf32> to vector<1xf32>
    %squeeze3A_143 = vector.extract %slice3A_142[0] : f32 from vector<1xf32>
    %slice3A_144 = vector.extract_strided_slice %get3A_29 {offsets = [4], sizes = [1], strides = [1]} : vector<16xf32> to vector<1xf32>
    %squeeze3A_145 = vector.extract %slice3A_144[0] : f32 from vector<1xf32>
    %slice3A_146 = vector.extract_strided_slice %get3A_34 {offsets = [4], sizes = [1], strides = [1]} : vector<16xf32> to vector<1xf32>
    %squeeze3A_147 = vector.extract %slice3A_146[0] : f32 from vector<1xf32>
    %slice3A_148 = vector.extract_strided_slice %get3A_4 {offsets = [5], sizes = [1], strides = [1]} : vector<16xf32> to vector<1xf32>
    %squeeze3A_149 = vector.extract %slice3A_148[0] : f32 from vector<1xf32>
    %slice3A_150 = vector.extract_strided_slice %get3A_9 {offsets = [5], sizes = [1], strides = [1]} : vector<16xf32> to vector<1xf32>
    %squeeze3A_151 = vector.extract %slice3A_150[0] : f32 from vector<1xf32>
    %slice3A_152 = vector.extract_strided_slice %get3A_14 {offsets = [5], sizes = [1], strides = [1]} : vector<16xf32> to vector<1xf32>
    %squeeze3A_153 = vector.extract %slice3A_152[0] : f32 from vector<1xf32>
    %slice3A_154 = vector.extract_strided_slice %get3A_19 {offsets = [5], sizes = [1], strides = [1]} : vector<16xf32> to vector<1xf32>
    %squeeze3A_155 = vector.extract %slice3A_154[0] : f32 from vector<1xf32>
    %slice3A_156 = vector.extract_strided_slice %get3A_24 {offsets = [5], sizes = [1], strides = [1]} : vector<16xf32> to vector<1xf32>
    %squeeze3A_157 = vector.extract %slice3A_156[0] : f32 from vector<1xf32>
    %slice3A_158 = vector.extract_strided_slice %get3A_29 {offsets = [5], sizes = [1], strides = [1]} : vector<16xf32> to vector<1xf32>
    %squeeze3A_159 = vector.extract %slice3A_158[0] : f32 from vector<1xf32>
    %slice3A_160 = vector.extract_strided_slice %get3A_34 {offsets = [5], sizes = [1], strides = [1]} : vector<16xf32> to vector<1xf32>
    %squeeze3A_161 = vector.extract %slice3A_160[0] : f32 from vector<1xf32>
    %slice3A_162 = vector.extract_strided_slice %get3A_4 {offsets = [6], sizes = [1], strides = [1]} : vector<16xf32> to vector<1xf32>
    %squeeze3A_163 = vector.extract %slice3A_162[0] : f32 from vector<1xf32>
    %slice3A_164 = vector.extract_strided_slice %get3A_9 {offsets = [6], sizes = [1], strides = [1]} : vector<16xf32> to vector<1xf32>
    %squeeze3A_165 = vector.extract %slice3A_164[0] : f32 from vector<1xf32>
    %slice3A_166 = vector.extract_strided_slice %get3A_14 {offsets = [6], sizes = [1], strides = [1]} : vector<16xf32> to vector<1xf32>
    %squeeze3A_167 = vector.extract %slice3A_166[0] : f32 from vector<1xf32>
    %slice3A_168 = vector.extract_strided_slice %get3A_19 {offsets = [6], sizes = [1], strides = [1]} : vector<16xf32> to vector<1xf32>
    %squeeze3A_169 = vector.extract %slice3A_168[0] : f32 from vector<1xf32>
    %slice3A_170 = vector.extract_strided_slice %get3A_24 {offsets = [6], sizes = [1], strides = [1]} : vector<16xf32> to vector<1xf32>
    %squeeze3A_171 = vector.extract %slice3A_170[0] : f32 from vector<1xf32>
    %slice3A_172 = vector.extract_strided_slice %get3A_29 {offsets = [6], sizes = [1], strides = [1]} : vector<16xf32> to vector<1xf32>
    %squeeze3A_173 = vector.extract %slice3A_172[0] : f32 from vector<1xf32>
    %slice3A_174 = vector.extract_strided_slice %get3A_34 {offsets = [6], sizes = [1], strides = [1]} : vector<16xf32> to vector<1xf32>
    %squeeze3A_175 = vector.extract %slice3A_174[0] : f32 from vector<1xf32>
    %slice3A_176 = vector.extract_strided_slice %get3A_4 {offsets = [7], sizes = [1], strides = [1]} : vector<16xf32> to vector<1xf32>
    %squeeze3A_177 = vector.extract %slice3A_176[0] : f32 from vector<1xf32>
    %slice3A_178 = vector.extract_strided_slice %get3A_9 {offsets = [7], sizes = [1], strides = [1]} : vector<16xf32> to vector<1xf32>
    %squeeze3A_179 = vector.extract %slice3A_178[0] : f32 from vector<1xf32>
    %slice3A_180 = vector.extract_strided_slice %get3A_14 {offsets = [7], sizes = [1], strides = [1]} : vector<16xf32> to vector<1xf32>
    %squeeze3A_181 = vector.extract %slice3A_180[0] : f32 from vector<1xf32>
    %slice3A_182 = vector.extract_strided_slice %get3A_19 {offsets = [7], sizes = [1], strides = [1]} : vector<16xf32> to vector<1xf32>
    %squeeze3A_183 = vector.extract %slice3A_182[0] : f32 from vector<1xf32>
    %slice3A_184 = vector.extract_strided_slice %get3A_24 {offsets = [7], sizes = [1], strides = [1]} : vector<16xf32> to vector<1xf32>
    %squeeze3A_185 = vector.extract %slice3A_184[0] : f32 from vector<1xf32>
    %slice3A_186 = vector.extract_strided_slice %get3A_29 {offsets = [7], sizes = [1], strides = [1]} : vector<16xf32> to vector<1xf32>
    %squeeze3A_187 = vector.extract %slice3A_186[0] : f32 from vector<1xf32>
    %slice3A_188 = vector.extract_strided_slice %get3A_34 {offsets = [7], sizes = [1], strides = [1]} : vector<16xf32> to vector<1xf32>
    %squeeze3A_189 = vector.extract %slice3A_188[0] : f32 from vector<1xf32>
    %slice3A_190 = vector.extract_strided_slice %get3A_4 {offsets = [8], sizes = [1], strides = [1]} : vector<16xf32> to vector<1xf32>
    %squeeze3A_191 = vector.extract %slice3A_190[0] : f32 from vector<1xf32>
    %slice3A_192 = vector.extract_strided_slice %get3A_9 {offsets = [8], sizes = [1], strides = [1]} : vector<16xf32> to vector<1xf32>
    %squeeze3A_193 = vector.extract %slice3A_192[0] : f32 from vector<1xf32>
    %slice3A_194 = vector.extract_strided_slice %get3A_14 {offsets = [8], sizes = [1], strides = [1]} : vector<16xf32> to vector<1xf32>
    %squeeze3A_195 = vector.extract %slice3A_194[0] : f32 from vector<1xf32>
    %slice3A_196 = vector.extract_strided_slice %get3A_19 {offsets = [8], sizes = [1], strides = [1]} : vector<16xf32> to vector<1xf32>
    %squeeze3A_197 = vector.extract %slice3A_196[0] : f32 from vector<1xf32>
    %slice3A_198 = vector.extract_strided_slice %get3A_24 {offsets = [8], sizes = [1], strides = [1]} : vector<16xf32> to vector<1xf32>
    %squeeze3A_199 = vector.extract %slice3A_198[0] : f32 from vector<1xf32>
    %slice3A_200 = vector.extract_strided_slice %get3A_29 {offsets = [8], sizes = [1], strides = [1]} : vector<16xf32> to vector<1xf32>
    %squeeze3A_201 = vector.extract %slice3A_200[0] : f32 from vector<1xf32>
    %slice3A_202 = vector.extract_strided_slice %get3A_34 {offsets = [8], sizes = [1], strides = [1]} : vector<16xf32> to vector<1xf32>
    %squeeze3A_203 = vector.extract %slice3A_202[0] : f32 from vector<1xf32>
    %slice3A_204 = vector.extract_strided_slice %get3A_4 {offsets = [9], sizes = [1], strides = [1]} : vector<16xf32> to vector<1xf32>
    %squeeze3A_205 = vector.extract %slice3A_204[0] : f32 from vector<1xf32>
    %slice3A_206 = vector.extract_strided_slice %get3A_9 {offsets = [9], sizes = [1], strides = [1]} : vector<16xf32> to vector<1xf32>
    %squeeze3A_207 = vector.extract %slice3A_206[0] : f32 from vector<1xf32>
    %slice3A_208 = vector.extract_strided_slice %get3A_14 {offsets = [9], sizes = [1], strides = [1]} : vector<16xf32> to vector<1xf32>
    %squeeze3A_209 = vector.extract %slice3A_208[0] : f32 from vector<1xf32>
    %slice3A_210 = vector.extract_strided_slice %get3A_19 {offsets = [9], sizes = [1], strides = [1]} : vector<16xf32> to vector<1xf32>
    %squeeze3A_211 = vector.extract %slice3A_210[0] : f32 from vector<1xf32>
    %slice3A_212 = vector.extract_strided_slice %get3A_24 {offsets = [9], sizes = [1], strides = [1]} : vector<16xf32> to vector<1xf32>
    %squeeze3A_213 = vector.extract %slice3A_212[0] : f32 from vector<1xf32>
    %slice3A_214 = vector.extract_strided_slice %get3A_29 {offsets = [9], sizes = [1], strides = [1]} : vector<16xf32> to vector<1xf32>
    %squeeze3A_215 = vector.extract %slice3A_214[0] : f32 from vector<1xf32>
    %slice3A_216 = vector.extract_strided_slice %get3A_34 {offsets = [9], sizes = [1], strides = [1]} : vector<16xf32> to vector<1xf32>
    %squeeze3A_217 = vector.extract %slice3A_216[0] : f32 from vector<1xf32>
    %slice3A_218 = vector.extract_strided_slice %get3A_4 {offsets = [10], sizes = [1], strides = [1]} : vector<16xf32> to vector<1xf32>
    %squeeze3A_219 = vector.extract %slice3A_218[0] : f32 from vector<1xf32>
    %slice3A_220 = vector.extract_strided_slice %get3A_9 {offsets = [10], sizes = [1], strides = [1]} : vector<16xf32> to vector<1xf32>
    %squeeze3A_221 = vector.extract %slice3A_220[0] : f32 from vector<1xf32>
    %slice3A_222 = vector.extract_strided_slice %get3A_14 {offsets = [10], sizes = [1], strides = [1]} : vector<16xf32> to vector<1xf32>
    %squeeze3A_223 = vector.extract %slice3A_222[0] : f32 from vector<1xf32>
    %slice3A_224 = vector.extract_strided_slice %get3A_19 {offsets = [10], sizes = [1], strides = [1]} : vector<16xf32> to vector<1xf32>
    %squeeze3A_225 = vector.extract %slice3A_224[0] : f32 from vector<1xf32>
    %slice3A_226 = vector.extract_strided_slice %get3A_24 {offsets = [10], sizes = [1], strides = [1]} : vector<16xf32> to vector<1xf32>
    %squeeze3A_227 = vector.extract %slice3A_226[0] : f32 from vector<1xf32>
    %slice3A_228 = vector.extract_strided_slice %get3A_29 {offsets = [10], sizes = [1], strides = [1]} : vector<16xf32> to vector<1xf32>
    %squeeze3A_229 = vector.extract %slice3A_228[0] : f32 from vector<1xf32>
    %slice3A_230 = vector.extract_strided_slice %get3A_34 {offsets = [10], sizes = [1], strides = [1]} : vector<16xf32> to vector<1xf32>
    %squeeze3A_231 = vector.extract %slice3A_230[0] : f32 from vector<1xf32>
    %slice3A_232 = vector.extract_strided_slice %get3A_4 {offsets = [11], sizes = [1], strides = [1]} : vector<16xf32> to vector<1xf32>
    %squeeze3A_233 = vector.extract %slice3A_232[0] : f32 from vector<1xf32>
    %slice3A_234 = vector.extract_strided_slice %get3A_9 {offsets = [11], sizes = [1], strides = [1]} : vector<16xf32> to vector<1xf32>
    %squeeze3A_235 = vector.extract %slice3A_234[0] : f32 from vector<1xf32>
    %slice3A_236 = vector.extract_strided_slice %get3A_14 {offsets = [11], sizes = [1], strides = [1]} : vector<16xf32> to vector<1xf32>
    %squeeze3A_237 = vector.extract %slice3A_236[0] : f32 from vector<1xf32>
    %slice3A_238 = vector.extract_strided_slice %get3A_19 {offsets = [11], sizes = [1], strides = [1]} : vector<16xf32> to vector<1xf32>
    %squeeze3A_239 = vector.extract %slice3A_238[0] : f32 from vector<1xf32>
    %slice3A_240 = vector.extract_strided_slice %get3A_24 {offsets = [11], sizes = [1], strides = [1]} : vector<16xf32> to vector<1xf32>
    %squeeze3A_241 = vector.extract %slice3A_240[0] : f32 from vector<1xf32>
    %slice3A_242 = vector.extract_strided_slice %get3A_29 {offsets = [11], sizes = [1], strides = [1]} : vector<16xf32> to vector<1xf32>
    %squeeze3A_243 = vector.extract %slice3A_242[0] : f32 from vector<1xf32>
    %slice3A_244 = vector.extract_strided_slice %get3A_34 {offsets = [11], sizes = [1], strides = [1]} : vector<16xf32> to vector<1xf32>
    %squeeze3A_245 = vector.extract %slice3A_244[0] : f32 from vector<1xf32>
    %slice3A_246 = vector.extract_strided_slice %get3A_4 {offsets = [12], sizes = [1], strides = [1]} : vector<16xf32> to vector<1xf32>
    %squeeze3A_247 = vector.extract %slice3A_246[0] : f32 from vector<1xf32>
    %slice3A_248 = vector.extract_strided_slice %get3A_9 {offsets = [12], sizes = [1], strides = [1]} : vector<16xf32> to vector<1xf32>
    %squeeze3A_249 = vector.extract %slice3A_248[0] : f32 from vector<1xf32>
    %slice3A_250 = vector.extract_strided_slice %get3A_14 {offsets = [12], sizes = [1], strides = [1]} : vector<16xf32> to vector<1xf32>
    %squeeze3A_251 = vector.extract %slice3A_250[0] : f32 from vector<1xf32>
    %slice3A_252 = vector.extract_strided_slice %get3A_19 {offsets = [12], sizes = [1], strides = [1]} : vector<16xf32> to vector<1xf32>
    %squeeze3A_253 = vector.extract %slice3A_252[0] : f32 from vector<1xf32>
    %slice3A_254 = vector.extract_strided_slice %get3A_24 {offsets = [12], sizes = [1], strides = [1]} : vector<16xf32> to vector<1xf32>
    %squeeze3A_255 = vector.extract %slice3A_254[0] : f32 from vector<1xf32>
    %slice3A_256 = vector.extract_strided_slice %get3A_29 {offsets = [12], sizes = [1], strides = [1]} : vector<16xf32> to vector<1xf32>
    %squeeze3A_257 = vector.extract %slice3A_256[0] : f32 from vector<1xf32>
    %slice3A_258 = vector.extract_strided_slice %get3A_34 {offsets = [12], sizes = [1], strides = [1]} : vector<16xf32> to vector<1xf32>
    %squeeze3A_259 = vector.extract %slice3A_258[0] : f32 from vector<1xf32>
    %slice3A_260 = vector.extract_strided_slice %get3A_4 {offsets = [13], sizes = [1], strides = [1]} : vector<16xf32> to vector<1xf32>
    %squeeze3A_261 = vector.extract %slice3A_260[0] : f32 from vector<1xf32>
    %slice3A_262 = vector.extract_strided_slice %get3A_9 {offsets = [13], sizes = [1], strides = [1]} : vector<16xf32> to vector<1xf32>
    %squeeze3A_263 = vector.extract %slice3A_262[0] : f32 from vector<1xf32>
    %slice3A_264 = vector.extract_strided_slice %get3A_14 {offsets = [13], sizes = [1], strides = [1]} : vector<16xf32> to vector<1xf32>
    %squeeze3A_265 = vector.extract %slice3A_264[0] : f32 from vector<1xf32>
    %slice3A_266 = vector.extract_strided_slice %get3A_19 {offsets = [13], sizes = [1], strides = [1]} : vector<16xf32> to vector<1xf32>
    %squeeze3A_267 = vector.extract %slice3A_266[0] : f32 from vector<1xf32>
    %slice3A_268 = vector.extract_strided_slice %get3A_24 {offsets = [13], sizes = [1], strides = [1]} : vector<16xf32> to vector<1xf32>
    %squeeze3A_269 = vector.extract %slice3A_268[0] : f32 from vector<1xf32>
    %slice3A_270 = vector.extract_strided_slice %get3A_29 {offsets = [13], sizes = [1], strides = [1]} : vector<16xf32> to vector<1xf32>
    %squeeze3A_271 = vector.extract %slice3A_270[0] : f32 from vector<1xf32>
    %slice3A_272 = vector.extract_strided_slice %get3A_34 {offsets = [13], sizes = [1], strides = [1]} : vector<16xf32> to vector<1xf32>
    %squeeze3A_273 = vector.extract %slice3A_272[0] : f32 from vector<1xf32>
    %slice3A_274 = vector.extract_strided_slice %get3A_4 {offsets = [14], sizes = [1], strides = [1]} : vector<16xf32> to vector<1xf32>
    %squeeze3A_275 = vector.extract %slice3A_274[0] : f32 from vector<1xf32>
    %slice3A_276 = vector.extract_strided_slice %get3A_9 {offsets = [14], sizes = [1], strides = [1]} : vector<16xf32> to vector<1xf32>
    %squeeze3A_277 = vector.extract %slice3A_276[0] : f32 from vector<1xf32>
    %slice3A_278 = vector.extract_strided_slice %get3A_14 {offsets = [14], sizes = [1], strides = [1]} : vector<16xf32> to vector<1xf32>
    %squeeze3A_279 = vector.extract %slice3A_278[0] : f32 from vector<1xf32>
    %slice3A_280 = vector.extract_strided_slice %get3A_19 {offsets = [14], sizes = [1], strides = [1]} : vector<16xf32> to vector<1xf32>
    %squeeze3A_281 = vector.extract %slice3A_280[0] : f32 from vector<1xf32>
    %slice3A_282 = vector.extract_strided_slice %get3A_24 {offsets = [14], sizes = [1], strides = [1]} : vector<16xf32> to vector<1xf32>
    %squeeze3A_283 = vector.extract %slice3A_282[0] : f32 from vector<1xf32>
    %slice3A_284 = vector.extract_strided_slice %get3A_29 {offsets = [14], sizes = [1], strides = [1]} : vector<16xf32> to vector<1xf32>
    %squeeze3A_285 = vector.extract %slice3A_284[0] : f32 from vector<1xf32>
    %slice3A_286 = vector.extract_strided_slice %get3A_34 {offsets = [14], sizes = [1], strides = [1]} : vector<16xf32> to vector<1xf32>
    %squeeze3A_287 = vector.extract %slice3A_286[0] : f32 from vector<1xf32>
    %slice3A_288 = vector.extract_strided_slice %get3A_4 {offsets = [15], sizes = [1], strides = [1]} : vector<16xf32> to vector<1xf32>
    %squeeze3A_289 = vector.extract %slice3A_288[0] : f32 from vector<1xf32>
    %slice3A_290 = vector.extract_strided_slice %get3A_9 {offsets = [15], sizes = [1], strides = [1]} : vector<16xf32> to vector<1xf32>
    %squeeze3A_291 = vector.extract %slice3A_290[0] : f32 from vector<1xf32>
    %slice3A_292 = vector.extract_strided_slice %get3A_14 {offsets = [15], sizes = [1], strides = [1]} : vector<16xf32> to vector<1xf32>
    %squeeze3A_293 = vector.extract %slice3A_292[0] : f32 from vector<1xf32>
    %slice3A_294 = vector.extract_strided_slice %get3A_19 {offsets = [15], sizes = [1], strides = [1]} : vector<16xf32> to vector<1xf32>
    %squeeze3A_295 = vector.extract %slice3A_294[0] : f32 from vector<1xf32>
    %slice3A_296 = vector.extract_strided_slice %get3A_24 {offsets = [15], sizes = [1], strides = [1]} : vector<16xf32> to vector<1xf32>
    %squeeze3A_297 = vector.extract %slice3A_296[0] : f32 from vector<1xf32>
    %slice3A_298 = vector.extract_strided_slice %get3A_29 {offsets = [15], sizes = [1], strides = [1]} : vector<16xf32> to vector<1xf32>
    %squeeze3A_299 = vector.extract %slice3A_298[0] : f32 from vector<1xf32>
    %slice3A_300 = vector.extract_strided_slice %get3A_34 {offsets = [15], sizes = [1], strides = [1]} : vector<16xf32> to vector<1xf32>
    %squeeze3A_301 = vector.extract %slice3A_300[0] : f32 from vector<1xf32>
    %slice3A_302 = vector.extract_strided_slice %get3A_39 {offsets = [0], sizes = [1], strides = [1]} : vector<16xf32> to vector<1xf32>
    %squeeze3A_303 = vector.extract %slice3A_302[0] : f32 from vector<1xf32>
    %slice3A_304 = vector.extract_strided_slice %get3A_39 {offsets = [1], sizes = [1], strides = [1]} : vector<16xf32> to vector<1xf32>
    %squeeze3A_305 = vector.extract %slice3A_304[0] : f32 from vector<1xf32>
    %slice3A_306 = vector.extract_strided_slice %get3A_39 {offsets = [2], sizes = [1], strides = [1]} : vector<16xf32> to vector<1xf32>
    %squeeze3A_307 = vector.extract %slice3A_306[0] : f32 from vector<1xf32>
    %slice3A_308 = vector.extract_strided_slice %get3A_39 {offsets = [3], sizes = [1], strides = [1]} : vector<16xf32> to vector<1xf32>
    %squeeze3A_309 = vector.extract %slice3A_308[0] : f32 from vector<1xf32>
    %slice3A_310 = vector.extract_strided_slice %get3A_39 {offsets = [4], sizes = [1], strides = [1]} : vector<16xf32> to vector<1xf32>
    %squeeze3A_311 = vector.extract %slice3A_310[0] : f32 from vector<1xf32>
    %slice3A_312 = vector.extract_strided_slice %get3A_39 {offsets = [5], sizes = [1], strides = [1]} : vector<16xf32> to vector<1xf32>
    %squeeze3A_313 = vector.extract %slice3A_312[0] : f32 from vector<1xf32>
    %slice3A_314 = vector.extract_strided_slice %get3A_39 {offsets = [6], sizes = [1], strides = [1]} : vector<16xf32> to vector<1xf32>
    %squeeze3A_315 = vector.extract %slice3A_314[0] : f32 from vector<1xf32>
    %slice3A_316 = vector.extract_strided_slice %get3A_39 {offsets = [7], sizes = [1], strides = [1]} : vector<16xf32> to vector<1xf32>
    %squeeze3A_317 = vector.extract %slice3A_316[0] : f32 from vector<1xf32>
    %slice3A_318 = vector.extract_strided_slice %get3A_39 {offsets = [8], sizes = [1], strides = [1]} : vector<16xf32> to vector<1xf32>
    %squeeze3A_319 = vector.extract %slice3A_318[0] : f32 from vector<1xf32>
    %slice3A_320 = vector.extract_strided_slice %get3A_39 {offsets = [9], sizes = [1], strides = [1]} : vector<16xf32> to vector<1xf32>
    %squeeze3A_321 = vector.extract %slice3A_320[0] : f32 from vector<1xf32>
    %slice3A_322 = vector.extract_strided_slice %get3A_39 {offsets = [10], sizes = [1], strides = [1]} : vector<16xf32> to vector<1xf32>
    %squeeze3A_323 = vector.extract %slice3A_322[0] : f32 from vector<1xf32>
    %slice3A_324 = vector.extract_strided_slice %get3A_39 {offsets = [11], sizes = [1], strides = [1]} : vector<16xf32> to vector<1xf32>
    %squeeze3A_325 = vector.extract %slice3A_324[0] : f32 from vector<1xf32>
    %slice3A_326 = vector.extract_strided_slice %get3A_39 {offsets = [12], sizes = [1], strides = [1]} : vector<16xf32> to vector<1xf32>
    %squeeze3A_327 = vector.extract %slice3A_326[0] : f32 from vector<1xf32>
    %slice3A_328 = vector.extract_strided_slice %get3A_39 {offsets = [13], sizes = [1], strides = [1]} : vector<16xf32> to vector<1xf32>
    %squeeze3A_329 = vector.extract %slice3A_328[0] : f32 from vector<1xf32>
    %slice3A_330 = vector.extract_strided_slice %get3A_39 {offsets = [14], sizes = [1], strides = [1]} : vector<16xf32> to vector<1xf32>
    %squeeze3A_331 = vector.extract %slice3A_330[0] : f32 from vector<1xf32>
    %slice3A_332 = vector.extract_strided_slice %get3A_39 {offsets = [15], sizes = [1], strides = [1]} : vector<16xf32> to vector<1xf32>
    %squeeze3A_333 = vector.extract %slice3A_332[0] : f32 from vector<1xf32>
    %slice3A_334 = vector.extract_strided_slice %get3A_44 {offsets = [0], sizes = [1], strides = [1]} : vector<16xf32> to vector<1xf32>
    %squeeze3A_335 = vector.extract %slice3A_334[0] : f32 from vector<1xf32>
    %slice3A_336 = vector.extract_strided_slice %get3A_44 {offsets = [4], sizes = [1], strides = [1]} : vector<16xf32> to vector<1xf32>
    %squeeze3A_337 = vector.extract %slice3A_336[0] : f32 from vector<1xf32>
    %slice3A_338 = vector.extract_strided_slice %get3A_44 {offsets = [8], sizes = [1], strides = [1]} : vector<16xf32> to vector<1xf32>
    %squeeze3A_339 = vector.extract %slice3A_338[0] : f32 from vector<1xf32>
    %slice3A_340 = vector.extract_strided_slice %get3A_44 {offsets = [12], sizes = [1], strides = [1]} : vector<16xf32> to vector<1xf32>
    %squeeze3A_341 = vector.extract %slice3A_340[0] : f32 from vector<1xf32>
    %slice3A_342 = vector.extract_strided_slice %get3A_49 {offsets = [0], sizes = [1], strides = [1]} : vector<16xf32> to vector<1xf32>
    %squeeze3A_343 = vector.extract %slice3A_342[0] : f32 from vector<1xf32>
    %slice3A_344 = vector.extract_strided_slice %get3A_49 {offsets = [4], sizes = [1], strides = [1]} : vector<16xf32> to vector<1xf32>
    %squeeze3A_345 = vector.extract %slice3A_344[0] : f32 from vector<1xf32>
    %slice3A_346 = vector.extract_strided_slice %get3A_49 {offsets = [8], sizes = [1], strides = [1]} : vector<16xf32> to vector<1xf32>
    %squeeze3A_347 = vector.extract %slice3A_346[0] : f32 from vector<1xf32>
    %slice3A_348 = vector.extract_strided_slice %get3A_49 {offsets = [12], sizes = [1], strides = [1]} : vector<16xf32> to vector<1xf32>
    %squeeze3A_349 = vector.extract %slice3A_348[0] : f32 from vector<1xf32>
    %slice3A_350 = vector.extract_strided_slice %get3A_54 {offsets = [0], sizes = [1], strides = [1]} : vector<16xf32> to vector<1xf32>
    %squeeze3A_351 = vector.extract %slice3A_350[0] : f32 from vector<1xf32>
    %slice3A_352 = vector.extract_strided_slice %get3A_54 {offsets = [4], sizes = [1], strides = [1]} : vector<16xf32> to vector<1xf32>
    %squeeze3A_353 = vector.extract %slice3A_352[0] : f32 from vector<1xf32>
    %slice3A_354 = vector.extract_strided_slice %get3A_54 {offsets = [8], sizes = [1], strides = [1]} : vector<16xf32> to vector<1xf32>
    %squeeze3A_355 = vector.extract %slice3A_354[0] : f32 from vector<1xf32>
    %slice3A_356 = vector.extract_strided_slice %get3A_54 {offsets = [12], sizes = [1], strides = [1]} : vector<16xf32> to vector<1xf32>
    %squeeze3A_357 = vector.extract %slice3A_356[0] : f32 from vector<1xf32>
    %slice3A_358 = vector.extract_strided_slice %get3A_59 {offsets = [0], sizes = [1], strides = [1]} : vector<16xf32> to vector<1xf32>
    %squeeze3A_359 = vector.extract %slice3A_358[0] : f32 from vector<1xf32>
    %slice3A_360 = vector.extract_strided_slice %get3A_59 {offsets = [4], sizes = [1], strides = [1]} : vector<16xf32> to vector<1xf32>
    %squeeze3A_361 = vector.extract %slice3A_360[0] : f32 from vector<1xf32>
    %slice3A_362 = vector.extract_strided_slice %get3A_59 {offsets = [8], sizes = [1], strides = [1]} : vector<16xf32> to vector<1xf32>
    %squeeze3A_363 = vector.extract %slice3A_362[0] : f32 from vector<1xf32>
    %slice3A_364 = vector.extract_strided_slice %get3A_59 {offsets = [12], sizes = [1], strides = [1]} : vector<16xf32> to vector<1xf32>
    %squeeze3A_365 = vector.extract %slice3A_364[0] : f32 from vector<1xf32>
    %slice3A_366 = vector.extract_strided_slice %get3A_44 {offsets = [1], sizes = [1], strides = [1]} : vector<16xf32> to vector<1xf32>
    %squeeze3A_367 = vector.extract %slice3A_366[0] : f32 from vector<1xf32>
    %slice3A_368 = vector.extract_strided_slice %get3A_44 {offsets = [5], sizes = [1], strides = [1]} : vector<16xf32> to vector<1xf32>
    %squeeze3A_369 = vector.extract %slice3A_368[0] : f32 from vector<1xf32>
    %slice3A_370 = vector.extract_strided_slice %get3A_44 {offsets = [9], sizes = [1], strides = [1]} : vector<16xf32> to vector<1xf32>
    %squeeze3A_371 = vector.extract %slice3A_370[0] : f32 from vector<1xf32>
    %slice3A_372 = vector.extract_strided_slice %get3A_44 {offsets = [13], sizes = [1], strides = [1]} : vector<16xf32> to vector<1xf32>
    %squeeze3A_373 = vector.extract %slice3A_372[0] : f32 from vector<1xf32>
    %slice3A_374 = vector.extract_strided_slice %get3A_49 {offsets = [1], sizes = [1], strides = [1]} : vector<16xf32> to vector<1xf32>
    %squeeze3A_375 = vector.extract %slice3A_374[0] : f32 from vector<1xf32>
    %slice3A_376 = vector.extract_strided_slice %get3A_49 {offsets = [5], sizes = [1], strides = [1]} : vector<16xf32> to vector<1xf32>
    %squeeze3A_377 = vector.extract %slice3A_376[0] : f32 from vector<1xf32>
    %slice3A_378 = vector.extract_strided_slice %get3A_49 {offsets = [9], sizes = [1], strides = [1]} : vector<16xf32> to vector<1xf32>
    %squeeze3A_379 = vector.extract %slice3A_378[0] : f32 from vector<1xf32>
    %slice3A_380 = vector.extract_strided_slice %get3A_49 {offsets = [13], sizes = [1], strides = [1]} : vector<16xf32> to vector<1xf32>
    %squeeze3A_381 = vector.extract %slice3A_380[0] : f32 from vector<1xf32>
    %slice3A_382 = vector.extract_strided_slice %get3A_54 {offsets = [1], sizes = [1], strides = [1]} : vector<16xf32> to vector<1xf32>
    %squeeze3A_383 = vector.extract %slice3A_382[0] : f32 from vector<1xf32>
    %slice3A_384 = vector.extract_strided_slice %get3A_54 {offsets = [5], sizes = [1], strides = [1]} : vector<16xf32> to vector<1xf32>
    %squeeze3A_385 = vector.extract %slice3A_384[0] : f32 from vector<1xf32>
    %slice3A_386 = vector.extract_strided_slice %get3A_54 {offsets = [9], sizes = [1], strides = [1]} : vector<16xf32> to vector<1xf32>
    %squeeze3A_387 = vector.extract %slice3A_386[0] : f32 from vector<1xf32>
    %slice3A_388 = vector.extract_strided_slice %get3A_54 {offsets = [13], sizes = [1], strides = [1]} : vector<16xf32> to vector<1xf32>
    %squeeze3A_389 = vector.extract %slice3A_388[0] : f32 from vector<1xf32>
    %slice3A_390 = vector.extract_strided_slice %get3A_59 {offsets = [1], sizes = [1], strides = [1]} : vector<16xf32> to vector<1xf32>
    %squeeze3A_391 = vector.extract %slice3A_390[0] : f32 from vector<1xf32>
    %slice3A_392 = vector.extract_strided_slice %get3A_59 {offsets = [5], sizes = [1], strides = [1]} : vector<16xf32> to vector<1xf32>
    %squeeze3A_393 = vector.extract %slice3A_392[0] : f32 from vector<1xf32>
    %slice3A_394 = vector.extract_strided_slice %get3A_59 {offsets = [9], sizes = [1], strides = [1]} : vector<16xf32> to vector<1xf32>
    %squeeze3A_395 = vector.extract %slice3A_394[0] : f32 from vector<1xf32>
    %slice3A_396 = vector.extract_strided_slice %get3A_59 {offsets = [13], sizes = [1], strides = [1]} : vector<16xf32> to vector<1xf32>
    %squeeze3A_397 = vector.extract %slice3A_396[0] : f32 from vector<1xf32>
    %slice3A_398 = vector.extract_strided_slice %get3A_44 {offsets = [2], sizes = [1], strides = [1]} : vector<16xf32> to vector<1xf32>
    %squeeze3A_399 = vector.extract %slice3A_398[0] : f32 from vector<1xf32>
    %slice3A_400 = vector.extract_strided_slice %get3A_44 {offsets = [6], sizes = [1], strides = [1]} : vector<16xf32> to vector<1xf32>
    %squeeze3A_401 = vector.extract %slice3A_400[0] : f32 from vector<1xf32>
    %slice3A_402 = vector.extract_strided_slice %get3A_44 {offsets = [10], sizes = [1], strides = [1]} : vector<16xf32> to vector<1xf32>
    %squeeze3A_403 = vector.extract %slice3A_402[0] : f32 from vector<1xf32>
    %slice3A_404 = vector.extract_strided_slice %get3A_44 {offsets = [14], sizes = [1], strides = [1]} : vector<16xf32> to vector<1xf32>
    %squeeze3A_405 = vector.extract %slice3A_404[0] : f32 from vector<1xf32>
    %slice3A_406 = vector.extract_strided_slice %get3A_49 {offsets = [2], sizes = [1], strides = [1]} : vector<16xf32> to vector<1xf32>
    %squeeze3A_407 = vector.extract %slice3A_406[0] : f32 from vector<1xf32>
    %slice3A_408 = vector.extract_strided_slice %get3A_49 {offsets = [6], sizes = [1], strides = [1]} : vector<16xf32> to vector<1xf32>
    %squeeze3A_409 = vector.extract %slice3A_408[0] : f32 from vector<1xf32>
    %slice3A_410 = vector.extract_strided_slice %get3A_49 {offsets = [10], sizes = [1], strides = [1]} : vector<16xf32> to vector<1xf32>
    %squeeze3A_411 = vector.extract %slice3A_410[0] : f32 from vector<1xf32>
    %slice3A_412 = vector.extract_strided_slice %get3A_49 {offsets = [14], sizes = [1], strides = [1]} : vector<16xf32> to vector<1xf32>
    %squeeze3A_413 = vector.extract %slice3A_412[0] : f32 from vector<1xf32>
    %slice3A_414 = vector.extract_strided_slice %get3A_54 {offsets = [2], sizes = [1], strides = [1]} : vector<16xf32> to vector<1xf32>
    %squeeze3A_415 = vector.extract %slice3A_414[0] : f32 from vector<1xf32>
    %slice3A_416 = vector.extract_strided_slice %get3A_54 {offsets = [6], sizes = [1], strides = [1]} : vector<16xf32> to vector<1xf32>
    %squeeze3A_417 = vector.extract %slice3A_416[0] : f32 from vector<1xf32>
    %slice3A_418 = vector.extract_strided_slice %get3A_54 {offsets = [10], sizes = [1], strides = [1]} : vector<16xf32> to vector<1xf32>
    %squeeze3A_419 = vector.extract %slice3A_418[0] : f32 from vector<1xf32>
    %slice3A_420 = vector.extract_strided_slice %get3A_54 {offsets = [14], sizes = [1], strides = [1]} : vector<16xf32> to vector<1xf32>
    %squeeze3A_421 = vector.extract %slice3A_420[0] : f32 from vector<1xf32>
    %slice3A_422 = vector.extract_strided_slice %get3A_59 {offsets = [2], sizes = [1], strides = [1]} : vector<16xf32> to vector<1xf32>
    %squeeze3A_423 = vector.extract %slice3A_422[0] : f32 from vector<1xf32>
    %slice3A_424 = vector.extract_strided_slice %get3A_59 {offsets = [6], sizes = [1], strides = [1]} : vector<16xf32> to vector<1xf32>
    %squeeze3A_425 = vector.extract %slice3A_424[0] : f32 from vector<1xf32>
    %slice3A_426 = vector.extract_strided_slice %get3A_59 {offsets = [10], sizes = [1], strides = [1]} : vector<16xf32> to vector<1xf32>
    %squeeze3A_427 = vector.extract %slice3A_426[0] : f32 from vector<1xf32>
    %slice3A_428 = vector.extract_strided_slice %get3A_59 {offsets = [14], sizes = [1], strides = [1]} : vector<16xf32> to vector<1xf32>
    %squeeze3A_429 = vector.extract %slice3A_428[0] : f32 from vector<1xf32>
    %slice3A_430 = vector.extract_strided_slice %get3A_44 {offsets = [3], sizes = [1], strides = [1]} : vector<16xf32> to vector<1xf32>
    %squeeze3A_431 = vector.extract %slice3A_430[0] : f32 from vector<1xf32>
    %slice3A_432 = vector.extract_strided_slice %get3A_44 {offsets = [7], sizes = [1], strides = [1]} : vector<16xf32> to vector<1xf32>
    %squeeze3A_433 = vector.extract %slice3A_432[0] : f32 from vector<1xf32>
    %slice3A_434 = vector.extract_strided_slice %get3A_44 {offsets = [11], sizes = [1], strides = [1]} : vector<16xf32> to vector<1xf32>
    %squeeze3A_435 = vector.extract %slice3A_434[0] : f32 from vector<1xf32>
    %slice3A_436 = vector.extract_strided_slice %get3A_44 {offsets = [15], sizes = [1], strides = [1]} : vector<16xf32> to vector<1xf32>
    %squeeze3A_437 = vector.extract %slice3A_436[0] : f32 from vector<1xf32>
    %slice3A_438 = vector.extract_strided_slice %get3A_49 {offsets = [3], sizes = [1], strides = [1]} : vector<16xf32> to vector<1xf32>
    %squeeze3A_439 = vector.extract %slice3A_438[0] : f32 from vector<1xf32>
    %slice3A_440 = vector.extract_strided_slice %get3A_49 {offsets = [7], sizes = [1], strides = [1]} : vector<16xf32> to vector<1xf32>
    %squeeze3A_441 = vector.extract %slice3A_440[0] : f32 from vector<1xf32>
    %slice3A_442 = vector.extract_strided_slice %get3A_49 {offsets = [11], sizes = [1], strides = [1]} : vector<16xf32> to vector<1xf32>
    %squeeze3A_443 = vector.extract %slice3A_442[0] : f32 from vector<1xf32>
    %slice3A_444 = vector.extract_strided_slice %get3A_49 {offsets = [15], sizes = [1], strides = [1]} : vector<16xf32> to vector<1xf32>
    %squeeze3A_445 = vector.extract %slice3A_444[0] : f32 from vector<1xf32>
    %slice3A_446 = vector.extract_strided_slice %get3A_54 {offsets = [3], sizes = [1], strides = [1]} : vector<16xf32> to vector<1xf32>
    %squeeze3A_447 = vector.extract %slice3A_446[0] : f32 from vector<1xf32>
    %slice3A_448 = vector.extract_strided_slice %get3A_54 {offsets = [7], sizes = [1], strides = [1]} : vector<16xf32> to vector<1xf32>
    %squeeze3A_449 = vector.extract %slice3A_448[0] : f32 from vector<1xf32>
    %slice3A_450 = vector.extract_strided_slice %get3A_54 {offsets = [11], sizes = [1], strides = [1]} : vector<16xf32> to vector<1xf32>
    %squeeze3A_451 = vector.extract %slice3A_450[0] : f32 from vector<1xf32>
    %slice3A_452 = vector.extract_strided_slice %get3A_54 {offsets = [15], sizes = [1], strides = [1]} : vector<16xf32> to vector<1xf32>
    %squeeze3A_453 = vector.extract %slice3A_452[0] : f32 from vector<1xf32>
    %slice3A_454 = vector.extract_strided_slice %get3A_59 {offsets = [3], sizes = [1], strides = [1]} : vector<16xf32> to vector<1xf32>
    %squeeze3A_455 = vector.extract %slice3A_454[0] : f32 from vector<1xf32>
    %slice3A_456 = vector.extract_strided_slice %get3A_59 {offsets = [7], sizes = [1], strides = [1]} : vector<16xf32> to vector<1xf32>
    %squeeze3A_457 = vector.extract %slice3A_456[0] : f32 from vector<1xf32>
    %slice3A_458 = vector.extract_strided_slice %get3A_59 {offsets = [11], sizes = [1], strides = [1]} : vector<16xf32> to vector<1xf32>
    %squeeze3A_459 = vector.extract %slice3A_458[0] : f32 from vector<1xf32>
    %slice3A_460 = vector.extract_strided_slice %get3A_59 {offsets = [15], sizes = [1], strides = [1]} : vector<16xf32> to vector<1xf32>
    %squeeze3A_461 = vector.extract %slice3A_460[0] : f32 from vector<1xf32>
    %slice3A_462 = vector.extract_strided_slice %get3A_64 {offsets = [0], sizes = [1], strides = [1]} : vector<16xf32> to vector<1xf32>
    %squeeze3A_463 = vector.extract %slice3A_462[0] : f32 from vector<1xf32>
    %slice3A_464 = vector.extract_strided_slice %get3A_64 {offsets = [1], sizes = [1], strides = [1]} : vector<16xf32> to vector<1xf32>
    %squeeze3A_465 = vector.extract %slice3A_464[0] : f32 from vector<1xf32>
    %slice3A_466 = vector.extract_strided_slice %get3A_64 {offsets = [2], sizes = [1], strides = [1]} : vector<16xf32> to vector<1xf32>
    %squeeze3A_467 = vector.extract %slice3A_466[0] : f32 from vector<1xf32>
    %slice3A_468 = vector.extract_strided_slice %get3A_64 {offsets = [3], sizes = [1], strides = [1]} : vector<16xf32> to vector<1xf32>
    %squeeze3A_469 = vector.extract %slice3A_468[0] : f32 from vector<1xf32>
    %slice3A_470 = vector.extract_strided_slice %get3A_64 {offsets = [4], sizes = [1], strides = [1]} : vector<16xf32> to vector<1xf32>
    %squeeze3A_471 = vector.extract %slice3A_470[0] : f32 from vector<1xf32>
    %slice3A_472 = vector.extract_strided_slice %get3A_64 {offsets = [8], sizes = [1], strides = [1]} : vector<16xf32> to vector<1xf32>
    %squeeze3A_473 = vector.extract %slice3A_472[0] : f32 from vector<1xf32>
    %slice3A_474 = vector.extract_strided_slice %get3A_64 {offsets = [12], sizes = [1], strides = [1]} : vector<16xf32> to vector<1xf32>
    %squeeze3A_475 = vector.extract %slice3A_474[0] : f32 from vector<1xf32>
    %slice3A_476 = vector.extract_strided_slice %get3A_69 {offsets = [0], sizes = [1], strides = [1]} : vector<16xf32> to vector<1xf32>
    %squeeze3A_477 = vector.extract %slice3A_476[0] : f32 from vector<1xf32>
    %slice3A_478 = vector.extract_strided_slice %get3A_69 {offsets = [4], sizes = [1], strides = [1]} : vector<16xf32> to vector<1xf32>
    %squeeze3A_479 = vector.extract %slice3A_478[0] : f32 from vector<1xf32>
    %slice3A_480 = vector.extract_strided_slice %get3A_69 {offsets = [8], sizes = [1], strides = [1]} : vector<16xf32> to vector<1xf32>
    %squeeze3A_481 = vector.extract %slice3A_480[0] : f32 from vector<1xf32>
    %slice3A_482 = vector.extract_strided_slice %get3A_69 {offsets = [12], sizes = [1], strides = [1]} : vector<16xf32> to vector<1xf32>
    %squeeze3A_483 = vector.extract %slice3A_482[0] : f32 from vector<1xf32>
    %slice3A_484 = vector.extract_strided_slice %get3A_64 {offsets = [5], sizes = [1], strides = [1]} : vector<16xf32> to vector<1xf32>
    %squeeze3A_485 = vector.extract %slice3A_484[0] : f32 from vector<1xf32>
    %slice3A_486 = vector.extract_strided_slice %get3A_64 {offsets = [9], sizes = [1], strides = [1]} : vector<16xf32> to vector<1xf32>
    %squeeze3A_487 = vector.extract %slice3A_486[0] : f32 from vector<1xf32>
    %slice3A_488 = vector.extract_strided_slice %get3A_64 {offsets = [13], sizes = [1], strides = [1]} : vector<16xf32> to vector<1xf32>
    %squeeze3A_489 = vector.extract %slice3A_488[0] : f32 from vector<1xf32>
    %slice3A_490 = vector.extract_strided_slice %get3A_69 {offsets = [1], sizes = [1], strides = [1]} : vector<16xf32> to vector<1xf32>
    %squeeze3A_491 = vector.extract %slice3A_490[0] : f32 from vector<1xf32>
    %slice3A_492 = vector.extract_strided_slice %get3A_69 {offsets = [5], sizes = [1], strides = [1]} : vector<16xf32> to vector<1xf32>
    %squeeze3A_493 = vector.extract %slice3A_492[0] : f32 from vector<1xf32>
    %slice3A_494 = vector.extract_strided_slice %get3A_69 {offsets = [9], sizes = [1], strides = [1]} : vector<16xf32> to vector<1xf32>
    %squeeze3A_495 = vector.extract %slice3A_494[0] : f32 from vector<1xf32>
    %slice3A_496 = vector.extract_strided_slice %get3A_69 {offsets = [13], sizes = [1], strides = [1]} : vector<16xf32> to vector<1xf32>
    %squeeze3A_497 = vector.extract %slice3A_496[0] : f32 from vector<1xf32>
    %slice3A_498 = vector.extract_strided_slice %get3A_64 {offsets = [6], sizes = [1], strides = [1]} : vector<16xf32> to vector<1xf32>
    %squeeze3A_499 = vector.extract %slice3A_498[0] : f32 from vector<1xf32>
    %slice3A_500 = vector.extract_strided_slice %get3A_64 {offsets = [10], sizes = [1], strides = [1]} : vector<16xf32> to vector<1xf32>
    %squeeze3A_501 = vector.extract %slice3A_500[0] : f32 from vector<1xf32>
    %slice3A_502 = vector.extract_strided_slice %get3A_64 {offsets = [14], sizes = [1], strides = [1]} : vector<16xf32> to vector<1xf32>
    %squeeze3A_503 = vector.extract %slice3A_502[0] : f32 from vector<1xf32>
    %slice3A_504 = vector.extract_strided_slice %get3A_69 {offsets = [2], sizes = [1], strides = [1]} : vector<16xf32> to vector<1xf32>
    %squeeze3A_505 = vector.extract %slice3A_504[0] : f32 from vector<1xf32>
    %slice3A_506 = vector.extract_strided_slice %get3A_69 {offsets = [6], sizes = [1], strides = [1]} : vector<16xf32> to vector<1xf32>
    %squeeze3A_507 = vector.extract %slice3A_506[0] : f32 from vector<1xf32>
    %slice3A_508 = vector.extract_strided_slice %get3A_69 {offsets = [10], sizes = [1], strides = [1]} : vector<16xf32> to vector<1xf32>
    %squeeze3A_509 = vector.extract %slice3A_508[0] : f32 from vector<1xf32>
    %slice3A_510 = vector.extract_strided_slice %get3A_69 {offsets = [14], sizes = [1], strides = [1]} : vector<16xf32> to vector<1xf32>
    %squeeze3A_511 = vector.extract %slice3A_510[0] : f32 from vector<1xf32>
    %slice3A_512 = vector.extract_strided_slice %get3A_64 {offsets = [7], sizes = [1], strides = [1]} : vector<16xf32> to vector<1xf32>
    %squeeze3A_513 = vector.extract %slice3A_512[0] : f32 from vector<1xf32>
    %slice3A_514 = vector.extract_strided_slice %get3A_64 {offsets = [11], sizes = [1], strides = [1]} : vector<16xf32> to vector<1xf32>
    %squeeze3A_515 = vector.extract %slice3A_514[0] : f32 from vector<1xf32>
    %slice3A_516 = vector.extract_strided_slice %get3A_64 {offsets = [15], sizes = [1], strides = [1]} : vector<16xf32> to vector<1xf32>
    %squeeze3A_517 = vector.extract %slice3A_516[0] : f32 from vector<1xf32>
    %slice3A_518 = vector.extract_strided_slice %get3A_69 {offsets = [3], sizes = [1], strides = [1]} : vector<16xf32> to vector<1xf32>
    %squeeze3A_519 = vector.extract %slice3A_518[0] : f32 from vector<1xf32>
    %slice3A_520 = vector.extract_strided_slice %get3A_69 {offsets = [7], sizes = [1], strides = [1]} : vector<16xf32> to vector<1xf32>
    %squeeze3A_521 = vector.extract %slice3A_520[0] : f32 from vector<1xf32>
    %slice3A_522 = vector.extract_strided_slice %get3A_69 {offsets = [11], sizes = [1], strides = [1]} : vector<16xf32> to vector<1xf32>
    %squeeze3A_523 = vector.extract %slice3A_522[0] : f32 from vector<1xf32>
    %slice3A_524 = vector.extract_strided_slice %get3A_69 {offsets = [15], sizes = [1], strides = [1]} : vector<16xf32> to vector<1xf32>
    %squeeze3A_525 = vector.extract %slice3A_524[0] : f32 from vector<1xf32>
    %slice3A_526 = vector.extract_strided_slice %get3A_74 {offsets = [0], sizes = [1], strides = [1]} : vector<16xf32> to vector<1xf32>
    %squeeze3A_527 = vector.extract %slice3A_526[0] : f32 from vector<1xf32>
    %slice3A_528 = vector.extract_strided_slice %get3A_74 {offsets = [1], sizes = [1], strides = [1]} : vector<16xf32> to vector<1xf32>
    %squeeze3A_529 = vector.extract %slice3A_528[0] : f32 from vector<1xf32>
    %slice3A_530 = vector.extract_strided_slice %get3A_74 {offsets = [2], sizes = [1], strides = [1]} : vector<16xf32> to vector<1xf32>
    %squeeze3A_531 = vector.extract %slice3A_530[0] : f32 from vector<1xf32>
    %slice3A_532 = vector.extract_strided_slice %get3A_74 {offsets = [3], sizes = [1], strides = [1]} : vector<16xf32> to vector<1xf32>
    %squeeze3A_533 = vector.extract %slice3A_532[0] : f32 from vector<1xf32>
    %scan3A = arith.constant 0 : i32
    %scan3A_534 = arith.constant 0 : i32
    %scan3A_535 = arith.constant 256 : i32
    %scan3A_536 = arith.addi %scan3A_534, %scan3A_535 : i32
    %scan3A_537 = arith.constant 1 : i32
    %scan3A_538 = scf.for %scan3A_561 = %scan3A_534 to %scan3A_536 step %scan3A_537 iter_args(%scan3A_562 = %scan3A) -> (i32)  : i32 {
      %broadcast_in_dim3A = arith.constant 0.000000e+00 : f32
      %broadcast_in_dim3A_563 = vector.broadcast %broadcast_in_dim3A : f32 to vector<16xf32>
      %swap3A = arith.index_cast %scan3A_561 : i32 to index
      %swap3A_564 = arith.constant 0 : index
      %swap3A_565 = tpu.vector_load %arg8[%swap3A, %swap3A_564] {strides = array<i32>} : memref<256x32xf32, #tpu.memory_space<vmem>>, vector<1x16xf32>,
      %swap3A_566 = vector.shape_cast %swap3A_565 : vector<1x16xf32> to vector<16xf32>
      %swap3A_567 = vector.shape_cast %broadcast_in_dim3A_563 : vector<16xf32> to vector<1x16xf32>
      tpu.vector_store %arg8[%swap3A, %swap3A_564], %swap3A_567 {strides = array<i32>} : memref<256x32xf32, #tpu.memory_space<vmem>>, vector<1x16xf32>,
      %broadcast_in_dim3A_568 = arith.constant 0.000000e+00 : f32
      %broadcast_in_dim3A_569 = vector.broadcast %broadcast_in_dim3A_568 : f32 to vector<16xf32>
      %swap3A_570 = arith.index_cast %scan3A_561 : i32 to index
      %swap3A_571 = arith.constant 16 : index
      %swap3A_572 = tpu.vector_load %arg8[%swap3A_570, %swap3A_571] {strides = array<i32>} : memref<256x32xf32, #tpu.memory_space<vmem>>, vector<1x16xf32>,
      %swap3A_573 = vector.shape_cast %swap3A_572 : vector<1x16xf32> to vector<16xf32>
      %swap3A_574 = vector.shape_cast %broadcast_in_dim3A_569 : vector<16xf32> to vector<1x16xf32>
      tpu.vector_store %arg8[%swap3A_570, %swap3A_571], %swap3A_574 {strides = array<i32>} : memref<256x32xf32, #tpu.memory_space<vmem>>, vector<1x16xf32>,
      %scan3A_575 = arith.constant 0 : i32
      scf.yield %scan3A_575 : i32
    }
    %scan3A_539 = arith.constant 256 : i32
    %scan3A_540 = arith.constant 0 : i32
    %scan3A_541 = arith.constant 0 : i32
    %scan3A_542 = arith.constant 64 : i32
    %scan3A_543 = arith.addi %scan3A_541, %scan3A_542 : i32
    %scan3A_544 = arith.constant 1 : i32
    %scan3A_545 = scf.for %scan3A_561 = %scan3A_541 to %scan3A_543 step %scan3A_544 iter_args(%scan3A_562 = %scan3A_540) -> (i32)  : i32 {
      %mul3A_563 = arith.constant 3 : i32
      %mul3A_564 = arith.muli %scan3A_561, %mul3A_563 : i32
      %mul3A_565 = arith.constant 16 : i32
      %mul3A_566 = arith.muli %scan3A_561, %mul3A_565 : i32
      %get3A_567 = arith.index_cast %mul3A_564 : i32 to index
      %get3A_568 = arith.constant 0 : index
      %get3A_569 = tpu.vector_load %arg6[%get3A_567, %get3A_568] {strides = array<i32>} : memref<192x32xf32, #tpu.memory_space<vmem>>, vector<1x16xf32>,
      %get3A_570 = vector.shape_cast %get3A_569 : vector<1x16xf32> to vector<16xf32>
      %add3A_571 = arith.constant 1 : i32
      %add3A_572 = arith.addi %mul3A_564, %add3A_571 : i32
      %get3A_573 = arith.index_cast %add3A_572 : i32 to index
      %get3A_574 = arith.constant 0 : index
      %get3A_575 = tpu.vector_load %arg6[%get3A_573, %get3A_574] {strides = array<i32>} : memref<192x32xf32, #tpu.memory_space<vmem>>, vector<1x16xf32>,
      %get3A_576 = vector.shape_cast %get3A_575 : vector<1x16xf32> to vector<16xf32>
      %add3A_577 = arith.constant 2 : i32
      %add3A_578 = arith.addi %mul3A_564, %add3A_577 : i32
      %get3A_579 = arith.index_cast %add3A_578 : i32 to index
      %get3A_580 = arith.constant 0 : index
      %get3A_581 = tpu.vector_load %arg6[%get3A_579, %get3A_580] {strides = array<i32>} : memref<192x32xf32, #tpu.memory_space<vmem>>, vector<1x16xf32>,
      %get3A_582 = vector.shape_cast %get3A_581 : vector<1x16xf32> to vector<16xf32>
      %mul3A_583 = vector.broadcast %squeeze3A : f32 to vector<16xf32>
      %mul3A_584 = arith.mulf %mul3A_583, %get3A_570 : vector<16xf32>
      %add3A_585 = vector.broadcast %squeeze3A_303 : f32 to vector<16xf32>
      %add3A_586 = arith.addf %add3A_585, %mul3A_584 : vector<16xf32>
      %mul3A_587 = vector.broadcast %squeeze3A_81 : f32 to vector<16xf32>
      %mul3A_588 = arith.mulf %mul3A_587, %get3A_576 : vector<16xf32>
      %add3A_589 = arith.addf %add3A_586, %mul3A_588 : vector<16xf32>
      %mul3A_590 = vector.broadcast %squeeze3A_83 : f32 to vector<16xf32>
      %mul3A_591 = arith.mulf %mul3A_590, %get3A_582 : vector<16xf32>
      %add3A_592 = arith.addf %add3A_589, %mul3A_591 : vector<16xf32>
      %add3A_593 = arith.constant 0 : i32
      %add3A_594 = arith.addi %mul3A_566, %add3A_593 : i32
      %swap3A = arith.index_cast %add3A_594 : i32 to index
      %swap3A_595 = arith.constant 0 : index
      %swap3A_596 = tpu.vector_load %arg10[%swap3A, %swap3A_595] {strides = array<i32>} : memref<1024x32xf32, #tpu.memory_space<vmem>>, vector<1x16xf32>,
      %swap3A_597 = vector.shape_cast %swap3A_596 : vector<1x16xf32> to vector<16xf32>
      %swap3A_598 = vector.shape_cast %add3A_592 : vector<16xf32> to vector<1x16xf32>
      tpu.vector_store %arg10[%swap3A, %swap3A_595], %swap3A_598 {strides = array<i32>} : memref<1024x32xf32, #tpu.memory_space<vmem>>, vector<1x16xf32>,
      %mul3A_599 = vector.broadcast %squeeze3A_85 : f32 to vector<16xf32>
      %mul3A_600 = arith.mulf %mul3A_599, %get3A_570 : vector<16xf32>
      %mul3A_601 = vector.broadcast %squeeze3A_87 : f32 to vector<16xf32>
      %mul3A_602 = arith.mulf %mul3A_601, %get3A_576 : vector<16xf32>
      %add3A_603 = arith.addf %mul3A_600, %mul3A_602 : vector<16xf32>
      %mul3A_604 = vector.broadcast %squeeze3A_89 : f32 to vector<16xf32>
      %mul3A_605 = arith.mulf %mul3A_604, %get3A_582 : vector<16xf32>
      %add3A_606 = arith.addf %add3A_603, %mul3A_605 : vector<16xf32>
      %add3A_607 = arith.constant 0 : i32
      %add3A_608 = arith.addi %mul3A_566, %add3A_607 : i32
      %swap3A_609 = arith.index_cast %add3A_608 : i32 to index
      %swap3A_610 = arith.constant 0 : index
      %swap3A_611 = tpu.vector_load %arg11[%swap3A_609, %swap3A_610] {strides = array<i32>} : memref<1024x32xf32, #tpu.memory_space<vmem>>, vector<1x16xf32>,
      %swap3A_612 = vector.shape_cast %swap3A_611 : vector<1x16xf32> to vector<16xf32>
      %swap3A_613 = vector.shape_cast %add3A_606 : vector<16xf32> to vector<1x16xf32>
      tpu.vector_store %arg11[%swap3A_609, %swap3A_610], %swap3A_613 {strides = array<i32>} : memref<1024x32xf32, #tpu.memory_space<vmem>>, vector<1x16xf32>,
      %mul3A_614 = vector.broadcast %squeeze3A_93 : f32 to vector<16xf32>
      %mul3A_615 = arith.mulf %mul3A_614, %get3A_570 : vector<16xf32>
      %add3A_616 = vector.broadcast %squeeze3A_305 : f32 to vector<16xf32>
      %add3A_617 = arith.addf %add3A_616, %mul3A_615 : vector<16xf32>
      %mul3A_618 = vector.broadcast %squeeze3A_95 : f32 to vector<16xf32>
      %mul3A_619 = arith.mulf %mul3A_618, %get3A_576 : vector<16xf32>
      %add3A_620 = arith.addf %add3A_617, %mul3A_619 : vector<16xf32>
      %mul3A_621 = vector.broadcast %squeeze3A_97 : f32 to vector<16xf32>
      %mul3A_622 = arith.mulf %mul3A_621, %get3A_582 : vector<16xf32>
      %add3A_623 = arith.addf %add3A_620, %mul3A_622 : vector<16xf32>
      %add3A_624 = arith.constant 1 : i32
      %add3A_625 = arith.addi %mul3A_566, %add3A_624 : i32
      %swap3A_626 = arith.index_cast %add3A_625 : i32 to index
      %swap3A_627 = arith.constant 0 : index
      %swap3A_628 = tpu.vector_load %arg10[%swap3A_626, %swap3A_627] {strides = array<i32>} : memref<1024x32xf32, #tpu.memory_space<vmem>>, vector<1x16xf32>,
      %swap3A_629 = vector.shape_cast %swap3A_628 : vector<1x16xf32> to vector<16xf32>
      %swap3A_630 = vector.shape_cast %add3A_623 : vector<16xf32> to vector<1x16xf32>
      tpu.vector_store %arg10[%swap3A_626, %swap3A_627], %swap3A_630 {strides = array<i32>} : memref<1024x32xf32, #tpu.memory_space<vmem>>, vector<1x16xf32>,
      %mul3A_631 = vector.broadcast %squeeze3A_99 : f32 to vector<16xf32>
      %mul3A_632 = arith.mulf %mul3A_631, %get3A_570 : vector<16xf32>
      %mul3A_633 = vector.broadcast %squeeze3A_101 : f32 to vector<16xf32>
      %mul3A_634 = arith.mulf %mul3A_633, %get3A_576 : vector<16xf32>
      %add3A_635 = arith.addf %mul3A_632, %mul3A_634 : vector<16xf32>
      %mul3A_636 = vector.broadcast %squeeze3A_103 : f32 to vector<16xf32>
      %mul3A_637 = arith.mulf %mul3A_636, %get3A_582 : vector<16xf32>
      %add3A_638 = arith.addf %add3A_635, %mul3A_637 : vector<16xf32>
      %add3A_639 = arith.constant 1 : i32
      %add3A_640 = arith.addi %mul3A_566, %add3A_639 : i32
      %swap3A_641 = arith.index_cast %add3A_640 : i32 to index
      %swap3A_642 = arith.constant 0 : index
      %swap3A_643 = tpu.vector_load %arg11[%swap3A_641, %swap3A_642] {strides = array<i32>} : memref<1024x32xf32, #tpu.memory_space<vmem>>, vector<1x16xf32>,
      %swap3A_644 = vector.shape_cast %swap3A_643 : vector<1x16xf32> to vector<16xf32>
      %swap3A_645 = vector.shape_cast %add3A_638 : vector<16xf32> to vector<1x16xf32>
      tpu.vector_store %arg11[%swap3A_641, %swap3A_642], %swap3A_645 {strides = array<i32>} : memref<1024x32xf32, #tpu.memory_space<vmem>>, vector<1x16xf32>,
      %mul3A_646 = vector.broadcast %squeeze3A_107 : f32 to vector<16xf32>
      %mul3A_647 = arith.mulf %mul3A_646, %get3A_570 : vector<16xf32>
      %add3A_648 = vector.broadcast %squeeze3A_307 : f32 to vector<16xf32>
      %add3A_649 = arith.addf %add3A_648, %mul3A_647 : vector<16xf32>
      %mul3A_650 = vector.broadcast %squeeze3A_109 : f32 to vector<16xf32>
      %mul3A_651 = arith.mulf %mul3A_650, %get3A_576 : vector<16xf32>
      %add3A_652 = arith.addf %add3A_649, %mul3A_651 : vector<16xf32>
      %mul3A_653 = vector.broadcast %squeeze3A_111 : f32 to vector<16xf32>
      %mul3A_654 = arith.mulf %mul3A_653, %get3A_582 : vector<16xf32>
      %add3A_655 = arith.addf %add3A_652, %mul3A_654 : vector<16xf32>
      %add3A_656 = arith.constant 2 : i32
      %add3A_657 = arith.addi %mul3A_566, %add3A_656 : i32
      %swap3A_658 = arith.index_cast %add3A_657 : i32 to index
      %swap3A_659 = arith.constant 0 : index
      %swap3A_660 = tpu.vector_load %arg10[%swap3A_658, %swap3A_659] {strides = array<i32>} : memref<1024x32xf32, #tpu.memory_space<vmem>>, vector<1x16xf32>,
      %swap3A_661 = vector.shape_cast %swap3A_660 : vector<1x16xf32> to vector<16xf32>
      %swap3A_662 = vector.shape_cast %add3A_655 : vector<16xf32> to vector<1x16xf32>
      tpu.vector_store %arg10[%swap3A_658, %swap3A_659], %swap3A_662 {strides = array<i32>} : memref<1024x32xf32, #tpu.memory_space<vmem>>, vector<1x16xf32>,
      %mul3A_663 = vector.broadcast %squeeze3A_113 : f32 to vector<16xf32>
      %mul3A_664 = arith.mulf %mul3A_663, %get3A_570 : vector<16xf32>
      %mul3A_665 = vector.broadcast %squeeze3A_115 : f32 to vector<16xf32>
      %mul3A_666 = arith.mulf %mul3A_665, %get3A_576 : vector<16xf32>
      %add3A_667 = arith.addf %mul3A_664, %mul3A_666 : vector<16xf32>
      %mul3A_668 = vector.broadcast %squeeze3A_117 : f32 to vector<16xf32>
      %mul3A_669 = arith.mulf %mul3A_668, %get3A_582 : vector<16xf32>
      %add3A_670 = arith.addf %add3A_667, %mul3A_669 : vector<16xf32>
      %add3A_671 = arith.constant 2 : i32
      %add3A_672 = arith.addi %mul3A_566, %add3A_671 : i32
      %swap3A_673 = arith.index_cast %add3A_672 : i32 to index
      %swap3A_674 = arith.constant 0 : index
      %swap3A_675 = tpu.vector_load %arg11[%swap3A_673, %swap3A_674] {strides = array<i32>} : memref<1024x32xf32, #tpu.memory_space<vmem>>, vector<1x16xf32>,
      %swap3A_676 = vector.shape_cast %swap3A_675 : vector<1x16xf32> to vector<16xf32>
      %swap3A_677 = vector.shape_cast %add3A_670 : vector<16xf32> to vector<1x16xf32>
      tpu.vector_store %arg11[%swap3A_673, %swap3A_674], %swap3A_677 {strides = array<i32>} : memref<1024x32xf32, #tpu.memory_space<vmem>>, vector<1x16xf32>,
      %mul3A_678 = vector.broadcast %squeeze3A_121 : f32 to vector<16xf32>
      %mul3A_679 = arith.mulf %mul3A_678, %get3A_570 : vector<16xf32>
      %add3A_680 = vector.broadcast %squeeze3A_309 : f32 to vector<16xf32>
      %add3A_681 = arith.addf %add3A_680, %mul3A_679 : vector<16xf32>
      %mul3A_682 = vector.broadcast %squeeze3A_123 : f32 to vector<16xf32>
      %mul3A_683 = arith.mulf %mul3A_682, %get3A_576 : vector<16xf32>
      %add3A_684 = arith.addf %add3A_681, %mul3A_683 : vector<16xf32>
      %mul3A_685 = vector.broadcast %squeeze3A_125 : f32 to vector<16xf32>
      %mul3A_686 = arith.mulf %mul3A_685, %get3A_582 : vector<16xf32>
      %add3A_687 = arith.addf %add3A_684, %mul3A_686 : vector<16xf32>
      %add3A_688 = arith.constant 3 : i32
      %add3A_689 = arith.addi %mul3A_566, %add3A_688 : i32
      %swap3A_690 = arith.index_cast %add3A_689 : i32 to index
      %swap3A_691 = arith.constant 0 : index
      %swap3A_692 = tpu.vector_load %arg10[%swap3A_690, %swap3A_691] {strides = array<i32>} : memref<1024x32xf32, #tpu.memory_space<vmem>>, vector<1x16xf32>,
      %swap3A_693 = vector.shape_cast %swap3A_692 : vector<1x16xf32> to vector<16xf32>
      %swap3A_694 = vector.shape_cast %add3A_687 : vector<16xf32> to vector<1x16xf32>
      tpu.vector_store %arg10[%swap3A_690, %swap3A_691], %swap3A_694 {strides = array<i32>} : memref<1024x32xf32, #tpu.memory_space<vmem>>, vector<1x16xf32>,
      %mul3A_695 = vector.broadcast %squeeze3A_127 : f32 to vector<16xf32>
      %mul3A_696 = arith.mulf %mul3A_695, %get3A_570 : vector<16xf32>
      %mul3A_697 = vector.broadcast %squeeze3A_129 : f32 to vector<16xf32>
      %mul3A_698 = arith.mulf %mul3A_697, %get3A_576 : vector<16xf32>
      %add3A_699 = arith.addf %mul3A_696, %mul3A_698 : vector<16xf32>
      %mul3A_700 = vector.broadcast %squeeze3A_131 : f32 to vector<16xf32>
      %mul3A_701 = arith.mulf %mul3A_700, %get3A_582 : vector<16xf32>
      %add3A_702 = arith.addf %add3A_699, %mul3A_701 : vector<16xf32>
      %add3A_703 = arith.constant 3 : i32
      %add3A_704 = arith.addi %mul3A_566, %add3A_703 : i32
      %swap3A_705 = arith.index_cast %add3A_704 : i32 to index
      %swap3A_706 = arith.constant 0 : index
      %swap3A_707 = tpu.vector_load %arg11[%swap3A_705, %swap3A_706] {strides = array<i32>} : memref<1024x32xf32, #tpu.memory_space<vmem>>, vector<1x16xf32>,
      %swap3A_708 = vector.shape_cast %swap3A_707 : vector<1x16xf32> to vector<16xf32>
      %swap3A_709 = vector.shape_cast %add3A_702 : vector<16xf32> to vector<1x16xf32>
      tpu.vector_store %arg11[%swap3A_705, %swap3A_706], %swap3A_709 {strides = array<i32>} : memref<1024x32xf32, #tpu.memory_space<vmem>>, vector<1x16xf32>,
      %mul3A_710 = vector.broadcast %squeeze3A_135 : f32 to vector<16xf32>
      %mul3A_711 = arith.mulf %mul3A_710, %get3A_570 : vector<16xf32>
      %add3A_712 = vector.broadcast %squeeze3A_311 : f32 to vector<16xf32>
      %add3A_713 = arith.addf %add3A_712, %mul3A_711 : vector<16xf32>
      %mul3A_714 = vector.broadcast %squeeze3A_137 : f32 to vector<16xf32>
      %mul3A_715 = arith.mulf %mul3A_714, %get3A_576 : vector<16xf32>
      %add3A_716 = arith.addf %add3A_713, %mul3A_715 : vector<16xf32>
      %mul3A_717 = vector.broadcast %squeeze3A_139 : f32 to vector<16xf32>
      %mul3A_718 = arith.mulf %mul3A_717, %get3A_582 : vector<16xf32>
      %add3A_719 = arith.addf %add3A_716, %mul3A_718 : vector<16xf32>
      %add3A_720 = arith.constant 4 : i32
      %add3A_721 = arith.addi %mul3A_566, %add3A_720 : i32
      %swap3A_722 = arith.index_cast %add3A_721 : i32 to index
      %swap3A_723 = arith.constant 0 : index
      %swap3A_724 = tpu.vector_load %arg10[%swap3A_722, %swap3A_723] {strides = array<i32>} : memref<1024x32xf32, #tpu.memory_space<vmem>>, vector<1x16xf32>,
      %swap3A_725 = vector.shape_cast %swap3A_724 : vector<1x16xf32> to vector<16xf32>
      %swap3A_726 = vector.shape_cast %add3A_719 : vector<16xf32> to vector<1x16xf32>
      tpu.vector_store %arg10[%swap3A_722, %swap3A_723], %swap3A_726 {strides = array<i32>} : memref<1024x32xf32, #tpu.memory_space<vmem>>, vector<1x16xf32>,
      %mul3A_727 = vector.broadcast %squeeze3A_141 : f32 to vector<16xf32>
      %mul3A_728 = arith.mulf %mul3A_727, %get3A_570 : vector<16xf32>
      %mul3A_729 = vector.broadcast %squeeze3A_143 : f32 to vector<16xf32>
      %mul3A_730 = arith.mulf %mul3A_729, %get3A_576 : vector<16xf32>
      %add3A_731 = arith.addf %mul3A_728, %mul3A_730 : vector<16xf32>
      %mul3A_732 = vector.broadcast %squeeze3A_145 : f32 to vector<16xf32>
      %mul3A_733 = arith.mulf %mul3A_732, %get3A_582 : vector<16xf32>
      %add3A_734 = arith.addf %add3A_731, %mul3A_733 : vector<16xf32>
      %add3A_735 = arith.constant 4 : i32
      %add3A_736 = arith.addi %mul3A_566, %add3A_735 : i32
      %swap3A_737 = arith.index_cast %add3A_736 : i32 to index
      %swap3A_738 = arith.constant 0 : index
      %swap3A_739 = tpu.vector_load %arg11[%swap3A_737, %swap3A_738] {strides = array<i32>} : memref<1024x32xf32, #tpu.memory_space<vmem>>, vector<1x16xf32>,
      %swap3A_740 = vector.shape_cast %swap3A_739 : vector<1x16xf32> to vector<16xf32>
      %swap3A_741 = vector.shape_cast %add3A_734 : vector<16xf32> to vector<1x16xf32>
      tpu.vector_store %arg11[%swap3A_737, %swap3A_738], %swap3A_741 {strides = array<i32>} : memref<1024x32xf32, #tpu.memory_space<vmem>>, vector<1x16xf32>,
      %mul3A_742 = vector.broadcast %squeeze3A_149 : f32 to vector<16xf32>
      %mul3A_743 = arith.mulf %mul3A_742, %get3A_570 : vector<16xf32>
      %add3A_744 = vector.broadcast %squeeze3A_313 : f32 to vector<16xf32>
      %add3A_745 = arith.addf %add3A_744, %mul3A_743 : vector<16xf32>
      %mul3A_746 = vector.broadcast %squeeze3A_151 : f32 to vector<16xf32>
      %mul3A_747 = arith.mulf %mul3A_746, %get3A_576 : vector<16xf32>
      %add3A_748 = arith.addf %add3A_745, %mul3A_747 : vector<16xf32>
      %mul3A_749 = vector.broadcast %squeeze3A_153 : f32 to vector<16xf32>
      %mul3A_750 = arith.mulf %mul3A_749, %get3A_582 : vector<16xf32>
      %add3A_751 = arith.addf %add3A_748, %mul3A_750 : vector<16xf32>
      %add3A_752 = arith.constant 5 : i32
      %add3A_753 = arith.addi %mul3A_566, %add3A_752 : i32
      %swap3A_754 = arith.index_cast %add3A_753 : i32 to index
      %swap3A_755 = arith.constant 0 : index
      %swap3A_756 = tpu.vector_load %arg10[%swap3A_754, %swap3A_755] {strides = array<i32>} : memref<1024x32xf32, #tpu.memory_space<vmem>>, vector<1x16xf32>,
      %swap3A_757 = vector.shape_cast %swap3A_756 : vector<1x16xf32> to vector<16xf32>
      %swap3A_758 = vector.shape_cast %add3A_751 : vector<16xf32> to vector<1x16xf32>
      tpu.vector_store %arg10[%swap3A_754, %swap3A_755], %swap3A_758 {strides = array<i32>} : memref<1024x32xf32, #tpu.memory_space<vmem>>, vector<1x16xf32>,
      %mul3A_759 = vector.broadcast %squeeze3A_155 : f32 to vector<16xf32>
      %mul3A_760 = arith.mulf %mul3A_759, %get3A_570 : vector<16xf32>
      %mul3A_761 = vector.broadcast %squeeze3A_157 : f32 to vector<16xf32>
      %mul3A_762 = arith.mulf %mul3A_761, %get3A_576 : vector<16xf32>
      %add3A_763 = arith.addf %mul3A_760, %mul3A_762 : vector<16xf32>
      %mul3A_764 = vector.broadcast %squeeze3A_159 : f32 to vector<16xf32>
      %mul3A_765 = arith.mulf %mul3A_764, %get3A_582 : vector<16xf32>
      %add3A_766 = arith.addf %add3A_763, %mul3A_765 : vector<16xf32>
      %add3A_767 = arith.constant 5 : i32
      %add3A_768 = arith.addi %mul3A_566, %add3A_767 : i32
      %swap3A_769 = arith.index_cast %add3A_768 : i32 to index
      %swap3A_770 = arith.constant 0 : index
      %swap3A_771 = tpu.vector_load %arg11[%swap3A_769, %swap3A_770] {strides = array<i32>} : memref<1024x32xf32, #tpu.memory_space<vmem>>, vector<1x16xf32>,
      %swap3A_772 = vector.shape_cast %swap3A_771 : vector<1x16xf32> to vector<16xf32>
      %swap3A_773 = vector.shape_cast %add3A_766 : vector<16xf32> to vector<1x16xf32>
      tpu.vector_store %arg11[%swap3A_769, %swap3A_770], %swap3A_773 {strides = array<i32>} : memref<1024x32xf32, #tpu.memory_space<vmem>>, vector<1x16xf32>,
      %mul3A_774 = vector.broadcast %squeeze3A_163 : f32 to vector<16xf32>
      %mul3A_775 = arith.mulf %mul3A_774, %get3A_570 : vector<16xf32>
      %add3A_776 = vector.broadcast %squeeze3A_315 : f32 to vector<16xf32>
      %add3A_777 = arith.addf %add3A_776, %mul3A_775 : vector<16xf32>
      %mul3A_778 = vector.broadcast %squeeze3A_165 : f32 to vector<16xf32>
      %mul3A_779 = arith.mulf %mul3A_778, %get3A_576 : vector<16xf32>
      %add3A_780 = arith.addf %add3A_777, %mul3A_779 : vector<16xf32>
      %mul3A_781 = vector.broadcast %squeeze3A_167 : f32 to vector<16xf32>
      %mul3A_782 = arith.mulf %mul3A_781, %get3A_582 : vector<16xf32>
      %add3A_783 = arith.addf %add3A_780, %mul3A_782 : vector<16xf32>
      %add3A_784 = arith.constant 6 : i32
      %add3A_785 = arith.addi %mul3A_566, %add3A_784 : i32
      %swap3A_786 = arith.index_cast %add3A_785 : i32 to index
      %swap3A_787 = arith.constant 0 : index
      %swap3A_788 = tpu.vector_load %arg10[%swap3A_786, %swap3A_787] {strides = array<i32>} : memref<1024x32xf32, #tpu.memory_space<vmem>>, vector<1x16xf32>,
      %swap3A_789 = vector.shape_cast %swap3A_788 : vector<1x16xf32> to vector<16xf32>
      %swap3A_790 = vector.shape_cast %add3A_783 : vector<16xf32> to vector<1x16xf32>
      tpu.vector_store %arg10[%swap3A_786, %swap3A_787], %swap3A_790 {strides = array<i32>} : memref<1024x32xf32, #tpu.memory_space<vmem>>, vector<1x16xf32>,
      %mul3A_791 = vector.broadcast %squeeze3A_169 : f32 to vector<16xf32>
      %mul3A_792 = arith.mulf %mul3A_791, %get3A_570 : vector<16xf32>
      %mul3A_793 = vector.broadcast %squeeze3A_171 : f32 to vector<16xf32>
      %mul3A_794 = arith.mulf %mul3A_793, %get3A_576 : vector<16xf32>
      %add3A_795 = arith.addf %mul3A_792, %mul3A_794 : vector<16xf32>
      %mul3A_796 = vector.broadcast %squeeze3A_173 : f32 to vector<16xf32>
      %mul3A_797 = arith.mulf %mul3A_796, %get3A_582 : vector<16xf32>
      %add3A_798 = arith.addf %add3A_795, %mul3A_797 : vector<16xf32>
      %add3A_799 = arith.constant 6 : i32
      %add3A_800 = arith.addi %mul3A_566, %add3A_799 : i32
      %swap3A_801 = arith.index_cast %add3A_800 : i32 to index
      %swap3A_802 = arith.constant 0 : index
      %swap3A_803 = tpu.vector_load %arg11[%swap3A_801, %swap3A_802] {strides = array<i32>} : memref<1024x32xf32, #tpu.memory_space<vmem>>, vector<1x16xf32>,
      %swap3A_804 = vector.shape_cast %swap3A_803 : vector<1x16xf32> to vector<16xf32>
      %swap3A_805 = vector.shape_cast %add3A_798 : vector<16xf32> to vector<1x16xf32>
      tpu.vector_store %arg11[%swap3A_801, %swap3A_802], %swap3A_805 {strides = array<i32>} : memref<1024x32xf32, #tpu.memory_space<vmem>>, vector<1x16xf32>,
      %mul3A_806 = vector.broadcast %squeeze3A_177 : f32 to vector<16xf32>
      %mul3A_807 = arith.mulf %mul3A_806, %get3A_570 : vector<16xf32>
      %add3A_808 = vector.broadcast %squeeze3A_317 : f32 to vector<16xf32>
      %add3A_809 = arith.addf %add3A_808, %mul3A_807 : vector<16xf32>
      %mul3A_810 = vector.broadcast %squeeze3A_179 : f32 to vector<16xf32>
      %mul3A_811 = arith.mulf %mul3A_810, %get3A_576 : vector<16xf32>
      %add3A_812 = arith.addf %add3A_809, %mul3A_811 : vector<16xf32>
      %mul3A_813 = vector.broadcast %squeeze3A_181 : f32 to vector<16xf32>
      %mul3A_814 = arith.mulf %mul3A_813, %get3A_582 : vector<16xf32>
      %add3A_815 = arith.addf %add3A_812, %mul3A_814 : vector<16xf32>
      %add3A_816 = arith.constant 7 : i32
      %add3A_817 = arith.addi %mul3A_566, %add3A_816 : i32
      %swap3A_818 = arith.index_cast %add3A_817 : i32 to index
      %swap3A_819 = arith.constant 0 : index
      %swap3A_820 = tpu.vector_load %arg10[%swap3A_818, %swap3A_819] {strides = array<i32>} : memref<1024x32xf32, #tpu.memory_space<vmem>>, vector<1x16xf32>,
      %swap3A_821 = vector.shape_cast %swap3A_820 : vector<1x16xf32> to vector<16xf32>
      %swap3A_822 = vector.shape_cast %add3A_815 : vector<16xf32> to vector<1x16xf32>
      tpu.vector_store %arg10[%swap3A_818, %swap3A_819], %swap3A_822 {strides = array<i32>} : memref<1024x32xf32, #tpu.memory_space<vmem>>, vector<1x16xf32>,
      %mul3A_823 = vector.broadcast %squeeze3A_183 : f32 to vector<16xf32>
      %mul3A_824 = arith.mulf %mul3A_823, %get3A_570 : vector<16xf32>
      %mul3A_825 = vector.broadcast %squeeze3A_185 : f32 to vector<16xf32>
      %mul3A_826 = arith.mulf %mul3A_825, %get3A_576 : vector<16xf32>
      %add3A_827 = arith.addf %mul3A_824, %mul3A_826 : vector<16xf32>
      %mul3A_828 = vector.broadcast %squeeze3A_187 : f32 to vector<16xf32>
      %mul3A_829 = arith.mulf %mul3A_828, %get3A_582 : vector<16xf32>
      %add3A_830 = arith.addf %add3A_827, %mul3A_829 : vector<16xf32>
      %add3A_831 = arith.constant 7 : i32
      %add3A_832 = arith.addi %mul3A_566, %add3A_831 : i32
      %swap3A_833 = arith.index_cast %add3A_832 : i32 to index
      %swap3A_834 = arith.constant 0 : index
      %swap3A_835 = tpu.vector_load %arg11[%swap3A_833, %swap3A_834] {strides = array<i32>} : memref<1024x32xf32, #tpu.memory_space<vmem>>, vector<1x16xf32>,
      %swap3A_836 = vector.shape_cast %swap3A_835 : vector<1x16xf32> to vector<16xf32>
      %swap3A_837 = vector.shape_cast %add3A_830 : vector<16xf32> to vector<1x16xf32>
      tpu.vector_store %arg11[%swap3A_833, %swap3A_834], %swap3A_837 {strides = array<i32>} : memref<1024x32xf32, #tpu.memory_space<vmem>>, vector<1x16xf32>,
      %mul3A_838 = vector.broadcast %squeeze3A_191 : f32 to vector<16xf32>
      %mul3A_839 = arith.mulf %mul3A_838, %get3A_570 : vector<16xf32>
      %add3A_840 = vector.broadcast %squeeze3A_319 : f32 to vector<16xf32>
      %add3A_841 = arith.addf %add3A_840, %mul3A_839 : vector<16xf32>
      %mul3A_842 = vector.broadcast %squeeze3A_193 : f32 to vector<16xf32>
      %mul3A_843 = arith.mulf %mul3A_842, %get3A_576 : vector<16xf32>
      %add3A_844 = arith.addf %add3A_841, %mul3A_843 : vector<16xf32>
      %mul3A_845 = vector.broadcast %squeeze3A_195 : f32 to vector<16xf32>
      %mul3A_846 = arith.mulf %mul3A_845, %get3A_582 : vector<16xf32>
      %add3A_847 = arith.addf %add3A_844, %mul3A_846 : vector<16xf32>
      %add3A_848 = arith.constant 8 : i32
      %add3A_849 = arith.addi %mul3A_566, %add3A_848 : i32
      %swap3A_850 = arith.index_cast %add3A_849 : i32 to index
      %swap3A_851 = arith.constant 0 : index
      %swap3A_852 = tpu.vector_load %arg10[%swap3A_850, %swap3A_851] {strides = array<i32>} : memref<1024x32xf32, #tpu.memory_space<vmem>>, vector<1x16xf32>,
      %swap3A_853 = vector.shape_cast %swap3A_852 : vector<1x16xf32> to vector<16xf32>
      %swap3A_854 = vector.shape_cast %add3A_847 : vector<16xf32> to vector<1x16xf32>
      tpu.vector_store %arg10[%swap3A_850, %swap3A_851], %swap3A_854 {strides = array<i32>} : memref<1024x32xf32, #tpu.memory_space<vmem>>, vector<1x16xf32>,
      %mul3A_855 = vector.broadcast %squeeze3A_197 : f32 to vector<16xf32>
      %mul3A_856 = arith.mulf %mul3A_855, %get3A_570 : vector<16xf32>
      %mul3A_857 = vector.broadcast %squeeze3A_199 : f32 to vector<16xf32>
      %mul3A_858 = arith.mulf %mul3A_857, %get3A_576 : vector<16xf32>
      %add3A_859 = arith.addf %mul3A_856, %mul3A_858 : vector<16xf32>
      %mul3A_860 = vector.broadcast %squeeze3A_201 : f32 to vector<16xf32>
      %mul3A_861 = arith.mulf %mul3A_860, %get3A_582 : vector<16xf32>
      %add3A_862 = arith.addf %add3A_859, %mul3A_861 : vector<16xf32>
      %add3A_863 = arith.constant 8 : i32
      %add3A_864 = arith.addi %mul3A_566, %add3A_863 : i32
      %swap3A_865 = arith.index_cast %add3A_864 : i32 to index
      %swap3A_866 = arith.constant 0 : index
      %swap3A_867 = tpu.vector_load %arg11[%swap3A_865, %swap3A_866] {strides = array<i32>} : memref<1024x32xf32, #tpu.memory_space<vmem>>, vector<1x16xf32>,
      %swap3A_868 = vector.shape_cast %swap3A_867 : vector<1x16xf32> to vector<16xf32>
      %swap3A_869 = vector.shape_cast %add3A_862 : vector<16xf32> to vector<1x16xf32>
      tpu.vector_store %arg11[%swap3A_865, %swap3A_866], %swap3A_869 {strides = array<i32>} : memref<1024x32xf32, #tpu.memory_space<vmem>>, vector<1x16xf32>,
      %mul3A_870 = vector.broadcast %squeeze3A_205 : f32 to vector<16xf32>
      %mul3A_871 = arith.mulf %mul3A_870, %get3A_570 : vector<16xf32>
      %add3A_872 = vector.broadcast %squeeze3A_321 : f32 to vector<16xf32>
      %add3A_873 = arith.addf %add3A_872, %mul3A_871 : vector<16xf32>
      %mul3A_874 = vector.broadcast %squeeze3A_207 : f32 to vector<16xf32>
      %mul3A_875 = arith.mulf %mul3A_874, %get3A_576 : vector<16xf32>
      %add3A_876 = arith.addf %add3A_873, %mul3A_875 : vector<16xf32>
      %mul3A_877 = vector.broadcast %squeeze3A_209 : f32 to vector<16xf32>
      %mul3A_878 = arith.mulf %mul3A_877, %get3A_582 : vector<16xf32>
      %add3A_879 = arith.addf %add3A_876, %mul3A_878 : vector<16xf32>
      %add3A_880 = arith.constant 9 : i32
      %add3A_881 = arith.addi %mul3A_566, %add3A_880 : i32
      %swap3A_882 = arith.index_cast %add3A_881 : i32 to index
      %swap3A_883 = arith.constant 0 : index
      %swap3A_884 = tpu.vector_load %arg10[%swap3A_882, %swap3A_883] {strides = array<i32>} : memref<1024x32xf32, #tpu.memory_space<vmem>>, vector<1x16xf32>,
      %swap3A_885 = vector.shape_cast %swap3A_884 : vector<1x16xf32> to vector<16xf32>
      %swap3A_886 = vector.shape_cast %add3A_879 : vector<16xf32> to vector<1x16xf32>
      tpu.vector_store %arg10[%swap3A_882, %swap3A_883], %swap3A_886 {strides = array<i32>} : memref<1024x32xf32, #tpu.memory_space<vmem>>, vector<1x16xf32>,
      %mul3A_887 = vector.broadcast %squeeze3A_211 : f32 to vector<16xf32>
      %mul3A_888 = arith.mulf %mul3A_887, %get3A_570 : vector<16xf32>
      %mul3A_889 = vector.broadcast %squeeze3A_213 : f32 to vector<16xf32>
      %mul3A_890 = arith.mulf %mul3A_889, %get3A_576 : vector<16xf32>
      %add3A_891 = arith.addf %mul3A_888, %mul3A_890 : vector<16xf32>
      %mul3A_892 = vector.broadcast %squeeze3A_215 : f32 to vector<16xf32>
      %mul3A_893 = arith.mulf %mul3A_892, %get3A_582 : vector<16xf32>
      %add3A_894 = arith.addf %add3A_891, %mul3A_893 : vector<16xf32>
      %add3A_895 = arith.constant 9 : i32
      %add3A_896 = arith.addi %mul3A_566, %add3A_895 : i32
      %swap3A_897 = arith.index_cast %add3A_896 : i32 to index
      %swap3A_898 = arith.constant 0 : index
      %swap3A_899 = tpu.vector_load %arg11[%swap3A_897, %swap3A_898] {strides = array<i32>} : memref<1024x32xf32, #tpu.memory_space<vmem>>, vector<1x16xf32>,
      %swap3A_900 = vector.shape_cast %swap3A_899 : vector<1x16xf32> to vector<16xf32>
      %swap3A_901 = vector.shape_cast %add3A_894 : vector<16xf32> to vector<1x16xf32>
      tpu.vector_store %arg11[%swap3A_897, %swap3A_898], %swap3A_901 {strides = array<i32>} : memref<1024x32xf32, #tpu.memory_space<vmem>>, vector<1x16xf32>,
      %mul3A_902 = vector.broadcast %squeeze3A_219 : f32 to vector<16xf32>
      %mul3A_903 = arith.mulf %mul3A_902, %get3A_570 : vector<16xf32>
      %add3A_904 = vector.broadcast %squeeze3A_323 : f32 to vector<16xf32>
      %add3A_905 = arith.addf %add3A_904, %mul3A_903 : vector<16xf32>
      %mul3A_906 = vector.broadcast %squeeze3A_221 : f32 to vector<16xf32>
      %mul3A_907 = arith.mulf %mul3A_906, %get3A_576 : vector<16xf32>
      %add3A_908 = arith.addf %add3A_905, %mul3A_907 : vector<16xf32>
      %mul3A_909 = vector.broadcast %squeeze3A_223 : f32 to vector<16xf32>
      %mul3A_910 = arith.mulf %mul3A_909, %get3A_582 : vector<16xf32>
      %add3A_911 = arith.addf %add3A_908, %mul3A_910 : vector<16xf32>
      %add3A_912 = arith.constant 10 : i32
      %add3A_913 = arith.addi %mul3A_566, %add3A_912 : i32
      %swap3A_914 = arith.index_cast %add3A_913 : i32 to index
      %swap3A_915 = arith.constant 0 : index
      %swap3A_916 = tpu.vector_load %arg10[%swap3A_914, %swap3A_915] {strides = array<i32>} : memref<1024x32xf32, #tpu.memory_space<vmem>>, vector<1x16xf32>,
      %swap3A_917 = vector.shape_cast %swap3A_916 : vector<1x16xf32> to vector<16xf32>
      %swap3A_918 = vector.shape_cast %add3A_911 : vector<16xf32> to vector<1x16xf32>
      tpu.vector_store %arg10[%swap3A_914, %swap3A_915], %swap3A_918 {strides = array<i32>} : memref<1024x32xf32, #tpu.memory_space<vmem>>, vector<1x16xf32>,
      %mul3A_919 = vector.broadcast %squeeze3A_225 : f32 to vector<16xf32>
      %mul3A_920 = arith.mulf %mul3A_919, %get3A_570 : vector<16xf32>
      %mul3A_921 = vector.broadcast %squeeze3A_227 : f32 to vector<16xf32>
      %mul3A_922 = arith.mulf %mul3A_921, %get3A_576 : vector<16xf32>
      %add3A_923 = arith.addf %mul3A_920, %mul3A_922 : vector<16xf32>
      %mul3A_924 = vector.broadcast %squeeze3A_229 : f32 to vector<16xf32>
      %mul3A_925 = arith.mulf %mul3A_924, %get3A_582 : vector<16xf32>
      %add3A_926 = arith.addf %add3A_923, %mul3A_925 : vector<16xf32>
      %add3A_927 = arith.constant 10 : i32
      %add3A_928 = arith.addi %mul3A_566, %add3A_927 : i32
      %swap3A_929 = arith.index_cast %add3A_928 : i32 to index
      %swap3A_930 = arith.constant 0 : index
      %swap3A_931 = tpu.vector_load %arg11[%swap3A_929, %swap3A_930] {strides = array<i32>} : memref<1024x32xf32, #tpu.memory_space<vmem>>, vector<1x16xf32>,
      %swap3A_932 = vector.shape_cast %swap3A_931 : vector<1x16xf32> to vector<16xf32>
      %swap3A_933 = vector.shape_cast %add3A_926 : vector<16xf32> to vector<1x16xf32>
      tpu.vector_store %arg11[%swap3A_929, %swap3A_930], %swap3A_933 {strides = array<i32>} : memref<1024x32xf32, #tpu.memory_space<vmem>>, vector<1x16xf32>,
      %mul3A_934 = vector.broadcast %squeeze3A_233 : f32 to vector<16xf32>
      %mul3A_935 = arith.mulf %mul3A_934, %get3A_570 : vector<16xf32>
      %add3A_936 = vector.broadcast %squeeze3A_325 : f32 to vector<16xf32>
      %add3A_937 = arith.addf %add3A_936, %mul3A_935 : vector<16xf32>
      %mul3A_938 = vector.broadcast %squeeze3A_235 : f32 to vector<16xf32>
      %mul3A_939 = arith.mulf %mul3A_938, %get3A_576 : vector<16xf32>
      %add3A_940 = arith.addf %add3A_937, %mul3A_939 : vector<16xf32>
      %mul3A_941 = vector.broadcast %squeeze3A_237 : f32 to vector<16xf32>
      %mul3A_942 = arith.mulf %mul3A_941, %get3A_582 : vector<16xf32>
      %add3A_943 = arith.addf %add3A_940, %mul3A_942 : vector<16xf32>
      %add3A_944 = arith.constant 11 : i32
      %add3A_945 = arith.addi %mul3A_566, %add3A_944 : i32
      %swap3A_946 = arith.index_cast %add3A_945 : i32 to index
      %swap3A_947 = arith.constant 0 : index
      %swap3A_948 = tpu.vector_load %arg10[%swap3A_946, %swap3A_947] {strides = array<i32>} : memref<1024x32xf32, #tpu.memory_space<vmem>>, vector<1x16xf32>,
      %swap3A_949 = vector.shape_cast %swap3A_948 : vector<1x16xf32> to vector<16xf32>
      %swap3A_950 = vector.shape_cast %add3A_943 : vector<16xf32> to vector<1x16xf32>
      tpu.vector_store %arg10[%swap3A_946, %swap3A_947], %swap3A_950 {strides = array<i32>} : memref<1024x32xf32, #tpu.memory_space<vmem>>, vector<1x16xf32>,
      %mul3A_951 = vector.broadcast %squeeze3A_239 : f32 to vector<16xf32>
      %mul3A_952 = arith.mulf %mul3A_951, %get3A_570 : vector<16xf32>
      %mul3A_953 = vector.broadcast %squeeze3A_241 : f32 to vector<16xf32>
      %mul3A_954 = arith.mulf %mul3A_953, %get3A_576 : vector<16xf32>
      %add3A_955 = arith.addf %mul3A_952, %mul3A_954 : vector<16xf32>
      %mul3A_956 = vector.broadcast %squeeze3A_243 : f32 to vector<16xf32>
      %mul3A_957 = arith.mulf %mul3A_956, %get3A_582 : vector<16xf32>
      %add3A_958 = arith.addf %add3A_955, %mul3A_957 : vector<16xf32>
      %add3A_959 = arith.constant 11 : i32
      %add3A_960 = arith.addi %mul3A_566, %add3A_959 : i32
      %swap3A_961 = arith.index_cast %add3A_960 : i32 to index
      %swap3A_962 = arith.constant 0 : index
      %swap3A_963 = tpu.vector_load %arg11[%swap3A_961, %swap3A_962] {strides = array<i32>} : memref<1024x32xf32, #tpu.memory_space<vmem>>, vector<1x16xf32>,
      %swap3A_964 = vector.shape_cast %swap3A_963 : vector<1x16xf32> to vector<16xf32>
      %swap3A_965 = vector.shape_cast %add3A_958 : vector<16xf32> to vector<1x16xf32>
      tpu.vector_store %arg11[%swap3A_961, %swap3A_962], %swap3A_965 {strides = array<i32>} : memref<1024x32xf32, #tpu.memory_space<vmem>>, vector<1x16xf32>,
      %mul3A_966 = vector.broadcast %squeeze3A_247 : f32 to vector<16xf32>
      %mul3A_967 = arith.mulf %mul3A_966, %get3A_570 : vector<16xf32>
      %add3A_968 = vector.broadcast %squeeze3A_327 : f32 to vector<16xf32>
      %add3A_969 = arith.addf %add3A_968, %mul3A_967 : vector<16xf32>
      %mul3A_970 = vector.broadcast %squeeze3A_249 : f32 to vector<16xf32>
      %mul3A_971 = arith.mulf %mul3A_970, %get3A_576 : vector<16xf32>
      %add3A_972 = arith.addf %add3A_969, %mul3A_971 : vector<16xf32>
      %mul3A_973 = vector.broadcast %squeeze3A_251 : f32 to vector<16xf32>
      %mul3A_974 = arith.mulf %mul3A_973, %get3A_582 : vector<16xf32>
      %add3A_975 = arith.addf %add3A_972, %mul3A_974 : vector<16xf32>
      %add3A_976 = arith.constant 12 : i32
      %add3A_977 = arith.addi %mul3A_566, %add3A_976 : i32
      %swap3A_978 = arith.index_cast %add3A_977 : i32 to index
      %swap3A_979 = arith.constant 0 : index
      %swap3A_980 = tpu.vector_load %arg10[%swap3A_978, %swap3A_979] {strides = array<i32>} : memref<1024x32xf32, #tpu.memory_space<vmem>>, vector<1x16xf32>,
      %swap3A_981 = vector.shape_cast %swap3A_980 : vector<1x16xf32> to vector<16xf32>
      %swap3A_982 = vector.shape_cast %add3A_975 : vector<16xf32> to vector<1x16xf32>
      tpu.vector_store %arg10[%swap3A_978, %swap3A_979], %swap3A_982 {strides = array<i32>} : memref<1024x32xf32, #tpu.memory_space<vmem>>, vector<1x16xf32>,
      %mul3A_983 = vector.broadcast %squeeze3A_253 : f32 to vector<16xf32>
      %mul3A_984 = arith.mulf %mul3A_983, %get3A_570 : vector<16xf32>
      %mul3A_985 = vector.broadcast %squeeze3A_255 : f32 to vector<16xf32>
      %mul3A_986 = arith.mulf %mul3A_985, %get3A_576 : vector<16xf32>
      %add3A_987 = arith.addf %mul3A_984, %mul3A_986 : vector<16xf32>
      %mul3A_988 = vector.broadcast %squeeze3A_257 : f32 to vector<16xf32>
      %mul3A_989 = arith.mulf %mul3A_988, %get3A_582 : vector<16xf32>
      %add3A_990 = arith.addf %add3A_987, %mul3A_989 : vector<16xf32>
      %add3A_991 = arith.constant 12 : i32
      %add3A_992 = arith.addi %mul3A_566, %add3A_991 : i32
      %swap3A_993 = arith.index_cast %add3A_992 : i32 to index
      %swap3A_994 = arith.constant 0 : index
      %swap3A_995 = tpu.vector_load %arg11[%swap3A_993, %swap3A_994] {strides = array<i32>} : memref<1024x32xf32, #tpu.memory_space<vmem>>, vector<1x16xf32>,
      %swap3A_996 = vector.shape_cast %swap3A_995 : vector<1x16xf32> to vector<16xf32>
      %swap3A_997 = vector.shape_cast %add3A_990 : vector<16xf32> to vector<1x16xf32>
      tpu.vector_store %arg11[%swap3A_993, %swap3A_994], %swap3A_997 {strides = array<i32>} : memref<1024x32xf32, #tpu.memory_space<vmem>>, vector<1x16xf32>,
      %mul3A_998 = vector.broadcast %squeeze3A_261 : f32 to vector<16xf32>
      %mul3A_999 = arith.mulf %mul3A_998, %get3A_570 : vector<16xf32>
      %add3A_1000 = vector.broadcast %squeeze3A_329 : f32 to vector<16xf32>
      %add3A_1001 = arith.addf %add3A_1000, %mul3A_999 : vector<16xf32>
      %mul3A_1002 = vector.broadcast %squeeze3A_263 : f32 to vector<16xf32>
      %mul3A_1003 = arith.mulf %mul3A_1002, %get3A_576 : vector<16xf32>
      %add3A_1004 = arith.addf %add3A_1001, %mul3A_1003 : vector<16xf32>
      %mul3A_1005 = vector.broadcast %squeeze3A_265 : f32 to vector<16xf32>
      %mul3A_1006 = arith.mulf %mul3A_1005, %get3A_582 : vector<16xf32>
      %add3A_1007 = arith.addf %add3A_1004, %mul3A_1006 : vector<16xf32>
      %add3A_1008 = arith.constant 13 : i32
      %add3A_1009 = arith.addi %mul3A_566, %add3A_1008 : i32
      %swap3A_1010 = arith.index_cast %add3A_1009 : i32 to index
      %swap3A_1011 = arith.constant 0 : index
      %swap3A_1012 = tpu.vector_load %arg10[%swap3A_1010, %swap3A_1011] {strides = array<i32>} : memref<1024x32xf32, #tpu.memory_space<vmem>>, vector<1x16xf32>,
      %swap3A_1013 = vector.shape_cast %swap3A_1012 : vector<1x16xf32> to vector<16xf32>
      %swap3A_1014 = vector.shape_cast %add3A_1007 : vector<16xf32> to vector<1x16xf32>
      tpu.vector_store %arg10[%swap3A_1010, %swap3A_1011], %swap3A_1014 {strides = array<i32>} : memref<1024x32xf32, #tpu.memory_space<vmem>>, vector<1x16xf32>,
      %mul3A_1015 = vector.broadcast %squeeze3A_267 : f32 to vector<16xf32>
      %mul3A_1016 = arith.mulf %mul3A_1015, %get3A_570 : vector<16xf32>
      %mul3A_1017 = vector.broadcast %squeeze3A_269 : f32 to vector<16xf32>
      %mul3A_1018 = arith.mulf %mul3A_1017, %get3A_576 : vector<16xf32>
      %add3A_1019 = arith.addf %mul3A_1016, %mul3A_1018 : vector<16xf32>
      %mul3A_1020 = vector.broadcast %squeeze3A_271 : f32 to vector<16xf32>
      %mul3A_1021 = arith.mulf %mul3A_1020, %get3A_582 : vector<16xf32>
      %add3A_1022 = arith.addf %add3A_1019, %mul3A_1021 : vector<16xf32>
      %add3A_1023 = arith.constant 13 : i32
      %add3A_1024 = arith.addi %mul3A_566, %add3A_1023 : i32
      %swap3A_1025 = arith.index_cast %add3A_1024 : i32 to index
      %swap3A_1026 = arith.constant 0 : index
      %swap3A_1027 = tpu.vector_load %arg11[%swap3A_1025, %swap3A_1026] {strides = array<i32>} : memref<1024x32xf32, #tpu.memory_space<vmem>>, vector<1x16xf32>,
      %swap3A_1028 = vector.shape_cast %swap3A_1027 : vector<1x16xf32> to vector<16xf32>
      %swap3A_1029 = vector.shape_cast %add3A_1022 : vector<16xf32> to vector<1x16xf32>
      tpu.vector_store %arg11[%swap3A_1025, %swap3A_1026], %swap3A_1029 {strides = array<i32>} : memref<1024x32xf32, #tpu.memory_space<vmem>>, vector<1x16xf32>,
      %mul3A_1030 = vector.broadcast %squeeze3A_275 : f32 to vector<16xf32>
      %mul3A_1031 = arith.mulf %mul3A_1030, %get3A_570 : vector<16xf32>
      %add3A_1032 = vector.broadcast %squeeze3A_331 : f32 to vector<16xf32>
      %add3A_1033 = arith.addf %add3A_1032, %mul3A_1031 : vector<16xf32>
      %mul3A_1034 = vector.broadcast %squeeze3A_277 : f32 to vector<16xf32>
      %mul3A_1035 = arith.mulf %mul3A_1034, %get3A_576 : vector<16xf32>
      %add3A_1036 = arith.addf %add3A_1033, %mul3A_1035 : vector<16xf32>
      %mul3A_1037 = vector.broadcast %squeeze3A_279 : f32 to vector<16xf32>
      %mul3A_1038 = arith.mulf %mul3A_1037, %get3A_582 : vector<16xf32>
      %add3A_1039 = arith.addf %add3A_1036, %mul3A_1038 : vector<16xf32>
      %add3A_1040 = arith.constant 14 : i32
      %add3A_1041 = arith.addi %mul3A_566, %add3A_1040 : i32
      %swap3A_1042 = arith.index_cast %add3A_1041 : i32 to index
      %swap3A_1043 = arith.constant 0 : index
      %swap3A_1044 = tpu.vector_load %arg10[%swap3A_1042, %swap3A_1043] {strides = array<i32>} : memref<1024x32xf32, #tpu.memory_space<vmem>>, vector<1x16xf32>,
      %swap3A_1045 = vector.shape_cast %swap3A_1044 : vector<1x16xf32> to vector<16xf32>
      %swap3A_1046 = vector.shape_cast %add3A_1039 : vector<16xf32> to vector<1x16xf32>
      tpu.vector_store %arg10[%swap3A_1042, %swap3A_1043], %swap3A_1046 {strides = array<i32>} : memref<1024x32xf32, #tpu.memory_space<vmem>>, vector<1x16xf32>,
      %mul3A_1047 = vector.broadcast %squeeze3A_281 : f32 to vector<16xf32>
      %mul3A_1048 = arith.mulf %mul3A_1047, %get3A_570 : vector<16xf32>
      %mul3A_1049 = vector.broadcast %squeeze3A_283 : f32 to vector<16xf32>
      %mul3A_1050 = arith.mulf %mul3A_1049, %get3A_576 : vector<16xf32>
      %add3A_1051 = arith.addf %mul3A_1048, %mul3A_1050 : vector<16xf32>
      %mul3A_1052 = vector.broadcast %squeeze3A_285 : f32 to vector<16xf32>
      %mul3A_1053 = arith.mulf %mul3A_1052, %get3A_582 : vector<16xf32>
      %add3A_1054 = arith.addf %add3A_1051, %mul3A_1053 : vector<16xf32>
      %add3A_1055 = arith.constant 14 : i32
      %add3A_1056 = arith.addi %mul3A_566, %add3A_1055 : i32
      %swap3A_1057 = arith.index_cast %add3A_1056 : i32 to index
      %swap3A_1058 = arith.constant 0 : index
      %swap3A_1059 = tpu.vector_load %arg11[%swap3A_1057, %swap3A_1058] {strides = array<i32>} : memref<1024x32xf32, #tpu.memory_space<vmem>>, vector<1x16xf32>,
      %swap3A_1060 = vector.shape_cast %swap3A_1059 : vector<1x16xf32> to vector<16xf32>
      %swap3A_1061 = vector.shape_cast %add3A_1054 : vector<16xf32> to vector<1x16xf32>
      tpu.vector_store %arg11[%swap3A_1057, %swap3A_1058], %swap3A_1061 {strides = array<i32>} : memref<1024x32xf32, #tpu.memory_space<vmem>>, vector<1x16xf32>,
      %mul3A_1062 = vector.broadcast %squeeze3A_289 : f32 to vector<16xf32>
      %mul3A_1063 = arith.mulf %mul3A_1062, %get3A_570 : vector<16xf32>
      %add3A_1064 = vector.broadcast %squeeze3A_333 : f32 to vector<16xf32>
      %add3A_1065 = arith.addf %add3A_1064, %mul3A_1063 : vector<16xf32>
      %mul3A_1066 = vector.broadcast %squeeze3A_291 : f32 to vector<16xf32>
      %mul3A_1067 = arith.mulf %mul3A_1066, %get3A_576 : vector<16xf32>
      %add3A_1068 = arith.addf %add3A_1065, %mul3A_1067 : vector<16xf32>
      %mul3A_1069 = vector.broadcast %squeeze3A_293 : f32 to vector<16xf32>
      %mul3A_1070 = arith.mulf %mul3A_1069, %get3A_582 : vector<16xf32>
      %add3A_1071 = arith.addf %add3A_1068, %mul3A_1070 : vector<16xf32>
      %add3A_1072 = arith.constant 15 : i32
      %add3A_1073 = arith.addi %mul3A_566, %add3A_1072 : i32
      %swap3A_1074 = arith.index_cast %add3A_1073 : i32 to index
      %swap3A_1075 = arith.constant 0 : index
      %swap3A_1076 = tpu.vector_load %arg10[%swap3A_1074, %swap3A_1075] {strides = array<i32>} : memref<1024x32xf32, #tpu.memory_space<vmem>>, vector<1x16xf32>,
      %swap3A_1077 = vector.shape_cast %swap3A_1076 : vector<1x16xf32> to vector<16xf32>
      %swap3A_1078 = vector.shape_cast %add3A_1071 : vector<16xf32> to vector<1x16xf32>
      tpu.vector_store %arg10[%swap3A_1074, %swap3A_1075], %swap3A_1078 {strides = array<i32>} : memref<1024x32xf32, #tpu.memory_space<vmem>>, vector<1x16xf32>,
      %mul3A_1079 = vector.broadcast %squeeze3A_295 : f32 to vector<16xf32>
      %mul3A_1080 = arith.mulf %mul3A_1079, %get3A_570 : vector<16xf32>
      %mul3A_1081 = vector.broadcast %squeeze3A_297 : f32 to vector<16xf32>
      %mul3A_1082 = arith.mulf %mul3A_1081, %get3A_576 : vector<16xf32>
      %add3A_1083 = arith.addf %mul3A_1080, %mul3A_1082 : vector<16xf32>
      %mul3A_1084 = vector.broadcast %squeeze3A_299 : f32 to vector<16xf32>
      %mul3A_1085 = arith.mulf %mul3A_1084, %get3A_582 : vector<16xf32>
      %add3A_1086 = arith.addf %add3A_1083, %mul3A_1085 : vector<16xf32>
      %add3A_1087 = arith.constant 15 : i32
      %add3A_1088 = arith.addi %mul3A_566, %add3A_1087 : i32
      %swap3A_1089 = arith.index_cast %add3A_1088 : i32 to index
      %swap3A_1090 = arith.constant 0 : index
      %swap3A_1091 = tpu.vector_load %arg11[%swap3A_1089, %swap3A_1090] {strides = array<i32>} : memref<1024x32xf32, #tpu.memory_space<vmem>>, vector<1x16xf32>,
      %swap3A_1092 = vector.shape_cast %swap3A_1091 : vector<1x16xf32> to vector<16xf32>
      %swap3A_1093 = vector.shape_cast %add3A_1086 : vector<16xf32> to vector<1x16xf32>
      tpu.vector_store %arg11[%swap3A_1089, %swap3A_1090], %swap3A_1093 {strides = array<i32>} : memref<1024x32xf32, #tpu.memory_space<vmem>>, vector<1x16xf32>,
      %get3A_1094 = arith.index_cast %mul3A_564 : i32 to index
      %get3A_1095 = arith.constant 16 : index
      %get3A_1096 = tpu.vector_load %arg6[%get3A_1094, %get3A_1095] {strides = array<i32>} : memref<192x32xf32, #tpu.memory_space<vmem>>, vector<1x16xf32>,
      %get3A_1097 = vector.shape_cast %get3A_1096 : vector<1x16xf32> to vector<16xf32>
      %add3A_1098 = arith.constant 1 : i32
      %add3A_1099 = arith.addi %mul3A_564, %add3A_1098 : i32
      %get3A_1100 = arith.index_cast %add3A_1099 : i32 to index
      %get3A_1101 = arith.constant 16 : index
      %get3A_1102 = tpu.vector_load %arg6[%get3A_1100, %get3A_1101] {strides = array<i32>} : memref<192x32xf32, #tpu.memory_space<vmem>>, vector<1x16xf32>,
      %get3A_1103 = vector.shape_cast %get3A_1102 : vector<1x16xf32> to vector<16xf32>
      %add3A_1104 = arith.constant 2 : i32
      %add3A_1105 = arith.addi %mul3A_564, %add3A_1104 : i32
      %get3A_1106 = arith.index_cast %add3A_1105 : i32 to index
      %get3A_1107 = arith.constant 16 : index
      %get3A_1108 = tpu.vector_load %arg6[%get3A_1106, %get3A_1107] {strides = array<i32>} : memref<192x32xf32, #tpu.memory_space<vmem>>, vector<1x16xf32>,
      %get3A_1109 = vector.shape_cast %get3A_1108 : vector<1x16xf32> to vector<16xf32>
      %mul3A_1110 = vector.broadcast %squeeze3A : f32 to vector<16xf32>
      %mul3A_1111 = arith.mulf %mul3A_1110, %get3A_1097 : vector<16xf32>
      %add3A_1112 = vector.broadcast %squeeze3A_303 : f32 to vector<16xf32>
      %add3A_1113 = arith.addf %add3A_1112, %mul3A_1111 : vector<16xf32>
      %mul3A_1114 = vector.broadcast %squeeze3A_81 : f32 to vector<16xf32>
      %mul3A_1115 = arith.mulf %mul3A_1114, %get3A_1103 : vector<16xf32>
      %add3A_1116 = arith.addf %add3A_1113, %mul3A_1115 : vector<16xf32>
      %mul3A_1117 = vector.broadcast %squeeze3A_83 : f32 to vector<16xf32>
      %mul3A_1118 = arith.mulf %mul3A_1117, %get3A_1109 : vector<16xf32>
      %add3A_1119 = arith.addf %add3A_1116, %mul3A_1118 : vector<16xf32>
      %add3A_1120 = arith.constant 0 : i32
      %add3A_1121 = arith.addi %mul3A_566, %add3A_1120 : i32
      %swap3A_1122 = arith.index_cast %add3A_1121 : i32 to index
      %swap3A_1123 = arith.constant 16 : index
      %swap3A_1124 = tpu.vector_load %arg10[%swap3A_1122, %swap3A_1123] {strides = array<i32>} : memref<1024x32xf32, #tpu.memory_space<vmem>>, vector<1x16xf32>,
      %swap3A_1125 = vector.shape_cast %swap3A_1124 : vector<1x16xf32> to vector<16xf32>
      %swap3A_1126 = vector.shape_cast %add3A_1119 : vector<16xf32> to vector<1x16xf32>
      tpu.vector_store %arg10[%swap3A_1122, %swap3A_1123], %swap3A_1126 {strides = array<i32>} : memref<1024x32xf32, #tpu.memory_space<vmem>>, vector<1x16xf32>,
      %mul3A_1127 = vector.broadcast %squeeze3A_85 : f32 to vector<16xf32>
      %mul3A_1128 = arith.mulf %mul3A_1127, %get3A_1097 : vector<16xf32>
      %mul3A_1129 = vector.broadcast %squeeze3A_87 : f32 to vector<16xf32>
      %mul3A_1130 = arith.mulf %mul3A_1129, %get3A_1103 : vector<16xf32>
      %add3A_1131 = arith.addf %mul3A_1128, %mul3A_1130 : vector<16xf32>
      %mul3A_1132 = vector.broadcast %squeeze3A_89 : f32 to vector<16xf32>
      %mul3A_1133 = arith.mulf %mul3A_1132, %get3A_1109 : vector<16xf32>
      %add3A_1134 = arith.addf %add3A_1131, %mul3A_1133 : vector<16xf32>
      %add3A_1135 = arith.constant 0 : i32
      %add3A_1136 = arith.addi %mul3A_566, %add3A_1135 : i32
      %swap3A_1137 = arith.index_cast %add3A_1136 : i32 to index
      %swap3A_1138 = arith.constant 16 : index
      %swap3A_1139 = tpu.vector_load %arg11[%swap3A_1137, %swap3A_1138] {strides = array<i32>} : memref<1024x32xf32, #tpu.memory_space<vmem>>, vector<1x16xf32>,
      %swap3A_1140 = vector.shape_cast %swap3A_1139 : vector<1x16xf32> to vector<16xf32>
      %swap3A_1141 = vector.shape_cast %add3A_1134 : vector<16xf32> to vector<1x16xf32>
      tpu.vector_store %arg11[%swap3A_1137, %swap3A_1138], %swap3A_1141 {strides = array<i32>} : memref<1024x32xf32, #tpu.memory_space<vmem>>, vector<1x16xf32>,
      %mul3A_1142 = vector.broadcast %squeeze3A_93 : f32 to vector<16xf32>
      %mul3A_1143 = arith.mulf %mul3A_1142, %get3A_1097 : vector<16xf32>
      %add3A_1144 = vector.broadcast %squeeze3A_305 : f32 to vector<16xf32>
      %add3A_1145 = arith.addf %add3A_1144, %mul3A_1143 : vector<16xf32>
      %mul3A_1146 = vector.broadcast %squeeze3A_95 : f32 to vector<16xf32>
      %mul3A_1147 = arith.mulf %mul3A_1146, %get3A_1103 : vector<16xf32>
      %add3A_1148 = arith.addf %add3A_1145, %mul3A_1147 : vector<16xf32>
      %mul3A_1149 = vector.broadcast %squeeze3A_97 : f32 to vector<16xf32>
      %mul3A_1150 = arith.mulf %mul3A_1149, %get3A_1109 : vector<16xf32>
      %add3A_1151 = arith.addf %add3A_1148, %mul3A_1150 : vector<16xf32>
      %add3A_1152 = arith.constant 1 : i32
      %add3A_1153 = arith.addi %mul3A_566, %add3A_1152 : i32
      %swap3A_1154 = arith.index_cast %add3A_1153 : i32 to index
      %swap3A_1155 = arith.constant 16 : index
      %swap3A_1156 = tpu.vector_load %arg10[%swap3A_1154, %swap3A_1155] {strides = array<i32>} : memref<1024x32xf32, #tpu.memory_space<vmem>>, vector<1x16xf32>,
      %swap3A_1157 = vector.shape_cast %swap3A_1156 : vector<1x16xf32> to vector<16xf32>
      %swap3A_1158 = vector.shape_cast %add3A_1151 : vector<16xf32> to vector<1x16xf32>
      tpu.vector_store %arg10[%swap3A_1154, %swap3A_1155], %swap3A_1158 {strides = array<i32>} : memref<1024x32xf32, #tpu.memory_space<vmem>>, vector<1x16xf32>,
      %mul3A_1159 = vector.broadcast %squeeze3A_99 : f32 to vector<16xf32>
      %mul3A_1160 = arith.mulf %mul3A_1159, %get3A_1097 : vector<16xf32>
      %mul3A_1161 = vector.broadcast %squeeze3A_101 : f32 to vector<16xf32>
      %mul3A_1162 = arith.mulf %mul3A_1161, %get3A_1103 : vector<16xf32>
      %add3A_1163 = arith.addf %mul3A_1160, %mul3A_1162 : vector<16xf32>
      %mul3A_1164 = vector.broadcast %squeeze3A_103 : f32 to vector<16xf32>
      %mul3A_1165 = arith.mulf %mul3A_1164, %get3A_1109 : vector<16xf32>
      %add3A_1166 = arith.addf %add3A_1163, %mul3A_1165 : vector<16xf32>
      %add3A_1167 = arith.constant 1 : i32
      %add3A_1168 = arith.addi %mul3A_566, %add3A_1167 : i32
      %swap3A_1169 = arith.index_cast %add3A_1168 : i32 to index
      %swap3A_1170 = arith.constant 16 : index
      %swap3A_1171 = tpu.vector_load %arg11[%swap3A_1169, %swap3A_1170] {strides = array<i32>} : memref<1024x32xf32, #tpu.memory_space<vmem>>, vector<1x16xf32>,
      %swap3A_1172 = vector.shape_cast %swap3A_1171 : vector<1x16xf32> to vector<16xf32>
      %swap3A_1173 = vector.shape_cast %add3A_1166 : vector<16xf32> to vector<1x16xf32>
      tpu.vector_store %arg11[%swap3A_1169, %swap3A_1170], %swap3A_1173 {strides = array<i32>} : memref<1024x32xf32, #tpu.memory_space<vmem>>, vector<1x16xf32>,
      %mul3A_1174 = vector.broadcast %squeeze3A_107 : f32 to vector<16xf32>
      %mul3A_1175 = arith.mulf %mul3A_1174, %get3A_1097 : vector<16xf32>
      %add3A_1176 = vector.broadcast %squeeze3A_307 : f32 to vector<16xf32>
      %add3A_1177 = arith.addf %add3A_1176, %mul3A_1175 : vector<16xf32>
      %mul3A_1178 = vector.broadcast %squeeze3A_109 : f32 to vector<16xf32>
      %mul3A_1179 = arith.mulf %mul3A_1178, %get3A_1103 : vector<16xf32>
      %add3A_1180 = arith.addf %add3A_1177, %mul3A_1179 : vector<16xf32>
      %mul3A_1181 = vector.broadcast %squeeze3A_111 : f32 to vector<16xf32>
      %mul3A_1182 = arith.mulf %mul3A_1181, %get3A_1109 : vector<16xf32>
      %add3A_1183 = arith.addf %add3A_1180, %mul3A_1182 : vector<16xf32>
      %add3A_1184 = arith.constant 2 : i32
      %add3A_1185 = arith.addi %mul3A_566, %add3A_1184 : i32
      %swap3A_1186 = arith.index_cast %add3A_1185 : i32 to index
      %swap3A_1187 = arith.constant 16 : index
      %swap3A_1188 = tpu.vector_load %arg10[%swap3A_1186, %swap3A_1187] {strides = array<i32>} : memref<1024x32xf32, #tpu.memory_space<vmem>>, vector<1x16xf32>,
      %swap3A_1189 = vector.shape_cast %swap3A_1188 : vector<1x16xf32> to vector<16xf32>
      %swap3A_1190 = vector.shape_cast %add3A_1183 : vector<16xf32> to vector<1x16xf32>
      tpu.vector_store %arg10[%swap3A_1186, %swap3A_1187], %swap3A_1190 {strides = array<i32>} : memref<1024x32xf32, #tpu.memory_space<vmem>>, vector<1x16xf32>,
      %mul3A_1191 = vector.broadcast %squeeze3A_113 : f32 to vector<16xf32>
      %mul3A_1192 = arith.mulf %mul3A_1191, %get3A_1097 : vector<16xf32>
      %mul3A_1193 = vector.broadcast %squeeze3A_115 : f32 to vector<16xf32>
      %mul3A_1194 = arith.mulf %mul3A_1193, %get3A_1103 : vector<16xf32>
      %add3A_1195 = arith.addf %mul3A_1192, %mul3A_1194 : vector<16xf32>
      %mul3A_1196 = vector.broadcast %squeeze3A_117 : f32 to vector<16xf32>
      %mul3A_1197 = arith.mulf %mul3A_1196, %get3A_1109 : vector<16xf32>
      %add3A_1198 = arith.addf %add3A_1195, %mul3A_1197 : vector<16xf32>
      %add3A_1199 = arith.constant 2 : i32
      %add3A_1200 = arith.addi %mul3A_566, %add3A_1199 : i32
      %swap3A_1201 = arith.index_cast %add3A_1200 : i32 to index
      %swap3A_1202 = arith.constant 16 : index
      %swap3A_1203 = tpu.vector_load %arg11[%swap3A_1201, %swap3A_1202] {strides = array<i32>} : memref<1024x32xf32, #tpu.memory_space<vmem>>, vector<1x16xf32>,
      %swap3A_1204 = vector.shape_cast %swap3A_1203 : vector<1x16xf32> to vector<16xf32>
      %swap3A_1205 = vector.shape_cast %add3A_1198 : vector<16xf32> to vector<1x16xf32>
      tpu.vector_store %arg11[%swap3A_1201, %swap3A_1202], %swap3A_1205 {strides = array<i32>} : memref<1024x32xf32, #tpu.memory_space<vmem>>, vector<1x16xf32>,
      %mul3A_1206 = vector.broadcast %squeeze3A_121 : f32 to vector<16xf32>
      %mul3A_1207 = arith.mulf %mul3A_1206, %get3A_1097 : vector<16xf32>
      %add3A_1208 = vector.broadcast %squeeze3A_309 : f32 to vector<16xf32>
      %add3A_1209 = arith.addf %add3A_1208, %mul3A_1207 : vector<16xf32>
      %mul3A_1210 = vector.broadcast %squeeze3A_123 : f32 to vector<16xf32>
      %mul3A_1211 = arith.mulf %mul3A_1210, %get3A_1103 : vector<16xf32>
      %add3A_1212 = arith.addf %add3A_1209, %mul3A_1211 : vector<16xf32>
      %mul3A_1213 = vector.broadcast %squeeze3A_125 : f32 to vector<16xf32>
      %mul3A_1214 = arith.mulf %mul3A_1213, %get3A_1109 : vector<16xf32>
      %add3A_1215 = arith.addf %add3A_1212, %mul3A_1214 : vector<16xf32>
      %add3A_1216 = arith.constant 3 : i32
      %add3A_1217 = arith.addi %mul3A_566, %add3A_1216 : i32
      %swap3A_1218 = arith.index_cast %add3A_1217 : i32 to index
      %swap3A_1219 = arith.constant 16 : index
      %swap3A_1220 = tpu.vector_load %arg10[%swap3A_1218, %swap3A_1219] {strides = array<i32>} : memref<1024x32xf32, #tpu.memory_space<vmem>>, vector<1x16xf32>,
      %swap3A_1221 = vector.shape_cast %swap3A_1220 : vector<1x16xf32> to vector<16xf32>
      %swap3A_1222 = vector.shape_cast %add3A_1215 : vector<16xf32> to vector<1x16xf32>
      tpu.vector_store %arg10[%swap3A_1218, %swap3A_1219], %swap3A_1222 {strides = array<i32>} : memref<1024x32xf32, #tpu.memory_space<vmem>>, vector<1x16xf32>,
      %mul3A_1223 = vector.broadcast %squeeze3A_127 : f32 to vector<16xf32>
      %mul3A_1224 = arith.mulf %mul3A_1223, %get3A_1097 : vector<16xf32>
      %mul3A_1225 = vector.broadcast %squeeze3A_129 : f32 to vector<16xf32>
      %mul3A_1226 = arith.mulf %mul3A_1225, %get3A_1103 : vector<16xf32>
      %add3A_1227 = arith.addf %mul3A_1224, %mul3A_1226 : vector<16xf32>
      %mul3A_1228 = vector.broadcast %squeeze3A_131 : f32 to vector<16xf32>
      %mul3A_1229 = arith.mulf %mul3A_1228, %get3A_1109 : vector<16xf32>
      %add3A_1230 = arith.addf %add3A_1227, %mul3A_1229 : vector<16xf32>
      %add3A_1231 = arith.constant 3 : i32
      %add3A_1232 = arith.addi %mul3A_566, %add3A_1231 : i32
      %swap3A_1233 = arith.index_cast %add3A_1232 : i32 to index
      %swap3A_1234 = arith.constant 16 : index
      %swap3A_1235 = tpu.vector_load %arg11[%swap3A_1233, %swap3A_1234] {strides = array<i32>} : memref<1024x32xf32, #tpu.memory_space<vmem>>, vector<1x16xf32>,
      %swap3A_1236 = vector.shape_cast %swap3A_1235 : vector<1x16xf32> to vector<16xf32>
      %swap3A_1237 = vector.shape_cast %add3A_1230 : vector<16xf32> to vector<1x16xf32>
      tpu.vector_store %arg11[%swap3A_1233, %swap3A_1234], %swap3A_1237 {strides = array<i32>} : memref<1024x32xf32, #tpu.memory_space<vmem>>, vector<1x16xf32>,
      %mul3A_1238 = vector.broadcast %squeeze3A_135 : f32 to vector<16xf32>
      %mul3A_1239 = arith.mulf %mul3A_1238, %get3A_1097 : vector<16xf32>
      %add3A_1240 = vector.broadcast %squeeze3A_311 : f32 to vector<16xf32>
      %add3A_1241 = arith.addf %add3A_1240, %mul3A_1239 : vector<16xf32>
      %mul3A_1242 = vector.broadcast %squeeze3A_137 : f32 to vector<16xf32>
      %mul3A_1243 = arith.mulf %mul3A_1242, %get3A_1103 : vector<16xf32>
      %add3A_1244 = arith.addf %add3A_1241, %mul3A_1243 : vector<16xf32>
      %mul3A_1245 = vector.broadcast %squeeze3A_139 : f32 to vector<16xf32>
      %mul3A_1246 = arith.mulf %mul3A_1245, %get3A_1109 : vector<16xf32>
      %add3A_1247 = arith.addf %add3A_1244, %mul3A_1246 : vector<16xf32>
      %add3A_1248 = arith.constant 4 : i32
      %add3A_1249 = arith.addi %mul3A_566, %add3A_1248 : i32
      %swap3A_1250 = arith.index_cast %add3A_1249 : i32 to index
      %swap3A_1251 = arith.constant 16 : index
      %swap3A_1252 = tpu.vector_load %arg10[%swap3A_1250, %swap3A_1251] {strides = array<i32>} : memref<1024x32xf32, #tpu.memory_space<vmem>>, vector<1x16xf32>,
      %swap3A_1253 = vector.shape_cast %swap3A_1252 : vector<1x16xf32> to vector<16xf32>
      %swap3A_1254 = vector.shape_cast %add3A_1247 : vector<16xf32> to vector<1x16xf32>
      tpu.vector_store %arg10[%swap3A_1250, %swap3A_1251], %swap3A_1254 {strides = array<i32>} : memref<1024x32xf32, #tpu.memory_space<vmem>>, vector<1x16xf32>,
      %mul3A_1255 = vector.broadcast %squeeze3A_141 : f32 to vector<16xf32>
      %mul3A_1256 = arith.mulf %mul3A_1255, %get3A_1097 : vector<16xf32>
      %mul3A_1257 = vector.broadcast %squeeze3A_143 : f32 to vector<16xf32>
      %mul3A_1258 = arith.mulf %mul3A_1257, %get3A_1103 : vector<16xf32>
      %add3A_1259 = arith.addf %mul3A_1256, %mul3A_1258 : vector<16xf32>
      %mul3A_1260 = vector.broadcast %squeeze3A_145 : f32 to vector<16xf32>
      %mul3A_1261 = arith.mulf %mul3A_1260, %get3A_1109 : vector<16xf32>
      %add3A_1262 = arith.addf %add3A_1259, %mul3A_1261 : vector<16xf32>
      %add3A_1263 = arith.constant 4 : i32
      %add3A_1264 = arith.addi %mul3A_566, %add3A_1263 : i32
      %swap3A_1265 = arith.index_cast %add3A_1264 : i32 to index
      %swap3A_1266 = arith.constant 16 : index
      %swap3A_1267 = tpu.vector_load %arg11[%swap3A_1265, %swap3A_1266] {strides = array<i32>} : memref<1024x32xf32, #tpu.memory_space<vmem>>, vector<1x16xf32>,
      %swap3A_1268 = vector.shape_cast %swap3A_1267 : vector<1x16xf32> to vector<16xf32>
      %swap3A_1269 = vector.shape_cast %add3A_1262 : vector<16xf32> to vector<1x16xf32>
      tpu.vector_store %arg11[%swap3A_1265, %swap3A_1266], %swap3A_1269 {strides = array<i32>} : memref<1024x32xf32, #tpu.memory_space<vmem>>, vector<1x16xf32>,
      %mul3A_1270 = vector.broadcast %squeeze3A_149 : f32 to vector<16xf32>
      %mul3A_1271 = arith.mulf %mul3A_1270, %get3A_1097 : vector<16xf32>
      %add3A_1272 = vector.broadcast %squeeze3A_313 : f32 to vector<16xf32>
      %add3A_1273 = arith.addf %add3A_1272, %mul3A_1271 : vector<16xf32>
      %mul3A_1274 = vector.broadcast %squeeze3A_151 : f32 to vector<16xf32>
      %mul3A_1275 = arith.mulf %mul3A_1274, %get3A_1103 : vector<16xf32>
      %add3A_1276 = arith.addf %add3A_1273, %mul3A_1275 : vector<16xf32>
      %mul3A_1277 = vector.broadcast %squeeze3A_153 : f32 to vector<16xf32>
      %mul3A_1278 = arith.mulf %mul3A_1277, %get3A_1109 : vector<16xf32>
      %add3A_1279 = arith.addf %add3A_1276, %mul3A_1278 : vector<16xf32>
      %add3A_1280 = arith.constant 5 : i32
      %add3A_1281 = arith.addi %mul3A_566, %add3A_1280 : i32
      %swap3A_1282 = arith.index_cast %add3A_1281 : i32 to index
      %swap3A_1283 = arith.constant 16 : index
      %swap3A_1284 = tpu.vector_load %arg10[%swap3A_1282, %swap3A_1283] {strides = array<i32>} : memref<1024x32xf32, #tpu.memory_space<vmem>>, vector<1x16xf32>,
      %swap3A_1285 = vector.shape_cast %swap3A_1284 : vector<1x16xf32> to vector<16xf32>
      %swap3A_1286 = vector.shape_cast %add3A_1279 : vector<16xf32> to vector<1x16xf32>
      tpu.vector_store %arg10[%swap3A_1282, %swap3A_1283], %swap3A_1286 {strides = array<i32>} : memref<1024x32xf32, #tpu.memory_space<vmem>>, vector<1x16xf32>,
      %mul3A_1287 = vector.broadcast %squeeze3A_155 : f32 to vector<16xf32>
      %mul3A_1288 = arith.mulf %mul3A_1287, %get3A_1097 : vector<16xf32>
      %mul3A_1289 = vector.broadcast %squeeze3A_157 : f32 to vector<16xf32>
      %mul3A_1290 = arith.mulf %mul3A_1289, %get3A_1103 : vector<16xf32>
      %add3A_1291 = arith.addf %mul3A_1288, %mul3A_1290 : vector<16xf32>
      %mul3A_1292 = vector.broadcast %squeeze3A_159 : f32 to vector<16xf32>
      %mul3A_1293 = arith.mulf %mul3A_1292, %get3A_1109 : vector<16xf32>
      %add3A_1294 = arith.addf %add3A_1291, %mul3A_1293 : vector<16xf32>
      %add3A_1295 = arith.constant 5 : i32
      %add3A_1296 = arith.addi %mul3A_566, %add3A_1295 : i32
      %swap3A_1297 = arith.index_cast %add3A_1296 : i32 to index
      %swap3A_1298 = arith.constant 16 : index
      %swap3A_1299 = tpu.vector_load %arg11[%swap3A_1297, %swap3A_1298] {strides = array<i32>} : memref<1024x32xf32, #tpu.memory_space<vmem>>, vector<1x16xf32>,
      %swap3A_1300 = vector.shape_cast %swap3A_1299 : vector<1x16xf32> to vector<16xf32>
      %swap3A_1301 = vector.shape_cast %add3A_1294 : vector<16xf32> to vector<1x16xf32>
      tpu.vector_store %arg11[%swap3A_1297, %swap3A_1298], %swap3A_1301 {strides = array<i32>} : memref<1024x32xf32, #tpu.memory_space<vmem>>, vector<1x16xf32>,
      %mul3A_1302 = vector.broadcast %squeeze3A_163 : f32 to vector<16xf32>
      %mul3A_1303 = arith.mulf %mul3A_1302, %get3A_1097 : vector<16xf32>
      %add3A_1304 = vector.broadcast %squeeze3A_315 : f32 to vector<16xf32>
      %add3A_1305 = arith.addf %add3A_1304, %mul3A_1303 : vector<16xf32>
      %mul3A_1306 = vector.broadcast %squeeze3A_165 : f32 to vector<16xf32>
      %mul3A_1307 = arith.mulf %mul3A_1306, %get3A_1103 : vector<16xf32>
      %add3A_1308 = arith.addf %add3A_1305, %mul3A_1307 : vector<16xf32>
      %mul3A_1309 = vector.broadcast %squeeze3A_167 : f32 to vector<16xf32>
      %mul3A_1310 = arith.mulf %mul3A_1309, %get3A_1109 : vector<16xf32>
      %add3A_1311 = arith.addf %add3A_1308, %mul3A_1310 : vector<16xf32>
      %add3A_1312 = arith.constant 6 : i32
      %add3A_1313 = arith.addi %mul3A_566, %add3A_1312 : i32
      %swap3A_1314 = arith.index_cast %add3A_1313 : i32 to index
      %swap3A_1315 = arith.constant 16 : index
      %swap3A_1316 = tpu.vector_load %arg10[%swap3A_1314, %swap3A_1315] {strides = array<i32>} : memref<1024x32xf32, #tpu.memory_space<vmem>>, vector<1x16xf32>,
      %swap3A_1317 = vector.shape_cast %swap3A_1316 : vector<1x16xf32> to vector<16xf32>
      %swap3A_1318 = vector.shape_cast %add3A_1311 : vector<16xf32> to vector<1x16xf32>
      tpu.vector_store %arg10[%swap3A_1314, %swap3A_1315], %swap3A_1318 {strides = array<i32>} : memref<1024x32xf32, #tpu.memory_space<vmem>>, vector<1x16xf32>,
      %mul3A_1319 = vector.broadcast %squeeze3A_169 : f32 to vector<16xf32>
      %mul3A_1320 = arith.mulf %mul3A_1319, %get3A_1097 : vector<16xf32>
      %mul3A_1321 = vector.broadcast %squeeze3A_171 : f32 to vector<16xf32>
      %mul3A_1322 = arith.mulf %mul3A_1321, %get3A_1103 : vector<16xf32>
      %add3A_1323 = arith.addf %mul3A_1320, %mul3A_1322 : vector<16xf32>
      %mul3A_1324 = vector.broadcast %squeeze3A_173 : f32 to vector<16xf32>
      %mul3A_1325 = arith.mulf %mul3A_1324, %get3A_1109 : vector<16xf32>
      %add3A_1326 = arith.addf %add3A_1323, %mul3A_1325 : vector<16xf32>
      %add3A_1327 = arith.constant 6 : i32
      %add3A_1328 = arith.addi %mul3A_566, %add3A_1327 : i32
      %swap3A_1329 = arith.index_cast %add3A_1328 : i32 to index
      %swap3A_1330 = arith.constant 16 : index
      %swap3A_1331 = tpu.vector_load %arg11[%swap3A_1329, %swap3A_1330] {strides = array<i32>} : memref<1024x32xf32, #tpu.memory_space<vmem>>, vector<1x16xf32>,
      %swap3A_1332 = vector.shape_cast %swap3A_1331 : vector<1x16xf32> to vector<16xf32>
      %swap3A_1333 = vector.shape_cast %add3A_1326 : vector<16xf32> to vector<1x16xf32>
      tpu.vector_store %arg11[%swap3A_1329, %swap3A_1330], %swap3A_1333 {strides = array<i32>} : memref<1024x32xf32, #tpu.memory_space<vmem>>, vector<1x16xf32>,
      %mul3A_1334 = vector.broadcast %squeeze3A_177 : f32 to vector<16xf32>
      %mul3A_1335 = arith.mulf %mul3A_1334, %get3A_1097 : vector<16xf32>
      %add3A_1336 = vector.broadcast %squeeze3A_317 : f32 to vector<16xf32>
      %add3A_1337 = arith.addf %add3A_1336, %mul3A_1335 : vector<16xf32>
      %mul3A_1338 = vector.broadcast %squeeze3A_179 : f32 to vector<16xf32>
      %mul3A_1339 = arith.mulf %mul3A_1338, %get3A_1103 : vector<16xf32>
      %add3A_1340 = arith.addf %add3A_1337, %mul3A_1339 : vector<16xf32>
      %mul3A_1341 = vector.broadcast %squeeze3A_181 : f32 to vector<16xf32>
      %mul3A_1342 = arith.mulf %mul3A_1341, %get3A_1109 : vector<16xf32>
      %add3A_1343 = arith.addf %add3A_1340, %mul3A_1342 : vector<16xf32>
      %add3A_1344 = arith.constant 7 : i32
      %add3A_1345 = arith.addi %mul3A_566, %add3A_1344 : i32
      %swap3A_1346 = arith.index_cast %add3A_1345 : i32 to index
      %swap3A_1347 = arith.constant 16 : index
      %swap3A_1348 = tpu.vector_load %arg10[%swap3A_1346, %swap3A_1347] {strides = array<i32>} : memref<1024x32xf32, #tpu.memory_space<vmem>>, vector<1x16xf32>,
      %swap3A_1349 = vector.shape_cast %swap3A_1348 : vector<1x16xf32> to vector<16xf32>
      %swap3A_1350 = vector.shape_cast %add3A_1343 : vector<16xf32> to vector<1x16xf32>
      tpu.vector_store %arg10[%swap3A_1346, %swap3A_1347], %swap3A_1350 {strides = array<i32>} : memref<1024x32xf32, #tpu.memory_space<vmem>>, vector<1x16xf32>,
      %mul3A_1351 = vector.broadcast %squeeze3A_183 : f32 to vector<16xf32>
      %mul3A_1352 = arith.mulf %mul3A_1351, %get3A_1097 : vector<16xf32>
      %mul3A_1353 = vector.broadcast %squeeze3A_185 : f32 to vector<16xf32>
      %mul3A_1354 = arith.mulf %mul3A_1353, %get3A_1103 : vector<16xf32>
      %add3A_1355 = arith.addf %mul3A_1352, %mul3A_1354 : vector<16xf32>
      %mul3A_1356 = vector.broadcast %squeeze3A_187 : f32 to vector<16xf32>
      %mul3A_1357 = arith.mulf %mul3A_1356, %get3A_1109 : vector<16xf32>
      %add3A_1358 = arith.addf %add3A_1355, %mul3A_1357 : vector<16xf32>
      %add3A_1359 = arith.constant 7 : i32
      %add3A_1360 = arith.addi %mul3A_566, %add3A_1359 : i32
      %swap3A_1361 = arith.index_cast %add3A_1360 : i32 to index
      %swap3A_1362 = arith.constant 16 : index
      %swap3A_1363 = tpu.vector_load %arg11[%swap3A_1361, %swap3A_1362] {strides = array<i32>} : memref<1024x32xf32, #tpu.memory_space<vmem>>, vector<1x16xf32>,
      %swap3A_1364 = vector.shape_cast %swap3A_1363 : vector<1x16xf32> to vector<16xf32>
      %swap3A_1365 = vector.shape_cast %add3A_1358 : vector<16xf32> to vector<1x16xf32>
      tpu.vector_store %arg11[%swap3A_1361, %swap3A_1362], %swap3A_1365 {strides = array<i32>} : memref<1024x32xf32, #tpu.memory_space<vmem>>, vector<1x16xf32>,
      %mul3A_1366 = vector.broadcast %squeeze3A_191 : f32 to vector<16xf32>
      %mul3A_1367 = arith.mulf %mul3A_1366, %get3A_1097 : vector<16xf32>
      %add3A_1368 = vector.broadcast %squeeze3A_319 : f32 to vector<16xf32>
      %add3A_1369 = arith.addf %add3A_1368, %mul3A_1367 : vector<16xf32>
      %mul3A_1370 = vector.broadcast %squeeze3A_193 : f32 to vector<16xf32>
      %mul3A_1371 = arith.mulf %mul3A_1370, %get3A_1103 : vector<16xf32>
      %add3A_1372 = arith.addf %add3A_1369, %mul3A_1371 : vector<16xf32>
      %mul3A_1373 = vector.broadcast %squeeze3A_195 : f32 to vector<16xf32>
      %mul3A_1374 = arith.mulf %mul3A_1373, %get3A_1109 : vector<16xf32>
      %add3A_1375 = arith.addf %add3A_1372, %mul3A_1374 : vector<16xf32>
      %add3A_1376 = arith.constant 8 : i32
      %add3A_1377 = arith.addi %mul3A_566, %add3A_1376 : i32
      %swap3A_1378 = arith.index_cast %add3A_1377 : i32 to index
      %swap3A_1379 = arith.constant 16 : index
      %swap3A_1380 = tpu.vector_load %arg10[%swap3A_1378, %swap3A_1379] {strides = array<i32>} : memref<1024x32xf32, #tpu.memory_space<vmem>>, vector<1x16xf32>,
      %swap3A_1381 = vector.shape_cast %swap3A_1380 : vector<1x16xf32> to vector<16xf32>
      %swap3A_1382 = vector.shape_cast %add3A_1375 : vector<16xf32> to vector<1x16xf32>
      tpu.vector_store %arg10[%swap3A_1378, %swap3A_1379], %swap3A_1382 {strides = array<i32>} : memref<1024x32xf32, #tpu.memory_space<vmem>>, vector<1x16xf32>,
      %mul3A_1383 = vector.broadcast %squeeze3A_197 : f32 to vector<16xf32>
      %mul3A_1384 = arith.mulf %mul3A_1383, %get3A_1097 : vector<16xf32>
      %mul3A_1385 = vector.broadcast %squeeze3A_199 : f32 to vector<16xf32>
      %mul3A_1386 = arith.mulf %mul3A_1385, %get3A_1103 : vector<16xf32>
      %add3A_1387 = arith.addf %mul3A_1384, %mul3A_1386 : vector<16xf32>
      %mul3A_1388 = vector.broadcast %squeeze3A_201 : f32 to vector<16xf32>
      %mul3A_1389 = arith.mulf %mul3A_1388, %get3A_1109 : vector<16xf32>
      %add3A_1390 = arith.addf %add3A_1387, %mul3A_1389 : vector<16xf32>
      %add3A_1391 = arith.constant 8 : i32
      %add3A_1392 = arith.addi %mul3A_566, %add3A_1391 : i32
      %swap3A_1393 = arith.index_cast %add3A_1392 : i32 to index
      %swap3A_1394 = arith.constant 16 : index
      %swap3A_1395 = tpu.vector_load %arg11[%swap3A_1393, %swap3A_1394] {strides = array<i32>} : memref<1024x32xf32, #tpu.memory_space<vmem>>, vector<1x16xf32>,
      %swap3A_1396 = vector.shape_cast %swap3A_1395 : vector<1x16xf32> to vector<16xf32>
      %swap3A_1397 = vector.shape_cast %add3A_1390 : vector<16xf32> to vector<1x16xf32>
      tpu.vector_store %arg11[%swap3A_1393, %swap3A_1394], %swap3A_1397 {strides = array<i32>} : memref<1024x32xf32, #tpu.memory_space<vmem>>, vector<1x16xf32>,
      %mul3A_1398 = vector.broadcast %squeeze3A_205 : f32 to vector<16xf32>
      %mul3A_1399 = arith.mulf %mul3A_1398, %get3A_1097 : vector<16xf32>
      %add3A_1400 = vector.broadcast %squeeze3A_321 : f32 to vector<16xf32>
      %add3A_1401 = arith.addf %add3A_1400, %mul3A_1399 : vector<16xf32>
      %mul3A_1402 = vector.broadcast %squeeze3A_207 : f32 to vector<16xf32>
      %mul3A_1403 = arith.mulf %mul3A_1402, %get3A_1103 : vector<16xf32>
      %add3A_1404 = arith.addf %add3A_1401, %mul3A_1403 : vector<16xf32>
      %mul3A_1405 = vector.broadcast %squeeze3A_209 : f32 to vector<16xf32>
      %mul3A_1406 = arith.mulf %mul3A_1405, %get3A_1109 : vector<16xf32>
      %add3A_1407 = arith.addf %add3A_1404, %mul3A_1406 : vector<16xf32>
      %add3A_1408 = arith.constant 9 : i32
      %add3A_1409 = arith.addi %mul3A_566, %add3A_1408 : i32
      %swap3A_1410 = arith.index_cast %add3A_1409 : i32 to index
      %swap3A_1411 = arith.constant 16 : index
      %swap3A_1412 = tpu.vector_load %arg10[%swap3A_1410, %swap3A_1411] {strides = array<i32>} : memref<1024x32xf32, #tpu.memory_space<vmem>>, vector<1x16xf32>,
      %swap3A_1413 = vector.shape_cast %swap3A_1412 : vector<1x16xf32> to vector<16xf32>
      %swap3A_1414 = vector.shape_cast %add3A_1407 : vector<16xf32> to vector<1x16xf32>
      tpu.vector_store %arg10[%swap3A_1410, %swap3A_1411], %swap3A_1414 {strides = array<i32>} : memref<1024x32xf32, #tpu.memory_space<vmem>>, vector<1x16xf32>,
      %mul3A_1415 = vector.broadcast %squeeze3A_211 : f32 to vector<16xf32>
      %mul3A_1416 = arith.mulf %mul3A_1415, %get3A_1097 : vector<16xf32>
      %mul3A_1417 = vector.broadcast %squeeze3A_213 : f32 to vector<16xf32>
      %mul3A_1418 = arith.mulf %mul3A_1417, %get3A_1103 : vector<16xf32>
      %add3A_1419 = arith.addf %mul3A_1416, %mul3A_1418 : vector<16xf32>
      %mul3A_1420 = vector.broadcast %squeeze3A_215 : f32 to vector<16xf32>
      %mul3A_1421 = arith.mulf %mul3A_1420, %get3A_1109 : vector<16xf32>
      %add3A_1422 = arith.addf %add3A_1419, %mul3A_1421 : vector<16xf32>
      %add3A_1423 = arith.constant 9 : i32
      %add3A_1424 = arith.addi %mul3A_566, %add3A_1423 : i32
      %swap3A_1425 = arith.index_cast %add3A_1424 : i32 to index
      %swap3A_1426 = arith.constant 16 : index
      %swap3A_1427 = tpu.vector_load %arg11[%swap3A_1425, %swap3A_1426] {strides = array<i32>} : memref<1024x32xf32, #tpu.memory_space<vmem>>, vector<1x16xf32>,
      %swap3A_1428 = vector.shape_cast %swap3A_1427 : vector<1x16xf32> to vector<16xf32>
      %swap3A_1429 = vector.shape_cast %add3A_1422 : vector<16xf32> to vector<1x16xf32>
      tpu.vector_store %arg11[%swap3A_1425, %swap3A_1426], %swap3A_1429 {strides = array<i32>} : memref<1024x32xf32, #tpu.memory_space<vmem>>, vector<1x16xf32>,
      %mul3A_1430 = vector.broadcast %squeeze3A_219 : f32 to vector<16xf32>
      %mul3A_1431 = arith.mulf %mul3A_1430, %get3A_1097 : vector<16xf32>
      %add3A_1432 = vector.broadcast %squeeze3A_323 : f32 to vector<16xf32>
      %add3A_1433 = arith.addf %add3A_1432, %mul3A_1431 : vector<16xf32>
      %mul3A_1434 = vector.broadcast %squeeze3A_221 : f32 to vector<16xf32>
      %mul3A_1435 = arith.mulf %mul3A_1434, %get3A_1103 : vector<16xf32>
      %add3A_1436 = arith.addf %add3A_1433, %mul3A_1435 : vector<16xf32>
      %mul3A_1437 = vector.broadcast %squeeze3A_223 : f32 to vector<16xf32>
      %mul3A_1438 = arith.mulf %mul3A_1437, %get3A_1109 : vector<16xf32>
      %add3A_1439 = arith.addf %add3A_1436, %mul3A_1438 : vector<16xf32>
      %add3A_1440 = arith.constant 10 : i32
      %add3A_1441 = arith.addi %mul3A_566, %add3A_1440 : i32
      %swap3A_1442 = arith.index_cast %add3A_1441 : i32 to index
      %swap3A_1443 = arith.constant 16 : index
      %swap3A_1444 = tpu.vector_load %arg10[%swap3A_1442, %swap3A_1443] {strides = array<i32>} : memref<1024x32xf32, #tpu.memory_space<vmem>>, vector<1x16xf32>,
      %swap3A_1445 = vector.shape_cast %swap3A_1444 : vector<1x16xf32> to vector<16xf32>
      %swap3A_1446 = vector.shape_cast %add3A_1439 : vector<16xf32> to vector<1x16xf32>
      tpu.vector_store %arg10[%swap3A_1442, %swap3A_1443], %swap3A_1446 {strides = array<i32>} : memref<1024x32xf32, #tpu.memory_space<vmem>>, vector<1x16xf32>,
      %mul3A_1447 = vector.broadcast %squeeze3A_225 : f32 to vector<16xf32>
      %mul3A_1448 = arith.mulf %mul3A_1447, %get3A_1097 : vector<16xf32>
      %mul3A_1449 = vector.broadcast %squeeze3A_227 : f32 to vector<16xf32>
      %mul3A_1450 = arith.mulf %mul3A_1449, %get3A_1103 : vector<16xf32>
      %add3A_1451 = arith.addf %mul3A_1448, %mul3A_1450 : vector<16xf32>
      %mul3A_1452 = vector.broadcast %squeeze3A_229 : f32 to vector<16xf32>
      %mul3A_1453 = arith.mulf %mul3A_1452, %get3A_1109 : vector<16xf32>
      %add3A_1454 = arith.addf %add3A_1451, %mul3A_1453 : vector<16xf32>
      %add3A_1455 = arith.constant 10 : i32
      %add3A_1456 = arith.addi %mul3A_566, %add3A_1455 : i32
      %swap3A_1457 = arith.index_cast %add3A_1456 : i32 to index
      %swap3A_1458 = arith.constant 16 : index
      %swap3A_1459 = tpu.vector_load %arg11[%swap3A_1457, %swap3A_1458] {strides = array<i32>} : memref<1024x32xf32, #tpu.memory_space<vmem>>, vector<1x16xf32>,
      %swap3A_1460 = vector.shape_cast %swap3A_1459 : vector<1x16xf32> to vector<16xf32>
      %swap3A_1461 = vector.shape_cast %add3A_1454 : vector<16xf32> to vector<1x16xf32>
      tpu.vector_store %arg11[%swap3A_1457, %swap3A_1458], %swap3A_1461 {strides = array<i32>} : memref<1024x32xf32, #tpu.memory_space<vmem>>, vector<1x16xf32>,
      %mul3A_1462 = vector.broadcast %squeeze3A_233 : f32 to vector<16xf32>
      %mul3A_1463 = arith.mulf %mul3A_1462, %get3A_1097 : vector<16xf32>
      %add3A_1464 = vector.broadcast %squeeze3A_325 : f32 to vector<16xf32>
      %add3A_1465 = arith.addf %add3A_1464, %mul3A_1463 : vector<16xf32>
      %mul3A_1466 = vector.broadcast %squeeze3A_235 : f32 to vector<16xf32>
      %mul3A_1467 = arith.mulf %mul3A_1466, %get3A_1103 : vector<16xf32>
      %add3A_1468 = arith.addf %add3A_1465, %mul3A_1467 : vector<16xf32>
      %mul3A_1469 = vector.broadcast %squeeze3A_237 : f32 to vector<16xf32>
      %mul3A_1470 = arith.mulf %mul3A_1469, %get3A_1109 : vector<16xf32>
      %add3A_1471 = arith.addf %add3A_1468, %mul3A_1470 : vector<16xf32>
      %add3A_1472 = arith.constant 11 : i32
      %add3A_1473 = arith.addi %mul3A_566, %add3A_1472 : i32
      %swap3A_1474 = arith.index_cast %add3A_1473 : i32 to index
      %swap3A_1475 = arith.constant 16 : index
      %swap3A_1476 = tpu.vector_load %arg10[%swap3A_1474, %swap3A_1475] {strides = array<i32>} : memref<1024x32xf32, #tpu.memory_space<vmem>>, vector<1x16xf32>,
      %swap3A_1477 = vector.shape_cast %swap3A_1476 : vector<1x16xf32> to vector<16xf32>
      %swap3A_1478 = vector.shape_cast %add3A_1471 : vector<16xf32> to vector<1x16xf32>
      tpu.vector_store %arg10[%swap3A_1474, %swap3A_1475], %swap3A_1478 {strides = array<i32>} : memref<1024x32xf32, #tpu.memory_space<vmem>>, vector<1x16xf32>,
      %mul3A_1479 = vector.broadcast %squeeze3A_239 : f32 to vector<16xf32>
      %mul3A_1480 = arith.mulf %mul3A_1479, %get3A_1097 : vector<16xf32>
      %mul3A_1481 = vector.broadcast %squeeze3A_241 : f32 to vector<16xf32>
      %mul3A_1482 = arith.mulf %mul3A_1481, %get3A_1103 : vector<16xf32>
      %add3A_1483 = arith.addf %mul3A_1480, %mul3A_1482 : vector<16xf32>
      %mul3A_1484 = vector.broadcast %squeeze3A_243 : f32 to vector<16xf32>
      %mul3A_1485 = arith.mulf %mul3A_1484, %get3A_1109 : vector<16xf32>
      %add3A_1486 = arith.addf %add3A_1483, %mul3A_1485 : vector<16xf32>
      %add3A_1487 = arith.constant 11 : i32
      %add3A_1488 = arith.addi %mul3A_566, %add3A_1487 : i32
      %swap3A_1489 = arith.index_cast %add3A_1488 : i32 to index
      %swap3A_1490 = arith.constant 16 : index
      %swap3A_1491 = tpu.vector_load %arg11[%swap3A_1489, %swap3A_1490] {strides = array<i32>} : memref<1024x32xf32, #tpu.memory_space<vmem>>, vector<1x16xf32>,
      %swap3A_1492 = vector.shape_cast %swap3A_1491 : vector<1x16xf32> to vector<16xf32>
      %swap3A_1493 = vector.shape_cast %add3A_1486 : vector<16xf32> to vector<1x16xf32>
      tpu.vector_store %arg11[%swap3A_1489, %swap3A_1490], %swap3A_1493 {strides = array<i32>} : memref<1024x32xf32, #tpu.memory_space<vmem>>, vector<1x16xf32>,
      %mul3A_1494 = vector.broadcast %squeeze3A_247 : f32 to vector<16xf32>
      %mul3A_1495 = arith.mulf %mul3A_1494, %get3A_1097 : vector<16xf32>
      %add3A_1496 = vector.broadcast %squeeze3A_327 : f32 to vector<16xf32>
      %add3A_1497 = arith.addf %add3A_1496, %mul3A_1495 : vector<16xf32>
      %mul3A_1498 = vector.broadcast %squeeze3A_249 : f32 to vector<16xf32>
      %mul3A_1499 = arith.mulf %mul3A_1498, %get3A_1103 : vector<16xf32>
      %add3A_1500 = arith.addf %add3A_1497, %mul3A_1499 : vector<16xf32>
      %mul3A_1501 = vector.broadcast %squeeze3A_251 : f32 to vector<16xf32>
      %mul3A_1502 = arith.mulf %mul3A_1501, %get3A_1109 : vector<16xf32>
      %add3A_1503 = arith.addf %add3A_1500, %mul3A_1502 : vector<16xf32>
      %add3A_1504 = arith.constant 12 : i32
      %add3A_1505 = arith.addi %mul3A_566, %add3A_1504 : i32
      %swap3A_1506 = arith.index_cast %add3A_1505 : i32 to index
      %swap3A_1507 = arith.constant 16 : index
      %swap3A_1508 = tpu.vector_load %arg10[%swap3A_1506, %swap3A_1507] {strides = array<i32>} : memref<1024x32xf32, #tpu.memory_space<vmem>>, vector<1x16xf32>,
      %swap3A_1509 = vector.shape_cast %swap3A_1508 : vector<1x16xf32> to vector<16xf32>
      %swap3A_1510 = vector.shape_cast %add3A_1503 : vector<16xf32> to vector<1x16xf32>
      tpu.vector_store %arg10[%swap3A_1506, %swap3A_1507], %swap3A_1510 {strides = array<i32>} : memref<1024x32xf32, #tpu.memory_space<vmem>>, vector<1x16xf32>,
      %mul3A_1511 = vector.broadcast %squeeze3A_253 : f32 to vector<16xf32>
      %mul3A_1512 = arith.mulf %mul3A_1511, %get3A_1097 : vector<16xf32>
      %mul3A_1513 = vector.broadcast %squeeze3A_255 : f32 to vector<16xf32>
      %mul3A_1514 = arith.mulf %mul3A_1513, %get3A_1103 : vector<16xf32>
      %add3A_1515 = arith.addf %mul3A_1512, %mul3A_1514 : vector<16xf32>
      %mul3A_1516 = vector.broadcast %squeeze3A_257 : f32 to vector<16xf32>
      %mul3A_1517 = arith.mulf %mul3A_1516, %get3A_1109 : vector<16xf32>
      %add3A_1518 = arith.addf %add3A_1515, %mul3A_1517 : vector<16xf32>
      %add3A_1519 = arith.constant 12 : i32
      %add3A_1520 = arith.addi %mul3A_566, %add3A_1519 : i32
      %swap3A_1521 = arith.index_cast %add3A_1520 : i32 to index
      %swap3A_1522 = arith.constant 16 : index
      %swap3A_1523 = tpu.vector_load %arg11[%swap3A_1521, %swap3A_1522] {strides = array<i32>} : memref<1024x32xf32, #tpu.memory_space<vmem>>, vector<1x16xf32>,
      %swap3A_1524 = vector.shape_cast %swap3A_1523 : vector<1x16xf32> to vector<16xf32>
      %swap3A_1525 = vector.shape_cast %add3A_1518 : vector<16xf32> to vector<1x16xf32>
      tpu.vector_store %arg11[%swap3A_1521, %swap3A_1522], %swap3A_1525 {strides = array<i32>} : memref<1024x32xf32, #tpu.memory_space<vmem>>, vector<1x16xf32>,
      %mul3A_1526 = vector.broadcast %squeeze3A_261 : f32 to vector<16xf32>
      %mul3A_1527 = arith.mulf %mul3A_1526, %get3A_1097 : vector<16xf32>
      %add3A_1528 = vector.broadcast %squeeze3A_329 : f32 to vector<16xf32>
      %add3A_1529 = arith.addf %add3A_1528, %mul3A_1527 : vector<16xf32>
      %mul3A_1530 = vector.broadcast %squeeze3A_263 : f32 to vector<16xf32>
      %mul3A_1531 = arith.mulf %mul3A_1530, %get3A_1103 : vector<16xf32>
      %add3A_1532 = arith.addf %add3A_1529, %mul3A_1531 : vector<16xf32>
      %mul3A_1533 = vector.broadcast %squeeze3A_265 : f32 to vector<16xf32>
      %mul3A_1534 = arith.mulf %mul3A_1533, %get3A_1109 : vector<16xf32>
      %add3A_1535 = arith.addf %add3A_1532, %mul3A_1534 : vector<16xf32>
      %add3A_1536 = arith.constant 13 : i32
      %add3A_1537 = arith.addi %mul3A_566, %add3A_1536 : i32
      %swap3A_1538 = arith.index_cast %add3A_1537 : i32 to index
      %swap3A_1539 = arith.constant 16 : index
      %swap3A_1540 = tpu.vector_load %arg10[%swap3A_1538, %swap3A_1539] {strides = array<i32>} : memref<1024x32xf32, #tpu.memory_space<vmem>>, vector<1x16xf32>,
      %swap3A_1541 = vector.shape_cast %swap3A_1540 : vector<1x16xf32> to vector<16xf32>
      %swap3A_1542 = vector.shape_cast %add3A_1535 : vector<16xf32> to vector<1x16xf32>
      tpu.vector_store %arg10[%swap3A_1538, %swap3A_1539], %swap3A_1542 {strides = array<i32>} : memref<1024x32xf32, #tpu.memory_space<vmem>>, vector<1x16xf32>,
      %mul3A_1543 = vector.broadcast %squeeze3A_267 : f32 to vector<16xf32>
      %mul3A_1544 = arith.mulf %mul3A_1543, %get3A_1097 : vector<16xf32>
      %mul3A_1545 = vector.broadcast %squeeze3A_269 : f32 to vector<16xf32>
      %mul3A_1546 = arith.mulf %mul3A_1545, %get3A_1103 : vector<16xf32>
      %add3A_1547 = arith.addf %mul3A_1544, %mul3A_1546 : vector<16xf32>
      %mul3A_1548 = vector.broadcast %squeeze3A_271 : f32 to vector<16xf32>
      %mul3A_1549 = arith.mulf %mul3A_1548, %get3A_1109 : vector<16xf32>
      %add3A_1550 = arith.addf %add3A_1547, %mul3A_1549 : vector<16xf32>
      %add3A_1551 = arith.constant 13 : i32
      %add3A_1552 = arith.addi %mul3A_566, %add3A_1551 : i32
      %swap3A_1553 = arith.index_cast %add3A_1552 : i32 to index
      %swap3A_1554 = arith.constant 16 : index
      %swap3A_1555 = tpu.vector_load %arg11[%swap3A_1553, %swap3A_1554] {strides = array<i32>} : memref<1024x32xf32, #tpu.memory_space<vmem>>, vector<1x16xf32>,
      %swap3A_1556 = vector.shape_cast %swap3A_1555 : vector<1x16xf32> to vector<16xf32>
      %swap3A_1557 = vector.shape_cast %add3A_1550 : vector<16xf32> to vector<1x16xf32>
      tpu.vector_store %arg11[%swap3A_1553, %swap3A_1554], %swap3A_1557 {strides = array<i32>} : memref<1024x32xf32, #tpu.memory_space<vmem>>, vector<1x16xf32>,
      %mul3A_1558 = vector.broadcast %squeeze3A_275 : f32 to vector<16xf32>
      %mul3A_1559 = arith.mulf %mul3A_1558, %get3A_1097 : vector<16xf32>
      %add3A_1560 = vector.broadcast %squeeze3A_331 : f32 to vector<16xf32>
      %add3A_1561 = arith.addf %add3A_1560, %mul3A_1559 : vector<16xf32>
      %mul3A_1562 = vector.broadcast %squeeze3A_277 : f32 to vector<16xf32>
      %mul3A_1563 = arith.mulf %mul3A_1562, %get3A_1103 : vector<16xf32>
      %add3A_1564 = arith.addf %add3A_1561, %mul3A_1563 : vector<16xf32>
      %mul3A_1565 = vector.broadcast %squeeze3A_279 : f32 to vector<16xf32>
      %mul3A_1566 = arith.mulf %mul3A_1565, %get3A_1109 : vector<16xf32>
      %add3A_1567 = arith.addf %add3A_1564, %mul3A_1566 : vector<16xf32>
      %add3A_1568 = arith.constant 14 : i32
      %add3A_1569 = arith.addi %mul3A_566, %add3A_1568 : i32
      %swap3A_1570 = arith.index_cast %add3A_1569 : i32 to index
      %swap3A_1571 = arith.constant 16 : index
      %swap3A_1572 = tpu.vector_load %arg10[%swap3A_1570, %swap3A_1571] {strides = array<i32>} : memref<1024x32xf32, #tpu.memory_space<vmem>>, vector<1x16xf32>,
      %swap3A_1573 = vector.shape_cast %swap3A_1572 : vector<1x16xf32> to vector<16xf32>
      %swap3A_1574 = vector.shape_cast %add3A_1567 : vector<16xf32> to vector<1x16xf32>
      tpu.vector_store %arg10[%swap3A_1570, %swap3A_1571], %swap3A_1574 {strides = array<i32>} : memref<1024x32xf32, #tpu.memory_space<vmem>>, vector<1x16xf32>,
      %mul3A_1575 = vector.broadcast %squeeze3A_281 : f32 to vector<16xf32>
      %mul3A_1576 = arith.mulf %mul3A_1575, %get3A_1097 : vector<16xf32>
      %mul3A_1577 = vector.broadcast %squeeze3A_283 : f32 to vector<16xf32>
      %mul3A_1578 = arith.mulf %mul3A_1577, %get3A_1103 : vector<16xf32>
      %add3A_1579 = arith.addf %mul3A_1576, %mul3A_1578 : vector<16xf32>
      %mul3A_1580 = vector.broadcast %squeeze3A_285 : f32 to vector<16xf32>
      %mul3A_1581 = arith.mulf %mul3A_1580, %get3A_1109 : vector<16xf32>
      %add3A_1582 = arith.addf %add3A_1579, %mul3A_1581 : vector<16xf32>
      %add3A_1583 = arith.constant 14 : i32
      %add3A_1584 = arith.addi %mul3A_566, %add3A_1583 : i32
      %swap3A_1585 = arith.index_cast %add3A_1584 : i32 to index
      %swap3A_1586 = arith.constant 16 : index
      %swap3A_1587 = tpu.vector_load %arg11[%swap3A_1585, %swap3A_1586] {strides = array<i32>} : memref<1024x32xf32, #tpu.memory_space<vmem>>, vector<1x16xf32>,
      %swap3A_1588 = vector.shape_cast %swap3A_1587 : vector<1x16xf32> to vector<16xf32>
      %swap3A_1589 = vector.shape_cast %add3A_1582 : vector<16xf32> to vector<1x16xf32>
      tpu.vector_store %arg11[%swap3A_1585, %swap3A_1586], %swap3A_1589 {strides = array<i32>} : memref<1024x32xf32, #tpu.memory_space<vmem>>, vector<1x16xf32>,
      %mul3A_1590 = vector.broadcast %squeeze3A_289 : f32 to vector<16xf32>
      %mul3A_1591 = arith.mulf %mul3A_1590, %get3A_1097 : vector<16xf32>
      %add3A_1592 = vector.broadcast %squeeze3A_333 : f32 to vector<16xf32>
      %add3A_1593 = arith.addf %add3A_1592, %mul3A_1591 : vector<16xf32>
      %mul3A_1594 = vector.broadcast %squeeze3A_291 : f32 to vector<16xf32>
      %mul3A_1595 = arith.mulf %mul3A_1594, %get3A_1103 : vector<16xf32>
      %add3A_1596 = arith.addf %add3A_1593, %mul3A_1595 : vector<16xf32>
      %mul3A_1597 = vector.broadcast %squeeze3A_293 : f32 to vector<16xf32>
      %mul3A_1598 = arith.mulf %mul3A_1597, %get3A_1109 : vector<16xf32>
      %add3A_1599 = arith.addf %add3A_1596, %mul3A_1598 : vector<16xf32>
      %add3A_1600 = arith.constant 15 : i32
      %add3A_1601 = arith.addi %mul3A_566, %add3A_1600 : i32
      %swap3A_1602 = arith.index_cast %add3A_1601 : i32 to index
      %swap3A_1603 = arith.constant 16 : index
      %swap3A_1604 = tpu.vector_load %arg10[%swap3A_1602, %swap3A_1603] {strides = array<i32>} : memref<1024x32xf32, #tpu.memory_space<vmem>>, vector<1x16xf32>,
      %swap3A_1605 = vector.shape_cast %swap3A_1604 : vector<1x16xf32> to vector<16xf32>
      %swap3A_1606 = vector.shape_cast %add3A_1599 : vector<16xf32> to vector<1x16xf32>
      tpu.vector_store %arg10[%swap3A_1602, %swap3A_1603], %swap3A_1606 {strides = array<i32>} : memref<1024x32xf32, #tpu.memory_space<vmem>>, vector<1x16xf32>,
      %mul3A_1607 = vector.broadcast %squeeze3A_295 : f32 to vector<16xf32>
      %mul3A_1608 = arith.mulf %mul3A_1607, %get3A_1097 : vector<16xf32>
      %mul3A_1609 = vector.broadcast %squeeze3A_297 : f32 to vector<16xf32>
      %mul3A_1610 = arith.mulf %mul3A_1609, %get3A_1103 : vector<16xf32>
      %add3A_1611 = arith.addf %mul3A_1608, %mul3A_1610 : vector<16xf32>
      %mul3A_1612 = vector.broadcast %squeeze3A_299 : f32 to vector<16xf32>
      %mul3A_1613 = arith.mulf %mul3A_1612, %get3A_1109 : vector<16xf32>
      %add3A_1614 = arith.addf %add3A_1611, %mul3A_1613 : vector<16xf32>
      %add3A_1615 = arith.constant 15 : i32
      %add3A_1616 = arith.addi %mul3A_566, %add3A_1615 : i32
      %swap3A_1617 = arith.index_cast %add3A_1616 : i32 to index
      %swap3A_1618 = arith.constant 16 : index
      %swap3A_1619 = tpu.vector_load %arg11[%swap3A_1617, %swap3A_1618] {strides = array<i32>} : memref<1024x32xf32, #tpu.memory_space<vmem>>, vector<1x16xf32>,
      %swap3A_1620 = vector.shape_cast %swap3A_1619 : vector<1x16xf32> to vector<16xf32>
      %swap3A_1621 = vector.shape_cast %add3A_1614 : vector<16xf32> to vector<1x16xf32>
      tpu.vector_store %arg11[%swap3A_1617, %swap3A_1618], %swap3A_1621 {strides = array<i32>} : memref<1024x32xf32, #tpu.memory_space<vmem>>, vector<1x16xf32>,
      %scan3A_1622 = arith.constant 0 : i32
      scf.yield %scan3A_1622 : i32
    }
    %scan3A_546 = arith.constant 64 : i32
    %scan3A_547 = arith.constant 0 : i32
    %scan3A_548 = arith.constant 0 : i32
    %scan3A_549 = arith.constant 1024 : i32
    %scan3A_550 = arith.addi %scan3A_548, %scan3A_549 : i32
    %scan3A_551 = arith.constant 1 : i32
    %scan3A_552 = scf.for %scan3A_561 = %scan3A_548 to %scan3A_550 step %scan3A_551 iter_args(%scan3A_562 = %scan3A_547) -> (i32)  : i32 {
      %get3A_563 = arith.index_cast %scan3A_561 : i32 to index
      %get3A_564 = arith.constant 0 : index
      %get3A_565 = tpu.vector_load %arg7[%get3A_563, %get3A_564] {strides = array<i32>} : memref<1024x16xi32, #tpu.memory_space<vmem>>, vector<1x16xi32>,
      %get3A_566 = vector.shape_cast %get3A_565 : vector<1x16xi32> to vector<16xi32>
      %slice3A_567 = vector.extract_strided_slice %get3A_566 {offsets = [0], sizes = [1], strides = [1]} : vector<16xi32> to vector<1xi32>
      %squeeze3A_568 = vector.extract %slice3A_567[0] : i32 from vector<1xi32>
      %slice3A_569 = vector.extract_strided_slice %get3A_566 {offsets = [1], sizes = [1], strides = [1]} : vector<16xi32> to vector<1xi32>
      %squeeze3A_570 = vector.extract %slice3A_569[0] : i32 from vector<1xi32>
      %mul3A_571 = arith.constant 3 : i32
      %mul3A_572 = arith.muli %squeeze3A_568, %mul3A_571 : i32
      %mul3A_573 = arith.constant 3 : i32
      %mul3A_574 = arith.muli %squeeze3A_570, %mul3A_573 : i32
      %mul3A_575 = arith.constant 16 : i32
      %mul3A_576 = arith.muli %squeeze3A_568, %mul3A_575 : i32
      %mul3A_577 = arith.constant 16 : i32
      %mul3A_578 = arith.muli %squeeze3A_570, %mul3A_577 : i32
      %get3A_579 = arith.index_cast %mul3A_572 : i32 to index
      %get3A_580 = arith.constant 0 : index
      %get3A_581 = tpu.vector_load %arg6[%get3A_579, %get3A_580] {strides = array<i32>} : memref<192x32xf32, #tpu.memory_space<vmem>>, vector<1x16xf32>,
      %get3A_582 = vector.shape_cast %get3A_581 : vector<1x16xf32> to vector<16xf32>
      %add3A_583 = arith.constant 1 : i32
      %add3A_584 = arith.addi %mul3A_572, %add3A_583 : i32
      %get3A_585 = arith.index_cast %add3A_584 : i32 to index
      %get3A_586 = arith.constant 0 : index
      %get3A_587 = tpu.vector_load %arg6[%get3A_585, %get3A_586] {strides = array<i32>} : memref<192x32xf32, #tpu.memory_space<vmem>>, vector<1x16xf32>,
      %get3A_588 = vector.shape_cast %get3A_587 : vector<1x16xf32> to vector<16xf32>
      %add3A_589 = arith.constant 2 : i32
      %add3A_590 = arith.addi %mul3A_572, %add3A_589 : i32
      %get3A_591 = arith.index_cast %add3A_590 : i32 to index
      %get3A_592 = arith.constant 0 : index
      %get3A_593 = tpu.vector_load %arg6[%get3A_591, %get3A_592] {strides = array<i32>} : memref<192x32xf32, #tpu.memory_space<vmem>>, vector<1x16xf32>,
      %get3A_594 = vector.shape_cast %get3A_593 : vector<1x16xf32> to vector<16xf32>
      %get3A_595 = arith.index_cast %mul3A_574 : i32 to index
      %get3A_596 = arith.constant 0 : index
      %get3A_597 = tpu.vector_load %arg6[%get3A_595, %get3A_596] {strides = array<i32>} : memref<192x32xf32, #tpu.memory_space<vmem>>, vector<1x16xf32>,
      %get3A_598 = vector.shape_cast %get3A_597 : vector<1x16xf32> to vector<16xf32>
      %add3A_599 = arith.constant 1 : i32
      %add3A_600 = arith.addi %mul3A_574, %add3A_599 : i32
      %get3A_601 = arith.index_cast %add3A_600 : i32 to index
      %get3A_602 = arith.constant 0 : index
      %get3A_603 = tpu.vector_load %arg6[%get3A_601, %get3A_602] {strides = array<i32>} : memref<192x32xf32, #tpu.memory_space<vmem>>, vector<1x16xf32>,
      %get3A_604 = vector.shape_cast %get3A_603 : vector<1x16xf32> to vector<16xf32>
      %add3A_605 = arith.constant 2 : i32
      %add3A_606 = arith.addi %mul3A_574, %add3A_605 : i32
      %get3A_607 = arith.index_cast %add3A_606 : i32 to index
      %get3A_608 = arith.constant 0 : index
      %get3A_609 = tpu.vector_load %arg6[%get3A_607, %get3A_608] {strides = array<i32>} : memref<192x32xf32, #tpu.memory_space<vmem>>, vector<1x16xf32>,
      %get3A_610 = vector.shape_cast %get3A_609 : vector<1x16xf32> to vector<16xf32>
      %sub3A = arith.subf %get3A_582, %get3A_598 : vector<16xf32>
      %sub3A_611 = arith.subf %get3A_588, %get3A_604 : vector<16xf32>
      %sub3A_612 = arith.subf %get3A_594, %get3A_610 : vector<16xf32>
      %mul3A_613 = arith.mulf %sub3A, %sub3A : vector<16xf32>
      %mul3A_614 = arith.mulf %sub3A_611, %sub3A_611 : vector<16xf32>
      %add3A_615 = arith.addf %mul3A_613, %mul3A_614 : vector<16xf32>
      %mul3A_616 = arith.mulf %sub3A_612, %sub3A_612 : vector<16xf32>
      %add3A_617 = arith.addf %add3A_615, %mul3A_616 : vector<16xf32>
      %add3A_618 = arith.constant 9.99999993E-9 : f32
      %add3A_619 = vector.broadcast %add3A_618 : f32 to vector<16xf32>
      %add3A_620 = arith.addf %add3A_617, %add3A_619 : vector<16xf32>
      %broadcast_in_dim3A = arith.constant 1.000000e+00 : f32
      %broadcast_in_dim3A_621 = vector.broadcast %broadcast_in_dim3A : f32 to vector<16xf32>
      %gt3A = arith.constant 6.553600e+04 : f32
      %gt3A_622 = vector.broadcast %gt3A : f32 to vector<16xf32>
      %gt3A_623 = arith.cmpf ogt, %add3A_620, %gt3A_622 : vector<16xf32>
      %mul3A_624 = arith.constant 1.52587891E-5 : f32
      %mul3A_625 = vector.broadcast %mul3A_624 : f32 to vector<16xf32>
      %mul3A_626 = arith.mulf %add3A_620, %mul3A_625 : vector<16xf32>
      %select_n3A = arith.select %gt3A_623, %mul3A_626, %add3A_620 : vector<16xi1>, vector<16xf32>
      %mul3A_627 = arith.constant 2.560000e+02 : f32
      %mul3A_628 = vector.broadcast %mul3A_627 : f32 to vector<16xf32>
      %mul3A_629 = arith.mulf %broadcast_in_dim3A_621, %mul3A_628 : vector<16xf32>
      %select_n3A_630 = arith.select %gt3A_623, %mul3A_629, %broadcast_in_dim3A_621 : vector<16xi1>, vector<16xf32>
      %gt3A_631 = arith.constant 2.560000e+02 : f32
      %gt3A_632 = vector.broadcast %gt3A_631 : f32 to vector<16xf32>
      %gt3A_633 = arith.cmpf ogt, %select_n3A, %gt3A_632 : vector<16xf32>
      %mul3A_634 = arith.constant 3.906250e-03 : f32
      %mul3A_635 = vector.broadcast %mul3A_634 : f32 to vector<16xf32>
      %mul3A_636 = arith.mulf %select_n3A, %mul3A_635 : vector<16xf32>
      %select_n3A_637 = arith.select %gt3A_633, %mul3A_636, %select_n3A : vector<16xi1>, vector<16xf32>
      %mul3A_638 = arith.constant 1.600000e+01 : f32
      %mul3A_639 = vector.broadcast %mul3A_638 : f32 to vector<16xf32>
      %mul3A_640 = arith.mulf %select_n3A_630, %mul3A_639 : vector<16xf32>
      %select_n3A_641 = arith.select %gt3A_633, %mul3A_640, %select_n3A_630 : vector<16xi1>, vector<16xf32>
      %gt3A_642 = arith.constant 1.600000e+01 : f32
      %gt3A_643 = vector.broadcast %gt3A_642 : f32 to vector<16xf32>
      %gt3A_644 = arith.cmpf ogt, %select_n3A_637, %gt3A_643 : vector<16xf32>
      %mul3A_645 = arith.constant 6.250000e-02 : f32
      %mul3A_646 = vector.broadcast %mul3A_645 : f32 to vector<16xf32>
      %mul3A_647 = arith.mulf %select_n3A_637, %mul3A_646 : vector<16xf32>
      %select_n3A_648 = arith.select %gt3A_644, %mul3A_647, %select_n3A_637 : vector<16xi1>, vector<16xf32>
      %mul3A_649 = arith.constant 4.000000e+00 : f32
      %mul3A_650 = vector.broadcast %mul3A_649 : f32 to vector<16xf32>
      %mul3A_651 = arith.mulf %select_n3A_641, %mul3A_650 : vector<16xf32>
      %select_n3A_652 = arith.select %gt3A_644, %mul3A_651, %select_n3A_641 : vector<16xi1>, vector<16xf32>
      %gt3A_653 = arith.constant 4.000000e+00 : f32
      %gt3A_654 = vector.broadcast %gt3A_653 : f32 to vector<16xf32>
      %gt3A_655 = arith.cmpf ogt, %select_n3A_648, %gt3A_654 : vector<16xf32>
      %mul3A_656 = arith.constant 2.500000e-01 : f32
      %mul3A_657 = vector.broadcast %mul3A_656 : f32 to vector<16xf32>
      %mul3A_658 = arith.mulf %select_n3A_648, %mul3A_657 : vector<16xf32>
      %select_n3A_659 = arith.select %gt3A_655, %mul3A_658, %select_n3A_648 : vector<16xi1>, vector<16xf32>
      %mul3A_660 = arith.constant 2.000000e+00 : f32
      %mul3A_661 = vector.broadcast %mul3A_660 : f32 to vector<16xf32>
      %mul3A_662 = arith.mulf %select_n3A_652, %mul3A_661 : vector<16xf32>
      %select_n3A_663 = arith.select %gt3A_655, %mul3A_662, %select_n3A_652 : vector<16xi1>, vector<16xf32>
      %gt3A_664 = arith.constant 2.000000e+00 : f32
      %gt3A_665 = vector.broadcast %gt3A_664 : f32 to vector<16xf32>
      %gt3A_666 = arith.cmpf ogt, %select_n3A_659, %gt3A_665 : vector<16xf32>
      %mul3A_667 = arith.constant 5.000000e-01 : f32
      %mul3A_668 = vector.broadcast %mul3A_667 : f32 to vector<16xf32>
      %mul3A_669 = arith.mulf %select_n3A_659, %mul3A_668 : vector<16xf32>
      %select_n3A_670 = arith.select %gt3A_666, %mul3A_669, %select_n3A_659 : vector<16xi1>, vector<16xf32>
      %mul3A_671 = arith.constant 1.41421354 : f32
      %mul3A_672 = vector.broadcast %mul3A_671 : f32 to vector<16xf32>
      %mul3A_673 = arith.mulf %select_n3A_663, %mul3A_672 : vector<16xf32>
      %select_n3A_674 = arith.select %gt3A_666, %mul3A_673, %select_n3A_663 : vector<16xi1>, vector<16xf32>
      %lt3A = arith.constant 1.52587891E-5 : f32
      %lt3A_675 = vector.broadcast %lt3A : f32 to vector<16xf32>
      %lt3A_676 = arith.cmpf olt, %select_n3A_670, %lt3A_675 : vector<16xf32>
      %mul3A_677 = arith.constant 6.553600e+04 : f32
      %mul3A_678 = vector.broadcast %mul3A_677 : f32 to vector<16xf32>
      %mul3A_679 = arith.mulf %select_n3A_670, %mul3A_678 : vector<16xf32>
      %select_n3A_680 = arith.select %lt3A_676, %mul3A_679, %select_n3A_670 : vector<16xi1>, vector<16xf32>
      %mul3A_681 = arith.constant 3.906250e-03 : f32
      %mul3A_682 = vector.broadcast %mul3A_681 : f32 to vector<16xf32>
      %mul3A_683 = arith.mulf %select_n3A_674, %mul3A_682 : vector<16xf32>
      %select_n3A_684 = arith.select %lt3A_676, %mul3A_683, %select_n3A_674 : vector<16xi1>, vector<16xf32>
      %lt3A_685 = arith.constant 3.906250e-03 : f32
      %lt3A_686 = vector.broadcast %lt3A_685 : f32 to vector<16xf32>
      %lt3A_687 = arith.cmpf olt, %select_n3A_680, %lt3A_686 : vector<16xf32>
      %mul3A_688 = arith.constant 2.560000e+02 : f32
      %mul3A_689 = vector.broadcast %mul3A_688 : f32 to vector<16xf32>
      %mul3A_690 = arith.mulf %select_n3A_680, %mul3A_689 : vector<16xf32>
      %select_n3A_691 = arith.select %lt3A_687, %mul3A_690, %select_n3A_680 : vector<16xi1>, vector<16xf32>
      %mul3A_692 = arith.constant 6.250000e-02 : f32
      %mul3A_693 = vector.broadcast %mul3A_692 : f32 to vector<16xf32>
      %mul3A_694 = arith.mulf %select_n3A_684, %mul3A_693 : vector<16xf32>
      %select_n3A_695 = arith.select %lt3A_687, %mul3A_694, %select_n3A_684 : vector<16xi1>, vector<16xf32>
      %lt3A_696 = arith.constant 6.250000e-02 : f32
      %lt3A_697 = vector.broadcast %lt3A_696 : f32 to vector<16xf32>
      %lt3A_698 = arith.cmpf olt, %select_n3A_691, %lt3A_697 : vector<16xf32>
      %mul3A_699 = arith.constant 1.600000e+01 : f32
      %mul3A_700 = vector.broadcast %mul3A_699 : f32 to vector<16xf32>
      %mul3A_701 = arith.mulf %select_n3A_691, %mul3A_700 : vector<16xf32>
      %select_n3A_702 = arith.select %lt3A_698, %mul3A_701, %select_n3A_691 : vector<16xi1>, vector<16xf32>
      %mul3A_703 = arith.constant 2.500000e-01 : f32
      %mul3A_704 = vector.broadcast %mul3A_703 : f32 to vector<16xf32>
      %mul3A_705 = arith.mulf %select_n3A_695, %mul3A_704 : vector<16xf32>
      %select_n3A_706 = arith.select %lt3A_698, %mul3A_705, %select_n3A_695 : vector<16xi1>, vector<16xf32>
      %lt3A_707 = arith.constant 2.500000e-01 : f32
      %lt3A_708 = vector.broadcast %lt3A_707 : f32 to vector<16xf32>
      %lt3A_709 = arith.cmpf olt, %select_n3A_702, %lt3A_708 : vector<16xf32>
      %mul3A_710 = arith.constant 4.000000e+00 : f32
      %mul3A_711 = vector.broadcast %mul3A_710 : f32 to vector<16xf32>
      %mul3A_712 = arith.mulf %select_n3A_702, %mul3A_711 : vector<16xf32>
      %select_n3A_713 = arith.select %lt3A_709, %mul3A_712, %select_n3A_702 : vector<16xi1>, vector<16xf32>
      %mul3A_714 = arith.constant 5.000000e-01 : f32
      %mul3A_715 = vector.broadcast %mul3A_714 : f32 to vector<16xf32>
      %mul3A_716 = arith.mulf %select_n3A_706, %mul3A_715 : vector<16xf32>
      %select_n3A_717 = arith.select %lt3A_709, %mul3A_716, %select_n3A_706 : vector<16xi1>, vector<16xf32>
      %lt3A_718 = arith.constant 5.000000e-01 : f32
      %lt3A_719 = vector.broadcast %lt3A_718 : f32 to vector<16xf32>
      %lt3A_720 = arith.cmpf olt, %select_n3A_713, %lt3A_719 : vector<16xf32>
      %mul3A_721 = arith.constant 2.000000e+00 : f32
      %mul3A_722 = vector.broadcast %mul3A_721 : f32 to vector<16xf32>
      %mul3A_723 = arith.mulf %select_n3A_713, %mul3A_722 : vector<16xf32>
      %select_n3A_724 = arith.select %lt3A_720, %mul3A_723, %select_n3A_713 : vector<16xi1>, vector<16xf32>
      %mul3A_725 = arith.constant 0.707106769 : f32
      %mul3A_726 = vector.broadcast %mul3A_725 : f32 to vector<16xf32>
      %mul3A_727 = arith.mulf %select_n3A_717, %mul3A_726 : vector<16xf32>
      %select_n3A_728 = arith.select %lt3A_720, %mul3A_727, %select_n3A_717 : vector<16xi1>, vector<16xf32>
      %mul3A_729 = arith.constant 5.350000e-01 : f32
      %mul3A_730 = vector.broadcast %mul3A_729 : f32 to vector<16xf32>
      %mul3A_731 = arith.mulf %mul3A_730, %select_n3A_724 : vector<16xf32>
      %sub3A_732 = arith.constant 1.690000e+00 : f32
      %sub3A_733 = vector.broadcast %sub3A_732 : f32 to vector<16xf32>
      %sub3A_734 = arith.subf %sub3A_733, %mul3A_731 : vector<16xf32>
      %mul3A_735 = arith.constant 5.000000e-01 : f32
      %mul3A_736 = vector.broadcast %mul3A_735 : f32 to vector<16xf32>
      %mul3A_737 = arith.mulf %mul3A_736, %select_n3A_724 : vector<16xf32>
      %mul3A_738 = arith.mulf %mul3A_737, %sub3A_734 : vector<16xf32>
      %mul3A_739 = arith.mulf %mul3A_738, %sub3A_734 : vector<16xf32>
      %sub3A_740 = arith.constant 1.500000e+00 : f32
      %sub3A_741 = vector.broadcast %sub3A_740 : f32 to vector<16xf32>
      %sub3A_742 = arith.subf %sub3A_741, %mul3A_739 : vector<16xf32>
      %mul3A_743 = arith.mulf %sub3A_734, %sub3A_742 : vector<16xf32>
      %mul3A_744 = arith.constant 5.000000e-01 : f32
      %mul3A_745 = vector.broadcast %mul3A_744 : f32 to vector<16xf32>
      %mul3A_746 = arith.mulf %mul3A_745, %select_n3A_724 : vector<16xf32>
      %mul3A_747 = arith.mulf %mul3A_746, %mul3A_743 : vector<16xf32>
      %mul3A_748 = arith.mulf %mul3A_747, %mul3A_743 : vector<16xf32>
      %sub3A_749 = arith.constant 1.500000e+00 : f32
      %sub3A_750 = vector.broadcast %sub3A_749 : f32 to vector<16xf32>
      %sub3A_751 = arith.subf %sub3A_750, %mul3A_748 : vector<16xf32>
      %mul3A_752 = arith.mulf %mul3A_743, %sub3A_751 : vector<16xf32>
      %mul3A_753 = arith.constant 5.000000e-01 : f32
      %mul3A_754 = vector.broadcast %mul3A_753 : f32 to vector<16xf32>
      %mul3A_755 = arith.mulf %mul3A_754, %select_n3A_724 : vector<16xf32>
      %mul3A_756 = arith.mulf %mul3A_755, %mul3A_752 : vector<16xf32>
      %mul3A_757 = arith.mulf %mul3A_756, %mul3A_752 : vector<16xf32>
      %sub3A_758 = arith.constant 1.500000e+00 : f32
      %sub3A_759 = vector.broadcast %sub3A_758 : f32 to vector<16xf32>
      %sub3A_760 = arith.subf %sub3A_759, %mul3A_757 : vector<16xf32>
      %mul3A_761 = arith.mulf %mul3A_752, %sub3A_760 : vector<16xf32>
      %mul3A_762 = arith.constant 5.000000e-01 : f32
      %mul3A_763 = vector.broadcast %mul3A_762 : f32 to vector<16xf32>
      %mul3A_764 = arith.mulf %mul3A_763, %select_n3A_724 : vector<16xf32>
      %mul3A_765 = arith.mulf %mul3A_764, %mul3A_761 : vector<16xf32>
      %mul3A_766 = arith.mulf %mul3A_765, %mul3A_761 : vector<16xf32>
      %sub3A_767 = arith.constant 1.500000e+00 : f32
      %sub3A_768 = vector.broadcast %sub3A_767 : f32 to vector<16xf32>
      %sub3A_769 = arith.subf %sub3A_768, %mul3A_766 : vector<16xf32>
      %mul3A_770 = arith.mulf %mul3A_761, %sub3A_769 : vector<16xf32>
      %mul3A_771 = arith.mulf %select_n3A_728, %select_n3A_724 : vector<16xf32>
      %mul3A_772 = arith.mulf %mul3A_771, %mul3A_770 : vector<16xf32>
      %add3A_773 = arith.constant 0 : i32
      %add3A_774 = arith.addi %mul3A_576, %add3A_773 : i32
      %get3A_775 = arith.index_cast %add3A_774 : i32 to index
      %get3A_776 = arith.constant 0 : index
      %get3A_777 = tpu.vector_load %arg10[%get3A_775, %get3A_776] {strides = array<i32>} : memref<1024x32xf32, #tpu.memory_space<vmem>>, vector<1x16xf32>,
      %get3A_778 = vector.shape_cast %get3A_777 : vector<1x16xf32> to vector<16xf32>
      %add3A_779 = arith.constant 0 : i32
      %add3A_780 = arith.addi %mul3A_578, %add3A_779 : i32
      %get3A_781 = arith.index_cast %add3A_780 : i32 to index
      %get3A_782 = arith.constant 0 : index
      %get3A_783 = tpu.vector_load %arg11[%get3A_781, %get3A_782] {strides = array<i32>} : memref<1024x32xf32, #tpu.memory_space<vmem>>, vector<1x16xf32>,
      %get3A_784 = vector.shape_cast %get3A_783 : vector<1x16xf32> to vector<16xf32>
      %add3A_785 = arith.addf %get3A_778, %get3A_784 : vector<16xf32>
      %mul3A_786 = vector.broadcast %squeeze3A_91 : f32 to vector<16xf32>
      %mul3A_787 = arith.mulf %mul3A_786, %mul3A_772 : vector<16xf32>
      %add3A_788 = arith.addf %add3A_785, %mul3A_787 : vector<16xf32>
      %max3A = arith.constant 0.000000e+00 : f32
      %max3A_789 = vector.broadcast %max3A : f32 to vector<16xf32>
      %max3A_790 = arith.maximumf %add3A_788, %max3A_789 : vector<16xf32>
      %add3A_791 = arith.constant 1 : i32
      %add3A_792 = arith.addi %mul3A_576, %add3A_791 : i32
      %get3A_793 = arith.index_cast %add3A_792 : i32 to index
      %get3A_794 = arith.constant 0 : index
      %get3A_795 = tpu.vector_load %arg10[%get3A_793, %get3A_794] {strides = array<i32>} : memref<1024x32xf32, #tpu.memory_space<vmem>>, vector<1x16xf32>,
      %get3A_796 = vector.shape_cast %get3A_795 : vector<1x16xf32> to vector<16xf32>
      %add3A_797 = arith.constant 1 : i32
      %add3A_798 = arith.addi %mul3A_578, %add3A_797 : i32
      %get3A_799 = arith.index_cast %add3A_798 : i32 to index
      %get3A_800 = arith.constant 0 : index
      %get3A_801 = tpu.vector_load %arg11[%get3A_799, %get3A_800] {strides = array<i32>} : memref<1024x32xf32, #tpu.memory_space<vmem>>, vector<1x16xf32>,
      %get3A_802 = vector.shape_cast %get3A_801 : vector<1x16xf32> to vector<16xf32>
      %add3A_803 = arith.addf %get3A_796, %get3A_802 : vector<16xf32>
      %mul3A_804 = vector.broadcast %squeeze3A_105 : f32 to vector<16xf32>
      %mul3A_805 = arith.mulf %mul3A_804, %mul3A_772 : vector<16xf32>
      %add3A_806 = arith.addf %add3A_803, %mul3A_805 : vector<16xf32>
      %max3A_807 = arith.constant 0.000000e+00 : f32
      %max3A_808 = vector.broadcast %max3A_807 : f32 to vector<16xf32>
      %max3A_809 = arith.maximumf %add3A_806, %max3A_808 : vector<16xf32>
      %add3A_810 = arith.constant 2 : i32
      %add3A_811 = arith.addi %mul3A_576, %add3A_810 : i32
      %get3A_812 = arith.index_cast %add3A_811 : i32 to index
      %get3A_813 = arith.constant 0 : index
      %get3A_814 = tpu.vector_load %arg10[%get3A_812, %get3A_813] {strides = array<i32>} : memref<1024x32xf32, #tpu.memory_space<vmem>>, vector<1x16xf32>,
      %get3A_815 = vector.shape_cast %get3A_814 : vector<1x16xf32> to vector<16xf32>
      %add3A_816 = arith.constant 2 : i32
      %add3A_817 = arith.addi %mul3A_578, %add3A_816 : i32
      %get3A_818 = arith.index_cast %add3A_817 : i32 to index
      %get3A_819 = arith.constant 0 : index
      %get3A_820 = tpu.vector_load %arg11[%get3A_818, %get3A_819] {strides = array<i32>} : memref<1024x32xf32, #tpu.memory_space<vmem>>, vector<1x16xf32>,
      %get3A_821 = vector.shape_cast %get3A_820 : vector<1x16xf32> to vector<16xf32>
      %add3A_822 = arith.addf %get3A_815, %get3A_821 : vector<16xf32>
      %mul3A_823 = vector.broadcast %squeeze3A_119 : f32 to vector<16xf32>
      %mul3A_824 = arith.mulf %mul3A_823, %mul3A_772 : vector<16xf32>
      %add3A_825 = arith.addf %add3A_822, %mul3A_824 : vector<16xf32>
      %max3A_826 = arith.constant 0.000000e+00 : f32
      %max3A_827 = vector.broadcast %max3A_826 : f32 to vector<16xf32>
      %max3A_828 = arith.maximumf %add3A_825, %max3A_827 : vector<16xf32>
      %add3A_829 = arith.constant 3 : i32
      %add3A_830 = arith.addi %mul3A_576, %add3A_829 : i32
      %get3A_831 = arith.index_cast %add3A_830 : i32 to index
      %get3A_832 = arith.constant 0 : index
      %get3A_833 = tpu.vector_load %arg10[%get3A_831, %get3A_832] {strides = array<i32>} : memref<1024x32xf32, #tpu.memory_space<vmem>>, vector<1x16xf32>,
      %get3A_834 = vector.shape_cast %get3A_833 : vector<1x16xf32> to vector<16xf32>
      %add3A_835 = arith.constant 3 : i32
      %add3A_836 = arith.addi %mul3A_578, %add3A_835 : i32
      %get3A_837 = arith.index_cast %add3A_836 : i32 to index
      %get3A_838 = arith.constant 0 : index
      %get3A_839 = tpu.vector_load %arg11[%get3A_837, %get3A_838] {strides = array<i32>} : memref<1024x32xf32, #tpu.memory_space<vmem>>, vector<1x16xf32>,
      %get3A_840 = vector.shape_cast %get3A_839 : vector<1x16xf32> to vector<16xf32>
      %add3A_841 = arith.addf %get3A_834, %get3A_840 : vector<16xf32>
      %mul3A_842 = vector.broadcast %squeeze3A_133 : f32 to vector<16xf32>
      %mul3A_843 = arith.mulf %mul3A_842, %mul3A_772 : vector<16xf32>
      %add3A_844 = arith.addf %add3A_841, %mul3A_843 : vector<16xf32>
      %max3A_845 = arith.constant 0.000000e+00 : f32
      %max3A_846 = vector.broadcast %max3A_845 : f32 to vector<16xf32>
      %max3A_847 = arith.maximumf %add3A_844, %max3A_846 : vector<16xf32>
      %add3A_848 = arith.constant 4 : i32
      %add3A_849 = arith.addi %mul3A_576, %add3A_848 : i32
      %get3A_850 = arith.index_cast %add3A_849 : i32 to index
      %get3A_851 = arith.constant 0 : index
      %get3A_852 = tpu.vector_load %arg10[%get3A_850, %get3A_851] {strides = array<i32>} : memref<1024x32xf32, #tpu.memory_space<vmem>>, vector<1x16xf32>,
      %get3A_853 = vector.shape_cast %get3A_852 : vector<1x16xf32> to vector<16xf32>
      %add3A_854 = arith.constant 4 : i32
      %add3A_855 = arith.addi %mul3A_578, %add3A_854 : i32
      %get3A_856 = arith.index_cast %add3A_855 : i32 to index
      %get3A_857 = arith.constant 0 : index
      %get3A_858 = tpu.vector_load %arg11[%get3A_856, %get3A_857] {strides = array<i32>} : memref<1024x32xf32, #tpu.memory_space<vmem>>, vector<1x16xf32>,
      %get3A_859 = vector.shape_cast %get3A_858 : vector<1x16xf32> to vector<16xf32>
      %add3A_860 = arith.addf %get3A_853, %get3A_859 : vector<16xf32>
      %mul3A_861 = vector.broadcast %squeeze3A_147 : f32 to vector<16xf32>
      %mul3A_862 = arith.mulf %mul3A_861, %mul3A_772 : vector<16xf32>
      %add3A_863 = arith.addf %add3A_860, %mul3A_862 : vector<16xf32>
      %max3A_864 = arith.constant 0.000000e+00 : f32
      %max3A_865 = vector.broadcast %max3A_864 : f32 to vector<16xf32>
      %max3A_866 = arith.maximumf %add3A_863, %max3A_865 : vector<16xf32>
      %add3A_867 = arith.constant 5 : i32
      %add3A_868 = arith.addi %mul3A_576, %add3A_867 : i32
      %get3A_869 = arith.index_cast %add3A_868 : i32 to index
      %get3A_870 = arith.constant 0 : index
      %get3A_871 = tpu.vector_load %arg10[%get3A_869, %get3A_870] {strides = array<i32>} : memref<1024x32xf32, #tpu.memory_space<vmem>>, vector<1x16xf32>,
      %get3A_872 = vector.shape_cast %get3A_871 : vector<1x16xf32> to vector<16xf32>
      %add3A_873 = arith.constant 5 : i32
      %add3A_874 = arith.addi %mul3A_578, %add3A_873 : i32
      %get3A_875 = arith.index_cast %add3A_874 : i32 to index
      %get3A_876 = arith.constant 0 : index
      %get3A_877 = tpu.vector_load %arg11[%get3A_875, %get3A_876] {strides = array<i32>} : memref<1024x32xf32, #tpu.memory_space<vmem>>, vector<1x16xf32>,
      %get3A_878 = vector.shape_cast %get3A_877 : vector<1x16xf32> to vector<16xf32>
      %add3A_879 = arith.addf %get3A_872, %get3A_878 : vector<16xf32>
      %mul3A_880 = vector.broadcast %squeeze3A_161 : f32 to vector<16xf32>
      %mul3A_881 = arith.mulf %mul3A_880, %mul3A_772 : vector<16xf32>
      %add3A_882 = arith.addf %add3A_879, %mul3A_881 : vector<16xf32>
      %max3A_883 = arith.constant 0.000000e+00 : f32
      %max3A_884 = vector.broadcast %max3A_883 : f32 to vector<16xf32>
      %max3A_885 = arith.maximumf %add3A_882, %max3A_884 : vector<16xf32>
      %add3A_886 = arith.constant 6 : i32
      %add3A_887 = arith.addi %mul3A_576, %add3A_886 : i32
      %get3A_888 = arith.index_cast %add3A_887 : i32 to index
      %get3A_889 = arith.constant 0 : index
      %get3A_890 = tpu.vector_load %arg10[%get3A_888, %get3A_889] {strides = array<i32>} : memref<1024x32xf32, #tpu.memory_space<vmem>>, vector<1x16xf32>,
      %get3A_891 = vector.shape_cast %get3A_890 : vector<1x16xf32> to vector<16xf32>
      %add3A_892 = arith.constant 6 : i32
      %add3A_893 = arith.addi %mul3A_578, %add3A_892 : i32
      %get3A_894 = arith.index_cast %add3A_893 : i32 to index
      %get3A_895 = arith.constant 0 : index
      %get3A_896 = tpu.vector_load %arg11[%get3A_894, %get3A_895] {strides = array<i32>} : memref<1024x32xf32, #tpu.memory_space<vmem>>, vector<1x16xf32>,
      %get3A_897 = vector.shape_cast %get3A_896 : vector<1x16xf32> to vector<16xf32>
      %add3A_898 = arith.addf %get3A_891, %get3A_897 : vector<16xf32>
      %mul3A_899 = vector.broadcast %squeeze3A_175 : f32 to vector<16xf32>
      %mul3A_900 = arith.mulf %mul3A_899, %mul3A_772 : vector<16xf32>
      %add3A_901 = arith.addf %add3A_898, %mul3A_900 : vector<16xf32>
      %max3A_902 = arith.constant 0.000000e+00 : f32
      %max3A_903 = vector.broadcast %max3A_902 : f32 to vector<16xf32>
      %max3A_904 = arith.maximumf %add3A_901, %max3A_903 : vector<16xf32>
      %add3A_905 = arith.constant 7 : i32
      %add3A_906 = arith.addi %mul3A_576, %add3A_905 : i32
      %get3A_907 = arith.index_cast %add3A_906 : i32 to index
      %get3A_908 = arith.constant 0 : index
      %get3A_909 = tpu.vector_load %arg10[%get3A_907, %get3A_908] {strides = array<i32>} : memref<1024x32xf32, #tpu.memory_space<vmem>>, vector<1x16xf32>,
      %get3A_910 = vector.shape_cast %get3A_909 : vector<1x16xf32> to vector<16xf32>
      %add3A_911 = arith.constant 7 : i32
      %add3A_912 = arith.addi %mul3A_578, %add3A_911 : i32
      %get3A_913 = arith.index_cast %add3A_912 : i32 to index
      %get3A_914 = arith.constant 0 : index
      %get3A_915 = tpu.vector_load %arg11[%get3A_913, %get3A_914] {strides = array<i32>} : memref<1024x32xf32, #tpu.memory_space<vmem>>, vector<1x16xf32>,
      %get3A_916 = vector.shape_cast %get3A_915 : vector<1x16xf32> to vector<16xf32>
      %add3A_917 = arith.addf %get3A_910, %get3A_916 : vector<16xf32>
      %mul3A_918 = vector.broadcast %squeeze3A_189 : f32 to vector<16xf32>
      %mul3A_919 = arith.mulf %mul3A_918, %mul3A_772 : vector<16xf32>
      %add3A_920 = arith.addf %add3A_917, %mul3A_919 : vector<16xf32>
      %max3A_921 = arith.constant 0.000000e+00 : f32
      %max3A_922 = vector.broadcast %max3A_921 : f32 to vector<16xf32>
      %max3A_923 = arith.maximumf %add3A_920, %max3A_922 : vector<16xf32>
      %add3A_924 = arith.constant 8 : i32
      %add3A_925 = arith.addi %mul3A_576, %add3A_924 : i32
      %get3A_926 = arith.index_cast %add3A_925 : i32 to index
      %get3A_927 = arith.constant 0 : index
      %get3A_928 = tpu.vector_load %arg10[%get3A_926, %get3A_927] {strides = array<i32>} : memref<1024x32xf32, #tpu.memory_space<vmem>>, vector<1x16xf32>,
      %get3A_929 = vector.shape_cast %get3A_928 : vector<1x16xf32> to vector<16xf32>
      %add3A_930 = arith.constant 8 : i32
      %add3A_931 = arith.addi %mul3A_578, %add3A_930 : i32
      %get3A_932 = arith.index_cast %add3A_931 : i32 to index
      %get3A_933 = arith.constant 0 : index
      %get3A_934 = tpu.vector_load %arg11[%get3A_932, %get3A_933] {strides = array<i32>} : memref<1024x32xf32, #tpu.memory_space<vmem>>, vector<1x16xf32>,
      %get3A_935 = vector.shape_cast %get3A_934 : vector<1x16xf32> to vector<16xf32>
      %add3A_936 = arith.addf %get3A_929, %get3A_935 : vector<16xf32>
      %mul3A_937 = vector.broadcast %squeeze3A_203 : f32 to vector<16xf32>
      %mul3A_938 = arith.mulf %mul3A_937, %mul3A_772 : vector<16xf32>
      %add3A_939 = arith.addf %add3A_936, %mul3A_938 : vector<16xf32>
      %max3A_940 = arith.constant 0.000000e+00 : f32
      %max3A_941 = vector.broadcast %max3A_940 : f32 to vector<16xf32>
      %max3A_942 = arith.maximumf %add3A_939, %max3A_941 : vector<16xf32>
      %add3A_943 = arith.constant 9 : i32
      %add3A_944 = arith.addi %mul3A_576, %add3A_943 : i32
      %get3A_945 = arith.index_cast %add3A_944 : i32 to index
      %get3A_946 = arith.constant 0 : index
      %get3A_947 = tpu.vector_load %arg10[%get3A_945, %get3A_946] {strides = array<i32>} : memref<1024x32xf32, #tpu.memory_space<vmem>>, vector<1x16xf32>,
      %get3A_948 = vector.shape_cast %get3A_947 : vector<1x16xf32> to vector<16xf32>
      %add3A_949 = arith.constant 9 : i32
      %add3A_950 = arith.addi %mul3A_578, %add3A_949 : i32
      %get3A_951 = arith.index_cast %add3A_950 : i32 to index
      %get3A_952 = arith.constant 0 : index
      %get3A_953 = tpu.vector_load %arg11[%get3A_951, %get3A_952] {strides = array<i32>} : memref<1024x32xf32, #tpu.memory_space<vmem>>, vector<1x16xf32>,
      %get3A_954 = vector.shape_cast %get3A_953 : vector<1x16xf32> to vector<16xf32>
      %add3A_955 = arith.addf %get3A_948, %get3A_954 : vector<16xf32>
      %mul3A_956 = vector.broadcast %squeeze3A_217 : f32 to vector<16xf32>
      %mul3A_957 = arith.mulf %mul3A_956, %mul3A_772 : vector<16xf32>
      %add3A_958 = arith.addf %add3A_955, %mul3A_957 : vector<16xf32>
      %max3A_959 = arith.constant 0.000000e+00 : f32
      %max3A_960 = vector.broadcast %max3A_959 : f32 to vector<16xf32>
      %max3A_961 = arith.maximumf %add3A_958, %max3A_960 : vector<16xf32>
      %add3A_962 = arith.constant 10 : i32
      %add3A_963 = arith.addi %mul3A_576, %add3A_962 : i32
      %get3A_964 = arith.index_cast %add3A_963 : i32 to index
      %get3A_965 = arith.constant 0 : index
      %get3A_966 = tpu.vector_load %arg10[%get3A_964, %get3A_965] {strides = array<i32>} : memref<1024x32xf32, #tpu.memory_space<vmem>>, vector<1x16xf32>,
      %get3A_967 = vector.shape_cast %get3A_966 : vector<1x16xf32> to vector<16xf32>
      %add3A_968 = arith.constant 10 : i32
      %add3A_969 = arith.addi %mul3A_578, %add3A_968 : i32
      %get3A_970 = arith.index_cast %add3A_969 : i32 to index
      %get3A_971 = arith.constant 0 : index
      %get3A_972 = tpu.vector_load %arg11[%get3A_970, %get3A_971] {strides = array<i32>} : memref<1024x32xf32, #tpu.memory_space<vmem>>, vector<1x16xf32>,
      %get3A_973 = vector.shape_cast %get3A_972 : vector<1x16xf32> to vector<16xf32>
      %add3A_974 = arith.addf %get3A_967, %get3A_973 : vector<16xf32>
      %mul3A_975 = vector.broadcast %squeeze3A_231 : f32 to vector<16xf32>
      %mul3A_976 = arith.mulf %mul3A_975, %mul3A_772 : vector<16xf32>
      %add3A_977 = arith.addf %add3A_974, %mul3A_976 : vector<16xf32>
      %max3A_978 = arith.constant 0.000000e+00 : f32
      %max3A_979 = vector.broadcast %max3A_978 : f32 to vector<16xf32>
      %max3A_980 = arith.maximumf %add3A_977, %max3A_979 : vector<16xf32>
      %add3A_981 = arith.constant 11 : i32
      %add3A_982 = arith.addi %mul3A_576, %add3A_981 : i32
      %get3A_983 = arith.index_cast %add3A_982 : i32 to index
      %get3A_984 = arith.constant 0 : index
      %get3A_985 = tpu.vector_load %arg10[%get3A_983, %get3A_984] {strides = array<i32>} : memref<1024x32xf32, #tpu.memory_space<vmem>>, vector<1x16xf32>,
      %get3A_986 = vector.shape_cast %get3A_985 : vector<1x16xf32> to vector<16xf32>
      %add3A_987 = arith.constant 11 : i32
      %add3A_988 = arith.addi %mul3A_578, %add3A_987 : i32
      %get3A_989 = arith.index_cast %add3A_988 : i32 to index
      %get3A_990 = arith.constant 0 : index
      %get3A_991 = tpu.vector_load %arg11[%get3A_989, %get3A_990] {strides = array<i32>} : memref<1024x32xf32, #tpu.memory_space<vmem>>, vector<1x16xf32>,
      %get3A_992 = vector.shape_cast %get3A_991 : vector<1x16xf32> to vector<16xf32>
      %add3A_993 = arith.addf %get3A_986, %get3A_992 : vector<16xf32>
      %mul3A_994 = vector.broadcast %squeeze3A_245 : f32 to vector<16xf32>
      %mul3A_995 = arith.mulf %mul3A_994, %mul3A_772 : vector<16xf32>
      %add3A_996 = arith.addf %add3A_993, %mul3A_995 : vector<16xf32>
      %max3A_997 = arith.constant 0.000000e+00 : f32
      %max3A_998 = vector.broadcast %max3A_997 : f32 to vector<16xf32>
      %max3A_999 = arith.maximumf %add3A_996, %max3A_998 : vector<16xf32>
      %add3A_1000 = arith.constant 12 : i32
      %add3A_1001 = arith.addi %mul3A_576, %add3A_1000 : i32
      %get3A_1002 = arith.index_cast %add3A_1001 : i32 to index
      %get3A_1003 = arith.constant 0 : index
      %get3A_1004 = tpu.vector_load %arg10[%get3A_1002, %get3A_1003] {strides = array<i32>} : memref<1024x32xf32, #tpu.memory_space<vmem>>, vector<1x16xf32>,
      %get3A_1005 = vector.shape_cast %get3A_1004 : vector<1x16xf32> to vector<16xf32>
      %add3A_1006 = arith.constant 12 : i32
      %add3A_1007 = arith.addi %mul3A_578, %add3A_1006 : i32
      %get3A_1008 = arith.index_cast %add3A_1007 : i32 to index
      %get3A_1009 = arith.constant 0 : index
      %get3A_1010 = tpu.vector_load %arg11[%get3A_1008, %get3A_1009] {strides = array<i32>} : memref<1024x32xf32, #tpu.memory_space<vmem>>, vector<1x16xf32>,
      %get3A_1011 = vector.shape_cast %get3A_1010 : vector<1x16xf32> to vector<16xf32>
      %add3A_1012 = arith.addf %get3A_1005, %get3A_1011 : vector<16xf32>
      %mul3A_1013 = vector.broadcast %squeeze3A_259 : f32 to vector<16xf32>
      %mul3A_1014 = arith.mulf %mul3A_1013, %mul3A_772 : vector<16xf32>
      %add3A_1015 = arith.addf %add3A_1012, %mul3A_1014 : vector<16xf32>
      %max3A_1016 = arith.constant 0.000000e+00 : f32
      %max3A_1017 = vector.broadcast %max3A_1016 : f32 to vector<16xf32>
      %max3A_1018 = arith.maximumf %add3A_1015, %max3A_1017 : vector<16xf32>
      %add3A_1019 = arith.constant 13 : i32
      %add3A_1020 = arith.addi %mul3A_576, %add3A_1019 : i32
      %get3A_1021 = arith.index_cast %add3A_1020 : i32 to index
      %get3A_1022 = arith.constant 0 : index
      %get3A_1023 = tpu.vector_load %arg10[%get3A_1021, %get3A_1022] {strides = array<i32>} : memref<1024x32xf32, #tpu.memory_space<vmem>>, vector<1x16xf32>,
      %get3A_1024 = vector.shape_cast %get3A_1023 : vector<1x16xf32> to vector<16xf32>
      %add3A_1025 = arith.constant 13 : i32
      %add3A_1026 = arith.addi %mul3A_578, %add3A_1025 : i32
      %get3A_1027 = arith.index_cast %add3A_1026 : i32 to index
      %get3A_1028 = arith.constant 0 : index
      %get3A_1029 = tpu.vector_load %arg11[%get3A_1027, %get3A_1028] {strides = array<i32>} : memref<1024x32xf32, #tpu.memory_space<vmem>>, vector<1x16xf32>,
      %get3A_1030 = vector.shape_cast %get3A_1029 : vector<1x16xf32> to vector<16xf32>
      %add3A_1031 = arith.addf %get3A_1024, %get3A_1030 : vector<16xf32>
      %mul3A_1032 = vector.broadcast %squeeze3A_273 : f32 to vector<16xf32>
      %mul3A_1033 = arith.mulf %mul3A_1032, %mul3A_772 : vector<16xf32>
      %add3A_1034 = arith.addf %add3A_1031, %mul3A_1033 : vector<16xf32>
      %max3A_1035 = arith.constant 0.000000e+00 : f32
      %max3A_1036 = vector.broadcast %max3A_1035 : f32 to vector<16xf32>
      %max3A_1037 = arith.maximumf %add3A_1034, %max3A_1036 : vector<16xf32>
      %add3A_1038 = arith.constant 14 : i32
      %add3A_1039 = arith.addi %mul3A_576, %add3A_1038 : i32
      %get3A_1040 = arith.index_cast %add3A_1039 : i32 to index
      %get3A_1041 = arith.constant 0 : index
      %get3A_1042 = tpu.vector_load %arg10[%get3A_1040, %get3A_1041] {strides = array<i32>} : memref<1024x32xf32, #tpu.memory_space<vmem>>, vector<1x16xf32>,
      %get3A_1043 = vector.shape_cast %get3A_1042 : vector<1x16xf32> to vector<16xf32>
      %add3A_1044 = arith.constant 14 : i32
      %add3A_1045 = arith.addi %mul3A_578, %add3A_1044 : i32
      %get3A_1046 = arith.index_cast %add3A_1045 : i32 to index
      %get3A_1047 = arith.constant 0 : index
      %get3A_1048 = tpu.vector_load %arg11[%get3A_1046, %get3A_1047] {strides = array<i32>} : memref<1024x32xf32, #tpu.memory_space<vmem>>, vector<1x16xf32>,
      %get3A_1049 = vector.shape_cast %get3A_1048 : vector<1x16xf32> to vector<16xf32>
      %add3A_1050 = arith.addf %get3A_1043, %get3A_1049 : vector<16xf32>
      %mul3A_1051 = vector.broadcast %squeeze3A_287 : f32 to vector<16xf32>
      %mul3A_1052 = arith.mulf %mul3A_1051, %mul3A_772 : vector<16xf32>
      %add3A_1053 = arith.addf %add3A_1050, %mul3A_1052 : vector<16xf32>
      %max3A_1054 = arith.constant 0.000000e+00 : f32
      %max3A_1055 = vector.broadcast %max3A_1054 : f32 to vector<16xf32>
      %max3A_1056 = arith.maximumf %add3A_1053, %max3A_1055 : vector<16xf32>
      %add3A_1057 = arith.constant 15 : i32
      %add3A_1058 = arith.addi %mul3A_576, %add3A_1057 : i32
      %get3A_1059 = arith.index_cast %add3A_1058 : i32 to index
      %get3A_1060 = arith.constant 0 : index
      %get3A_1061 = tpu.vector_load %arg10[%get3A_1059, %get3A_1060] {strides = array<i32>} : memref<1024x32xf32, #tpu.memory_space<vmem>>, vector<1x16xf32>,
      %get3A_1062 = vector.shape_cast %get3A_1061 : vector<1x16xf32> to vector<16xf32>
      %add3A_1063 = arith.constant 15 : i32
      %add3A_1064 = arith.addi %mul3A_578, %add3A_1063 : i32
      %get3A_1065 = arith.index_cast %add3A_1064 : i32 to index
      %get3A_1066 = arith.constant 0 : index
      %get3A_1067 = tpu.vector_load %arg11[%get3A_1065, %get3A_1066] {strides = array<i32>} : memref<1024x32xf32, #tpu.memory_space<vmem>>, vector<1x16xf32>,
      %get3A_1068 = vector.shape_cast %get3A_1067 : vector<1x16xf32> to vector<16xf32>
      %add3A_1069 = arith.addf %get3A_1062, %get3A_1068 : vector<16xf32>
      %mul3A_1070 = vector.broadcast %squeeze3A_301 : f32 to vector<16xf32>
      %mul3A_1071 = arith.mulf %mul3A_1070, %mul3A_772 : vector<16xf32>
      %add3A_1072 = arith.addf %add3A_1069, %mul3A_1071 : vector<16xf32>
      %max3A_1073 = arith.constant 0.000000e+00 : f32
      %max3A_1074 = vector.broadcast %max3A_1073 : f32 to vector<16xf32>
      %max3A_1075 = arith.maximumf %add3A_1072, %max3A_1074 : vector<16xf32>
      %mul3A_1076 = vector.broadcast %squeeze3A_335 : f32 to vector<16xf32>
      %mul3A_1077 = arith.mulf %mul3A_1076, %max3A_790 : vector<16xf32>
      %add3A_1078 = vector.broadcast %squeeze3A_463 : f32 to vector<16xf32>
      %add3A_1079 = arith.addf %add3A_1078, %mul3A_1077 : vector<16xf32>
      %mul3A_1080 = vector.broadcast %squeeze3A_337 : f32 to vector<16xf32>
      %mul3A_1081 = arith.mulf %mul3A_1080, %max3A_809 : vector<16xf32>
      %add3A_1082 = arith.addf %add3A_1079, %mul3A_1081 : vector<16xf32>
      %mul3A_1083 = vector.broadcast %squeeze3A_339 : f32 to vector<16xf32>
      %mul3A_1084 = arith.mulf %mul3A_1083, %max3A_828 : vector<16xf32>
      %add3A_1085 = arith.addf %add3A_1082, %mul3A_1084 : vector<16xf32>
      %mul3A_1086 = vector.broadcast %squeeze3A_341 : f32 to vector<16xf32>
      %mul3A_1087 = arith.mulf %mul3A_1086, %max3A_847 : vector<16xf32>
      %add3A_1088 = arith.addf %add3A_1085, %mul3A_1087 : vector<16xf32>
      %mul3A_1089 = vector.broadcast %squeeze3A_343 : f32 to vector<16xf32>
      %mul3A_1090 = arith.mulf %mul3A_1089, %max3A_866 : vector<16xf32>
      %add3A_1091 = arith.addf %add3A_1088, %mul3A_1090 : vector<16xf32>
      %mul3A_1092 = vector.broadcast %squeeze3A_345 : f32 to vector<16xf32>
      %mul3A_1093 = arith.mulf %mul3A_1092, %max3A_885 : vector<16xf32>
      %add3A_1094 = arith.addf %add3A_1091, %mul3A_1093 : vector<16xf32>
      %mul3A_1095 = vector.broadcast %squeeze3A_347 : f32 to vector<16xf32>
      %mul3A_1096 = arith.mulf %mul3A_1095, %max3A_904 : vector<16xf32>
      %add3A_1097 = arith.addf %add3A_1094, %mul3A_1096 : vector<16xf32>
      %mul3A_1098 = vector.broadcast %squeeze3A_349 : f32 to vector<16xf32>
      %mul3A_1099 = arith.mulf %mul3A_1098, %max3A_923 : vector<16xf32>
      %add3A_1100 = arith.addf %add3A_1097, %mul3A_1099 : vector<16xf32>
      %mul3A_1101 = vector.broadcast %squeeze3A_351 : f32 to vector<16xf32>
      %mul3A_1102 = arith.mulf %mul3A_1101, %max3A_942 : vector<16xf32>
      %add3A_1103 = arith.addf %add3A_1100, %mul3A_1102 : vector<16xf32>
      %mul3A_1104 = vector.broadcast %squeeze3A_353 : f32 to vector<16xf32>
      %mul3A_1105 = arith.mulf %mul3A_1104, %max3A_961 : vector<16xf32>
      %add3A_1106 = arith.addf %add3A_1103, %mul3A_1105 : vector<16xf32>
      %mul3A_1107 = vector.broadcast %squeeze3A_355 : f32 to vector<16xf32>
      %mul3A_1108 = arith.mulf %mul3A_1107, %max3A_980 : vector<16xf32>
      %add3A_1109 = arith.addf %add3A_1106, %mul3A_1108 : vector<16xf32>
      %mul3A_1110 = vector.broadcast %squeeze3A_357 : f32 to vector<16xf32>
      %mul3A_1111 = arith.mulf %mul3A_1110, %max3A_999 : vector<16xf32>
      %add3A_1112 = arith.addf %add3A_1109, %mul3A_1111 : vector<16xf32>
      %mul3A_1113 = vector.broadcast %squeeze3A_359 : f32 to vector<16xf32>
      %mul3A_1114 = arith.mulf %mul3A_1113, %max3A_1018 : vector<16xf32>
      %add3A_1115 = arith.addf %add3A_1112, %mul3A_1114 : vector<16xf32>
      %mul3A_1116 = vector.broadcast %squeeze3A_361 : f32 to vector<16xf32>
      %mul3A_1117 = arith.mulf %mul3A_1116, %max3A_1037 : vector<16xf32>
      %add3A_1118 = arith.addf %add3A_1115, %mul3A_1117 : vector<16xf32>
      %mul3A_1119 = vector.broadcast %squeeze3A_363 : f32 to vector<16xf32>
      %mul3A_1120 = arith.mulf %mul3A_1119, %max3A_1056 : vector<16xf32>
      %add3A_1121 = arith.addf %add3A_1118, %mul3A_1120 : vector<16xf32>
      %mul3A_1122 = vector.broadcast %squeeze3A_365 : f32 to vector<16xf32>
      %mul3A_1123 = arith.mulf %mul3A_1122, %max3A_1075 : vector<16xf32>
      %add3A_1124 = arith.addf %add3A_1121, %mul3A_1123 : vector<16xf32>
      %mul3A_1125 = arith.constant 4 : i32
      %mul3A_1126 = arith.muli %squeeze3A_570, %mul3A_1125 : i32
      %add3A_1127 = arith.constant 0 : i32
      %add3A_1128 = arith.addi %mul3A_1126, %add3A_1127 : i32
      %get3A_1129 = arith.index_cast %add3A_1128 : i32 to index
      %get3A_1130 = arith.constant 0 : index
      %get3A_1131 = tpu.vector_load %arg8[%get3A_1129, %get3A_1130] {strides = array<i32>} : memref<256x32xf32, #tpu.memory_space<vmem>>, vector<1x16xf32>,
      %get3A_1132 = vector.shape_cast %get3A_1131 : vector<1x16xf32> to vector<16xf32>
      %add3A_1133 = arith.addf %get3A_1132, %add3A_1124 : vector<16xf32>
      %swap3A = arith.index_cast %add3A_1128 : i32 to index
      %swap3A_1134 = arith.constant 0 : index
      %swap3A_1135 = tpu.vector_load %arg8[%swap3A, %swap3A_1134] {strides = array<i32>} : memref<256x32xf32, #tpu.memory_space<vmem>>, vector<1x16xf32>,
      %swap3A_1136 = vector.shape_cast %swap3A_1135 : vector<1x16xf32> to vector<16xf32>
      %swap3A_1137 = vector.shape_cast %add3A_1133 : vector<16xf32> to vector<1x16xf32>
      tpu.vector_store %arg8[%swap3A, %swap3A_1134], %swap3A_1137 {strides = array<i32>} : memref<256x32xf32, #tpu.memory_space<vmem>>, vector<1x16xf32>,
      %mul3A_1138 = vector.broadcast %squeeze3A_367 : f32 to vector<16xf32>
      %mul3A_1139 = arith.mulf %mul3A_1138, %max3A_790 : vector<16xf32>
      %add3A_1140 = vector.broadcast %squeeze3A_465 : f32 to vector<16xf32>
      %add3A_1141 = arith.addf %add3A_1140, %mul3A_1139 : vector<16xf32>
      %mul3A_1142 = vector.broadcast %squeeze3A_369 : f32 to vector<16xf32>
      %mul3A_1143 = arith.mulf %mul3A_1142, %max3A_809 : vector<16xf32>
      %add3A_1144 = arith.addf %add3A_1141, %mul3A_1143 : vector<16xf32>
      %mul3A_1145 = vector.broadcast %squeeze3A_371 : f32 to vector<16xf32>
      %mul3A_1146 = arith.mulf %mul3A_1145, %max3A_828 : vector<16xf32>
      %add3A_1147 = arith.addf %add3A_1144, %mul3A_1146 : vector<16xf32>
      %mul3A_1148 = vector.broadcast %squeeze3A_373 : f32 to vector<16xf32>
      %mul3A_1149 = arith.mulf %mul3A_1148, %max3A_847 : vector<16xf32>
      %add3A_1150 = arith.addf %add3A_1147, %mul3A_1149 : vector<16xf32>
      %mul3A_1151 = vector.broadcast %squeeze3A_375 : f32 to vector<16xf32>
      %mul3A_1152 = arith.mulf %mul3A_1151, %max3A_866 : vector<16xf32>
      %add3A_1153 = arith.addf %add3A_1150, %mul3A_1152 : vector<16xf32>
      %mul3A_1154 = vector.broadcast %squeeze3A_377 : f32 to vector<16xf32>
      %mul3A_1155 = arith.mulf %mul3A_1154, %max3A_885 : vector<16xf32>
      %add3A_1156 = arith.addf %add3A_1153, %mul3A_1155 : vector<16xf32>
      %mul3A_1157 = vector.broadcast %squeeze3A_379 : f32 to vector<16xf32>
      %mul3A_1158 = arith.mulf %mul3A_1157, %max3A_904 : vector<16xf32>
      %add3A_1159 = arith.addf %add3A_1156, %mul3A_1158 : vector<16xf32>
      %mul3A_1160 = vector.broadcast %squeeze3A_381 : f32 to vector<16xf32>
      %mul3A_1161 = arith.mulf %mul3A_1160, %max3A_923 : vector<16xf32>
      %add3A_1162 = arith.addf %add3A_1159, %mul3A_1161 : vector<16xf32>
      %mul3A_1163 = vector.broadcast %squeeze3A_383 : f32 to vector<16xf32>
      %mul3A_1164 = arith.mulf %mul3A_1163, %max3A_942 : vector<16xf32>
      %add3A_1165 = arith.addf %add3A_1162, %mul3A_1164 : vector<16xf32>
      %mul3A_1166 = vector.broadcast %squeeze3A_385 : f32 to vector<16xf32>
      %mul3A_1167 = arith.mulf %mul3A_1166, %max3A_961 : vector<16xf32>
      %add3A_1168 = arith.addf %add3A_1165, %mul3A_1167 : vector<16xf32>
      %mul3A_1169 = vector.broadcast %squeeze3A_387 : f32 to vector<16xf32>
      %mul3A_1170 = arith.mulf %mul3A_1169, %max3A_980 : vector<16xf32>
      %add3A_1171 = arith.addf %add3A_1168, %mul3A_1170 : vector<16xf32>
      %mul3A_1172 = vector.broadcast %squeeze3A_389 : f32 to vector<16xf32>
      %mul3A_1173 = arith.mulf %mul3A_1172, %max3A_999 : vector<16xf32>
      %add3A_1174 = arith.addf %add3A_1171, %mul3A_1173 : vector<16xf32>
      %mul3A_1175 = vector.broadcast %squeeze3A_391 : f32 to vector<16xf32>
      %mul3A_1176 = arith.mulf %mul3A_1175, %max3A_1018 : vector<16xf32>
      %add3A_1177 = arith.addf %add3A_1174, %mul3A_1176 : vector<16xf32>
      %mul3A_1178 = vector.broadcast %squeeze3A_393 : f32 to vector<16xf32>
      %mul3A_1179 = arith.mulf %mul3A_1178, %max3A_1037 : vector<16xf32>
      %add3A_1180 = arith.addf %add3A_1177, %mul3A_1179 : vector<16xf32>
      %mul3A_1181 = vector.broadcast %squeeze3A_395 : f32 to vector<16xf32>
      %mul3A_1182 = arith.mulf %mul3A_1181, %max3A_1056 : vector<16xf32>
      %add3A_1183 = arith.addf %add3A_1180, %mul3A_1182 : vector<16xf32>
      %mul3A_1184 = vector.broadcast %squeeze3A_397 : f32 to vector<16xf32>
      %mul3A_1185 = arith.mulf %mul3A_1184, %max3A_1075 : vector<16xf32>
      %add3A_1186 = arith.addf %add3A_1183, %mul3A_1185 : vector<16xf32>
      %mul3A_1187 = arith.constant 4 : i32
      %mul3A_1188 = arith.muli %squeeze3A_570, %mul3A_1187 : i32
      %add3A_1189 = arith.constant 1 : i32
      %add3A_1190 = arith.addi %mul3A_1188, %add3A_1189 : i32
      %get3A_1191 = arith.index_cast %add3A_1190 : i32 to index
      %get3A_1192 = arith.constant 0 : index
      %get3A_1193 = tpu.vector_load %arg8[%get3A_1191, %get3A_1192] {strides = array<i32>} : memref<256x32xf32, #tpu.memory_space<vmem>>, vector<1x16xf32>,
      %get3A_1194 = vector.shape_cast %get3A_1193 : vector<1x16xf32> to vector<16xf32>
      %add3A_1195 = arith.addf %get3A_1194, %add3A_1186 : vector<16xf32>
      %swap3A_1196 = arith.index_cast %add3A_1190 : i32 to index
      %swap3A_1197 = arith.constant 0 : index
      %swap3A_1198 = tpu.vector_load %arg8[%swap3A_1196, %swap3A_1197] {strides = array<i32>} : memref<256x32xf32, #tpu.memory_space<vmem>>, vector<1x16xf32>,
      %swap3A_1199 = vector.shape_cast %swap3A_1198 : vector<1x16xf32> to vector<16xf32>
      %swap3A_1200 = vector.shape_cast %add3A_1195 : vector<16xf32> to vector<1x16xf32>
      tpu.vector_store %arg8[%swap3A_1196, %swap3A_1197], %swap3A_1200 {strides = array<i32>} : memref<256x32xf32, #tpu.memory_space<vmem>>, vector<1x16xf32>,
      %mul3A_1201 = vector.broadcast %squeeze3A_399 : f32 to vector<16xf32>
      %mul3A_1202 = arith.mulf %mul3A_1201, %max3A_790 : vector<16xf32>
      %add3A_1203 = vector.broadcast %squeeze3A_467 : f32 to vector<16xf32>
      %add3A_1204 = arith.addf %add3A_1203, %mul3A_1202 : vector<16xf32>
      %mul3A_1205 = vector.broadcast %squeeze3A_401 : f32 to vector<16xf32>
      %mul3A_1206 = arith.mulf %mul3A_1205, %max3A_809 : vector<16xf32>
      %add3A_1207 = arith.addf %add3A_1204, %mul3A_1206 : vector<16xf32>
      %mul3A_1208 = vector.broadcast %squeeze3A_403 : f32 to vector<16xf32>
      %mul3A_1209 = arith.mulf %mul3A_1208, %max3A_828 : vector<16xf32>
      %add3A_1210 = arith.addf %add3A_1207, %mul3A_1209 : vector<16xf32>
      %mul3A_1211 = vector.broadcast %squeeze3A_405 : f32 to vector<16xf32>
      %mul3A_1212 = arith.mulf %mul3A_1211, %max3A_847 : vector<16xf32>
      %add3A_1213 = arith.addf %add3A_1210, %mul3A_1212 : vector<16xf32>
      %mul3A_1214 = vector.broadcast %squeeze3A_407 : f32 to vector<16xf32>
      %mul3A_1215 = arith.mulf %mul3A_1214, %max3A_866 : vector<16xf32>
      %add3A_1216 = arith.addf %add3A_1213, %mul3A_1215 : vector<16xf32>
      %mul3A_1217 = vector.broadcast %squeeze3A_409 : f32 to vector<16xf32>
      %mul3A_1218 = arith.mulf %mul3A_1217, %max3A_885 : vector<16xf32>
      %add3A_1219 = arith.addf %add3A_1216, %mul3A_1218 : vector<16xf32>
      %mul3A_1220 = vector.broadcast %squeeze3A_411 : f32 to vector<16xf32>
      %mul3A_1221 = arith.mulf %mul3A_1220, %max3A_904 : vector<16xf32>
      %add3A_1222 = arith.addf %add3A_1219, %mul3A_1221 : vector<16xf32>
      %mul3A_1223 = vector.broadcast %squeeze3A_413 : f32 to vector<16xf32>
      %mul3A_1224 = arith.mulf %mul3A_1223, %max3A_923 : vector<16xf32>
      %add3A_1225 = arith.addf %add3A_1222, %mul3A_1224 : vector<16xf32>
      %mul3A_1226 = vector.broadcast %squeeze3A_415 : f32 to vector<16xf32>
      %mul3A_1227 = arith.mulf %mul3A_1226, %max3A_942 : vector<16xf32>
      %add3A_1228 = arith.addf %add3A_1225, %mul3A_1227 : vector<16xf32>
      %mul3A_1229 = vector.broadcast %squeeze3A_417 : f32 to vector<16xf32>
      %mul3A_1230 = arith.mulf %mul3A_1229, %max3A_961 : vector<16xf32>
      %add3A_1231 = arith.addf %add3A_1228, %mul3A_1230 : vector<16xf32>
      %mul3A_1232 = vector.broadcast %squeeze3A_419 : f32 to vector<16xf32>
      %mul3A_1233 = arith.mulf %mul3A_1232, %max3A_980 : vector<16xf32>
      %add3A_1234 = arith.addf %add3A_1231, %mul3A_1233 : vector<16xf32>
      %mul3A_1235 = vector.broadcast %squeeze3A_421 : f32 to vector<16xf32>
      %mul3A_1236 = arith.mulf %mul3A_1235, %max3A_999 : vector<16xf32>
      %add3A_1237 = arith.addf %add3A_1234, %mul3A_1236 : vector<16xf32>
      %mul3A_1238 = vector.broadcast %squeeze3A_423 : f32 to vector<16xf32>
      %mul3A_1239 = arith.mulf %mul3A_1238, %max3A_1018 : vector<16xf32>
      %add3A_1240 = arith.addf %add3A_1237, %mul3A_1239 : vector<16xf32>
      %mul3A_1241 = vector.broadcast %squeeze3A_425 : f32 to vector<16xf32>
      %mul3A_1242 = arith.mulf %mul3A_1241, %max3A_1037 : vector<16xf32>
      %add3A_1243 = arith.addf %add3A_1240, %mul3A_1242 : vector<16xf32>
      %mul3A_1244 = vector.broadcast %squeeze3A_427 : f32 to vector<16xf32>
      %mul3A_1245 = arith.mulf %mul3A_1244, %max3A_1056 : vector<16xf32>
      %add3A_1246 = arith.addf %add3A_1243, %mul3A_1245 : vector<16xf32>
      %mul3A_1247 = vector.broadcast %squeeze3A_429 : f32 to vector<16xf32>
      %mul3A_1248 = arith.mulf %mul3A_1247, %max3A_1075 : vector<16xf32>
      %add3A_1249 = arith.addf %add3A_1246, %mul3A_1248 : vector<16xf32>
      %mul3A_1250 = arith.constant 4 : i32
      %mul3A_1251 = arith.muli %squeeze3A_570, %mul3A_1250 : i32
      %add3A_1252 = arith.constant 2 : i32
      %add3A_1253 = arith.addi %mul3A_1251, %add3A_1252 : i32
      %get3A_1254 = arith.index_cast %add3A_1253 : i32 to index
      %get3A_1255 = arith.constant 0 : index
      %get3A_1256 = tpu.vector_load %arg8[%get3A_1254, %get3A_1255] {strides = array<i32>} : memref<256x32xf32, #tpu.memory_space<vmem>>, vector<1x16xf32>,
      %get3A_1257 = vector.shape_cast %get3A_1256 : vector<1x16xf32> to vector<16xf32>
      %add3A_1258 = arith.addf %get3A_1257, %add3A_1249 : vector<16xf32>
      %swap3A_1259 = arith.index_cast %add3A_1253 : i32 to index
      %swap3A_1260 = arith.constant 0 : index
      %swap3A_1261 = tpu.vector_load %arg8[%swap3A_1259, %swap3A_1260] {strides = array<i32>} : memref<256x32xf32, #tpu.memory_space<vmem>>, vector<1x16xf32>,
      %swap3A_1262 = vector.shape_cast %swap3A_1261 : vector<1x16xf32> to vector<16xf32>
      %swap3A_1263 = vector.shape_cast %add3A_1258 : vector<16xf32> to vector<1x16xf32>
      tpu.vector_store %arg8[%swap3A_1259, %swap3A_1260], %swap3A_1263 {strides = array<i32>} : memref<256x32xf32, #tpu.memory_space<vmem>>, vector<1x16xf32>,
      %mul3A_1264 = vector.broadcast %squeeze3A_431 : f32 to vector<16xf32>
      %mul3A_1265 = arith.mulf %mul3A_1264, %max3A_790 : vector<16xf32>
      %add3A_1266 = vector.broadcast %squeeze3A_469 : f32 to vector<16xf32>
      %add3A_1267 = arith.addf %add3A_1266, %mul3A_1265 : vector<16xf32>
      %mul3A_1268 = vector.broadcast %squeeze3A_433 : f32 to vector<16xf32>
      %mul3A_1269 = arith.mulf %mul3A_1268, %max3A_809 : vector<16xf32>
      %add3A_1270 = arith.addf %add3A_1267, %mul3A_1269 : vector<16xf32>
      %mul3A_1271 = vector.broadcast %squeeze3A_435 : f32 to vector<16xf32>
      %mul3A_1272 = arith.mulf %mul3A_1271, %max3A_828 : vector<16xf32>
      %add3A_1273 = arith.addf %add3A_1270, %mul3A_1272 : vector<16xf32>
      %mul3A_1274 = vector.broadcast %squeeze3A_437 : f32 to vector<16xf32>
      %mul3A_1275 = arith.mulf %mul3A_1274, %max3A_847 : vector<16xf32>
      %add3A_1276 = arith.addf %add3A_1273, %mul3A_1275 : vector<16xf32>
      %mul3A_1277 = vector.broadcast %squeeze3A_439 : f32 to vector<16xf32>
      %mul3A_1278 = arith.mulf %mul3A_1277, %max3A_866 : vector<16xf32>
      %add3A_1279 = arith.addf %add3A_1276, %mul3A_1278 : vector<16xf32>
      %mul3A_1280 = vector.broadcast %squeeze3A_441 : f32 to vector<16xf32>
      %mul3A_1281 = arith.mulf %mul3A_1280, %max3A_885 : vector<16xf32>
      %add3A_1282 = arith.addf %add3A_1279, %mul3A_1281 : vector<16xf32>
      %mul3A_1283 = vector.broadcast %squeeze3A_443 : f32 to vector<16xf32>
      %mul3A_1284 = arith.mulf %mul3A_1283, %max3A_904 : vector<16xf32>
      %add3A_1285 = arith.addf %add3A_1282, %mul3A_1284 : vector<16xf32>
      %mul3A_1286 = vector.broadcast %squeeze3A_445 : f32 to vector<16xf32>
      %mul3A_1287 = arith.mulf %mul3A_1286, %max3A_923 : vector<16xf32>
      %add3A_1288 = arith.addf %add3A_1285, %mul3A_1287 : vector<16xf32>
      %mul3A_1289 = vector.broadcast %squeeze3A_447 : f32 to vector<16xf32>
      %mul3A_1290 = arith.mulf %mul3A_1289, %max3A_942 : vector<16xf32>
      %add3A_1291 = arith.addf %add3A_1288, %mul3A_1290 : vector<16xf32>
      %mul3A_1292 = vector.broadcast %squeeze3A_449 : f32 to vector<16xf32>
      %mul3A_1293 = arith.mulf %mul3A_1292, %max3A_961 : vector<16xf32>
      %add3A_1294 = arith.addf %add3A_1291, %mul3A_1293 : vector<16xf32>
      %mul3A_1295 = vector.broadcast %squeeze3A_451 : f32 to vector<16xf32>
      %mul3A_1296 = arith.mulf %mul3A_1295, %max3A_980 : vector<16xf32>
      %add3A_1297 = arith.addf %add3A_1294, %mul3A_1296 : vector<16xf32>
      %mul3A_1298 = vector.broadcast %squeeze3A_453 : f32 to vector<16xf32>
      %mul3A_1299 = arith.mulf %mul3A_1298, %max3A_999 : vector<16xf32>
      %add3A_1300 = arith.addf %add3A_1297, %mul3A_1299 : vector<16xf32>
      %mul3A_1301 = vector.broadcast %squeeze3A_455 : f32 to vector<16xf32>
      %mul3A_1302 = arith.mulf %mul3A_1301, %max3A_1018 : vector<16xf32>
      %add3A_1303 = arith.addf %add3A_1300, %mul3A_1302 : vector<16xf32>
      %mul3A_1304 = vector.broadcast %squeeze3A_457 : f32 to vector<16xf32>
      %mul3A_1305 = arith.mulf %mul3A_1304, %max3A_1037 : vector<16xf32>
      %add3A_1306 = arith.addf %add3A_1303, %mul3A_1305 : vector<16xf32>
      %mul3A_1307 = vector.broadcast %squeeze3A_459 : f32 to vector<16xf32>
      %mul3A_1308 = arith.mulf %mul3A_1307, %max3A_1056 : vector<16xf32>
      %add3A_1309 = arith.addf %add3A_1306, %mul3A_1308 : vector<16xf32>
      %mul3A_1310 = vector.broadcast %squeeze3A_461 : f32 to vector<16xf32>
      %mul3A_1311 = arith.mulf %mul3A_1310, %max3A_1075 : vector<16xf32>
      %add3A_1312 = arith.addf %add3A_1309, %mul3A_1311 : vector<16xf32>
      %mul3A_1313 = arith.constant 4 : i32
      %mul3A_1314 = arith.muli %squeeze3A_570, %mul3A_1313 : i32
      %add3A_1315 = arith.constant 3 : i32
      %add3A_1316 = arith.addi %mul3A_1314, %add3A_1315 : i32
      %get3A_1317 = arith.index_cast %add3A_1316 : i32 to index
      %get3A_1318 = arith.constant 0 : index
      %get3A_1319 = tpu.vector_load %arg8[%get3A_1317, %get3A_1318] {strides = array<i32>} : memref<256x32xf32, #tpu.memory_space<vmem>>, vector<1x16xf32>,
      %get3A_1320 = vector.shape_cast %get3A_1319 : vector<1x16xf32> to vector<16xf32>
      %add3A_1321 = arith.addf %get3A_1320, %add3A_1312 : vector<16xf32>
      %swap3A_1322 = arith.index_cast %add3A_1316 : i32 to index
      %swap3A_1323 = arith.constant 0 : index
      %swap3A_1324 = tpu.vector_load %arg8[%swap3A_1322, %swap3A_1323] {strides = array<i32>} : memref<256x32xf32, #tpu.memory_space<vmem>>, vector<1x16xf32>,
      %swap3A_1325 = vector.shape_cast %swap3A_1324 : vector<1x16xf32> to vector<16xf32>
      %swap3A_1326 = vector.shape_cast %add3A_1321 : vector<16xf32> to vector<1x16xf32>
      tpu.vector_store %arg8[%swap3A_1322, %swap3A_1323], %swap3A_1326 {strides = array<i32>} : memref<256x32xf32, #tpu.memory_space<vmem>>, vector<1x16xf32>,
      %get3A_1327 = arith.index_cast %mul3A_572 : i32 to index
      %get3A_1328 = arith.constant 16 : index
      %get3A_1329 = tpu.vector_load %arg6[%get3A_1327, %get3A_1328] {strides = array<i32>} : memref<192x32xf32, #tpu.memory_space<vmem>>, vector<1x16xf32>,
      %get3A_1330 = vector.shape_cast %get3A_1329 : vector<1x16xf32> to vector<16xf32>
      %add3A_1331 = arith.constant 1 : i32
      %add3A_1332 = arith.addi %mul3A_572, %add3A_1331 : i32
      %get3A_1333 = arith.index_cast %add3A_1332 : i32 to index
      %get3A_1334 = arith.constant 16 : index
      %get3A_1335 = tpu.vector_load %arg6[%get3A_1333, %get3A_1334] {strides = array<i32>} : memref<192x32xf32, #tpu.memory_space<vmem>>, vector<1x16xf32>,
      %get3A_1336 = vector.shape_cast %get3A_1335 : vector<1x16xf32> to vector<16xf32>
      %add3A_1337 = arith.constant 2 : i32
      %add3A_1338 = arith.addi %mul3A_572, %add3A_1337 : i32
      %get3A_1339 = arith.index_cast %add3A_1338 : i32 to index
      %get3A_1340 = arith.constant 16 : index
      %get3A_1341 = tpu.vector_load %arg6[%get3A_1339, %get3A_1340] {strides = array<i32>} : memref<192x32xf32, #tpu.memory_space<vmem>>, vector<1x16xf32>,
      %get3A_1342 = vector.shape_cast %get3A_1341 : vector<1x16xf32> to vector<16xf32>
      %get3A_1343 = arith.index_cast %mul3A_574 : i32 to index
      %get3A_1344 = arith.constant 16 : index
      %get3A_1345 = tpu.vector_load %arg6[%get3A_1343, %get3A_1344] {strides = array<i32>} : memref<192x32xf32, #tpu.memory_space<vmem>>, vector<1x16xf32>,
      %get3A_1346 = vector.shape_cast %get3A_1345 : vector<1x16xf32> to vector<16xf32>
      %add3A_1347 = arith.constant 1 : i32
      %add3A_1348 = arith.addi %mul3A_574, %add3A_1347 : i32
      %get3A_1349 = arith.index_cast %add3A_1348 : i32 to index
      %get3A_1350 = arith.constant 16 : index
      %get3A_1351 = tpu.vector_load %arg6[%get3A_1349, %get3A_1350] {strides = array<i32>} : memref<192x32xf32, #tpu.memory_space<vmem>>, vector<1x16xf32>,
      %get3A_1352 = vector.shape_cast %get3A_1351 : vector<1x16xf32> to vector<16xf32>
      %add3A_1353 = arith.constant 2 : i32
      %add3A_1354 = arith.addi %mul3A_574, %add3A_1353 : i32
      %get3A_1355 = arith.index_cast %add3A_1354 : i32 to index
      %get3A_1356 = arith.constant 16 : index
      %get3A_1357 = tpu.vector_load %arg6[%get3A_1355, %get3A_1356] {strides = array<i32>} : memref<192x32xf32, #tpu.memory_space<vmem>>, vector<1x16xf32>,
      %get3A_1358 = vector.shape_cast %get3A_1357 : vector<1x16xf32> to vector<16xf32>
      %sub3A_1359 = arith.subf %get3A_1330, %get3A_1346 : vector<16xf32>
      %sub3A_1360 = arith.subf %get3A_1336, %get3A_1352 : vector<16xf32>
      %sub3A_1361 = arith.subf %get3A_1342, %get3A_1358 : vector<16xf32>
      %mul3A_1362 = arith.mulf %sub3A_1359, %sub3A_1359 : vector<16xf32>
      %mul3A_1363 = arith.mulf %sub3A_1360, %sub3A_1360 : vector<16xf32>
      %add3A_1364 = arith.addf %mul3A_1362, %mul3A_1363 : vector<16xf32>
      %mul3A_1365 = arith.mulf %sub3A_1361, %sub3A_1361 : vector<16xf32>
      %add3A_1366 = arith.addf %add3A_1364, %mul3A_1365 : vector<16xf32>
      %add3A_1367 = arith.constant 9.99999993E-9 : f32
      %add3A_1368 = vector.broadcast %add3A_1367 : f32 to vector<16xf32>
      %add3A_1369 = arith.addf %add3A_1366, %add3A_1368 : vector<16xf32>
      %broadcast_in_dim3A_1370 = arith.constant 1.000000e+00 : f32
      %broadcast_in_dim3A_1371 = vector.broadcast %broadcast_in_dim3A_1370 : f32 to vector<16xf32>
      %gt3A_1372 = arith.constant 6.553600e+04 : f32
      %gt3A_1373 = vector.broadcast %gt3A_1372 : f32 to vector<16xf32>
      %gt3A_1374 = arith.cmpf ogt, %add3A_1369, %gt3A_1373 : vector<16xf32>
      %mul3A_1375 = arith.constant 1.52587891E-5 : f32
      %mul3A_1376 = vector.broadcast %mul3A_1375 : f32 to vector<16xf32>
      %mul3A_1377 = arith.mulf %add3A_1369, %mul3A_1376 : vector<16xf32>
      %select_n3A_1378 = arith.select %gt3A_1374, %mul3A_1377, %add3A_1369 : vector<16xi1>, vector<16xf32>
      %mul3A_1379 = arith.constant 2.560000e+02 : f32
      %mul3A_1380 = vector.broadcast %mul3A_1379 : f32 to vector<16xf32>
      %mul3A_1381 = arith.mulf %broadcast_in_dim3A_1371, %mul3A_1380 : vector<16xf32>
      %select_n3A_1382 = arith.select %gt3A_1374, %mul3A_1381, %broadcast_in_dim3A_1371 : vector<16xi1>, vector<16xf32>
      %gt3A_1383 = arith.constant 2.560000e+02 : f32
      %gt3A_1384 = vector.broadcast %gt3A_1383 : f32 to vector<16xf32>
      %gt3A_1385 = arith.cmpf ogt, %select_n3A_1378, %gt3A_1384 : vector<16xf32>
      %mul3A_1386 = arith.constant 3.906250e-03 : f32
      %mul3A_1387 = vector.broadcast %mul3A_1386 : f32 to vector<16xf32>
      %mul3A_1388 = arith.mulf %select_n3A_1378, %mul3A_1387 : vector<16xf32>
      %select_n3A_1389 = arith.select %gt3A_1385, %mul3A_1388, %select_n3A_1378 : vector<16xi1>, vector<16xf32>
      %mul3A_1390 = arith.constant 1.600000e+01 : f32
      %mul3A_1391 = vector.broadcast %mul3A_1390 : f32 to vector<16xf32>
      %mul3A_1392 = arith.mulf %select_n3A_1382, %mul3A_1391 : vector<16xf32>
      %select_n3A_1393 = arith.select %gt3A_1385, %mul3A_1392, %select_n3A_1382 : vector<16xi1>, vector<16xf32>
      %gt3A_1394 = arith.constant 1.600000e+01 : f32
      %gt3A_1395 = vector.broadcast %gt3A_1394 : f32 to vector<16xf32>
      %gt3A_1396 = arith.cmpf ogt, %select_n3A_1389, %gt3A_1395 : vector<16xf32>
      %mul3A_1397 = arith.constant 6.250000e-02 : f32
      %mul3A_1398 = vector.broadcast %mul3A_1397 : f32 to vector<16xf32>
      %mul3A_1399 = arith.mulf %select_n3A_1389, %mul3A_1398 : vector<16xf32>
      %select_n3A_1400 = arith.select %gt3A_1396, %mul3A_1399, %select_n3A_1389 : vector<16xi1>, vector<16xf32>
      %mul3A_1401 = arith.constant 4.000000e+00 : f32
      %mul3A_1402 = vector.broadcast %mul3A_1401 : f32 to vector<16xf32>
      %mul3A_1403 = arith.mulf %select_n3A_1393, %mul3A_1402 : vector<16xf32>
      %select_n3A_1404 = arith.select %gt3A_1396, %mul3A_1403, %select_n3A_1393 : vector<16xi1>, vector<16xf32>
      %gt3A_1405 = arith.constant 4.000000e+00 : f32
      %gt3A_1406 = vector.broadcast %gt3A_1405 : f32 to vector<16xf32>
      %gt3A_1407 = arith.cmpf ogt, %select_n3A_1400, %gt3A_1406 : vector<16xf32>
      %mul3A_1408 = arith.constant 2.500000e-01 : f32
      %mul3A_1409 = vector.broadcast %mul3A_1408 : f32 to vector<16xf32>
      %mul3A_1410 = arith.mulf %select_n3A_1400, %mul3A_1409 : vector<16xf32>
      %select_n3A_1411 = arith.select %gt3A_1407, %mul3A_1410, %select_n3A_1400 : vector<16xi1>, vector<16xf32>
      %mul3A_1412 = arith.constant 2.000000e+00 : f32
      %mul3A_1413 = vector.broadcast %mul3A_1412 : f32 to vector<16xf32>
      %mul3A_1414 = arith.mulf %select_n3A_1404, %mul3A_1413 : vector<16xf32>
      %select_n3A_1415 = arith.select %gt3A_1407, %mul3A_1414, %select_n3A_1404 : vector<16xi1>, vector<16xf32>
      %gt3A_1416 = arith.constant 2.000000e+00 : f32
      %gt3A_1417 = vector.broadcast %gt3A_1416 : f32 to vector<16xf32>
      %gt3A_1418 = arith.cmpf ogt, %select_n3A_1411, %gt3A_1417 : vector<16xf32>
      %mul3A_1419 = arith.constant 5.000000e-01 : f32
      %mul3A_1420 = vector.broadcast %mul3A_1419 : f32 to vector<16xf32>
      %mul3A_1421 = arith.mulf %select_n3A_1411, %mul3A_1420 : vector<16xf32>
      %select_n3A_1422 = arith.select %gt3A_1418, %mul3A_1421, %select_n3A_1411 : vector<16xi1>, vector<16xf32>
      %mul3A_1423 = arith.constant 1.41421354 : f32
      %mul3A_1424 = vector.broadcast %mul3A_1423 : f32 to vector<16xf32>
      %mul3A_1425 = arith.mulf %select_n3A_1415, %mul3A_1424 : vector<16xf32>
      %select_n3A_1426 = arith.select %gt3A_1418, %mul3A_1425, %select_n3A_1415 : vector<16xi1>, vector<16xf32>
      %lt3A_1427 = arith.constant 1.52587891E-5 : f32
      %lt3A_1428 = vector.broadcast %lt3A_1427 : f32 to vector<16xf32>
      %lt3A_1429 = arith.cmpf olt, %select_n3A_1422, %lt3A_1428 : vector<16xf32>
      %mul3A_1430 = arith.constant 6.553600e+04 : f32
      %mul3A_1431 = vector.broadcast %mul3A_1430 : f32 to vector<16xf32>
      %mul3A_1432 = arith.mulf %select_n3A_1422, %mul3A_1431 : vector<16xf32>
      %select_n3A_1433 = arith.select %lt3A_1429, %mul3A_1432, %select_n3A_1422 : vector<16xi1>, vector<16xf32>
      %mul3A_1434 = arith.constant 3.906250e-03 : f32
      %mul3A_1435 = vector.broadcast %mul3A_1434 : f32 to vector<16xf32>
      %mul3A_1436 = arith.mulf %select_n3A_1426, %mul3A_1435 : vector<16xf32>
      %select_n3A_1437 = arith.select %lt3A_1429, %mul3A_1436, %select_n3A_1426 : vector<16xi1>, vector<16xf32>
      %lt3A_1438 = arith.constant 3.906250e-03 : f32
      %lt3A_1439 = vector.broadcast %lt3A_1438 : f32 to vector<16xf32>
      %lt3A_1440 = arith.cmpf olt, %select_n3A_1433, %lt3A_1439 : vector<16xf32>
      %mul3A_1441 = arith.constant 2.560000e+02 : f32
      %mul3A_1442 = vector.broadcast %mul3A_1441 : f32 to vector<16xf32>
      %mul3A_1443 = arith.mulf %select_n3A_1433, %mul3A_1442 : vector<16xf32>
      %select_n3A_1444 = arith.select %lt3A_1440, %mul3A_1443, %select_n3A_1433 : vector<16xi1>, vector<16xf32>
      %mul3A_1445 = arith.constant 6.250000e-02 : f32
      %mul3A_1446 = vector.broadcast %mul3A_1445 : f32 to vector<16xf32>
      %mul3A_1447 = arith.mulf %select_n3A_1437, %mul3A_1446 : vector<16xf32>
      %select_n3A_1448 = arith.select %lt3A_1440, %mul3A_1447, %select_n3A_1437 : vector<16xi1>, vector<16xf32>
      %lt3A_1449 = arith.constant 6.250000e-02 : f32
      %lt3A_1450 = vector.broadcast %lt3A_1449 : f32 to vector<16xf32>
      %lt3A_1451 = arith.cmpf olt, %select_n3A_1444, %lt3A_1450 : vector<16xf32>
      %mul3A_1452 = arith.constant 1.600000e+01 : f32
      %mul3A_1453 = vector.broadcast %mul3A_1452 : f32 to vector<16xf32>
      %mul3A_1454 = arith.mulf %select_n3A_1444, %mul3A_1453 : vector<16xf32>
      %select_n3A_1455 = arith.select %lt3A_1451, %mul3A_1454, %select_n3A_1444 : vector<16xi1>, vector<16xf32>
      %mul3A_1456 = arith.constant 2.500000e-01 : f32
      %mul3A_1457 = vector.broadcast %mul3A_1456 : f32 to vector<16xf32>
      %mul3A_1458 = arith.mulf %select_n3A_1448, %mul3A_1457 : vector<16xf32>
      %select_n3A_1459 = arith.select %lt3A_1451, %mul3A_1458, %select_n3A_1448 : vector<16xi1>, vector<16xf32>
      %lt3A_1460 = arith.constant 2.500000e-01 : f32
      %lt3A_1461 = vector.broadcast %lt3A_1460 : f32 to vector<16xf32>
      %lt3A_1462 = arith.cmpf olt, %select_n3A_1455, %lt3A_1461 : vector<16xf32>
      %mul3A_1463 = arith.constant 4.000000e+00 : f32
      %mul3A_1464 = vector.broadcast %mul3A_1463 : f32 to vector<16xf32>
      %mul3A_1465 = arith.mulf %select_n3A_1455, %mul3A_1464 : vector<16xf32>
      %select_n3A_1466 = arith.select %lt3A_1462, %mul3A_1465, %select_n3A_1455 : vector<16xi1>, vector<16xf32>
      %mul3A_1467 = arith.constant 5.000000e-01 : f32
      %mul3A_1468 = vector.broadcast %mul3A_1467 : f32 to vector<16xf32>
      %mul3A_1469 = arith.mulf %select_n3A_1459, %mul3A_1468 : vector<16xf32>
      %select_n3A_1470 = arith.select %lt3A_1462, %mul3A_1469, %select_n3A_1459 : vector<16xi1>, vector<16xf32>
      %lt3A_1471 = arith.constant 5.000000e-01 : f32
      %lt3A_1472 = vector.broadcast %lt3A_1471 : f32 to vector<16xf32>
      %lt3A_1473 = arith.cmpf olt, %select_n3A_1466, %lt3A_1472 : vector<16xf32>
      %mul3A_1474 = arith.constant 2.000000e+00 : f32
      %mul3A_1475 = vector.broadcast %mul3A_1474 : f32 to vector<16xf32>
      %mul3A_1476 = arith.mulf %select_n3A_1466, %mul3A_1475 : vector<16xf32>
      %select_n3A_1477 = arith.select %lt3A_1473, %mul3A_1476, %select_n3A_1466 : vector<16xi1>, vector<16xf32>
      %mul3A_1478 = arith.constant 0.707106769 : f32
      %mul3A_1479 = vector.broadcast %mul3A_1478 : f32 to vector<16xf32>
      %mul3A_1480 = arith.mulf %select_n3A_1470, %mul3A_1479 : vector<16xf32>
      %select_n3A_1481 = arith.select %lt3A_1473, %mul3A_1480, %select_n3A_1470 : vector<16xi1>, vector<16xf32>
      %mul3A_1482 = arith.constant 5.350000e-01 : f32
      %mul3A_1483 = vector.broadcast %mul3A_1482 : f32 to vector<16xf32>
      %mul3A_1484 = arith.mulf %mul3A_1483, %select_n3A_1477 : vector<16xf32>
      %sub3A_1485 = arith.constant 1.690000e+00 : f32
      %sub3A_1486 = vector.broadcast %sub3A_1485 : f32 to vector<16xf32>
      %sub3A_1487 = arith.subf %sub3A_1486, %mul3A_1484 : vector<16xf32>
      %mul3A_1488 = arith.constant 5.000000e-01 : f32
      %mul3A_1489 = vector.broadcast %mul3A_1488 : f32 to vector<16xf32>
      %mul3A_1490 = arith.mulf %mul3A_1489, %select_n3A_1477 : vector<16xf32>
      %mul3A_1491 = arith.mulf %mul3A_1490, %sub3A_1487 : vector<16xf32>
      %mul3A_1492 = arith.mulf %mul3A_1491, %sub3A_1487 : vector<16xf32>
      %sub3A_1493 = arith.constant 1.500000e+00 : f32
      %sub3A_1494 = vector.broadcast %sub3A_1493 : f32 to vector<16xf32>
      %sub3A_1495 = arith.subf %sub3A_1494, %mul3A_1492 : vector<16xf32>
      %mul3A_1496 = arith.mulf %sub3A_1487, %sub3A_1495 : vector<16xf32>
      %mul3A_1497 = arith.constant 5.000000e-01 : f32
      %mul3A_1498 = vector.broadcast %mul3A_1497 : f32 to vector<16xf32>
      %mul3A_1499 = arith.mulf %mul3A_1498, %select_n3A_1477 : vector<16xf32>
      %mul3A_1500 = arith.mulf %mul3A_1499, %mul3A_1496 : vector<16xf32>
      %mul3A_1501 = arith.mulf %mul3A_1500, %mul3A_1496 : vector<16xf32>
      %sub3A_1502 = arith.constant 1.500000e+00 : f32
      %sub3A_1503 = vector.broadcast %sub3A_1502 : f32 to vector<16xf32>
      %sub3A_1504 = arith.subf %sub3A_1503, %mul3A_1501 : vector<16xf32>
      %mul3A_1505 = arith.mulf %mul3A_1496, %sub3A_1504 : vector<16xf32>
      %mul3A_1506 = arith.constant 5.000000e-01 : f32
      %mul3A_1507 = vector.broadcast %mul3A_1506 : f32 to vector<16xf32>
      %mul3A_1508 = arith.mulf %mul3A_1507, %select_n3A_1477 : vector<16xf32>
      %mul3A_1509 = arith.mulf %mul3A_1508, %mul3A_1505 : vector<16xf32>
      %mul3A_1510 = arith.mulf %mul3A_1509, %mul3A_1505 : vector<16xf32>
      %sub3A_1511 = arith.constant 1.500000e+00 : f32
      %sub3A_1512 = vector.broadcast %sub3A_1511 : f32 to vector<16xf32>
      %sub3A_1513 = arith.subf %sub3A_1512, %mul3A_1510 : vector<16xf32>
      %mul3A_1514 = arith.mulf %mul3A_1505, %sub3A_1513 : vector<16xf32>
      %mul3A_1515 = arith.constant 5.000000e-01 : f32
      %mul3A_1516 = vector.broadcast %mul3A_1515 : f32 to vector<16xf32>
      %mul3A_1517 = arith.mulf %mul3A_1516, %select_n3A_1477 : vector<16xf32>
      %mul3A_1518 = arith.mulf %mul3A_1517, %mul3A_1514 : vector<16xf32>
      %mul3A_1519 = arith.mulf %mul3A_1518, %mul3A_1514 : vector<16xf32>
      %sub3A_1520 = arith.constant 1.500000e+00 : f32
      %sub3A_1521 = vector.broadcast %sub3A_1520 : f32 to vector<16xf32>
      %sub3A_1522 = arith.subf %sub3A_1521, %mul3A_1519 : vector<16xf32>
      %mul3A_1523 = arith.mulf %mul3A_1514, %sub3A_1522 : vector<16xf32>
      %mul3A_1524 = arith.mulf %select_n3A_1481, %select_n3A_1477 : vector<16xf32>
      %mul3A_1525 = arith.mulf %mul3A_1524, %mul3A_1523 : vector<16xf32>
      %add3A_1526 = arith.constant 0 : i32
      %add3A_1527 = arith.addi %mul3A_576, %add3A_1526 : i32
      %get3A_1528 = arith.index_cast %add3A_1527 : i32 to index
      %get3A_1529 = arith.constant 16 : index
      %get3A_1530 = tpu.vector_load %arg10[%get3A_1528, %get3A_1529] {strides = array<i32>} : memref<1024x32xf32, #tpu.memory_space<vmem>>, vector<1x16xf32>,
      %get3A_1531 = vector.shape_cast %get3A_1530 : vector<1x16xf32> to vector<16xf32>
      %add3A_1532 = arith.constant 0 : i32
      %add3A_1533 = arith.addi %mul3A_578, %add3A_1532 : i32
      %get3A_1534 = arith.index_cast %add3A_1533 : i32 to index
      %get3A_1535 = arith.constant 16 : index
      %get3A_1536 = tpu.vector_load %arg11[%get3A_1534, %get3A_1535] {strides = array<i32>} : memref<1024x32xf32, #tpu.memory_space<vmem>>, vector<1x16xf32>,
      %get3A_1537 = vector.shape_cast %get3A_1536 : vector<1x16xf32> to vector<16xf32>
      %add3A_1538 = arith.addf %get3A_1531, %get3A_1537 : vector<16xf32>
      %mul3A_1539 = vector.broadcast %squeeze3A_91 : f32 to vector<16xf32>
      %mul3A_1540 = arith.mulf %mul3A_1539, %mul3A_1525 : vector<16xf32>
      %add3A_1541 = arith.addf %add3A_1538, %mul3A_1540 : vector<16xf32>
      %max3A_1542 = arith.constant 0.000000e+00 : f32
      %max3A_1543 = vector.broadcast %max3A_1542 : f32 to vector<16xf32>
      %max3A_1544 = arith.maximumf %add3A_1541, %max3A_1543 : vector<16xf32>
      %add3A_1545 = arith.constant 1 : i32
      %add3A_1546 = arith.addi %mul3A_576, %add3A_1545 : i32
      %get3A_1547 = arith.index_cast %add3A_1546 : i32 to index
      %get3A_1548 = arith.constant 16 : index
      %get3A_1549 = tpu.vector_load %arg10[%get3A_1547, %get3A_1548] {strides = array<i32>} : memref<1024x32xf32, #tpu.memory_space<vmem>>, vector<1x16xf32>,
      %get3A_1550 = vector.shape_cast %get3A_1549 : vector<1x16xf32> to vector<16xf32>
      %add3A_1551 = arith.constant 1 : i32
      %add3A_1552 = arith.addi %mul3A_578, %add3A_1551 : i32
      %get3A_1553 = arith.index_cast %add3A_1552 : i32 to index
      %get3A_1554 = arith.constant 16 : index
      %get3A_1555 = tpu.vector_load %arg11[%get3A_1553, %get3A_1554] {strides = array<i32>} : memref<1024x32xf32, #tpu.memory_space<vmem>>, vector<1x16xf32>,
      %get3A_1556 = vector.shape_cast %get3A_1555 : vector<1x16xf32> to vector<16xf32>
      %add3A_1557 = arith.addf %get3A_1550, %get3A_1556 : vector<16xf32>
      %mul3A_1558 = vector.broadcast %squeeze3A_105 : f32 to vector<16xf32>
      %mul3A_1559 = arith.mulf %mul3A_1558, %mul3A_1525 : vector<16xf32>
      %add3A_1560 = arith.addf %add3A_1557, %mul3A_1559 : vector<16xf32>
      %max3A_1561 = arith.constant 0.000000e+00 : f32
      %max3A_1562 = vector.broadcast %max3A_1561 : f32 to vector<16xf32>
      %max3A_1563 = arith.maximumf %add3A_1560, %max3A_1562 : vector<16xf32>
      %add3A_1564 = arith.constant 2 : i32
      %add3A_1565 = arith.addi %mul3A_576, %add3A_1564 : i32
      %get3A_1566 = arith.index_cast %add3A_1565 : i32 to index
      %get3A_1567 = arith.constant 16 : index
      %get3A_1568 = tpu.vector_load %arg10[%get3A_1566, %get3A_1567] {strides = array<i32>} : memref<1024x32xf32, #tpu.memory_space<vmem>>, vector<1x16xf32>,
      %get3A_1569 = vector.shape_cast %get3A_1568 : vector<1x16xf32> to vector<16xf32>
      %add3A_1570 = arith.constant 2 : i32
      %add3A_1571 = arith.addi %mul3A_578, %add3A_1570 : i32
      %get3A_1572 = arith.index_cast %add3A_1571 : i32 to index
      %get3A_1573 = arith.constant 16 : index
      %get3A_1574 = tpu.vector_load %arg11[%get3A_1572, %get3A_1573] {strides = array<i32>} : memref<1024x32xf32, #tpu.memory_space<vmem>>, vector<1x16xf32>,
      %get3A_1575 = vector.shape_cast %get3A_1574 : vector<1x16xf32> to vector<16xf32>
      %add3A_1576 = arith.addf %get3A_1569, %get3A_1575 : vector<16xf32>
      %mul3A_1577 = vector.broadcast %squeeze3A_119 : f32 to vector<16xf32>
      %mul3A_1578 = arith.mulf %mul3A_1577, %mul3A_1525 : vector<16xf32>
      %add3A_1579 = arith.addf %add3A_1576, %mul3A_1578 : vector<16xf32>
      %max3A_1580 = arith.constant 0.000000e+00 : f32
      %max3A_1581 = vector.broadcast %max3A_1580 : f32 to vector<16xf32>
      %max3A_1582 = arith.maximumf %add3A_1579, %max3A_1581 : vector<16xf32>
      %add3A_1583 = arith.constant 3 : i32
      %add3A_1584 = arith.addi %mul3A_576, %add3A_1583 : i32
      %get3A_1585 = arith.index_cast %add3A_1584 : i32 to index
      %get3A_1586 = arith.constant 16 : index
      %get3A_1587 = tpu.vector_load %arg10[%get3A_1585, %get3A_1586] {strides = array<i32>} : memref<1024x32xf32, #tpu.memory_space<vmem>>, vector<1x16xf32>,
      %get3A_1588 = vector.shape_cast %get3A_1587 : vector<1x16xf32> to vector<16xf32>
      %add3A_1589 = arith.constant 3 : i32
      %add3A_1590 = arith.addi %mul3A_578, %add3A_1589 : i32
      %get3A_1591 = arith.index_cast %add3A_1590 : i32 to index
      %get3A_1592 = arith.constant 16 : index
      %get3A_1593 = tpu.vector_load %arg11[%get3A_1591, %get3A_1592] {strides = array<i32>} : memref<1024x32xf32, #tpu.memory_space<vmem>>, vector<1x16xf32>,
      %get3A_1594 = vector.shape_cast %get3A_1593 : vector<1x16xf32> to vector<16xf32>
      %add3A_1595 = arith.addf %get3A_1588, %get3A_1594 : vector<16xf32>
      %mul3A_1596 = vector.broadcast %squeeze3A_133 : f32 to vector<16xf32>
      %mul3A_1597 = arith.mulf %mul3A_1596, %mul3A_1525 : vector<16xf32>
      %add3A_1598 = arith.addf %add3A_1595, %mul3A_1597 : vector<16xf32>
      %max3A_1599 = arith.constant 0.000000e+00 : f32
      %max3A_1600 = vector.broadcast %max3A_1599 : f32 to vector<16xf32>
      %max3A_1601 = arith.maximumf %add3A_1598, %max3A_1600 : vector<16xf32>
      %add3A_1602 = arith.constant 4 : i32
      %add3A_1603 = arith.addi %mul3A_576, %add3A_1602 : i32
      %get3A_1604 = arith.index_cast %add3A_1603 : i32 to index
      %get3A_1605 = arith.constant 16 : index
      %get3A_1606 = tpu.vector_load %arg10[%get3A_1604, %get3A_1605] {strides = array<i32>} : memref<1024x32xf32, #tpu.memory_space<vmem>>, vector<1x16xf32>,
      %get3A_1607 = vector.shape_cast %get3A_1606 : vector<1x16xf32> to vector<16xf32>
      %add3A_1608 = arith.constant 4 : i32
      %add3A_1609 = arith.addi %mul3A_578, %add3A_1608 : i32
      %get3A_1610 = arith.index_cast %add3A_1609 : i32 to index
      %get3A_1611 = arith.constant 16 : index
      %get3A_1612 = tpu.vector_load %arg11[%get3A_1610, %get3A_1611] {strides = array<i32>} : memref<1024x32xf32, #tpu.memory_space<vmem>>, vector<1x16xf32>,
      %get3A_1613 = vector.shape_cast %get3A_1612 : vector<1x16xf32> to vector<16xf32>
      %add3A_1614 = arith.addf %get3A_1607, %get3A_1613 : vector<16xf32>
      %mul3A_1615 = vector.broadcast %squeeze3A_147 : f32 to vector<16xf32>
      %mul3A_1616 = arith.mulf %mul3A_1615, %mul3A_1525 : vector<16xf32>
      %add3A_1617 = arith.addf %add3A_1614, %mul3A_1616 : vector<16xf32>
      %max3A_1618 = arith.constant 0.000000e+00 : f32
      %max3A_1619 = vector.broadcast %max3A_1618 : f32 to vector<16xf32>
      %max3A_1620 = arith.maximumf %add3A_1617, %max3A_1619 : vector<16xf32>
      %add3A_1621 = arith.constant 5 : i32
      %add3A_1622 = arith.addi %mul3A_576, %add3A_1621 : i32
      %get3A_1623 = arith.index_cast %add3A_1622 : i32 to index
      %get3A_1624 = arith.constant 16 : index
      %get3A_1625 = tpu.vector_load %arg10[%get3A_1623, %get3A_1624] {strides = array<i32>} : memref<1024x32xf32, #tpu.memory_space<vmem>>, vector<1x16xf32>,
      %get3A_1626 = vector.shape_cast %get3A_1625 : vector<1x16xf32> to vector<16xf32>
      %add3A_1627 = arith.constant 5 : i32
      %add3A_1628 = arith.addi %mul3A_578, %add3A_1627 : i32
      %get3A_1629 = arith.index_cast %add3A_1628 : i32 to index
      %get3A_1630 = arith.constant 16 : index
      %get3A_1631 = tpu.vector_load %arg11[%get3A_1629, %get3A_1630] {strides = array<i32>} : memref<1024x32xf32, #tpu.memory_space<vmem>>, vector<1x16xf32>,
      %get3A_1632 = vector.shape_cast %get3A_1631 : vector<1x16xf32> to vector<16xf32>
      %add3A_1633 = arith.addf %get3A_1626, %get3A_1632 : vector<16xf32>
      %mul3A_1634 = vector.broadcast %squeeze3A_161 : f32 to vector<16xf32>
      %mul3A_1635 = arith.mulf %mul3A_1634, %mul3A_1525 : vector<16xf32>
      %add3A_1636 = arith.addf %add3A_1633, %mul3A_1635 : vector<16xf32>
      %max3A_1637 = arith.constant 0.000000e+00 : f32
      %max3A_1638 = vector.broadcast %max3A_1637 : f32 to vector<16xf32>
      %max3A_1639 = arith.maximumf %add3A_1636, %max3A_1638 : vector<16xf32>
      %add3A_1640 = arith.constant 6 : i32
      %add3A_1641 = arith.addi %mul3A_576, %add3A_1640 : i32
      %get3A_1642 = arith.index_cast %add3A_1641 : i32 to index
      %get3A_1643 = arith.constant 16 : index
      %get3A_1644 = tpu.vector_load %arg10[%get3A_1642, %get3A_1643] {strides = array<i32>} : memref<1024x32xf32, #tpu.memory_space<vmem>>, vector<1x16xf32>,
      %get3A_1645 = vector.shape_cast %get3A_1644 : vector<1x16xf32> to vector<16xf32>
      %add3A_1646 = arith.constant 6 : i32
      %add3A_1647 = arith.addi %mul3A_578, %add3A_1646 : i32
      %get3A_1648 = arith.index_cast %add3A_1647 : i32 to index
      %get3A_1649 = arith.constant 16 : index
      %get3A_1650 = tpu.vector_load %arg11[%get3A_1648, %get3A_1649] {strides = array<i32>} : memref<1024x32xf32, #tpu.memory_space<vmem>>, vector<1x16xf32>,
      %get3A_1651 = vector.shape_cast %get3A_1650 : vector<1x16xf32> to vector<16xf32>
      %add3A_1652 = arith.addf %get3A_1645, %get3A_1651 : vector<16xf32>
      %mul3A_1653 = vector.broadcast %squeeze3A_175 : f32 to vector<16xf32>
      %mul3A_1654 = arith.mulf %mul3A_1653, %mul3A_1525 : vector<16xf32>
      %add3A_1655 = arith.addf %add3A_1652, %mul3A_1654 : vector<16xf32>
      %max3A_1656 = arith.constant 0.000000e+00 : f32
      %max3A_1657 = vector.broadcast %max3A_1656 : f32 to vector<16xf32>
      %max3A_1658 = arith.maximumf %add3A_1655, %max3A_1657 : vector<16xf32>
      %add3A_1659 = arith.constant 7 : i32
      %add3A_1660 = arith.addi %mul3A_576, %add3A_1659 : i32
      %get3A_1661 = arith.index_cast %add3A_1660 : i32 to index
      %get3A_1662 = arith.constant 16 : index
      %get3A_1663 = tpu.vector_load %arg10[%get3A_1661, %get3A_1662] {strides = array<i32>} : memref<1024x32xf32, #tpu.memory_space<vmem>>, vector<1x16xf32>,
      %get3A_1664 = vector.shape_cast %get3A_1663 : vector<1x16xf32> to vector<16xf32>
      %add3A_1665 = arith.constant 7 : i32
      %add3A_1666 = arith.addi %mul3A_578, %add3A_1665 : i32
      %get3A_1667 = arith.index_cast %add3A_1666 : i32 to index
      %get3A_1668 = arith.constant 16 : index
      %get3A_1669 = tpu.vector_load %arg11[%get3A_1667, %get3A_1668] {strides = array<i32>} : memref<1024x32xf32, #tpu.memory_space<vmem>>, vector<1x16xf32>,
      %get3A_1670 = vector.shape_cast %get3A_1669 : vector<1x16xf32> to vector<16xf32>
      %add3A_1671 = arith.addf %get3A_1664, %get3A_1670 : vector<16xf32>
      %mul3A_1672 = vector.broadcast %squeeze3A_189 : f32 to vector<16xf32>
      %mul3A_1673 = arith.mulf %mul3A_1672, %mul3A_1525 : vector<16xf32>
      %add3A_1674 = arith.addf %add3A_1671, %mul3A_1673 : vector<16xf32>
      %max3A_1675 = arith.constant 0.000000e+00 : f32
      %max3A_1676 = vector.broadcast %max3A_1675 : f32 to vector<16xf32>
      %max3A_1677 = arith.maximumf %add3A_1674, %max3A_1676 : vector<16xf32>
      %add3A_1678 = arith.constant 8 : i32
      %add3A_1679 = arith.addi %mul3A_576, %add3A_1678 : i32
      %get3A_1680 = arith.index_cast %add3A_1679 : i32 to index
      %get3A_1681 = arith.constant 16 : index
      %get3A_1682 = tpu.vector_load %arg10[%get3A_1680, %get3A_1681] {strides = array<i32>} : memref<1024x32xf32, #tpu.memory_space<vmem>>, vector<1x16xf32>,
      %get3A_1683 = vector.shape_cast %get3A_1682 : vector<1x16xf32> to vector<16xf32>
      %add3A_1684 = arith.constant 8 : i32
      %add3A_1685 = arith.addi %mul3A_578, %add3A_1684 : i32
      %get3A_1686 = arith.index_cast %add3A_1685 : i32 to index
      %get3A_1687 = arith.constant 16 : index
      %get3A_1688 = tpu.vector_load %arg11[%get3A_1686, %get3A_1687] {strides = array<i32>} : memref<1024x32xf32, #tpu.memory_space<vmem>>, vector<1x16xf32>,
      %get3A_1689 = vector.shape_cast %get3A_1688 : vector<1x16xf32> to vector<16xf32>
      %add3A_1690 = arith.addf %get3A_1683, %get3A_1689 : vector<16xf32>
      %mul3A_1691 = vector.broadcast %squeeze3A_203 : f32 to vector<16xf32>
      %mul3A_1692 = arith.mulf %mul3A_1691, %mul3A_1525 : vector<16xf32>
      %add3A_1693 = arith.addf %add3A_1690, %mul3A_1692 : vector<16xf32>
      %max3A_1694 = arith.constant 0.000000e+00 : f32
      %max3A_1695 = vector.broadcast %max3A_1694 : f32 to vector<16xf32>
      %max3A_1696 = arith.maximumf %add3A_1693, %max3A_1695 : vector<16xf32>
      %add3A_1697 = arith.constant 9 : i32
      %add3A_1698 = arith.addi %mul3A_576, %add3A_1697 : i32
      %get3A_1699 = arith.index_cast %add3A_1698 : i32 to index
      %get3A_1700 = arith.constant 16 : index
      %get3A_1701 = tpu.vector_load %arg10[%get3A_1699, %get3A_1700] {strides = array<i32>} : memref<1024x32xf32, #tpu.memory_space<vmem>>, vector<1x16xf32>,
      %get3A_1702 = vector.shape_cast %get3A_1701 : vector<1x16xf32> to vector<16xf32>
      %add3A_1703 = arith.constant 9 : i32
      %add3A_1704 = arith.addi %mul3A_578, %add3A_1703 : i32
      %get3A_1705 = arith.index_cast %add3A_1704 : i32 to index
      %get3A_1706 = arith.constant 16 : index
      %get3A_1707 = tpu.vector_load %arg11[%get3A_1705, %get3A_1706] {strides = array<i32>} : memref<1024x32xf32, #tpu.memory_space<vmem>>, vector<1x16xf32>,
      %get3A_1708 = vector.shape_cast %get3A_1707 : vector<1x16xf32> to vector<16xf32>
      %add3A_1709 = arith.addf %get3A_1702, %get3A_1708 : vector<16xf32>
      %mul3A_1710 = vector.broadcast %squeeze3A_217 : f32 to vector<16xf32>
      %mul3A_1711 = arith.mulf %mul3A_1710, %mul3A_1525 : vector<16xf32>
      %add3A_1712 = arith.addf %add3A_1709, %mul3A_1711 : vector<16xf32>
      %max3A_1713 = arith.constant 0.000000e+00 : f32
      %max3A_1714 = vector.broadcast %max3A_1713 : f32 to vector<16xf32>
      %max3A_1715 = arith.maximumf %add3A_1712, %max3A_1714 : vector<16xf32>
      %add3A_1716 = arith.constant 10 : i32
      %add3A_1717 = arith.addi %mul3A_576, %add3A_1716 : i32
      %get3A_1718 = arith.index_cast %add3A_1717 : i32 to index
      %get3A_1719 = arith.constant 16 : index
      %get3A_1720 = tpu.vector_load %arg10[%get3A_1718, %get3A_1719] {strides = array<i32>} : memref<1024x32xf32, #tpu.memory_space<vmem>>, vector<1x16xf32>,
      %get3A_1721 = vector.shape_cast %get3A_1720 : vector<1x16xf32> to vector<16xf32>
      %add3A_1722 = arith.constant 10 : i32
      %add3A_1723 = arith.addi %mul3A_578, %add3A_1722 : i32
      %get3A_1724 = arith.index_cast %add3A_1723 : i32 to index
      %get3A_1725 = arith.constant 16 : index
      %get3A_1726 = tpu.vector_load %arg11[%get3A_1724, %get3A_1725] {strides = array<i32>} : memref<1024x32xf32, #tpu.memory_space<vmem>>, vector<1x16xf32>,
      %get3A_1727 = vector.shape_cast %get3A_1726 : vector<1x16xf32> to vector<16xf32>
      %add3A_1728 = arith.addf %get3A_1721, %get3A_1727 : vector<16xf32>
      %mul3A_1729 = vector.broadcast %squeeze3A_231 : f32 to vector<16xf32>
      %mul3A_1730 = arith.mulf %mul3A_1729, %mul3A_1525 : vector<16xf32>
      %add3A_1731 = arith.addf %add3A_1728, %mul3A_1730 : vector<16xf32>
      %max3A_1732 = arith.constant 0.000000e+00 : f32
      %max3A_1733 = vector.broadcast %max3A_1732 : f32 to vector<16xf32>
      %max3A_1734 = arith.maximumf %add3A_1731, %max3A_1733 : vector<16xf32>
      %add3A_1735 = arith.constant 11 : i32
      %add3A_1736 = arith.addi %mul3A_576, %add3A_1735 : i32
      %get3A_1737 = arith.index_cast %add3A_1736 : i32 to index
      %get3A_1738 = arith.constant 16 : index
      %get3A_1739 = tpu.vector_load %arg10[%get3A_1737, %get3A_1738] {strides = array<i32>} : memref<1024x32xf32, #tpu.memory_space<vmem>>, vector<1x16xf32>,
      %get3A_1740 = vector.shape_cast %get3A_1739 : vector<1x16xf32> to vector<16xf32>
      %add3A_1741 = arith.constant 11 : i32
      %add3A_1742 = arith.addi %mul3A_578, %add3A_1741 : i32
      %get3A_1743 = arith.index_cast %add3A_1742 : i32 to index
      %get3A_1744 = arith.constant 16 : index
      %get3A_1745 = tpu.vector_load %arg11[%get3A_1743, %get3A_1744] {strides = array<i32>} : memref<1024x32xf32, #tpu.memory_space<vmem>>, vector<1x16xf32>,
      %get3A_1746 = vector.shape_cast %get3A_1745 : vector<1x16xf32> to vector<16xf32>
      %add3A_1747 = arith.addf %get3A_1740, %get3A_1746 : vector<16xf32>
      %mul3A_1748 = vector.broadcast %squeeze3A_245 : f32 to vector<16xf32>
      %mul3A_1749 = arith.mulf %mul3A_1748, %mul3A_1525 : vector<16xf32>
      %add3A_1750 = arith.addf %add3A_1747, %mul3A_1749 : vector<16xf32>
      %max3A_1751 = arith.constant 0.000000e+00 : f32
      %max3A_1752 = vector.broadcast %max3A_1751 : f32 to vector<16xf32>
      %max3A_1753 = arith.maximumf %add3A_1750, %max3A_1752 : vector<16xf32>
      %add3A_1754 = arith.constant 12 : i32
      %add3A_1755 = arith.addi %mul3A_576, %add3A_1754 : i32
      %get3A_1756 = arith.index_cast %add3A_1755 : i32 to index
      %get3A_1757 = arith.constant 16 : index
      %get3A_1758 = tpu.vector_load %arg10[%get3A_1756, %get3A_1757] {strides = array<i32>} : memref<1024x32xf32, #tpu.memory_space<vmem>>, vector<1x16xf32>,
      %get3A_1759 = vector.shape_cast %get3A_1758 : vector<1x16xf32> to vector<16xf32>
      %add3A_1760 = arith.constant 12 : i32
      %add3A_1761 = arith.addi %mul3A_578, %add3A_1760 : i32
      %get3A_1762 = arith.index_cast %add3A_1761 : i32 to index
      %get3A_1763 = arith.constant 16 : index
      %get3A_1764 = tpu.vector_load %arg11[%get3A_1762, %get3A_1763] {strides = array<i32>} : memref<1024x32xf32, #tpu.memory_space<vmem>>, vector<1x16xf32>,
      %get3A_1765 = vector.shape_cast %get3A_1764 : vector<1x16xf32> to vector<16xf32>
      %add3A_1766 = arith.addf %get3A_1759, %get3A_1765 : vector<16xf32>
      %mul3A_1767 = vector.broadcast %squeeze3A_259 : f32 to vector<16xf32>
      %mul3A_1768 = arith.mulf %mul3A_1767, %mul3A_1525 : vector<16xf32>
      %add3A_1769 = arith.addf %add3A_1766, %mul3A_1768 : vector<16xf32>
      %max3A_1770 = arith.constant 0.000000e+00 : f32
      %max3A_1771 = vector.broadcast %max3A_1770 : f32 to vector<16xf32>
      %max3A_1772 = arith.maximumf %add3A_1769, %max3A_1771 : vector<16xf32>
      %add3A_1773 = arith.constant 13 : i32
      %add3A_1774 = arith.addi %mul3A_576, %add3A_1773 : i32
      %get3A_1775 = arith.index_cast %add3A_1774 : i32 to index
      %get3A_1776 = arith.constant 16 : index
      %get3A_1777 = tpu.vector_load %arg10[%get3A_1775, %get3A_1776] {strides = array<i32>} : memref<1024x32xf32, #tpu.memory_space<vmem>>, vector<1x16xf32>,
      %get3A_1778 = vector.shape_cast %get3A_1777 : vector<1x16xf32> to vector<16xf32>
      %add3A_1779 = arith.constant 13 : i32
      %add3A_1780 = arith.addi %mul3A_578, %add3A_1779 : i32
      %get3A_1781 = arith.index_cast %add3A_1780 : i32 to index
      %get3A_1782 = arith.constant 16 : index
      %get3A_1783 = tpu.vector_load %arg11[%get3A_1781, %get3A_1782] {strides = array<i32>} : memref<1024x32xf32, #tpu.memory_space<vmem>>, vector<1x16xf32>,
      %get3A_1784 = vector.shape_cast %get3A_1783 : vector<1x16xf32> to vector<16xf32>
      %add3A_1785 = arith.addf %get3A_1778, %get3A_1784 : vector<16xf32>
      %mul3A_1786 = vector.broadcast %squeeze3A_273 : f32 to vector<16xf32>
      %mul3A_1787 = arith.mulf %mul3A_1786, %mul3A_1525 : vector<16xf32>
      %add3A_1788 = arith.addf %add3A_1785, %mul3A_1787 : vector<16xf32>
      %max3A_1789 = arith.constant 0.000000e+00 : f32
      %max3A_1790 = vector.broadcast %max3A_1789 : f32 to vector<16xf32>
      %max3A_1791 = arith.maximumf %add3A_1788, %max3A_1790 : vector<16xf32>
      %add3A_1792 = arith.constant 14 : i32
      %add3A_1793 = arith.addi %mul3A_576, %add3A_1792 : i32
      %get3A_1794 = arith.index_cast %add3A_1793 : i32 to index
      %get3A_1795 = arith.constant 16 : index
      %get3A_1796 = tpu.vector_load %arg10[%get3A_1794, %get3A_1795] {strides = array<i32>} : memref<1024x32xf32, #tpu.memory_space<vmem>>, vector<1x16xf32>,
      %get3A_1797 = vector.shape_cast %get3A_1796 : vector<1x16xf32> to vector<16xf32>
      %add3A_1798 = arith.constant 14 : i32
      %add3A_1799 = arith.addi %mul3A_578, %add3A_1798 : i32
      %get3A_1800 = arith.index_cast %add3A_1799 : i32 to index
      %get3A_1801 = arith.constant 16 : index
      %get3A_1802 = tpu.vector_load %arg11[%get3A_1800, %get3A_1801] {strides = array<i32>} : memref<1024x32xf32, #tpu.memory_space<vmem>>, vector<1x16xf32>,
      %get3A_1803 = vector.shape_cast %get3A_1802 : vector<1x16xf32> to vector<16xf32>
      %add3A_1804 = arith.addf %get3A_1797, %get3A_1803 : vector<16xf32>
      %mul3A_1805 = vector.broadcast %squeeze3A_287 : f32 to vector<16xf32>
      %mul3A_1806 = arith.mulf %mul3A_1805, %mul3A_1525 : vector<16xf32>
      %add3A_1807 = arith.addf %add3A_1804, %mul3A_1806 : vector<16xf32>
      %max3A_1808 = arith.constant 0.000000e+00 : f32
      %max3A_1809 = vector.broadcast %max3A_1808 : f32 to vector<16xf32>
      %max3A_1810 = arith.maximumf %add3A_1807, %max3A_1809 : vector<16xf32>
      %add3A_1811 = arith.constant 15 : i32
      %add3A_1812 = arith.addi %mul3A_576, %add3A_1811 : i32
      %get3A_1813 = arith.index_cast %add3A_1812 : i32 to index
      %get3A_1814 = arith.constant 16 : index
      %get3A_1815 = tpu.vector_load %arg10[%get3A_1813, %get3A_1814] {strides = array<i32>} : memref<1024x32xf32, #tpu.memory_space<vmem>>, vector<1x16xf32>,
      %get3A_1816 = vector.shape_cast %get3A_1815 : vector<1x16xf32> to vector<16xf32>
      %add3A_1817 = arith.constant 15 : i32
      %add3A_1818 = arith.addi %mul3A_578, %add3A_1817 : i32
      %get3A_1819 = arith.index_cast %add3A_1818 : i32 to index
      %get3A_1820 = arith.constant 16 : index
      %get3A_1821 = tpu.vector_load %arg11[%get3A_1819, %get3A_1820] {strides = array<i32>} : memref<1024x32xf32, #tpu.memory_space<vmem>>, vector<1x16xf32>,
      %get3A_1822 = vector.shape_cast %get3A_1821 : vector<1x16xf32> to vector<16xf32>
      %add3A_1823 = arith.addf %get3A_1816, %get3A_1822 : vector<16xf32>
      %mul3A_1824 = vector.broadcast %squeeze3A_301 : f32 to vector<16xf32>
      %mul3A_1825 = arith.mulf %mul3A_1824, %mul3A_1525 : vector<16xf32>
      %add3A_1826 = arith.addf %add3A_1823, %mul3A_1825 : vector<16xf32>
      %max3A_1827 = arith.constant 0.000000e+00 : f32
      %max3A_1828 = vector.broadcast %max3A_1827 : f32 to vector<16xf32>
      %max3A_1829 = arith.maximumf %add3A_1826, %max3A_1828 : vector<16xf32>
      %mul3A_1830 = vector.broadcast %squeeze3A_335 : f32 to vector<16xf32>
      %mul3A_1831 = arith.mulf %mul3A_1830, %max3A_1544 : vector<16xf32>
      %add3A_1832 = vector.broadcast %squeeze3A_463 : f32 to vector<16xf32>
      %add3A_1833 = arith.addf %add3A_1832, %mul3A_1831 : vector<16xf32>
      %mul3A_1834 = vector.broadcast %squeeze3A_337 : f32 to vector<16xf32>
      %mul3A_1835 = arith.mulf %mul3A_1834, %max3A_1563 : vector<16xf32>
      %add3A_1836 = arith.addf %add3A_1833, %mul3A_1835 : vector<16xf32>
      %mul3A_1837 = vector.broadcast %squeeze3A_339 : f32 to vector<16xf32>
      %mul3A_1838 = arith.mulf %mul3A_1837, %max3A_1582 : vector<16xf32>
      %add3A_1839 = arith.addf %add3A_1836, %mul3A_1838 : vector<16xf32>
      %mul3A_1840 = vector.broadcast %squeeze3A_341 : f32 to vector<16xf32>
      %mul3A_1841 = arith.mulf %mul3A_1840, %max3A_1601 : vector<16xf32>
      %add3A_1842 = arith.addf %add3A_1839, %mul3A_1841 : vector<16xf32>
      %mul3A_1843 = vector.broadcast %squeeze3A_343 : f32 to vector<16xf32>
      %mul3A_1844 = arith.mulf %mul3A_1843, %max3A_1620 : vector<16xf32>
      %add3A_1845 = arith.addf %add3A_1842, %mul3A_1844 : vector<16xf32>
      %mul3A_1846 = vector.broadcast %squeeze3A_345 : f32 to vector<16xf32>
      %mul3A_1847 = arith.mulf %mul3A_1846, %max3A_1639 : vector<16xf32>
      %add3A_1848 = arith.addf %add3A_1845, %mul3A_1847 : vector<16xf32>
      %mul3A_1849 = vector.broadcast %squeeze3A_347 : f32 to vector<16xf32>
      %mul3A_1850 = arith.mulf %mul3A_1849, %max3A_1658 : vector<16xf32>
      %add3A_1851 = arith.addf %add3A_1848, %mul3A_1850 : vector<16xf32>
      %mul3A_1852 = vector.broadcast %squeeze3A_349 : f32 to vector<16xf32>
      %mul3A_1853 = arith.mulf %mul3A_1852, %max3A_1677 : vector<16xf32>
      %add3A_1854 = arith.addf %add3A_1851, %mul3A_1853 : vector<16xf32>
      %mul3A_1855 = vector.broadcast %squeeze3A_351 : f32 to vector<16xf32>
      %mul3A_1856 = arith.mulf %mul3A_1855, %max3A_1696 : vector<16xf32>
      %add3A_1857 = arith.addf %add3A_1854, %mul3A_1856 : vector<16xf32>
      %mul3A_1858 = vector.broadcast %squeeze3A_353 : f32 to vector<16xf32>
      %mul3A_1859 = arith.mulf %mul3A_1858, %max3A_1715 : vector<16xf32>
      %add3A_1860 = arith.addf %add3A_1857, %mul3A_1859 : vector<16xf32>
      %mul3A_1861 = vector.broadcast %squeeze3A_355 : f32 to vector<16xf32>
      %mul3A_1862 = arith.mulf %mul3A_1861, %max3A_1734 : vector<16xf32>
      %add3A_1863 = arith.addf %add3A_1860, %mul3A_1862 : vector<16xf32>
      %mul3A_1864 = vector.broadcast %squeeze3A_357 : f32 to vector<16xf32>
      %mul3A_1865 = arith.mulf %mul3A_1864, %max3A_1753 : vector<16xf32>
      %add3A_1866 = arith.addf %add3A_1863, %mul3A_1865 : vector<16xf32>
      %mul3A_1867 = vector.broadcast %squeeze3A_359 : f32 to vector<16xf32>
      %mul3A_1868 = arith.mulf %mul3A_1867, %max3A_1772 : vector<16xf32>
      %add3A_1869 = arith.addf %add3A_1866, %mul3A_1868 : vector<16xf32>
      %mul3A_1870 = vector.broadcast %squeeze3A_361 : f32 to vector<16xf32>
      %mul3A_1871 = arith.mulf %mul3A_1870, %max3A_1791 : vector<16xf32>
      %add3A_1872 = arith.addf %add3A_1869, %mul3A_1871 : vector<16xf32>
      %mul3A_1873 = vector.broadcast %squeeze3A_363 : f32 to vector<16xf32>
      %mul3A_1874 = arith.mulf %mul3A_1873, %max3A_1810 : vector<16xf32>
      %add3A_1875 = arith.addf %add3A_1872, %mul3A_1874 : vector<16xf32>
      %mul3A_1876 = vector.broadcast %squeeze3A_365 : f32 to vector<16xf32>
      %mul3A_1877 = arith.mulf %mul3A_1876, %max3A_1829 : vector<16xf32>
      %add3A_1878 = arith.addf %add3A_1875, %mul3A_1877 : vector<16xf32>
      %mul3A_1879 = arith.constant 4 : i32
      %mul3A_1880 = arith.muli %squeeze3A_570, %mul3A_1879 : i32
      %add3A_1881 = arith.constant 0 : i32
      %add3A_1882 = arith.addi %mul3A_1880, %add3A_1881 : i32
      %get3A_1883 = arith.index_cast %add3A_1882 : i32 to index
      %get3A_1884 = arith.constant 16 : index
      %get3A_1885 = tpu.vector_load %arg8[%get3A_1883, %get3A_1884] {strides = array<i32>} : memref<256x32xf32, #tpu.memory_space<vmem>>, vector<1x16xf32>,
      %get3A_1886 = vector.shape_cast %get3A_1885 : vector<1x16xf32> to vector<16xf32>
      %add3A_1887 = arith.addf %get3A_1886, %add3A_1878 : vector<16xf32>
      %swap3A_1888 = arith.index_cast %add3A_1882 : i32 to index
      %swap3A_1889 = arith.constant 16 : index
      %swap3A_1890 = tpu.vector_load %arg8[%swap3A_1888, %swap3A_1889] {strides = array<i32>} : memref<256x32xf32, #tpu.memory_space<vmem>>, vector<1x16xf32>,
      %swap3A_1891 = vector.shape_cast %swap3A_1890 : vector<1x16xf32> to vector<16xf32>
      %swap3A_1892 = vector.shape_cast %add3A_1887 : vector<16xf32> to vector<1x16xf32>
      tpu.vector_store %arg8[%swap3A_1888, %swap3A_1889], %swap3A_1892 {strides = array<i32>} : memref<256x32xf32, #tpu.memory_space<vmem>>, vector<1x16xf32>,
      %mul3A_1893 = vector.broadcast %squeeze3A_367 : f32 to vector<16xf32>
      %mul3A_1894 = arith.mulf %mul3A_1893, %max3A_1544 : vector<16xf32>
      %add3A_1895 = vector.broadcast %squeeze3A_465 : f32 to vector<16xf32>
      %add3A_1896 = arith.addf %add3A_1895, %mul3A_1894 : vector<16xf32>
      %mul3A_1897 = vector.broadcast %squeeze3A_369 : f32 to vector<16xf32>
      %mul3A_1898 = arith.mulf %mul3A_1897, %max3A_1563 : vector<16xf32>
      %add3A_1899 = arith.addf %add3A_1896, %mul3A_1898 : vector<16xf32>
      %mul3A_1900 = vector.broadcast %squeeze3A_371 : f32 to vector<16xf32>
      %mul3A_1901 = arith.mulf %mul3A_1900, %max3A_1582 : vector<16xf32>
      %add3A_1902 = arith.addf %add3A_1899, %mul3A_1901 : vector<16xf32>
      %mul3A_1903 = vector.broadcast %squeeze3A_373 : f32 to vector<16xf32>
      %mul3A_1904 = arith.mulf %mul3A_1903, %max3A_1601 : vector<16xf32>
      %add3A_1905 = arith.addf %add3A_1902, %mul3A_1904 : vector<16xf32>
      %mul3A_1906 = vector.broadcast %squeeze3A_375 : f32 to vector<16xf32>
      %mul3A_1907 = arith.mulf %mul3A_1906, %max3A_1620 : vector<16xf32>
      %add3A_1908 = arith.addf %add3A_1905, %mul3A_1907 : vector<16xf32>
      %mul3A_1909 = vector.broadcast %squeeze3A_377 : f32 to vector<16xf32>
      %mul3A_1910 = arith.mulf %mul3A_1909, %max3A_1639 : vector<16xf32>
      %add3A_1911 = arith.addf %add3A_1908, %mul3A_1910 : vector<16xf32>
      %mul3A_1912 = vector.broadcast %squeeze3A_379 : f32 to vector<16xf32>
      %mul3A_1913 = arith.mulf %mul3A_1912, %max3A_1658 : vector<16xf32>
      %add3A_1914 = arith.addf %add3A_1911, %mul3A_1913 : vector<16xf32>
      %mul3A_1915 = vector.broadcast %squeeze3A_381 : f32 to vector<16xf32>
      %mul3A_1916 = arith.mulf %mul3A_1915, %max3A_1677 : vector<16xf32>
      %add3A_1917 = arith.addf %add3A_1914, %mul3A_1916 : vector<16xf32>
      %mul3A_1918 = vector.broadcast %squeeze3A_383 : f32 to vector<16xf32>
      %mul3A_1919 = arith.mulf %mul3A_1918, %max3A_1696 : vector<16xf32>
      %add3A_1920 = arith.addf %add3A_1917, %mul3A_1919 : vector<16xf32>
      %mul3A_1921 = vector.broadcast %squeeze3A_385 : f32 to vector<16xf32>
      %mul3A_1922 = arith.mulf %mul3A_1921, %max3A_1715 : vector<16xf32>
      %add3A_1923 = arith.addf %add3A_1920, %mul3A_1922 : vector<16xf32>
      %mul3A_1924 = vector.broadcast %squeeze3A_387 : f32 to vector<16xf32>
      %mul3A_1925 = arith.mulf %mul3A_1924, %max3A_1734 : vector<16xf32>
      %add3A_1926 = arith.addf %add3A_1923, %mul3A_1925 : vector<16xf32>
      %mul3A_1927 = vector.broadcast %squeeze3A_389 : f32 to vector<16xf32>
      %mul3A_1928 = arith.mulf %mul3A_1927, %max3A_1753 : vector<16xf32>
      %add3A_1929 = arith.addf %add3A_1926, %mul3A_1928 : vector<16xf32>
      %mul3A_1930 = vector.broadcast %squeeze3A_391 : f32 to vector<16xf32>
      %mul3A_1931 = arith.mulf %mul3A_1930, %max3A_1772 : vector<16xf32>
      %add3A_1932 = arith.addf %add3A_1929, %mul3A_1931 : vector<16xf32>
      %mul3A_1933 = vector.broadcast %squeeze3A_393 : f32 to vector<16xf32>
      %mul3A_1934 = arith.mulf %mul3A_1933, %max3A_1791 : vector<16xf32>
      %add3A_1935 = arith.addf %add3A_1932, %mul3A_1934 : vector<16xf32>
      %mul3A_1936 = vector.broadcast %squeeze3A_395 : f32 to vector<16xf32>
      %mul3A_1937 = arith.mulf %mul3A_1936, %max3A_1810 : vector<16xf32>
      %add3A_1938 = arith.addf %add3A_1935, %mul3A_1937 : vector<16xf32>
      %mul3A_1939 = vector.broadcast %squeeze3A_397 : f32 to vector<16xf32>
      %mul3A_1940 = arith.mulf %mul3A_1939, %max3A_1829 : vector<16xf32>
      %add3A_1941 = arith.addf %add3A_1938, %mul3A_1940 : vector<16xf32>
      %mul3A_1942 = arith.constant 4 : i32
      %mul3A_1943 = arith.muli %squeeze3A_570, %mul3A_1942 : i32
      %add3A_1944 = arith.constant 1 : i32
      %add3A_1945 = arith.addi %mul3A_1943, %add3A_1944 : i32
      %get3A_1946 = arith.index_cast %add3A_1945 : i32 to index
      %get3A_1947 = arith.constant 16 : index
      %get3A_1948 = tpu.vector_load %arg8[%get3A_1946, %get3A_1947] {strides = array<i32>} : memref<256x32xf32, #tpu.memory_space<vmem>>, vector<1x16xf32>,
      %get3A_1949 = vector.shape_cast %get3A_1948 : vector<1x16xf32> to vector<16xf32>
      %add3A_1950 = arith.addf %get3A_1949, %add3A_1941 : vector<16xf32>
      %swap3A_1951 = arith.index_cast %add3A_1945 : i32 to index
      %swap3A_1952 = arith.constant 16 : index
      %swap3A_1953 = tpu.vector_load %arg8[%swap3A_1951, %swap3A_1952] {strides = array<i32>} : memref<256x32xf32, #tpu.memory_space<vmem>>, vector<1x16xf32>,
      %swap3A_1954 = vector.shape_cast %swap3A_1953 : vector<1x16xf32> to vector<16xf32>
      %swap3A_1955 = vector.shape_cast %add3A_1950 : vector<16xf32> to vector<1x16xf32>
      tpu.vector_store %arg8[%swap3A_1951, %swap3A_1952], %swap3A_1955 {strides = array<i32>} : memref<256x32xf32, #tpu.memory_space<vmem>>, vector<1x16xf32>,
      %mul3A_1956 = vector.broadcast %squeeze3A_399 : f32 to vector<16xf32>
      %mul3A_1957 = arith.mulf %mul3A_1956, %max3A_1544 : vector<16xf32>
      %add3A_1958 = vector.broadcast %squeeze3A_467 : f32 to vector<16xf32>
      %add3A_1959 = arith.addf %add3A_1958, %mul3A_1957 : vector<16xf32>
      %mul3A_1960 = vector.broadcast %squeeze3A_401 : f32 to vector<16xf32>
      %mul3A_1961 = arith.mulf %mul3A_1960, %max3A_1563 : vector<16xf32>
      %add3A_1962 = arith.addf %add3A_1959, %mul3A_1961 : vector<16xf32>
      %mul3A_1963 = vector.broadcast %squeeze3A_403 : f32 to vector<16xf32>
      %mul3A_1964 = arith.mulf %mul3A_1963, %max3A_1582 : vector<16xf32>
      %add3A_1965 = arith.addf %add3A_1962, %mul3A_1964 : vector<16xf32>
      %mul3A_1966 = vector.broadcast %squeeze3A_405 : f32 to vector<16xf32>
      %mul3A_1967 = arith.mulf %mul3A_1966, %max3A_1601 : vector<16xf32>
      %add3A_1968 = arith.addf %add3A_1965, %mul3A_1967 : vector<16xf32>
      %mul3A_1969 = vector.broadcast %squeeze3A_407 : f32 to vector<16xf32>
      %mul3A_1970 = arith.mulf %mul3A_1969, %max3A_1620 : vector<16xf32>
      %add3A_1971 = arith.addf %add3A_1968, %mul3A_1970 : vector<16xf32>
      %mul3A_1972 = vector.broadcast %squeeze3A_409 : f32 to vector<16xf32>
      %mul3A_1973 = arith.mulf %mul3A_1972, %max3A_1639 : vector<16xf32>
      %add3A_1974 = arith.addf %add3A_1971, %mul3A_1973 : vector<16xf32>
      %mul3A_1975 = vector.broadcast %squeeze3A_411 : f32 to vector<16xf32>
      %mul3A_1976 = arith.mulf %mul3A_1975, %max3A_1658 : vector<16xf32>
      %add3A_1977 = arith.addf %add3A_1974, %mul3A_1976 : vector<16xf32>
      %mul3A_1978 = vector.broadcast %squeeze3A_413 : f32 to vector<16xf32>
      %mul3A_1979 = arith.mulf %mul3A_1978, %max3A_1677 : vector<16xf32>
      %add3A_1980 = arith.addf %add3A_1977, %mul3A_1979 : vector<16xf32>
      %mul3A_1981 = vector.broadcast %squeeze3A_415 : f32 to vector<16xf32>
      %mul3A_1982 = arith.mulf %mul3A_1981, %max3A_1696 : vector<16xf32>
      %add3A_1983 = arith.addf %add3A_1980, %mul3A_1982 : vector<16xf32>
      %mul3A_1984 = vector.broadcast %squeeze3A_417 : f32 to vector<16xf32>
      %mul3A_1985 = arith.mulf %mul3A_1984, %max3A_1715 : vector<16xf32>
      %add3A_1986 = arith.addf %add3A_1983, %mul3A_1985 : vector<16xf32>
      %mul3A_1987 = vector.broadcast %squeeze3A_419 : f32 to vector<16xf32>
      %mul3A_1988 = arith.mulf %mul3A_1987, %max3A_1734 : vector<16xf32>
      %add3A_1989 = arith.addf %add3A_1986, %mul3A_1988 : vector<16xf32>
      %mul3A_1990 = vector.broadcast %squeeze3A_421 : f32 to vector<16xf32>
      %mul3A_1991 = arith.mulf %mul3A_1990, %max3A_1753 : vector<16xf32>
      %add3A_1992 = arith.addf %add3A_1989, %mul3A_1991 : vector<16xf32>
      %mul3A_1993 = vector.broadcast %squeeze3A_423 : f32 to vector<16xf32>
      %mul3A_1994 = arith.mulf %mul3A_1993, %max3A_1772 : vector<16xf32>
      %add3A_1995 = arith.addf %add3A_1992, %mul3A_1994 : vector<16xf32>
      %mul3A_1996 = vector.broadcast %squeeze3A_425 : f32 to vector<16xf32>
      %mul3A_1997 = arith.mulf %mul3A_1996, %max3A_1791 : vector<16xf32>
      %add3A_1998 = arith.addf %add3A_1995, %mul3A_1997 : vector<16xf32>
      %mul3A_1999 = vector.broadcast %squeeze3A_427 : f32 to vector<16xf32>
      %mul3A_2000 = arith.mulf %mul3A_1999, %max3A_1810 : vector<16xf32>
      %add3A_2001 = arith.addf %add3A_1998, %mul3A_2000 : vector<16xf32>
      %mul3A_2002 = vector.broadcast %squeeze3A_429 : f32 to vector<16xf32>
      %mul3A_2003 = arith.mulf %mul3A_2002, %max3A_1829 : vector<16xf32>
      %add3A_2004 = arith.addf %add3A_2001, %mul3A_2003 : vector<16xf32>
      %mul3A_2005 = arith.constant 4 : i32
      %mul3A_2006 = arith.muli %squeeze3A_570, %mul3A_2005 : i32
      %add3A_2007 = arith.constant 2 : i32
      %add3A_2008 = arith.addi %mul3A_2006, %add3A_2007 : i32
      %get3A_2009 = arith.index_cast %add3A_2008 : i32 to index
      %get3A_2010 = arith.constant 16 : index
      %get3A_2011 = tpu.vector_load %arg8[%get3A_2009, %get3A_2010] {strides = array<i32>} : memref<256x32xf32, #tpu.memory_space<vmem>>, vector<1x16xf32>,
      %get3A_2012 = vector.shape_cast %get3A_2011 : vector<1x16xf32> to vector<16xf32>
      %add3A_2013 = arith.addf %get3A_2012, %add3A_2004 : vector<16xf32>
      %swap3A_2014 = arith.index_cast %add3A_2008 : i32 to index
      %swap3A_2015 = arith.constant 16 : index
      %swap3A_2016 = tpu.vector_load %arg8[%swap3A_2014, %swap3A_2015] {strides = array<i32>} : memref<256x32xf32, #tpu.memory_space<vmem>>, vector<1x16xf32>,
      %swap3A_2017 = vector.shape_cast %swap3A_2016 : vector<1x16xf32> to vector<16xf32>
      %swap3A_2018 = vector.shape_cast %add3A_2013 : vector<16xf32> to vector<1x16xf32>
      tpu.vector_store %arg8[%swap3A_2014, %swap3A_2015], %swap3A_2018 {strides = array<i32>} : memref<256x32xf32, #tpu.memory_space<vmem>>, vector<1x16xf32>,
      %mul3A_2019 = vector.broadcast %squeeze3A_431 : f32 to vector<16xf32>
      %mul3A_2020 = arith.mulf %mul3A_2019, %max3A_1544 : vector<16xf32>
      %add3A_2021 = vector.broadcast %squeeze3A_469 : f32 to vector<16xf32>
      %add3A_2022 = arith.addf %add3A_2021, %mul3A_2020 : vector<16xf32>
      %mul3A_2023 = vector.broadcast %squeeze3A_433 : f32 to vector<16xf32>
      %mul3A_2024 = arith.mulf %mul3A_2023, %max3A_1563 : vector<16xf32>
      %add3A_2025 = arith.addf %add3A_2022, %mul3A_2024 : vector<16xf32>
      %mul3A_2026 = vector.broadcast %squeeze3A_435 : f32 to vector<16xf32>
      %mul3A_2027 = arith.mulf %mul3A_2026, %max3A_1582 : vector<16xf32>
      %add3A_2028 = arith.addf %add3A_2025, %mul3A_2027 : vector<16xf32>
      %mul3A_2029 = vector.broadcast %squeeze3A_437 : f32 to vector<16xf32>
      %mul3A_2030 = arith.mulf %mul3A_2029, %max3A_1601 : vector<16xf32>
      %add3A_2031 = arith.addf %add3A_2028, %mul3A_2030 : vector<16xf32>
      %mul3A_2032 = vector.broadcast %squeeze3A_439 : f32 to vector<16xf32>
      %mul3A_2033 = arith.mulf %mul3A_2032, %max3A_1620 : vector<16xf32>
      %add3A_2034 = arith.addf %add3A_2031, %mul3A_2033 : vector<16xf32>
      %mul3A_2035 = vector.broadcast %squeeze3A_441 : f32 to vector<16xf32>
      %mul3A_2036 = arith.mulf %mul3A_2035, %max3A_1639 : vector<16xf32>
      %add3A_2037 = arith.addf %add3A_2034, %mul3A_2036 : vector<16xf32>
      %mul3A_2038 = vector.broadcast %squeeze3A_443 : f32 to vector<16xf32>
      %mul3A_2039 = arith.mulf %mul3A_2038, %max3A_1658 : vector<16xf32>
      %add3A_2040 = arith.addf %add3A_2037, %mul3A_2039 : vector<16xf32>
      %mul3A_2041 = vector.broadcast %squeeze3A_445 : f32 to vector<16xf32>
      %mul3A_2042 = arith.mulf %mul3A_2041, %max3A_1677 : vector<16xf32>
      %add3A_2043 = arith.addf %add3A_2040, %mul3A_2042 : vector<16xf32>
      %mul3A_2044 = vector.broadcast %squeeze3A_447 : f32 to vector<16xf32>
      %mul3A_2045 = arith.mulf %mul3A_2044, %max3A_1696 : vector<16xf32>
      %add3A_2046 = arith.addf %add3A_2043, %mul3A_2045 : vector<16xf32>
      %mul3A_2047 = vector.broadcast %squeeze3A_449 : f32 to vector<16xf32>
      %mul3A_2048 = arith.mulf %mul3A_2047, %max3A_1715 : vector<16xf32>
      %add3A_2049 = arith.addf %add3A_2046, %mul3A_2048 : vector<16xf32>
      %mul3A_2050 = vector.broadcast %squeeze3A_451 : f32 to vector<16xf32>
      %mul3A_2051 = arith.mulf %mul3A_2050, %max3A_1734 : vector<16xf32>
      %add3A_2052 = arith.addf %add3A_2049, %mul3A_2051 : vector<16xf32>
      %mul3A_2053 = vector.broadcast %squeeze3A_453 : f32 to vector<16xf32>
      %mul3A_2054 = arith.mulf %mul3A_2053, %max3A_1753 : vector<16xf32>
      %add3A_2055 = arith.addf %add3A_2052, %mul3A_2054 : vector<16xf32>
      %mul3A_2056 = vector.broadcast %squeeze3A_455 : f32 to vector<16xf32>
      %mul3A_2057 = arith.mulf %mul3A_2056, %max3A_1772 : vector<16xf32>
      %add3A_2058 = arith.addf %add3A_2055, %mul3A_2057 : vector<16xf32>
      %mul3A_2059 = vector.broadcast %squeeze3A_457 : f32 to vector<16xf32>
      %mul3A_2060 = arith.mulf %mul3A_2059, %max3A_1791 : vector<16xf32>
      %add3A_2061 = arith.addf %add3A_2058, %mul3A_2060 : vector<16xf32>
      %mul3A_2062 = vector.broadcast %squeeze3A_459 : f32 to vector<16xf32>
      %mul3A_2063 = arith.mulf %mul3A_2062, %max3A_1810 : vector<16xf32>
      %add3A_2064 = arith.addf %add3A_2061, %mul3A_2063 : vector<16xf32>
      %mul3A_2065 = vector.broadcast %squeeze3A_461 : f32 to vector<16xf32>
      %mul3A_2066 = arith.mulf %mul3A_2065, %max3A_1829 : vector<16xf32>
      %add3A_2067 = arith.addf %add3A_2064, %mul3A_2066 : vector<16xf32>
      %mul3A_2068 = arith.constant 4 : i32
      %mul3A_2069 = arith.muli %squeeze3A_570, %mul3A_2068 : i32
      %add3A_2070 = arith.constant 3 : i32
      %add3A_2071 = arith.addi %mul3A_2069, %add3A_2070 : i32
      %get3A_2072 = arith.index_cast %add3A_2071 : i32 to index
      %get3A_2073 = arith.constant 16 : index
      %get3A_2074 = tpu.vector_load %arg8[%get3A_2072, %get3A_2073] {strides = array<i32>} : memref<256x32xf32, #tpu.memory_space<vmem>>, vector<1x16xf32>,
      %get3A_2075 = vector.shape_cast %get3A_2074 : vector<1x16xf32> to vector<16xf32>
      %add3A_2076 = arith.addf %get3A_2075, %add3A_2067 : vector<16xf32>
      %swap3A_2077 = arith.index_cast %add3A_2071 : i32 to index
      %swap3A_2078 = arith.constant 16 : index
      %swap3A_2079 = tpu.vector_load %arg8[%swap3A_2077, %swap3A_2078] {strides = array<i32>} : memref<256x32xf32, #tpu.memory_space<vmem>>, vector<1x16xf32>,
      %swap3A_2080 = vector.shape_cast %swap3A_2079 : vector<1x16xf32> to vector<16xf32>
      %swap3A_2081 = vector.shape_cast %add3A_2076 : vector<16xf32> to vector<1x16xf32>
      tpu.vector_store %arg8[%swap3A_2077, %swap3A_2078], %swap3A_2081 {strides = array<i32>} : memref<256x32xf32, #tpu.memory_space<vmem>>, vector<1x16xf32>,
      %scan3A_2082 = arith.constant 0 : i32
      scf.yield %scan3A_2082 : i32
    }
    %scan3A_553 = arith.constant 1024 : i32
    %scan3A_554 = arith.constant 0 : i32
    %scan3A_555 = arith.constant 0 : i32
    %scan3A_556 = arith.constant 64 : i32
    %scan3A_557 = arith.addi %scan3A_555, %scan3A_556 : i32
    %scan3A_558 = arith.constant 1 : i32
    %scan3A_559 = scf.for %scan3A_561 = %scan3A_555 to %scan3A_557 step %scan3A_558 iter_args(%scan3A_562 = %scan3A_554) -> (i32)  : i32 {
      %mul3A_563 = arith.constant 3 : i32
      %mul3A_564 = arith.muli %scan3A_561, %mul3A_563 : i32
      %mul3A_565 = arith.constant 4 : i32
      %mul3A_566 = arith.muli %scan3A_561, %mul3A_565 : i32
      %get3A_567 = arith.index_cast %mul3A_564 : i32 to index
      %get3A_568 = arith.constant 0 : index
      %get3A_569 = tpu.vector_load %arg6[%get3A_567, %get3A_568] {strides = array<i32>} : memref<192x32xf32, #tpu.memory_space<vmem>>, vector<1x16xf32>,
      %get3A_570 = vector.shape_cast %get3A_569 : vector<1x16xf32> to vector<16xf32>
      %add3A_571 = arith.constant 1 : i32
      %add3A_572 = arith.addi %mul3A_564, %add3A_571 : i32
      %get3A_573 = arith.index_cast %add3A_572 : i32 to index
      %get3A_574 = arith.constant 0 : index
      %get3A_575 = tpu.vector_load %arg6[%get3A_573, %get3A_574] {strides = array<i32>} : memref<192x32xf32, #tpu.memory_space<vmem>>, vector<1x16xf32>,
      %get3A_576 = vector.shape_cast %get3A_575 : vector<1x16xf32> to vector<16xf32>
      %add3A_577 = arith.constant 2 : i32
      %add3A_578 = arith.addi %mul3A_564, %add3A_577 : i32
      %get3A_579 = arith.index_cast %add3A_578 : i32 to index
      %get3A_580 = arith.constant 0 : index
      %get3A_581 = tpu.vector_load %arg6[%get3A_579, %get3A_580] {strides = array<i32>} : memref<192x32xf32, #tpu.memory_space<vmem>>, vector<1x16xf32>,
      %get3A_582 = vector.shape_cast %get3A_581 : vector<1x16xf32> to vector<16xf32>
      %add3A_583 = arith.constant 0 : i32
      %add3A_584 = arith.addi %mul3A_566, %add3A_583 : i32
      %get3A_585 = arith.index_cast %add3A_584 : i32 to index
      %get3A_586 = arith.constant 0 : index
      %get3A_587 = tpu.vector_load %arg8[%get3A_585, %get3A_586] {strides = array<i32>} : memref<256x32xf32, #tpu.memory_space<vmem>>, vector<1x16xf32>,
      %get3A_588 = vector.shape_cast %get3A_587 : vector<1x16xf32> to vector<16xf32>
      %add3A_589 = arith.constant 1 : i32
      %add3A_590 = arith.addi %mul3A_566, %add3A_589 : i32
      %get3A_591 = arith.index_cast %add3A_590 : i32 to index
      %get3A_592 = arith.constant 0 : index
      %get3A_593 = tpu.vector_load %arg8[%get3A_591, %get3A_592] {strides = array<i32>} : memref<256x32xf32, #tpu.memory_space<vmem>>, vector<1x16xf32>,
      %get3A_594 = vector.shape_cast %get3A_593 : vector<1x16xf32> to vector<16xf32>
      %add3A_595 = arith.constant 2 : i32
      %add3A_596 = arith.addi %mul3A_566, %add3A_595 : i32
      %get3A_597 = arith.index_cast %add3A_596 : i32 to index
      %get3A_598 = arith.constant 0 : index
      %get3A_599 = tpu.vector_load %arg8[%get3A_597, %get3A_598] {strides = array<i32>} : memref<256x32xf32, #tpu.memory_space<vmem>>, vector<1x16xf32>,
      %get3A_600 = vector.shape_cast %get3A_599 : vector<1x16xf32> to vector<16xf32>
      %add3A_601 = arith.constant 3 : i32
      %add3A_602 = arith.addi %mul3A_566, %add3A_601 : i32
      %get3A_603 = arith.index_cast %add3A_602 : i32 to index
      %get3A_604 = arith.constant 0 : index
      %get3A_605 = tpu.vector_load %arg8[%get3A_603, %get3A_604] {strides = array<i32>} : memref<256x32xf32, #tpu.memory_space<vmem>>, vector<1x16xf32>,
      %get3A_606 = vector.shape_cast %get3A_605 : vector<1x16xf32> to vector<16xf32>
      %mul3A_607 = vector.broadcast %squeeze3A_471 : f32 to vector<16xf32>
      %mul3A_608 = arith.mulf %mul3A_607, %get3A_570 : vector<16xf32>
      %add3A_609 = vector.broadcast %squeeze3A_527 : f32 to vector<16xf32>
      %add3A_610 = arith.addf %add3A_609, %mul3A_608 : vector<16xf32>
      %mul3A_611 = vector.broadcast %squeeze3A_473 : f32 to vector<16xf32>
      %mul3A_612 = arith.mulf %mul3A_611, %get3A_576 : vector<16xf32>
      %add3A_613 = arith.addf %add3A_610, %mul3A_612 : vector<16xf32>
      %mul3A_614 = vector.broadcast %squeeze3A_475 : f32 to vector<16xf32>
      %mul3A_615 = arith.mulf %mul3A_614, %get3A_582 : vector<16xf32>
      %add3A_616 = arith.addf %add3A_613, %mul3A_615 : vector<16xf32>
      %mul3A_617 = vector.broadcast %squeeze3A_477 : f32 to vector<16xf32>
      %mul3A_618 = arith.mulf %mul3A_617, %get3A_588 : vector<16xf32>
      %add3A_619 = arith.addf %add3A_616, %mul3A_618 : vector<16xf32>
      %mul3A_620 = vector.broadcast %squeeze3A_479 : f32 to vector<16xf32>
      %mul3A_621 = arith.mulf %mul3A_620, %get3A_594 : vector<16xf32>
      %add3A_622 = arith.addf %add3A_619, %mul3A_621 : vector<16xf32>
      %mul3A_623 = vector.broadcast %squeeze3A_481 : f32 to vector<16xf32>
      %mul3A_624 = arith.mulf %mul3A_623, %get3A_600 : vector<16xf32>
      %add3A_625 = arith.addf %add3A_622, %mul3A_624 : vector<16xf32>
      %mul3A_626 = vector.broadcast %squeeze3A_483 : f32 to vector<16xf32>
      %mul3A_627 = arith.mulf %mul3A_626, %get3A_606 : vector<16xf32>
      %add3A_628 = arith.addf %add3A_625, %mul3A_627 : vector<16xf32>
      %abs3A = math.absf %add3A_628 : vector<16xf32>
      %mul3A_629 = arith.constant -2.000000e+00 : f32
      %mul3A_630 = vector.broadcast %mul3A_629 : f32 to vector<16xf32>
      %mul3A_631 = arith.mulf %mul3A_630, %abs3A : vector<16xf32>
      %exp3A = math.exp %mul3A_631 : vector<16xf32>
      %sign3A = tpu.bitcast %add3A_628 : vector<16xf32> -> vector<16xi32>
      %sign3A_632 = arith.constant -2147483648 : i32
      %sign3A_633 = vector.broadcast %sign3A_632 : i32 to vector<16xi32>
      %sign3A_634 = arith.andi %sign3A, %sign3A_633 : vector<16xi32>
      %sign3A_635 = arith.constant 1065353216 : i32
      %sign3A_636 = vector.broadcast %sign3A_635 : i32 to vector<16xi32>
      %sign3A_637 = arith.ori %sign3A_636, %sign3A_634 : vector<16xi32>
      %sign3A_638 = tpu.bitcast %sign3A_637 : vector<16xi32> -> vector<16xf32>
      %sign3A_639 = math.absf %add3A_628 : vector<16xf32>
      %sign3A_640 = arith.constant 0.000000e+00 : f32
      %sign3A_641 = vector.broadcast %sign3A_640 : f32 to vector<16xf32>
      %sign3A_642 = arith.cmpf ogt, %sign3A_639, %sign3A_641 : vector<16xf32>
      %sign3A_643 = arith.select %sign3A_642, %sign3A_638, %add3A_628 : vector<16xi1>, vector<16xf32>
      %sub3A = arith.constant 1.000000e+00 : f32
      %sub3A_644 = vector.broadcast %sub3A : f32 to vector<16xf32>
      %sub3A_645 = arith.subf %sub3A_644, %exp3A : vector<16xf32>
      %mul3A_646 = arith.mulf %sign3A_643, %sub3A_645 : vector<16xf32>
      %add3A_647 = arith.constant 1.000000e+00 : f32
      %add3A_648 = vector.broadcast %add3A_647 : f32 to vector<16xf32>
      %add3A_649 = arith.addf %add3A_648, %exp3A : vector<16xf32>
      %div3A = arith.divf %mul3A_646, %add3A_649 : vector<16xf32>
      %add3A_650 = arith.constant 0 : i32
      %add3A_651 = arith.addi %mul3A_566, %add3A_650 : i32
      %swap3A = arith.index_cast %add3A_651 : i32 to index
      %swap3A_652 = arith.constant 0 : index
      %swap3A_653 = tpu.vector_load %arg8[%swap3A, %swap3A_652] {strides = array<i32>} : memref<256x32xf32, #tpu.memory_space<vmem>>, vector<1x16xf32>,
      %swap3A_654 = vector.shape_cast %swap3A_653 : vector<1x16xf32> to vector<16xf32>
      %swap3A_655 = vector.shape_cast %div3A : vector<16xf32> to vector<1x16xf32>
      tpu.vector_store %arg8[%swap3A, %swap3A_652], %swap3A_655 {strides = array<i32>} : memref<256x32xf32, #tpu.memory_space<vmem>>, vector<1x16xf32>,
      %mul3A_656 = vector.broadcast %squeeze3A_485 : f32 to vector<16xf32>
      %mul3A_657 = arith.mulf %mul3A_656, %get3A_570 : vector<16xf32>
      %add3A_658 = vector.broadcast %squeeze3A_529 : f32 to vector<16xf32>
      %add3A_659 = arith.addf %add3A_658, %mul3A_657 : vector<16xf32>
      %mul3A_660 = vector.broadcast %squeeze3A_487 : f32 to vector<16xf32>
      %mul3A_661 = arith.mulf %mul3A_660, %get3A_576 : vector<16xf32>
      %add3A_662 = arith.addf %add3A_659, %mul3A_661 : vector<16xf32>
      %mul3A_663 = vector.broadcast %squeeze3A_489 : f32 to vector<16xf32>
      %mul3A_664 = arith.mulf %mul3A_663, %get3A_582 : vector<16xf32>
      %add3A_665 = arith.addf %add3A_662, %mul3A_664 : vector<16xf32>
      %mul3A_666 = vector.broadcast %squeeze3A_491 : f32 to vector<16xf32>
      %mul3A_667 = arith.mulf %mul3A_666, %get3A_588 : vector<16xf32>
      %add3A_668 = arith.addf %add3A_665, %mul3A_667 : vector<16xf32>
      %mul3A_669 = vector.broadcast %squeeze3A_493 : f32 to vector<16xf32>
      %mul3A_670 = arith.mulf %mul3A_669, %get3A_594 : vector<16xf32>
      %add3A_671 = arith.addf %add3A_668, %mul3A_670 : vector<16xf32>
      %mul3A_672 = vector.broadcast %squeeze3A_495 : f32 to vector<16xf32>
      %mul3A_673 = arith.mulf %mul3A_672, %get3A_600 : vector<16xf32>
      %add3A_674 = arith.addf %add3A_671, %mul3A_673 : vector<16xf32>
      %mul3A_675 = vector.broadcast %squeeze3A_497 : f32 to vector<16xf32>
      %mul3A_676 = arith.mulf %mul3A_675, %get3A_606 : vector<16xf32>
      %add3A_677 = arith.addf %add3A_674, %mul3A_676 : vector<16xf32>
      %abs3A_678 = math.absf %add3A_677 : vector<16xf32>
      %mul3A_679 = arith.constant -2.000000e+00 : f32
      %mul3A_680 = vector.broadcast %mul3A_679 : f32 to vector<16xf32>
      %mul3A_681 = arith.mulf %mul3A_680, %abs3A_678 : vector<16xf32>
      %exp3A_682 = math.exp %mul3A_681 : vector<16xf32>
      %sign3A_683 = tpu.bitcast %add3A_677 : vector<16xf32> -> vector<16xi32>
      %sign3A_684 = arith.constant -2147483648 : i32
      %sign3A_685 = vector.broadcast %sign3A_684 : i32 to vector<16xi32>
      %sign3A_686 = arith.andi %sign3A_683, %sign3A_685 : vector<16xi32>
      %sign3A_687 = arith.constant 1065353216 : i32
      %sign3A_688 = vector.broadcast %sign3A_687 : i32 to vector<16xi32>
      %sign3A_689 = arith.ori %sign3A_688, %sign3A_686 : vector<16xi32>
      %sign3A_690 = tpu.bitcast %sign3A_689 : vector<16xi32> -> vector<16xf32>
      %sign3A_691 = math.absf %add3A_677 : vector<16xf32>
      %sign3A_692 = arith.constant 0.000000e+00 : f32
      %sign3A_693 = vector.broadcast %sign3A_692 : f32 to vector<16xf32>
      %sign3A_694 = arith.cmpf ogt, %sign3A_691, %sign3A_693 : vector<16xf32>
      %sign3A_695 = arith.select %sign3A_694, %sign3A_690, %add3A_677 : vector<16xi1>, vector<16xf32>
      %sub3A_696 = arith.constant 1.000000e+00 : f32
      %sub3A_697 = vector.broadcast %sub3A_696 : f32 to vector<16xf32>
      %sub3A_698 = arith.subf %sub3A_697, %exp3A_682 : vector<16xf32>
      %mul3A_699 = arith.mulf %sign3A_695, %sub3A_698 : vector<16xf32>
      %add3A_700 = arith.constant 1.000000e+00 : f32
      %add3A_701 = vector.broadcast %add3A_700 : f32 to vector<16xf32>
      %add3A_702 = arith.addf %add3A_701, %exp3A_682 : vector<16xf32>
      %div3A_703 = arith.divf %mul3A_699, %add3A_702 : vector<16xf32>
      %add3A_704 = arith.constant 1 : i32
      %add3A_705 = arith.addi %mul3A_566, %add3A_704 : i32
      %swap3A_706 = arith.index_cast %add3A_705 : i32 to index
      %swap3A_707 = arith.constant 0 : index
      %swap3A_708 = tpu.vector_load %arg8[%swap3A_706, %swap3A_707] {strides = array<i32>} : memref<256x32xf32, #tpu.memory_space<vmem>>, vector<1x16xf32>,
      %swap3A_709 = vector.shape_cast %swap3A_708 : vector<1x16xf32> to vector<16xf32>
      %swap3A_710 = vector.shape_cast %div3A_703 : vector<16xf32> to vector<1x16xf32>
      tpu.vector_store %arg8[%swap3A_706, %swap3A_707], %swap3A_710 {strides = array<i32>} : memref<256x32xf32, #tpu.memory_space<vmem>>, vector<1x16xf32>,
      %mul3A_711 = vector.broadcast %squeeze3A_499 : f32 to vector<16xf32>
      %mul3A_712 = arith.mulf %mul3A_711, %get3A_570 : vector<16xf32>
      %add3A_713 = vector.broadcast %squeeze3A_531 : f32 to vector<16xf32>
      %add3A_714 = arith.addf %add3A_713, %mul3A_712 : vector<16xf32>
      %mul3A_715 = vector.broadcast %squeeze3A_501 : f32 to vector<16xf32>
      %mul3A_716 = arith.mulf %mul3A_715, %get3A_576 : vector<16xf32>
      %add3A_717 = arith.addf %add3A_714, %mul3A_716 : vector<16xf32>
      %mul3A_718 = vector.broadcast %squeeze3A_503 : f32 to vector<16xf32>
      %mul3A_719 = arith.mulf %mul3A_718, %get3A_582 : vector<16xf32>
      %add3A_720 = arith.addf %add3A_717, %mul3A_719 : vector<16xf32>
      %mul3A_721 = vector.broadcast %squeeze3A_505 : f32 to vector<16xf32>
      %mul3A_722 = arith.mulf %mul3A_721, %get3A_588 : vector<16xf32>
      %add3A_723 = arith.addf %add3A_720, %mul3A_722 : vector<16xf32>
      %mul3A_724 = vector.broadcast %squeeze3A_507 : f32 to vector<16xf32>
      %mul3A_725 = arith.mulf %mul3A_724, %get3A_594 : vector<16xf32>
      %add3A_726 = arith.addf %add3A_723, %mul3A_725 : vector<16xf32>
      %mul3A_727 = vector.broadcast %squeeze3A_509 : f32 to vector<16xf32>
      %mul3A_728 = arith.mulf %mul3A_727, %get3A_600 : vector<16xf32>
      %add3A_729 = arith.addf %add3A_726, %mul3A_728 : vector<16xf32>
      %mul3A_730 = vector.broadcast %squeeze3A_511 : f32 to vector<16xf32>
      %mul3A_731 = arith.mulf %mul3A_730, %get3A_606 : vector<16xf32>
      %add3A_732 = arith.addf %add3A_729, %mul3A_731 : vector<16xf32>
      %abs3A_733 = math.absf %add3A_732 : vector<16xf32>
      %mul3A_734 = arith.constant -2.000000e+00 : f32
      %mul3A_735 = vector.broadcast %mul3A_734 : f32 to vector<16xf32>
      %mul3A_736 = arith.mulf %mul3A_735, %abs3A_733 : vector<16xf32>
      %exp3A_737 = math.exp %mul3A_736 : vector<16xf32>
      %sign3A_738 = tpu.bitcast %add3A_732 : vector<16xf32> -> vector<16xi32>
      %sign3A_739 = arith.constant -2147483648 : i32
      %sign3A_740 = vector.broadcast %sign3A_739 : i32 to vector<16xi32>
      %sign3A_741 = arith.andi %sign3A_738, %sign3A_740 : vector<16xi32>
      %sign3A_742 = arith.constant 1065353216 : i32
      %sign3A_743 = vector.broadcast %sign3A_742 : i32 to vector<16xi32>
      %sign3A_744 = arith.ori %sign3A_743, %sign3A_741 : vector<16xi32>
      %sign3A_745 = tpu.bitcast %sign3A_744 : vector<16xi32> -> vector<16xf32>
      %sign3A_746 = math.absf %add3A_732 : vector<16xf32>
      %sign3A_747 = arith.constant 0.000000e+00 : f32
      %sign3A_748 = vector.broadcast %sign3A_747 : f32 to vector<16xf32>
      %sign3A_749 = arith.cmpf ogt, %sign3A_746, %sign3A_748 : vector<16xf32>
      %sign3A_750 = arith.select %sign3A_749, %sign3A_745, %add3A_732 : vector<16xi1>, vector<16xf32>
      %sub3A_751 = arith.constant 1.000000e+00 : f32
      %sub3A_752 = vector.broadcast %sub3A_751 : f32 to vector<16xf32>
      %sub3A_753 = arith.subf %sub3A_752, %exp3A_737 : vector<16xf32>
      %mul3A_754 = arith.mulf %sign3A_750, %sub3A_753 : vector<16xf32>
      %add3A_755 = arith.constant 1.000000e+00 : f32
      %add3A_756 = vector.broadcast %add3A_755 : f32 to vector<16xf32>
      %add3A_757 = arith.addf %add3A_756, %exp3A_737 : vector<16xf32>
      %div3A_758 = arith.divf %mul3A_754, %add3A_757 : vector<16xf32>
      %add3A_759 = arith.constant 2 : i32
      %add3A_760 = arith.addi %mul3A_566, %add3A_759 : i32
      %swap3A_761 = arith.index_cast %add3A_760 : i32 to index
      %swap3A_762 = arith.constant 0 : index
      %swap3A_763 = tpu.vector_load %arg8[%swap3A_761, %swap3A_762] {strides = array<i32>} : memref<256x32xf32, #tpu.memory_space<vmem>>, vector<1x16xf32>,
      %swap3A_764 = vector.shape_cast %swap3A_763 : vector<1x16xf32> to vector<16xf32>
      %swap3A_765 = vector.shape_cast %div3A_758 : vector<16xf32> to vector<1x16xf32>
      tpu.vector_store %arg8[%swap3A_761, %swap3A_762], %swap3A_765 {strides = array<i32>} : memref<256x32xf32, #tpu.memory_space<vmem>>, vector<1x16xf32>,
      %mul3A_766 = vector.broadcast %squeeze3A_513 : f32 to vector<16xf32>
      %mul3A_767 = arith.mulf %mul3A_766, %get3A_570 : vector<16xf32>
      %add3A_768 = vector.broadcast %squeeze3A_533 : f32 to vector<16xf32>
      %add3A_769 = arith.addf %add3A_768, %mul3A_767 : vector<16xf32>
      %mul3A_770 = vector.broadcast %squeeze3A_515 : f32 to vector<16xf32>
      %mul3A_771 = arith.mulf %mul3A_770, %get3A_576 : vector<16xf32>
      %add3A_772 = arith.addf %add3A_769, %mul3A_771 : vector<16xf32>
      %mul3A_773 = vector.broadcast %squeeze3A_517 : f32 to vector<16xf32>
      %mul3A_774 = arith.mulf %mul3A_773, %get3A_582 : vector<16xf32>
      %add3A_775 = arith.addf %add3A_772, %mul3A_774 : vector<16xf32>
      %mul3A_776 = vector.broadcast %squeeze3A_519 : f32 to vector<16xf32>
      %mul3A_777 = arith.mulf %mul3A_776, %get3A_588 : vector<16xf32>
      %add3A_778 = arith.addf %add3A_775, %mul3A_777 : vector<16xf32>
      %mul3A_779 = vector.broadcast %squeeze3A_521 : f32 to vector<16xf32>
      %mul3A_780 = arith.mulf %mul3A_779, %get3A_594 : vector<16xf32>
      %add3A_781 = arith.addf %add3A_778, %mul3A_780 : vector<16xf32>
      %mul3A_782 = vector.broadcast %squeeze3A_523 : f32 to vector<16xf32>
      %mul3A_783 = arith.mulf %mul3A_782, %get3A_600 : vector<16xf32>
      %add3A_784 = arith.addf %add3A_781, %mul3A_783 : vector<16xf32>
      %mul3A_785 = vector.broadcast %squeeze3A_525 : f32 to vector<16xf32>
      %mul3A_786 = arith.mulf %mul3A_785, %get3A_606 : vector<16xf32>
      %add3A_787 = arith.addf %add3A_784, %mul3A_786 : vector<16xf32>
      %abs3A_788 = math.absf %add3A_787 : vector<16xf32>
      %mul3A_789 = arith.constant -2.000000e+00 : f32
      %mul3A_790 = vector.broadcast %mul3A_789 : f32 to vector<16xf32>
      %mul3A_791 = arith.mulf %mul3A_790, %abs3A_788 : vector<16xf32>
      %exp3A_792 = math.exp %mul3A_791 : vector<16xf32>
      %sign3A_793 = tpu.bitcast %add3A_787 : vector<16xf32> -> vector<16xi32>
      %sign3A_794 = arith.constant -2147483648 : i32
      %sign3A_795 = vector.broadcast %sign3A_794 : i32 to vector<16xi32>
      %sign3A_796 = arith.andi %sign3A_793, %sign3A_795 : vector<16xi32>
      %sign3A_797 = arith.constant 1065353216 : i32
      %sign3A_798 = vector.broadcast %sign3A_797 : i32 to vector<16xi32>
      %sign3A_799 = arith.ori %sign3A_798, %sign3A_796 : vector<16xi32>
      %sign3A_800 = tpu.bitcast %sign3A_799 : vector<16xi32> -> vector<16xf32>
      %sign3A_801 = math.absf %add3A_787 : vector<16xf32>
      %sign3A_802 = arith.constant 0.000000e+00 : f32
      %sign3A_803 = vector.broadcast %sign3A_802 : f32 to vector<16xf32>
      %sign3A_804 = arith.cmpf ogt, %sign3A_801, %sign3A_803 : vector<16xf32>
      %sign3A_805 = arith.select %sign3A_804, %sign3A_800, %add3A_787 : vector<16xi1>, vector<16xf32>
      %sub3A_806 = arith.constant 1.000000e+00 : f32
      %sub3A_807 = vector.broadcast %sub3A_806 : f32 to vector<16xf32>
      %sub3A_808 = arith.subf %sub3A_807, %exp3A_792 : vector<16xf32>
      %mul3A_809 = arith.mulf %sign3A_805, %sub3A_808 : vector<16xf32>
      %add3A_810 = arith.constant 1.000000e+00 : f32
      %add3A_811 = vector.broadcast %add3A_810 : f32 to vector<16xf32>
      %add3A_812 = arith.addf %add3A_811, %exp3A_792 : vector<16xf32>
      %div3A_813 = arith.divf %mul3A_809, %add3A_812 : vector<16xf32>
      %add3A_814 = arith.constant 3 : i32
      %add3A_815 = arith.addi %mul3A_566, %add3A_814 : i32
      %swap3A_816 = arith.index_cast %add3A_815 : i32 to index
      %swap3A_817 = arith.constant 0 : index
      %swap3A_818 = tpu.vector_load %arg8[%swap3A_816, %swap3A_817] {strides = array<i32>} : memref<256x32xf32, #tpu.memory_space<vmem>>, vector<1x16xf32>,
      %swap3A_819 = vector.shape_cast %swap3A_818 : vector<1x16xf32> to vector<16xf32>
      %swap3A_820 = vector.shape_cast %div3A_813 : vector<16xf32> to vector<1x16xf32>
      tpu.vector_store %arg8[%swap3A_816, %swap3A_817], %swap3A_820 {strides = array<i32>} : memref<256x32xf32, #tpu.memory_space<vmem>>, vector<1x16xf32>,
      %get3A_821 = arith.index_cast %mul3A_564 : i32 to index
      %get3A_822 = arith.constant 16 : index
      %get3A_823 = tpu.vector_load %arg6[%get3A_821, %get3A_822] {strides = array<i32>} : memref<192x32xf32, #tpu.memory_space<vmem>>, vector<1x16xf32>,
      %get3A_824 = vector.shape_cast %get3A_823 : vector<1x16xf32> to vector<16xf32>
      %add3A_825 = arith.constant 1 : i32
      %add3A_826 = arith.addi %mul3A_564, %add3A_825 : i32
      %get3A_827 = arith.index_cast %add3A_826 : i32 to index
      %get3A_828 = arith.constant 16 : index
      %get3A_829 = tpu.vector_load %arg6[%get3A_827, %get3A_828] {strides = array<i32>} : memref<192x32xf32, #tpu.memory_space<vmem>>, vector<1x16xf32>,
      %get3A_830 = vector.shape_cast %get3A_829 : vector<1x16xf32> to vector<16xf32>
      %add3A_831 = arith.constant 2 : i32
      %add3A_832 = arith.addi %mul3A_564, %add3A_831 : i32
      %get3A_833 = arith.index_cast %add3A_832 : i32 to index
      %get3A_834 = arith.constant 16 : index
      %get3A_835 = tpu.vector_load %arg6[%get3A_833, %get3A_834] {strides = array<i32>} : memref<192x32xf32, #tpu.memory_space<vmem>>, vector<1x16xf32>,
      %get3A_836 = vector.shape_cast %get3A_835 : vector<1x16xf32> to vector<16xf32>
      %add3A_837 = arith.constant 0 : i32
      %add3A_838 = arith.addi %mul3A_566, %add3A_837 : i32
      %get3A_839 = arith.index_cast %add3A_838 : i32 to index
      %get3A_840 = arith.constant 16 : index
      %get3A_841 = tpu.vector_load %arg8[%get3A_839, %get3A_840] {strides = array<i32>} : memref<256x32xf32, #tpu.memory_space<vmem>>, vector<1x16xf32>,
      %get3A_842 = vector.shape_cast %get3A_841 : vector<1x16xf32> to vector<16xf32>
      %add3A_843 = arith.constant 1 : i32
      %add3A_844 = arith.addi %mul3A_566, %add3A_843 : i32
      %get3A_845 = arith.index_cast %add3A_844 : i32 to index
      %get3A_846 = arith.constant 16 : index
      %get3A_847 = tpu.vector_load %arg8[%get3A_845, %get3A_846] {strides = array<i32>} : memref<256x32xf32, #tpu.memory_space<vmem>>, vector<1x16xf32>,
      %get3A_848 = vector.shape_cast %get3A_847 : vector<1x16xf32> to vector<16xf32>
      %add3A_849 = arith.constant 2 : i32
      %add3A_850 = arith.addi %mul3A_566, %add3A_849 : i32
      %get3A_851 = arith.index_cast %add3A_850 : i32 to index
      %get3A_852 = arith.constant 16 : index
      %get3A_853 = tpu.vector_load %arg8[%get3A_851, %get3A_852] {strides = array<i32>} : memref<256x32xf32, #tpu.memory_space<vmem>>, vector<1x16xf32>,
      %get3A_854 = vector.shape_cast %get3A_853 : vector<1x16xf32> to vector<16xf32>
      %add3A_855 = arith.constant 3 : i32
      %add3A_856 = arith.addi %mul3A_566, %add3A_855 : i32
      %get3A_857 = arith.index_cast %add3A_856 : i32 to index
      %get3A_858 = arith.constant 16 : index
      %get3A_859 = tpu.vector_load %arg8[%get3A_857, %get3A_858] {strides = array<i32>} : memref<256x32xf32, #tpu.memory_space<vmem>>, vector<1x16xf32>,
      %get3A_860 = vector.shape_cast %get3A_859 : vector<1x16xf32> to vector<16xf32>
      %mul3A_861 = vector.broadcast %squeeze3A_471 : f32 to vector<16xf32>
      %mul3A_862 = arith.mulf %mul3A_861, %get3A_824 : vector<16xf32>
      %add3A_863 = vector.broadcast %squeeze3A_527 : f32 to vector<16xf32>
      %add3A_864 = arith.addf %add3A_863, %mul3A_862 : vector<16xf32>
      %mul3A_865 = vector.broadcast %squeeze3A_473 : f32 to vector<16xf32>
      %mul3A_866 = arith.mulf %mul3A_865, %get3A_830 : vector<16xf32>
      %add3A_867 = arith.addf %add3A_864, %mul3A_866 : vector<16xf32>
      %mul3A_868 = vector.broadcast %squeeze3A_475 : f32 to vector<16xf32>
      %mul3A_869 = arith.mulf %mul3A_868, %get3A_836 : vector<16xf32>
      %add3A_870 = arith.addf %add3A_867, %mul3A_869 : vector<16xf32>
      %mul3A_871 = vector.broadcast %squeeze3A_477 : f32 to vector<16xf32>
      %mul3A_872 = arith.mulf %mul3A_871, %get3A_842 : vector<16xf32>
      %add3A_873 = arith.addf %add3A_870, %mul3A_872 : vector<16xf32>
      %mul3A_874 = vector.broadcast %squeeze3A_479 : f32 to vector<16xf32>
      %mul3A_875 = arith.mulf %mul3A_874, %get3A_848 : vector<16xf32>
      %add3A_876 = arith.addf %add3A_873, %mul3A_875 : vector<16xf32>
      %mul3A_877 = vector.broadcast %squeeze3A_481 : f32 to vector<16xf32>
      %mul3A_878 = arith.mulf %mul3A_877, %get3A_854 : vector<16xf32>
      %add3A_879 = arith.addf %add3A_876, %mul3A_878 : vector<16xf32>
      %mul3A_880 = vector.broadcast %squeeze3A_483 : f32 to vector<16xf32>
      %mul3A_881 = arith.mulf %mul3A_880, %get3A_860 : vector<16xf32>
      %add3A_882 = arith.addf %add3A_879, %mul3A_881 : vector<16xf32>
      %abs3A_883 = math.absf %add3A_882 : vector<16xf32>
      %mul3A_884 = arith.constant -2.000000e+00 : f32
      %mul3A_885 = vector.broadcast %mul3A_884 : f32 to vector<16xf32>
      %mul3A_886 = arith.mulf %mul3A_885, %abs3A_883 : vector<16xf32>
      %exp3A_887 = math.exp %mul3A_886 : vector<16xf32>
      %sign3A_888 = tpu.bitcast %add3A_882 : vector<16xf32> -> vector<16xi32>
      %sign3A_889 = arith.constant -2147483648 : i32
      %sign3A_890 = vector.broadcast %sign3A_889 : i32 to vector<16xi32>
      %sign3A_891 = arith.andi %sign3A_888, %sign3A_890 : vector<16xi32>
      %sign3A_892 = arith.constant 1065353216 : i32
      %sign3A_893 = vector.broadcast %sign3A_892 : i32 to vector<16xi32>
      %sign3A_894 = arith.ori %sign3A_893, %sign3A_891 : vector<16xi32>
      %sign3A_895 = tpu.bitcast %sign3A_894 : vector<16xi32> -> vector<16xf32>
      %sign3A_896 = math.absf %add3A_882 : vector<16xf32>
      %sign3A_897 = arith.constant 0.000000e+00 : f32
      %sign3A_898 = vector.broadcast %sign3A_897 : f32 to vector<16xf32>
      %sign3A_899 = arith.cmpf ogt, %sign3A_896, %sign3A_898 : vector<16xf32>
      %sign3A_900 = arith.select %sign3A_899, %sign3A_895, %add3A_882 : vector<16xi1>, vector<16xf32>
      %sub3A_901 = arith.constant 1.000000e+00 : f32
      %sub3A_902 = vector.broadcast %sub3A_901 : f32 to vector<16xf32>
      %sub3A_903 = arith.subf %sub3A_902, %exp3A_887 : vector<16xf32>
      %mul3A_904 = arith.mulf %sign3A_900, %sub3A_903 : vector<16xf32>
      %add3A_905 = arith.constant 1.000000e+00 : f32
      %add3A_906 = vector.broadcast %add3A_905 : f32 to vector<16xf32>
      %add3A_907 = arith.addf %add3A_906, %exp3A_887 : vector<16xf32>
      %div3A_908 = arith.divf %mul3A_904, %add3A_907 : vector<16xf32>
      %add3A_909 = arith.constant 0 : i32
      %add3A_910 = arith.addi %mul3A_566, %add3A_909 : i32
      %swap3A_911 = arith.index_cast %add3A_910 : i32 to index
      %swap3A_912 = arith.constant 16 : index
      %swap3A_913 = tpu.vector_load %arg8[%swap3A_911, %swap3A_912] {strides = array<i32>} : memref<256x32xf32, #tpu.memory_space<vmem>>, vector<1x16xf32>,
      %swap3A_914 = vector.shape_cast %swap3A_913 : vector<1x16xf32> to vector<16xf32>
      %swap3A_915 = vector.shape_cast %div3A_908 : vector<16xf32> to vector<1x16xf32>
      tpu.vector_store %arg8[%swap3A_911, %swap3A_912], %swap3A_915 {strides = array<i32>} : memref<256x32xf32, #tpu.memory_space<vmem>>, vector<1x16xf32>,
      %mul3A_916 = vector.broadcast %squeeze3A_485 : f32 to vector<16xf32>
      %mul3A_917 = arith.mulf %mul3A_916, %get3A_824 : vector<16xf32>
      %add3A_918 = vector.broadcast %squeeze3A_529 : f32 to vector<16xf32>
      %add3A_919 = arith.addf %add3A_918, %mul3A_917 : vector<16xf32>
      %mul3A_920 = vector.broadcast %squeeze3A_487 : f32 to vector<16xf32>
      %mul3A_921 = arith.mulf %mul3A_920, %get3A_830 : vector<16xf32>
      %add3A_922 = arith.addf %add3A_919, %mul3A_921 : vector<16xf32>
      %mul3A_923 = vector.broadcast %squeeze3A_489 : f32 to vector<16xf32>
      %mul3A_924 = arith.mulf %mul3A_923, %get3A_836 : vector<16xf32>
      %add3A_925 = arith.addf %add3A_922, %mul3A_924 : vector<16xf32>
      %mul3A_926 = vector.broadcast %squeeze3A_491 : f32 to vector<16xf32>
      %mul3A_927 = arith.mulf %mul3A_926, %get3A_842 : vector<16xf32>
      %add3A_928 = arith.addf %add3A_925, %mul3A_927 : vector<16xf32>
      %mul3A_929 = vector.broadcast %squeeze3A_493 : f32 to vector<16xf32>
      %mul3A_930 = arith.mulf %mul3A_929, %get3A_848 : vector<16xf32>
      %add3A_931 = arith.addf %add3A_928, %mul3A_930 : vector<16xf32>
      %mul3A_932 = vector.broadcast %squeeze3A_495 : f32 to vector<16xf32>
      %mul3A_933 = arith.mulf %mul3A_932, %get3A_854 : vector<16xf32>
      %add3A_934 = arith.addf %add3A_931, %mul3A_933 : vector<16xf32>
      %mul3A_935 = vector.broadcast %squeeze3A_497 : f32 to vector<16xf32>
      %mul3A_936 = arith.mulf %mul3A_935, %get3A_860 : vector<16xf32>
      %add3A_937 = arith.addf %add3A_934, %mul3A_936 : vector<16xf32>
      %abs3A_938 = math.absf %add3A_937 : vector<16xf32>
      %mul3A_939 = arith.constant -2.000000e+00 : f32
      %mul3A_940 = vector.broadcast %mul3A_939 : f32 to vector<16xf32>
      %mul3A_941 = arith.mulf %mul3A_940, %abs3A_938 : vector<16xf32>
      %exp3A_942 = math.exp %mul3A_941 : vector<16xf32>
      %sign3A_943 = tpu.bitcast %add3A_937 : vector<16xf32> -> vector<16xi32>
      %sign3A_944 = arith.constant -2147483648 : i32
      %sign3A_945 = vector.broadcast %sign3A_944 : i32 to vector<16xi32>
      %sign3A_946 = arith.andi %sign3A_943, %sign3A_945 : vector<16xi32>
      %sign3A_947 = arith.constant 1065353216 : i32
      %sign3A_948 = vector.broadcast %sign3A_947 : i32 to vector<16xi32>
      %sign3A_949 = arith.ori %sign3A_948, %sign3A_946 : vector<16xi32>
      %sign3A_950 = tpu.bitcast %sign3A_949 : vector<16xi32> -> vector<16xf32>
      %sign3A_951 = math.absf %add3A_937 : vector<16xf32>
      %sign3A_952 = arith.constant 0.000000e+00 : f32
      %sign3A_953 = vector.broadcast %sign3A_952 : f32 to vector<16xf32>
      %sign3A_954 = arith.cmpf ogt, %sign3A_951, %sign3A_953 : vector<16xf32>
      %sign3A_955 = arith.select %sign3A_954, %sign3A_950, %add3A_937 : vector<16xi1>, vector<16xf32>
      %sub3A_956 = arith.constant 1.000000e+00 : f32
      %sub3A_957 = vector.broadcast %sub3A_956 : f32 to vector<16xf32>
      %sub3A_958 = arith.subf %sub3A_957, %exp3A_942 : vector<16xf32>
      %mul3A_959 = arith.mulf %sign3A_955, %sub3A_958 : vector<16xf32>
      %add3A_960 = arith.constant 1.000000e+00 : f32
      %add3A_961 = vector.broadcast %add3A_960 : f32 to vector<16xf32>
      %add3A_962 = arith.addf %add3A_961, %exp3A_942 : vector<16xf32>
      %div3A_963 = arith.divf %mul3A_959, %add3A_962 : vector<16xf32>
      %add3A_964 = arith.constant 1 : i32
      %add3A_965 = arith.addi %mul3A_566, %add3A_964 : i32
      %swap3A_966 = arith.index_cast %add3A_965 : i32 to index
      %swap3A_967 = arith.constant 16 : index
      %swap3A_968 = tpu.vector_load %arg8[%swap3A_966, %swap3A_967] {strides = array<i32>} : memref<256x32xf32, #tpu.memory_space<vmem>>, vector<1x16xf32>,
      %swap3A_969 = vector.shape_cast %swap3A_968 : vector<1x16xf32> to vector<16xf32>
      %swap3A_970 = vector.shape_cast %div3A_963 : vector<16xf32> to vector<1x16xf32>
      tpu.vector_store %arg8[%swap3A_966, %swap3A_967], %swap3A_970 {strides = array<i32>} : memref<256x32xf32, #tpu.memory_space<vmem>>, vector<1x16xf32>,
      %mul3A_971 = vector.broadcast %squeeze3A_499 : f32 to vector<16xf32>
      %mul3A_972 = arith.mulf %mul3A_971, %get3A_824 : vector<16xf32>
      %add3A_973 = vector.broadcast %squeeze3A_531 : f32 to vector<16xf32>
      %add3A_974 = arith.addf %add3A_973, %mul3A_972 : vector<16xf32>
      %mul3A_975 = vector.broadcast %squeeze3A_501 : f32 to vector<16xf32>
      %mul3A_976 = arith.mulf %mul3A_975, %get3A_830 : vector<16xf32>
      %add3A_977 = arith.addf %add3A_974, %mul3A_976 : vector<16xf32>
      %mul3A_978 = vector.broadcast %squeeze3A_503 : f32 to vector<16xf32>
      %mul3A_979 = arith.mulf %mul3A_978, %get3A_836 : vector<16xf32>
      %add3A_980 = arith.addf %add3A_977, %mul3A_979 : vector<16xf32>
      %mul3A_981 = vector.broadcast %squeeze3A_505 : f32 to vector<16xf32>
      %mul3A_982 = arith.mulf %mul3A_981, %get3A_842 : vector<16xf32>
      %add3A_983 = arith.addf %add3A_980, %mul3A_982 : vector<16xf32>
      %mul3A_984 = vector.broadcast %squeeze3A_507 : f32 to vector<16xf32>
      %mul3A_985 = arith.mulf %mul3A_984, %get3A_848 : vector<16xf32>
      %add3A_986 = arith.addf %add3A_983, %mul3A_985 : vector<16xf32>
      %mul3A_987 = vector.broadcast %squeeze3A_509 : f32 to vector<16xf32>
      %mul3A_988 = arith.mulf %mul3A_987, %get3A_854 : vector<16xf32>
      %add3A_989 = arith.addf %add3A_986, %mul3A_988 : vector<16xf32>
      %mul3A_990 = vector.broadcast %squeeze3A_511 : f32 to vector<16xf32>
      %mul3A_991 = arith.mulf %mul3A_990, %get3A_860 : vector<16xf32>
      %add3A_992 = arith.addf %add3A_989, %mul3A_991 : vector<16xf32>
      %abs3A_993 = math.absf %add3A_992 : vector<16xf32>
      %mul3A_994 = arith.constant -2.000000e+00 : f32
      %mul3A_995 = vector.broadcast %mul3A_994 : f32 to vector<16xf32>
      %mul3A_996 = arith.mulf %mul3A_995, %abs3A_993 : vector<16xf32>
      %exp3A_997 = math.exp %mul3A_996 : vector<16xf32>
      %sign3A_998 = tpu.bitcast %add3A_992 : vector<16xf32> -> vector<16xi32>
      %sign3A_999 = arith.constant -2147483648 : i32
      %sign3A_1000 = vector.broadcast %sign3A_999 : i32 to vector<16xi32>
      %sign3A_1001 = arith.andi %sign3A_998, %sign3A_1000 : vector<16xi32>
      %sign3A_1002 = arith.constant 1065353216 : i32
      %sign3A_1003 = vector.broadcast %sign3A_1002 : i32 to vector<16xi32>
      %sign3A_1004 = arith.ori %sign3A_1003, %sign3A_1001 : vector<16xi32>
      %sign3A_1005 = tpu.bitcast %sign3A_1004 : vector<16xi32> -> vector<16xf32>
      %sign3A_1006 = math.absf %add3A_992 : vector<16xf32>
      %sign3A_1007 = arith.constant 0.000000e+00 : f32
      %sign3A_1008 = vector.broadcast %sign3A_1007 : f32 to vector<16xf32>
      %sign3A_1009 = arith.cmpf ogt, %sign3A_1006, %sign3A_1008 : vector<16xf32>
      %sign3A_1010 = arith.select %sign3A_1009, %sign3A_1005, %add3A_992 : vector<16xi1>, vector<16xf32>
      %sub3A_1011 = arith.constant 1.000000e+00 : f32
      %sub3A_1012 = vector.broadcast %sub3A_1011 : f32 to vector<16xf32>
      %sub3A_1013 = arith.subf %sub3A_1012, %exp3A_997 : vector<16xf32>
      %mul3A_1014 = arith.mulf %sign3A_1010, %sub3A_1013 : vector<16xf32>
      %add3A_1015 = arith.constant 1.000000e+00 : f32
      %add3A_1016 = vector.broadcast %add3A_1015 : f32 to vector<16xf32>
      %add3A_1017 = arith.addf %add3A_1016, %exp3A_997 : vector<16xf32>
      %div3A_1018 = arith.divf %mul3A_1014, %add3A_1017 : vector<16xf32>
      %add3A_1019 = arith.constant 2 : i32
      %add3A_1020 = arith.addi %mul3A_566, %add3A_1019 : i32
      %swap3A_1021 = arith.index_cast %add3A_1020 : i32 to index
      %swap3A_1022 = arith.constant 16 : index
      %swap3A_1023 = tpu.vector_load %arg8[%swap3A_1021, %swap3A_1022] {strides = array<i32>} : memref<256x32xf32, #tpu.memory_space<vmem>>, vector<1x16xf32>,
      %swap3A_1024 = vector.shape_cast %swap3A_1023 : vector<1x16xf32> to vector<16xf32>
      %swap3A_1025 = vector.shape_cast %div3A_1018 : vector<16xf32> to vector<1x16xf32>
      tpu.vector_store %arg8[%swap3A_1021, %swap3A_1022], %swap3A_1025 {strides = array<i32>} : memref<256x32xf32, #tpu.memory_space<vmem>>, vector<1x16xf32>,
      %mul3A_1026 = vector.broadcast %squeeze3A_513 : f32 to vector<16xf32>
      %mul3A_1027 = arith.mulf %mul3A_1026, %get3A_824 : vector<16xf32>
      %add3A_1028 = vector.broadcast %squeeze3A_533 : f32 to vector<16xf32>
      %add3A_1029 = arith.addf %add3A_1028, %mul3A_1027 : vector<16xf32>
      %mul3A_1030 = vector.broadcast %squeeze3A_515 : f32 to vector<16xf32>
      %mul3A_1031 = arith.mulf %mul3A_1030, %get3A_830 : vector<16xf32>
      %add3A_1032 = arith.addf %add3A_1029, %mul3A_1031 : vector<16xf32>
      %mul3A_1033 = vector.broadcast %squeeze3A_517 : f32 to vector<16xf32>
      %mul3A_1034 = arith.mulf %mul3A_1033, %get3A_836 : vector<16xf32>
      %add3A_1035 = arith.addf %add3A_1032, %mul3A_1034 : vector<16xf32>
      %mul3A_1036 = vector.broadcast %squeeze3A_519 : f32 to vector<16xf32>
      %mul3A_1037 = arith.mulf %mul3A_1036, %get3A_842 : vector<16xf32>
      %add3A_1038 = arith.addf %add3A_1035, %mul3A_1037 : vector<16xf32>
      %mul3A_1039 = vector.broadcast %squeeze3A_521 : f32 to vector<16xf32>
      %mul3A_1040 = arith.mulf %mul3A_1039, %get3A_848 : vector<16xf32>
      %add3A_1041 = arith.addf %add3A_1038, %mul3A_1040 : vector<16xf32>
      %mul3A_1042 = vector.broadcast %squeeze3A_523 : f32 to vector<16xf32>
      %mul3A_1043 = arith.mulf %mul3A_1042, %get3A_854 : vector<16xf32>
      %add3A_1044 = arith.addf %add3A_1041, %mul3A_1043 : vector<16xf32>
      %mul3A_1045 = vector.broadcast %squeeze3A_525 : f32 to vector<16xf32>
      %mul3A_1046 = arith.mulf %mul3A_1045, %get3A_860 : vector<16xf32>
      %add3A_1047 = arith.addf %add3A_1044, %mul3A_1046 : vector<16xf32>
      %abs3A_1048 = math.absf %add3A_1047 : vector<16xf32>
      %mul3A_1049 = arith.constant -2.000000e+00 : f32
      %mul3A_1050 = vector.broadcast %mul3A_1049 : f32 to vector<16xf32>
      %mul3A_1051 = arith.mulf %mul3A_1050, %abs3A_1048 : vector<16xf32>
      %exp3A_1052 = math.exp %mul3A_1051 : vector<16xf32>
      %sign3A_1053 = tpu.bitcast %add3A_1047 : vector<16xf32> -> vector<16xi32>
      %sign3A_1054 = arith.constant -2147483648 : i32
      %sign3A_1055 = vector.broadcast %sign3A_1054 : i32 to vector<16xi32>
      %sign3A_1056 = arith.andi %sign3A_1053, %sign3A_1055 : vector<16xi32>
      %sign3A_1057 = arith.constant 1065353216 : i32
      %sign3A_1058 = vector.broadcast %sign3A_1057 : i32 to vector<16xi32>
      %sign3A_1059 = arith.ori %sign3A_1058, %sign3A_1056 : vector<16xi32>
      %sign3A_1060 = tpu.bitcast %sign3A_1059 : vector<16xi32> -> vector<16xf32>
      %sign3A_1061 = math.absf %add3A_1047 : vector<16xf32>
      %sign3A_1062 = arith.constant 0.000000e+00 : f32
      %sign3A_1063 = vector.broadcast %sign3A_1062 : f32 to vector<16xf32>
      %sign3A_1064 = arith.cmpf ogt, %sign3A_1061, %sign3A_1063 : vector<16xf32>
      %sign3A_1065 = arith.select %sign3A_1064, %sign3A_1060, %add3A_1047 : vector<16xi1>, vector<16xf32>
      %sub3A_1066 = arith.constant 1.000000e+00 : f32
      %sub3A_1067 = vector.broadcast %sub3A_1066 : f32 to vector<16xf32>
      %sub3A_1068 = arith.subf %sub3A_1067, %exp3A_1052 : vector<16xf32>
      %mul3A_1069 = arith.mulf %sign3A_1065, %sub3A_1068 : vector<16xf32>
      %add3A_1070 = arith.constant 1.000000e+00 : f32
      %add3A_1071 = vector.broadcast %add3A_1070 : f32 to vector<16xf32>
      %add3A_1072 = arith.addf %add3A_1071, %exp3A_1052 : vector<16xf32>
      %div3A_1073 = arith.divf %mul3A_1069, %add3A_1072 : vector<16xf32>
      %add3A_1074 = arith.constant 3 : i32
      %add3A_1075 = arith.addi %mul3A_566, %add3A_1074 : i32
      %swap3A_1076 = arith.index_cast %add3A_1075 : i32 to index
      %swap3A_1077 = arith.constant 16 : index
      %swap3A_1078 = tpu.vector_load %arg8[%swap3A_1076, %swap3A_1077] {strides = array<i32>} : memref<256x32xf32, #tpu.memory_space<vmem>>, vector<1x16xf32>,
      %swap3A_1079 = vector.shape_cast %swap3A_1078 : vector<1x16xf32> to vector<16xf32>
      %swap3A_1080 = vector.shape_cast %div3A_1073 : vector<16xf32> to vector<1x16xf32>
      tpu.vector_store %arg8[%swap3A_1076, %swap3A_1077], %swap3A_1080 {strides = array<i32>} : memref<256x32xf32, #tpu.memory_space<vmem>>, vector<1x16xf32>,
      %scan3A_1081 = arith.constant 0 : i32
      scf.yield %scan3A_1081 : i32
    }
    %scan3A_560 = arith.constant 64 : i32
    "tpu.region"() ({
      %run_scoped3A = tpu.sem_alloc : memref<!tpu.dma_semaphore, #tpu.memory_space<semaphore_mem>>
      %dma_start3A = arith.constant 0 : i32
      %dma_start3A_561 = arith.constant 0 : i32
      %dma_start3A_562 = tpu.memref_slice %arg5[%add3A, %dma_start3A, %dma_start3A_561] : memref<32x256x32xf32, #tpu.memory_space<hbm>> -> memref<1x256x32xf32, #tpu.memory_space<hbm>>
      %dma_start3A_563 = tpu.memref_squeeze %dma_start3A_562 : memref<1x256x32xf32, #tpu.memory_space<hbm>> -> memref<256x32xf32, #tpu.memory_space<hbm>>
      %dma_start3A_564 = arith.constant 0 : i32
      %dma_start3A_565 = arith.constant 0 : i32
      %dma_start3A_566 = tpu.memref_slice %arg5[%add3A, %dma_start3A_564, %dma_start3A_565] : memref<32x256x32xf32, #tpu.memory_space<hbm>> -> memref<1x256x32xf32, #tpu.memory_space<hbm>>
      %dma_start3A_567 = tpu.memref_squeeze %dma_start3A_566 : memref<1x256x32xf32, #tpu.memory_space<hbm>> -> memref<256x32xf32, #tpu.memory_space<hbm>>
      tpu.enqueue_dma source(%arg8 : memref<256x32xf32, #tpu.memory_space<vmem>>) target(%dma_start3A_567 : memref<256x32xf32, #tpu.memory_space<hbm>>) target_semaphore(%run_scoped3A : memref<!tpu.dma_semaphore, #tpu.memory_space<semaphore_mem>>)
      %dma_wait3A = arith.constant 0 : i32
      %dma_wait3A_568 = arith.constant 0 : i32
      %dma_wait3A_569 = tpu.memref_slice %arg5[%add3A, %dma_wait3A, %dma_wait3A_568] : memref<32x256x32xf32, #tpu.memory_space<hbm>> -> memref<1x256x32xf32, #tpu.memory_space<hbm>>
      %dma_wait3A_570 = tpu.memref_squeeze %dma_wait3A_569 : memref<1x256x32xf32, #tpu.memory_space<hbm>> -> memref<256x32xf32, #tpu.memory_space<hbm>>
      %dma_wait3A_571 = arith.constant 0 : i32
      %dma_wait3A_572 = arith.constant 0 : i32
      %dma_wait3A_573 = tpu.memref_slice %arg5[%add3A, %dma_wait3A_571, %dma_wait3A_572] : memref<32x256x32xf32, #tpu.memory_space<hbm>> -> memref<1x256x32xf32, #tpu.memory_space<hbm>>
      %dma_wait3A_574 = tpu.memref_squeeze %dma_wait3A_573 : memref<1x256x32xf32, #tpu.memory_space<hbm>> -> memref<256x32xf32, #tpu.memory_space<hbm>>
      tpu.wait_dma2 semaphore(%run_scoped3A : memref<!tpu.dma_semaphore, #tpu.memory_space<semaphore_mem>>) src(%arg8 : memref<256x32xf32, #tpu.memory_space<vmem>>) dst(%dma_wait3A_574 : memref<256x32xf32, #tpu.memory_space<hbm>>)
      tpu.yield
    }) : () -> ()
    return
  }
}

module attributes {stable_mosaic.version = 14 : i64} {
  func.func @_dense_tc(%arg0: i32, %arg1: memref<128x320xf32, #tpu.memory_space<vmem>>, %arg2: memref<256x128xf32, #tpu.memory_space<vmem>>, %arg3: memref<320x1024xf32, #tpu.memory_space<vmem>>, %arg4: memref<256x1024xf32, #tpu.memory_space<vmem>>, %arg5: memref<1x1024xf32, #tpu.memory_space<vmem>>, %arg6: memref<1024x1024xf32, #tpu.memory_space<vmem>>, %arg7: memref<1x1024xf32, #tpu.memory_space<vmem>>, %arg8: memref<1024x512xf32, #tpu.memory_space<vmem>>, %arg9: memref<1x512xf32, #tpu.memory_space<vmem>>, %arg10: memref<128x512xf32, #tpu.memory_space<vmem>>) attributes {dimension_semantics = [#tpu.dimension_semantics<arbitrary>], iteration_bounds = array<i64: 8>, scalar_prefetch = 0 : i64, scratch_operands = 0 : i64, tpu.core_type = #tpu.core_type<tc>, window_params = [{transform_indices = @transform_0, window_bounds = array<i64: 128, 320>}, {transform_indices = @transform_1, window_bounds = array<i64: 256, 128>}, {pipeline_mode = #tpu.pipeline_mode<synchronous>, transform_indices = @transform_2, window_bounds = array<i64: 320, 1024>}, {pipeline_mode = #tpu.pipeline_mode<synchronous>, transform_indices = @transform_3, window_bounds = array<i64: 256, 1024>}, {pipeline_mode = #tpu.pipeline_mode<synchronous>, transform_indices = @transform_4, window_bounds = array<i64: 1, 1024>}, {pipeline_mode = #tpu.pipeline_mode<synchronous>, transform_indices = @transform_5, window_bounds = array<i64: 1024, 1024>}, {pipeline_mode = #tpu.pipeline_mode<synchronous>, transform_indices = @transform_6, window_bounds = array<i64: 1, 1024>}, {pipeline_mode = #tpu.pipeline_mode<synchronous>, transform_indices = @transform_7, window_bounds = array<i64: 1024, 512>}, {pipeline_mode = #tpu.pipeline_mode<synchronous>, transform_indices = @transform_8, window_bounds = array<i64: 1, 512>}, {transform_indices = @transform_9, window_bounds = array<i64: 128, 512>}]} {
    %get3A = arith.constant 0 : index
    %get3A_0 = arith.constant 0 : index
    %get3A_1 = vector.load %arg1[%get3A, %get3A_0] : memref<128x320xf32, #tpu.memory_space<vmem>>, vector<128x320xf32>
    %get3A_2 = arith.constant 0 : index
    %get3A_3 = arith.constant 0 : index
    %get3A_4 = vector.load %arg3[%get3A_2, %get3A_3] : memref<320x1024xf32, #tpu.memory_space<vmem>>, vector<320x1024xf32>
    %dot_general3A = arith.constant dense<0.000000e+00> : vector<128x1024xf32>
    %dot_general3A_5 = tpu.matmul %get3A_1, %get3A_4, %dot_general3A {dimension_numbers = #tpu.dot_dimension_numbers<[1], [0], [0], [1], [0, 0, 1, 1], [], []>, transpose_lhs_hint = false} : vector<128x320xf32>, vector<320x1024xf32>, vector<128x1024xf32> -> vector<128x1024xf32>
    %get3A_6 = arith.constant 0 : index
    %get3A_7 = arith.constant 0 : index
    %get3A_8 = vector.load %arg2[%get3A_6, %get3A_7] : memref<256x128xf32, #tpu.memory_space<vmem>>, vector<256x128xf32>
    %get3A_9 = arith.constant 0 : index
    %get3A_10 = arith.constant 0 : index
    %get3A_11 = vector.load %arg4[%get3A_9, %get3A_10] : memref<256x1024xf32, #tpu.memory_space<vmem>>, vector<256x1024xf32>
    %dot_general3A_12 = arith.constant dense<0.000000e+00> : vector<128x1024xf32>
    %dot_general3A_13 = tpu.matmul %get3A_8, %get3A_11, %dot_general3A_12 {dimension_numbers = #tpu.dot_dimension_numbers<[0], [0], [1], [1], [0, 1, 1, 1], [], []>, transpose_lhs_hint = false} : vector<256x128xf32>, vector<256x1024xf32>, vector<128x1024xf32> -> vector<128x1024xf32>
    %add3A = arith.addf %dot_general3A_5, %dot_general3A_13 : vector<128x1024xf32>
    %get3A_14 = arith.constant 0 : index
    %get3A_15 = arith.constant 0 : index
    %get3A_16 = vector.load %arg5[%get3A_14, %get3A_15] : memref<1x1024xf32, #tpu.memory_space<vmem>>, vector<1x1024xf32>
    %get3A_17 = vector.shape_cast %get3A_16 : vector<1x1024xf32> to vector<1024xf32>
    %broadcast_in_dim3A = vector.shape_cast %get3A_17 : vector<1024xf32> to vector<1x1024xf32>
    %add3A_18 = vector.broadcast %broadcast_in_dim3A : vector<1x1024xf32> to vector<128x1024xf32>
    %add3A_19 = arith.addf %add3A, %add3A_18 : vector<128x1024xf32>
    %max3A = arith.constant 0.000000e+00 : f32
    %max3A_20 = vector.broadcast %max3A : f32 to vector<128x1024xf32>
    %max3A_21 = arith.maximumf %add3A_19, %max3A_20 : vector<128x1024xf32>
    %get3A_22 = arith.constant 0 : index
    %get3A_23 = arith.constant 0 : index
    %get3A_24 = vector.load %arg6[%get3A_22, %get3A_23] : memref<1024x1024xf32, #tpu.memory_space<vmem>>, vector<1024x1024xf32>
    %dot_general3A_25 = arith.constant dense<0.000000e+00> : vector<128x1024xf32>
    %dot_general3A_26 = tpu.matmul %max3A_21, %get3A_24, %dot_general3A_25 {dimension_numbers = #tpu.dot_dimension_numbers<[1], [0], [0], [1], [0, 0, 1, 1], [], []>, transpose_lhs_hint = false} : vector<128x1024xf32>, vector<1024x1024xf32>, vector<128x1024xf32> -> vector<128x1024xf32>
    %get3A_27 = arith.constant 0 : index
    %get3A_28 = arith.constant 0 : index
    %get3A_29 = vector.load %arg7[%get3A_27, %get3A_28] : memref<1x1024xf32, #tpu.memory_space<vmem>>, vector<1x1024xf32>
    %get3A_30 = vector.shape_cast %get3A_29 : vector<1x1024xf32> to vector<1024xf32>
    %broadcast_in_dim3A_31 = vector.shape_cast %get3A_30 : vector<1024xf32> to vector<1x1024xf32>
    %add3A_32 = vector.broadcast %broadcast_in_dim3A_31 : vector<1x1024xf32> to vector<128x1024xf32>
    %add3A_33 = arith.addf %dot_general3A_26, %add3A_32 : vector<128x1024xf32>
    %max3A_34 = arith.constant 0.000000e+00 : f32
    %max3A_35 = vector.broadcast %max3A_34 : f32 to vector<128x1024xf32>
    %max3A_36 = arith.maximumf %add3A_33, %max3A_35 : vector<128x1024xf32>
    %get3A_37 = arith.constant 0 : index
    %get3A_38 = arith.constant 0 : index
    %get3A_39 = vector.load %arg8[%get3A_37, %get3A_38] : memref<1024x512xf32, #tpu.memory_space<vmem>>, vector<1024x512xf32>
    %dot_general3A_40 = arith.constant dense<0.000000e+00> : vector<128x512xf32>
    %dot_general3A_41 = tpu.matmul %max3A_36, %get3A_39, %dot_general3A_40 {dimension_numbers = #tpu.dot_dimension_numbers<[1], [0], [0], [1], [0, 0, 1, 1], [], []>, transpose_lhs_hint = false} : vector<128x1024xf32>, vector<1024x512xf32>, vector<128x512xf32> -> vector<128x512xf32>
    %get3A_42 = arith.constant 0 : index
    %get3A_43 = arith.constant 0 : index
    %get3A_44 = vector.load %arg9[%get3A_42, %get3A_43] : memref<1x512xf32, #tpu.memory_space<vmem>>, vector<1x512xf32>
    %get3A_45 = vector.shape_cast %get3A_44 : vector<1x512xf32> to vector<512xf32>
    %broadcast_in_dim3A_46 = vector.shape_cast %get3A_45 : vector<512xf32> to vector<1x512xf32>
    %add3A_47 = vector.broadcast %broadcast_in_dim3A_46 : vector<1x512xf32> to vector<128x512xf32>
    %add3A_48 = arith.addf %dot_general3A_41, %add3A_47 : vector<128x512xf32>
    %swap3A = arith.constant 0 : index
    %swap3A_49 = arith.constant 0 : index
    %swap3A_50 = vector.load %arg10[%swap3A, %swap3A_49] : memref<128x512xf32, #tpu.memory_space<vmem>>, vector<128x512xf32>
    tpu.vector_store %arg10[%swap3A, %swap3A_49], %add3A_48 {strides = array<i32>} : memref<128x512xf32, #tpu.memory_space<vmem>>, vector<128x512xf32>,
    return
  }
  func.func @transform_0(%arg0: i32) -> (i32, i32) {
    %c0_i32 = arith.constant 0 : i32
    %c0_i32_0 = arith.constant 0 : i32
    return %arg0, %c0_i32 : i32, i32
  }
  func.func @transform_1(%arg0: i32) -> (i32, i32) {
    %c0_i32 = arith.constant 0 : i32
    %c0_i32_0 = arith.constant 0 : i32
    return %c0_i32, %arg0 : i32, i32
  }
  func.func @transform_2(%arg0: i32) -> (i32, i32) {
    %c0_i32 = arith.constant 0 : i32
    %c0_i32_0 = arith.constant 0 : i32
    %c0_i32_1 = arith.constant 0 : i32
    return %c0_i32, %c0_i32_0 : i32, i32
  }
  func.func @transform_3(%arg0: i32) -> (i32, i32) {
    %c0_i32 = arith.constant 0 : i32
    %c0_i32_0 = arith.constant 0 : i32
    %c0_i32_1 = arith.constant 0 : i32
    return %c0_i32, %c0_i32_0 : i32, i32
  }
  func.func @transform_4(%arg0: i32) -> (i32, i32) {
    %c0_i32 = arith.constant 0 : i32
    %c0_i32_0 = arith.constant 0 : i32
    %c0_i32_1 = arith.constant 0 : i32
    return %c0_i32, %c0_i32_0 : i32, i32
  }
  func.func @transform_5(%arg0: i32) -> (i32, i32) {
    %c0_i32 = arith.constant 0 : i32
    %c0_i32_0 = arith.constant 0 : i32
    %c0_i32_1 = arith.constant 0 : i32
    return %c0_i32, %c0_i32_0 : i32, i32
  }
  func.func @transform_6(%arg0: i32) -> (i32, i32) {
    %c0_i32 = arith.constant 0 : i32
    %c0_i32_0 = arith.constant 0 : i32
    %c0_i32_1 = arith.constant 0 : i32
    return %c0_i32, %c0_i32_0 : i32, i32
  }
  func.func @transform_7(%arg0: i32) -> (i32, i32) {
    %c0_i32 = arith.constant 0 : i32
    %c0_i32_0 = arith.constant 0 : i32
    %c0_i32_1 = arith.constant 0 : i32
    return %c0_i32, %c0_i32_0 : i32, i32
  }
  func.func @transform_8(%arg0: i32) -> (i32, i32) {
    %c0_i32 = arith.constant 0 : i32
    %c0_i32_0 = arith.constant 0 : i32
    %c0_i32_1 = arith.constant 0 : i32
    return %c0_i32, %c0_i32_0 : i32, i32
  }
  func.func @transform_9(%arg0: i32) -> (i32, i32) {
    %c0_i32 = arith.constant 0 : i32
    %c0_i32_0 = arith.constant 0 : i32
    return %arg0, %c0_i32 : i32, i32
  }
}

</mosaic_0001>

<sc_bundles>
// kernel: kernel.4.cloned.1.call-start
scs
__scs_entry_jumppad:
0x0: {  	(pc) =	sbr.rel $0x88, $3  }
0x1: {  	(tag) =	ssettag $0x0;
	lr =	simm.s32 $0x1  }
0x2: {  	[smem:$0x3F93] =	sst lr;
	_ =	strace $0xD0000000  }
0x3: {  	_ = 	snop  }
0x4: {  	_ = 	snop  }
0x5: {  	_ = 	snop  }
0x6: {  	_ = 	snop  }
0x7: {  	_ = 	snop  }
__scs_overlays_trampoline_lowered:
0x8: {  	[smem:$0x3FA2] =	sst s0  }
0x9: {  	[smem:$0x3FA3] =	sst s1  }
0xa: {  	[smem:$0x3FA4] =	sst s2  }
0xb: {  	[smem:$0x3FA5] =	sst s3  }
0xc: {  	[smem:$0x3FA6] =	sst s4  }
0xd: {  	[smem:$0x3FA7] =	sst s5  }
0xe: {  	[smem:$0x3FA8] =	sst s6  }
0xf: {  	[smem:$0x3FA9] =	sst s7  }
0x10: {  	[smem:$0x3FAA] =	sst s8  }
0x11: {  	[smem:$0x3FAB] =	sst s9;
	s0 =	simm.s32 @!p0 $0x0  }
0x12: {  	s1 =	sld [smem:$0x3F91];
	s0 =	simm.s32 @p0 $0x1  }
0x13: {  	[smem:$0x3FAC] =	sst s0;
	s0 =	simm.s32 @!p1 $0x0  }
0x14: {  	s2 =	sld [smem:$0x3F90];
	s0 =	simm.s32 @p1 $0x1  }
0x15: {  	[smem:$0x3FAD] =	sst s0;
	s0 =	simm.s32 @!p2 $0x0  }
0x16: {  	s3 =	sld [smem:$0x3FDB];
	s0 =	simm.s32 @p2 $0x1  }
0x17: {  	s4 =	simm.s32 $0x1BF5;
	[smem:$0x3FAF] =	sst s0  }
0x18: {  	s0 =	sld [smem:$0x3F92];
	_ =	swait.ge [sflag:s4], $0x0  }
0x19: {  	s7 =	sld [smem:$0x3F93]  }
0x1a: {  	s8 =	sadd.s32 $0xFFFFE003, lr  }
0x1b: {  	s9 =	sadd.s32 $0xFFFFFEF7, lr;
	s5 =	simm.s32 $0xFFFFFFFF;
	p2 =	slt.u32 s8, $0xFFFFF086  }
0x1c: {  	p1 =	slt.u32 s9, $0xF7A;
	s5 =	simm.s32 @!p2 $0x0  }
0x1d: {  	s5 =	simm.s32 @p1 $0x1;
	p0 =	seq.s32 s7, s2  }
0x1e: {  	s7 =	smul.u32 @!p0 $0xF7A, s2;
	p2 =	seq.s32 @!p0 s5, $0x0  }
0x1f: {  	s9 =	smul.u32 $0xF7A, s1;
	s8 =	simm.s32 @!p0 $0x1BF5;
	p2 =	por !p2, p0  }
0x20: {  	[sflag:s8] =	ssyncset.s32 @!p0 $0xFFFFF086;
	s6 =	sadd.s32 @!p0 s3, s7;
	s7 =	simm.s32 @!p0 $0x108  }
0x21: {  	s3 =	sadd.s32 s3, s9;
	s6 =	sadd.s32 @!p0 $0x88, s6;
	s7 =	simm.s32 @p2 $0x1082  }
0x22: {  	[simem:s7], [sflag:s8] =	dma.local @!p0 [hbm:s6], $0xF7A  }
0x23: {  	s9 =	sor.u32 $0xD0000000, s2;
	s6 =	simm.s32 $0x108;
	_ =	swait.ge @!p0 [sflag:s8], $0x0  }
0x24: {  	s3 =	sadd.s32 $0x88, s3;
	s6 =	simm.s32 @!p1 $0x1082;
	[sflag:s4] =	ssyncset.s32 $0xFFFFF086  }
0x25: {  	[simem:s6], [sflag:s4] =	dma.local [hbm:s3], $0xF7A  }
0x26: {  	[smem:$0x3F93] =	sst s1;
	(tag) =	ssettag s2;
	_ =	strace s9  }
0x27: {  	s1 =	sld [smem:$0x3FA3]  }
0x28: {  	s2 =	sld [smem:$0x3FA4]  }
0x29: {  	s4 =	sld [smem:$0x3FA6]  }
0x2a: {  	p0 =	seq.s32 s5, $0x0;
	s5 =	sld [smem:$0x3FA7]  }
0x2b: {  	s6 =	sld [smem:$0x3FA8]  }
0x2c: {  	s7 =	sld [smem:$0x3FA9]  }
0x2d: {  	s3 =	simm.s32 $0x108;
	s8 =	sld [smem:$0x3FAA]  }
0x2e: {  	s3 =	simm.s32 @!p0 $0x1082;
	s9 =	sld [smem:$0x3FAB]  }
0x2f: {  	lr =	sadd.s32 s0, s3;
	s0 =	sld [smem:$0x3FA2]  }
0x30: {  	s3 =	sld [smem:$0x3FA5]  }
0x31: {  	[smem:$0x3FAE] =	sst s10  }
0x32: {  	s10 =	sld [smem:$0x3FAC];
	_ =	sdelay $0x3  }
0x33: {  	p0 =	seq.s32 s10, $0x1;
	s10 =	sld [smem:$0x3FAE];
	_ =	sdelay $0x3  }
0x34: {  	[smem:$0x3FAE] =	sst s10  }
0x35: {  	s10 =	sld [smem:$0x3FAD];
	_ =	sdelay $0x3  }
0x36: {  	p1 =	seq.s32 s10, $0x1;
	s10 =	sld [smem:$0x3FAE];
	_ =	sdelay $0x3  }
0x37: {  	[smem:$0x3FAE] =	sst s10  }
0x38: {  	s10 =	sld [smem:$0x3FAF]  }
0x39: {  	_ = 	snop;
	(pc) =	sbr.ind lr, $3  }
0x3a: {  	_ = 	snop  }
0x3b: {  	_ = 	snop  }
0x3c: {  	p2 =	seq.s32 s10, $0x1;
	s10 =	sld [smem:$0x3FAE]  }
0x3d: {  	_ =	shalt  }
0x3e: {  	_ =	shalt  }
0x3f: {  	_ =	shalt  }
0x40: {  	_ =	shalt  }
0x41: {  	_ =	shalt  }
0x42: {  	_ =	shalt  }
0x43: {  	_ =	shalt  }
0x44: {  	_ =	shalt  }
0x45: {  	_ =	shalt  }
0x46: {  	_ =	shalt  }
0x47: {  	_ =	shalt  }
0x48: {  	_ =	shalt  }
0x49: {  	_ =	shalt  }
0x4a: {  	_ =	shalt  }
0x4b: {  	_ =	shalt  }
0x4c: {  	_ =	shalt  }
0x4d: {  	_ =	shalt  }
0x4e: {  	_ =	shalt  }
0x4f: {  	_ =	shalt  }
0x50: {  	_ =	shalt  }
0x51: {  	_ =	shalt  }
0x52: {  	_ =	shalt  }
0x53: {  	_ =	shalt  }
0x54: {  	_ =	shalt  }
0x55: {  	_ =	shalt  }
0x56: {  	_ =	shalt  }
0x57: {  	_ =	shalt  }
0x58: {  	_ =	shalt  }
0x59: {  	_ =	shalt  }
0x5a: {  	_ =	shalt  }
0x5b: {  	_ =	shalt  }
0x5c: {  	_ =	shalt  }
0x5d: {  	_ =	shalt  }
0x5e: {  	_ =	shalt  }
0x5f: {  	_ =	shalt  }
0x60: {  	_ =	shalt  }
0x61: {  	_ =	shalt  }
0x62: {  	_ =	shalt  }
0x63: {  	_ =	shalt  }
0x64: {  	_ =	shalt  }
0x65: {  	_ =	shalt  }
0x66: {  	_ =	shalt  }
0x67: {  	_ =	shalt  }
0x68: {  	_ =	shalt  }
0x69: {  	_ =	shalt  }
0x6a: {  	_ =	shalt  }
0x6b: {  	_ =	shalt  }
0x6c: {  	_ =	shalt  }
0x6d: {  	_ =	shalt  }
0x6e: {  	_ =	shalt  }
0x6f: {  	_ =	shalt  }
0x70: {  	_ =	shalt  }
0x71: {  	_ =	shalt  }
0x72: {  	_ =	shalt  }
0x73: {  	_ =	shalt  }
0x74: {  	_ =	shalt  }
0x75: {  	_ =	shalt  }
0x76: {  	_ =	shalt  }
0x77: {  	_ =	shalt  }
0x78: {  	_ =	shalt  }
0x79: {  	_ =	shalt  }
0x7a: {  	_ =	shalt  }
0x7b: {  	_ =	shalt  }
0x7c: {  	_ =	shalt  }
0x7d: {  	_ =	shalt  }
0x7e: {  	_ =	shalt  }
0x7f: {  	_ =	shalt  }
0x80: {  	_ =	shalt  }
0x81: {  	_ =	shalt  }
0x82: {  	_ =	shalt  }
0x83: {  	_ =	shalt  }
0x84: {  	_ =	shalt  }
0x85: {  	_ =	shalt  }
0x86: {  	_ =	shalt  }
0x87: {  	_ =	shalt  }
.Lfunc_end0:
.L_simem_size_0:
called_computation_lowered:
.L_overlay_start_0:
0x88: {  	s2 =	sld [smem:$0x3FD9]  }
0x89: {  	s3 =	sld [smem:$0x3FFE];
	_ =	sdelay $0x1  }
0x8a: {  	s1 =	srdreg.scid  }
0x8b: {  	s0 =	sand.u32 $0x1, s1  }
0x8c: {  	s17 =	sshll.u32 s0, $0xA;
	s2 =	sadd.s32 s3, s2  }
0x8d: {  	s2 =	sadd.s32 s2, s17  }
0x8e: {  	[smem:$0x3FBA] =	sst s2  }
0x8f: {  	_ = 	snop  }
0x90: {  	s2 =	sld [smem:$0x3FD0];
	(tm) =	ssettm $0x1  }
0x91: {  	s18 =	sld [smem:$0x3FFB];
	_ =	sdelay $0x3  }
0x92: {  	_ =	strace s18  }
0x93: {  	s3 =	sld [smem:$0x3FFC];
	_ =	sdelay $0x3  }
0x94: {  	_ =	strace s3  }
0x95: {  	s3 =	sld [smem:$0x3FFD];
	_ =	sdelay $0x3  }
0x96: {  	_ =	strace s3  }
0x97: {  	_ =	strace $0x8FFFFFFF  }
0x98: {  	s19 =	sld [smem:$0x3FDB];
	_ =	sdelay $0x1  }
0x99: {  	s4 =	simm.s32 $_scs_section_size  }
0x9a: {  	s5 =	simm.s32 $_size__tile_overlayer_lowered;
	s6 =	simm.s32 $_tile_overlayer_lowered  }
0x9b: {  	s22 =	simm.s32 $0x1BFF;
	s21 =	sshll.u32 s6, $0x1;
	s3 =	sadd.s32 s4, s19  }
0x9c: {  	s7 =	simm.s32 $0x0;
	s20 =	sshll.u32 s5, $0x1;
	s5 =	sadd.s32 s21, s3  }
0x9d: {  	[timem:s7], [sflag:s22] =	dma.local [hbm:s5], s20  }
0x9e: {  	_ =	swait.ge [sflag:s22], s20  }
0x9f: {  	s4 =	ssub.s32 $0x0, s20;
	[sflag:s22] =	ssyncset.done $0x0  }
0xa0: {  	[sflag:s22] =	ssyncadd.s32 s4;
	_ =	sdelay $0x1  }
0xa1: {  	s23 =	simm.s32 $0x1B8B  }
0xa2: {  	_ =	swait.ge [sflag:s23], $0x1  }
0xa3: {  	[sflag:s23] =	ssyncset.done $0x0  }
0xa4: {  	s25 =	simm.s32 $0x1B8E;
	s24 =	sld [smem:$0x3FFE];
	[sflag:s23] =	ssyncadd.s32 $0xFFFFFFFF  }
0xa5: {  	s26 =	simm.s32 $execute0_lowered;
	[smem:$0x3FD2] =	sst s25  }
0xa6: {  	s5 =	sshll.u32 s26, $0x1;
	_ =	strace $0x80000046;
	[dreg:$0x1] =	wrdreg $0xFFFFFFFF  }
0xa7: {  	s28 =	simm.s32 $_size_execute0_lowered;
	s3 =	sadd.s32 s3, s5;
	[dreg:$0x0] =	wrdreg $0x0  }
0xa8: {  	s5 =	sshll.u32 s28, $0x1;
	[dreg:$0x2] =	wrdreg s3  }
0xa9: {  	[dreg:$0x3] =	wrdreg s5  }
0xaa: {  	[dreg:$0x4] =	wrdreg $0xC0  }
0xab: {  	_ =	task [dreg:s7], $0x5FFFF  }
0xac: {  	[dreg:$0x1] =	wrdreg $0xFFFFFFFF  }
0xad: {  	[dreg:$0x0] =	wrdreg $0x60  }
0xae: {  	[dreg:$0x2] =	wrdreg s24  }
0xaf: {  	[dreg:$0x3] =	wrdreg s2  }
0xb0: {  	[dreg:$0x4] =	wrdreg $0x9  }
0xb1: {  	_ =	task.clear_ibuf [dreg:s7], $0x5FFFF;
	_ =	strace $0x90000046  }
0xb2: {  	s29 =	simm.s32 $0x9;
	_ =	strace $0x80000048  }
0xb3: {  	_ =	swait.ge [sflag:s29], $0x1  }
0xb4: {  	[sflag:s29] =	ssyncadd.s32 $0xFFFFFFFF  }
0xb5: {  	_ =	strace $0x90000048  }
0xb6: {  	_ =	sfence  }
0xb7: {  	s30 =	sld [smem:$0x0];
	_ =	sdelay $0x2  }
0xb8: {  	s31 =	sshll.u32 s1, $0xD;
	s1 =	sshrl.u32 s1, $0x2  }
0xb9: {  	s3 =	sand.u32 $0x4000, s31;
	s1 =	sadd.s32 s1, s30  }
0xba: {  	s0 =	sor.u32 s3, s0;
	s1 =	sshll.u32 s1, $0x11  }
0xbb: {  	s0 =	sor.u32 s1, s0  }
0xbc: {  	s0 =	sadd.s32 $0x8F2B, s0  }
0xbd: {  	[sflag:s0] =	ssyncadd.remote.s32 $0x1  }
0xbe: {  	_ =	sfence.sel $0xFFFF  }
0xbf: {  	[dreg:$0x0] =	wrdreg $0xFFFFFFFF;
	(pc) =	sbr.abs _section_cstart, $3  }
0xc0: {  	[dreg:$0x1] =	wrdreg $0xFFFFFFFF  }
0xc1: {  	_ =	task.clear_ibuf [dreg:s7], $0x2FFFF;
	_ =	strace $0x9FFFFFFF  }
0xc2: {  	(tm) =	ssettm $0x7FFFFFFF  }
0xc3: {  	_ =	shalt  }
tec
execute0_lowered:
.L_overlay_start_1:
0x0: {  	(tag) =	ssettag $0x1  }
0x1: {  	s4 =	rddreg [dreg:$0x0]  }
0x2: {  	s1 =	srdreg.scid;
	s0 =	stileid.u32  }
0x3: {  	s6 =	rddreg [dreg:$0x1];
	s2 =	simm.s32 $0x0;
	s10 =	simm.s32 $0x7800  }
0x4: {  	s11 =	simm.s32 $0x5800;
	s5 =	sand.u32 $0x1, s1;
	s3 =	sshll.u32 s0, $0x1  }
0x5: {  	s12 =	simm.s32 $0x0;
	s1 =	rddreg [dreg:$0x2];
	s7 =	sor.u32 s5, s3  }
0x6: {  	[smem:$0x7FF] =	sst s2;
	s5 =	ssub.s32 $0x2, s5;
	s3 =	smul.u32 $0x300, s7  }
0x7: {  	_ =	strace $0x80000047;
	s9 =	sshrl.u32 s5, $0x1;
	s7 =	sshll.u32 s7, $0xA  }
0x8: {  	s9 =	ssub.s32 s5, s9;
	s6 =	sadd.s32 s6, s7;
	s8 =	sadd.s32 s3, s4  }
0x9: {  	s3 =	sadd.s32 $0x8000, s4;
	s4 =	sadd.s32 $0x8800, s4;
	s7 =	smax.u32 s9, $0x1  }
0xa: {  	v0 =	vimm.f32 $0.0e+00;
	s9 =	simm.s32 $0x1800;
	s5 =	sadd.s32 $0x2000, s8;
	s8 =	simm.s32 $0x1  }
.LBB2_1:
0xb: {  	[tilespmem:s2], [sflag:$0x1] =	stream.linear.gather [hbm4b:s5+s2], $0x1800, $0x38;
	[tilespmem:$0x17900] =	vst v63  }
0xc: {  	_ =	swait.ge [sflag:s8], $0x1800  }
0xd: {  	[sflag:s8] =	ssyncset.done $0x0  }
0xe: {  	[sflag:s8] =	ssyncadd.s32 $0xFFFFE800  }
0xf: {  	[tilespmem:s9], [sflag:$0x1] =	stream.linear.gather [hbm4b:s3+s2], $0x4000, $0x38;
	[tilespmem:$0x17900] =	vst v63  }
0x10: {  	_ =	swait.ge [sflag:s8], $0x4000  }
0x11: {  	[sflag:s8] =	ssyncset.done $0x0  }
0x12: {  	[sflag:s8] =	ssyncadd.s32 $0xFFFFC000  }
0x13: {  	[tilespmem:s10], [sflag:$0x1] =	stream.linear.gather [hbm4b:s4+s2], $0x100, $0x38;
	[tilespmem:$0x17900] =	vst v63  }
0x14: {  	_ =	swait.ge [sflag:s8], $0x100  }
0x15: {  	[sflag:s8] =	ssyncset.done $0x0  }
0x16: {  	[sflag:s8] =	ssyncadd.s32 $0xFFFFFF00  }
0x17: {  	v5 =	vld [tilespmem:$0x7880];
	_ =	sdelay $0x4  }
0x18: {  	[tilespmem:$0x1FF90] =	vst v5;
	v5 =	vld [tilespmem:$0x7890];
	_ =	sdelay $0x4  }
0x19: {  	[tilespmem:$0x1FFA0] =	vst v5;
	v5 =	vld [tilespmem:$0x78A0];
	_ =	sdelay $0x4  }
0x1a: {  	[tilespmem:$0x1FFB0] =	vst v5;
	v5 =	vld [tilespmem:$0x78B0];
	_ =	sdelay $0x4  }
0x1b: {  	[tilespmem:$0x1FFC0] =	vst v5;
	v5 =	vld [tilespmem:$0x78C0];
	_ =	sdelay $0x4  }
0x1c: {  	[tilespmem:$0x1FFD0] =	vst v5;
	v5 =	vld [tilespmem:$0x78D0];
	_ =	sdelay $0x1  }
0x1d: {  	v2 =	vld [tilespmem:$0x7800]  }
0x1e: {  	v1 =	vld [tilespmem:$0x7810]  }
0x1f: {  	v3 =	vld [tilespmem:$0x7860]  }
0x20: {  	[tilespmem:$0x1FFE0] =	vst v5;
	v5 =	vld [tilespmem:$0x78E0]  }
0x21: {  	v4 =	vld [tilespmem:$0x7820]  }
0x22: {  	v22 =	vld [tilespmem:$0x7830]  }
0x23: {  	v38 =	vld [tilespmem:$0x7840]  }
0x24: {  	v54 =	vld [tilespmem:$0x7850];
	[tilespmem:$0x1FF80] =	vst v3  }
0x25: {  	s13 =	simm.s32 $0x80;
	s14 =	simm.s32 $0x0;
	v3 =	vld [tilespmem:$0x7870];
	[tilespmem:$0x1FFF0] =	vst v5  }
.LBB2_2:
0x26: {  	p0 =	seq.s32 s13, $0x7F80;
	[tilespmem:s14+$0x5800] =	vst v0;
	s15 =	smov.u32 s13;
	s13 =	sadd.s32 $0x80, s13  }
.Ltmp0:
0x27: {  	[tilespmem:s14+$0x5810] =	vst v0;
	(pc) =	sbr.rel @!p0 .LBB2_2-.Ltmp0, $2  }
0x28: {  	_ =	sdelay $0x2  }
0x29: {  	s14 =	sshra.s32 s15, $0x2  }
0x2a: {  	v5 =	vbroadcast v2, $0x0  }
0x2b: {  	v61 =	vbroadcast v3, $0x0;
	v62 =	vbroadcast v1, $0x0  }
0x2c: {  	v63 =	vbroadcast v4, $0x0;
	v8 =	vbroadcast v2, $0x1  }
0x2d: {  	[tilespmem:s14+$0x5800] =	vst v0;
	v9 =	vbroadcast v3, $0x1;
	v10 =	vbroadcast v1, $0x1  }
0x2e: {  	[tilespmem:s14+$0x5810] =	vst v0;
	v14 =	vbroadcast v1, $0x2;
	v18 =	vbroadcast v1, $0x3  }
0x2f: {  	v23 =	vbroadcast v1, $0x4;
	v27 =	vbroadcast v1, $0x5;
	[tilespmem:$0x1F880] =	vst v5  }
0x30: {  	v31 =	vbroadcast v1, $0x6;
	v35 =	vbroadcast v1, $0x7;
	[tilespmem:$0x1F890] =	vst v61  }
0x31: {  	v40 =	vbroadcast v1, $0x8;
	v44 =	vbroadcast v1, $0x9;
	[tilespmem:$0x1F8A0] =	vst v62  }
0x32: {  	v48 =	vbroadcast v1, $0xA;
	v52 =	vbroadcast v1, $0xB;
	[tilespmem:$0x1F8B0] =	vst v63  }
0x33: {  	v57 =	vbroadcast v1, $0xC;
	v60 =	vbroadcast v1, $0xD;
	[tilespmem:$0x1F8C0] =	vst v8  }
0x34: {  	[tilespmem:$0x1F8D0] =	vst v9;
	v63 =	vbroadcast v1, $0xE;
	v1 =	vbroadcast v1, $0xF  }
0x35: {  	v11 =	vbroadcast v4, $0x1;
	[tilespmem:$0x1F8E0] =	vst v10  }
0x36: {  	[tilespmem:$0x1FC30] =	vst v1;
	v1 =	vbroadcast v4, $0xC  }
0x37: {  	v12 =	vbroadcast v2, $0x2;
	[tilespmem:$0x1F8F0] =	vst v11  }
0x38: {  	[tilespmem:$0x1FC40] =	vst v1;
	v1 =	vbroadcast v4, $0xD  }
0x39: {  	v13 =	vbroadcast v3, $0x2;
	[tilespmem:$0x1F900] =	vst v12  }
0x3a: {  	[tilespmem:$0x1FC50] =	vst v1;
	v1 =	vbroadcast v4, $0xE  }
0x3b: {  	[tilespmem:$0x1F910] =	vst v13  }
0x3c: {  	[tilespmem:$0x1FC60] =	vst v1;
	v1 =	vbroadcast v4, $0xF  }
0x3d: {  	v15 =	vbroadcast v4, $0x2;
	[tilespmem:$0x1F920] =	vst v14  }
0x3e: {  	[tilespmem:$0x1FC70] =	vst v1;
	v1 =	vbroadcast v22, $0x0  }
0x3f: {  	v16 =	vbroadcast v2, $0x3;
	[tilespmem:$0x1F930] =	vst v15  }
0x40: {  	[tilespmem:$0x1FC80] =	vst v1;
	v1 =	vbroadcast v22, $0x1  }
0x41: {  	v17 =	vbroadcast v3, $0x3;
	[tilespmem:$0x1F940] =	vst v16  }
0x42: {  	[tilespmem:$0x1FC90] =	vst v1;
	v1 =	vbroadcast v22, $0x2  }
0x43: {  	[tilespmem:$0x1F950] =	vst v17  }
0x44: {  	[tilespmem:$0x1FCA0] =	vst v1;
	v1 =	vbroadcast v22, $0x3  }
0x45: {  	v19 =	vbroadcast v4, $0x3;
	[tilespmem:$0x1F960] =	vst v18  }
0x46: {  	[tilespmem:$0x1FCB0] =	vst v1;
	v1 =	vbroadcast v22, $0x4  }
0x47: {  	v20 =	vbroadcast v2, $0x4;
	[tilespmem:$0x1F970] =	vst v19  }
0x48: {  	[tilespmem:$0x1FCC0] =	vst v1;
	v1 =	vbroadcast v22, $0x5  }
0x49: {  	v21 =	vbroadcast v3, $0x4;
	[tilespmem:$0x1F980] =	vst v20  }
0x4a: {  	[tilespmem:$0x1FCD0] =	vst v1;
	v1 =	vbroadcast v22, $0x6  }
0x4b: {  	[tilespmem:$0x1F990] =	vst v21  }
0x4c: {  	[tilespmem:$0x1FCE0] =	vst v1;
	v1 =	vbroadcast v22, $0x7  }
0x4d: {  	v24 =	vbroadcast v4, $0x4;
	[tilespmem:$0x1F9A0] =	vst v23  }
0x4e: {  	[tilespmem:$0x1FCF0] =	vst v1;
	v1 =	vbroadcast v22, $0x8  }
0x4f: {  	v25 =	vbroadcast v2, $0x5;
	[tilespmem:$0x1F9B0] =	vst v24  }
0x50: {  	[tilespmem:$0x1FD00] =	vst v1;
	v1 =	vbroadcast v22, $0x9  }
0x51: {  	v26 =	vbroadcast v3, $0x5;
	[tilespmem:$0x1F9C0] =	vst v25  }
0x52: {  	[tilespmem:$0x1FD10] =	vst v1;
	v1 =	vbroadcast v22, $0xA  }
0x53: {  	[tilespmem:$0x1F9D0] =	vst v26  }
0x54: {  	[tilespmem:$0x1FD20] =	vst v1;
	v1 =	vbroadcast v22, $0xB  }
0x55: {  	v28 =	vbroadcast v4, $0x5;
	[tilespmem:$0x1F9E0] =	vst v27  }
0x56: {  	[tilespmem:$0x1FD30] =	vst v1;
	v1 =	vbroadcast v22, $0xC  }
0x57: {  	v29 =	vbroadcast v2, $0x6;
	[tilespmem:$0x1F9F0] =	vst v28  }
0x58: {  	[tilespmem:$0x1FD40] =	vst v1;
	v1 =	vbroadcast v22, $0xD  }
0x59: {  	v30 =	vbroadcast v3, $0x6;
	[tilespmem:$0x1FA00] =	vst v29  }
0x5a: {  	[tilespmem:$0x1FD50] =	vst v1;
	v1 =	vbroadcast v22, $0xE  }
0x5b: {  	[tilespmem:$0x1FA10] =	vst v30  }
0x5c: {  	[tilespmem:$0x1FD60] =	vst v1;
	v1 =	vbroadcast v22, $0xF  }
0x5d: {  	v32 =	vbroadcast v4, $0x6;
	[tilespmem:$0x1FA20] =	vst v31  }
0x5e: {  	[tilespmem:$0x1FD70] =	vst v1;
	v1 =	vbroadcast v38, $0x0  }
0x5f: {  	v33 =	vbroadcast v2, $0x7;
	[tilespmem:$0x1FA30] =	vst v32  }
0x60: {  	[tilespmem:$0x1FD80] =	vst v1;
	v1 =	vbroadcast v38, $0x1  }
0x61: {  	v34 =	vbroadcast v3, $0x7;
	[tilespmem:$0x1FA40] =	vst v33  }
0x62: {  	[tilespmem:$0x1FD90] =	vst v1;
	v1 =	vbroadcast v38, $0x2  }
0x63: {  	[tilespmem:$0x1FA50] =	vst v34  }
0x64: {  	[tilespmem:$0x1FDA0] =	vst v1;
	v1 =	vbroadcast v38, $0x3  }
0x65: {  	v36 =	vbroadcast v4, $0x7;
	[tilespmem:$0x1FA60] =	vst v35  }
0x66: {  	[tilespmem:$0x1FDB0] =	vst v1;
	v1 =	vbroadcast v38, $0x4  }
0x67: {  	v37 =	vbroadcast v2, $0x8;
	[tilespmem:$0x1FA70] =	vst v36  }
0x68: {  	[tilespmem:$0x1FDC0] =	vst v1;
	v1 =	vbroadcast v38, $0x5  }
0x69: {  	v39 =	vbroadcast v3, $0x8;
	[tilespmem:$0x1FA80] =	vst v37  }
0x6a: {  	[tilespmem:$0x1FDD0] =	vst v1;
	v1 =	vbroadcast v38, $0x6  }
0x6b: {  	[tilespmem:$0x1FA90] =	vst v39  }
0x6c: {  	[tilespmem:$0x1FDE0] =	vst v1;
	v1 =	vbroadcast v38, $0x7  }
0x6d: {  	v41 =	vbroadcast v4, $0x8;
	[tilespmem:$0x1FAA0] =	vst v40  }
0x6e: {  	[tilespmem:$0x1FDF0] =	vst v1;
	v1 =	vbroadcast v38, $0x8  }
0x6f: {  	v42 =	vbroadcast v2, $0x9;
	[tilespmem:$0x1FAB0] =	vst v41  }
0x70: {  	[tilespmem:$0x1FE00] =	vst v1;
	v1 =	vbroadcast v38, $0x9  }
0x71: {  	v43 =	vbroadcast v3, $0x9;
	[tilespmem:$0x1FAC0] =	vst v42  }
0x72: {  	[tilespmem:$0x1FE10] =	vst v1;
	v1 =	vbroadcast v38, $0xA  }
0x73: {  	[tilespmem:$0x1FAD0] =	vst v43  }
0x74: {  	[tilespmem:$0x1FE20] =	vst v1;
	v1 =	vbroadcast v38, $0xB  }
0x75: {  	v45 =	vbroadcast v4, $0x9;
	[tilespmem:$0x1FAE0] =	vst v44  }
0x76: {  	[tilespmem:$0x1FE30] =	vst v1;
	v1 =	vbroadcast v38, $0xC  }
0x77: {  	v46 =	vbroadcast v2, $0xA;
	[tilespmem:$0x1FAF0] =	vst v45  }
0x78: {  	[tilespmem:$0x1FE40] =	vst v1;
	v1 =	vbroadcast v38, $0xD  }
0x79: {  	v47 =	vbroadcast v3, $0xA;
	[tilespmem:$0x1FB00] =	vst v46  }
0x7a: {  	[tilespmem:$0x1FE50] =	vst v1;
	v1 =	vbroadcast v38, $0xE  }
0x7b: {  	[tilespmem:$0x1FB10] =	vst v47  }
0x7c: {  	[tilespmem:$0x1FE60] =	vst v1;
	v1 =	vbroadcast v38, $0xF  }
0x7d: {  	v49 =	vbroadcast v4, $0xA;
	[tilespmem:$0x1FB20] =	vst v48  }
0x7e: {  	[tilespmem:$0x1FE70] =	vst v1;
	v1 =	vbroadcast v54, $0x0  }
0x7f: {  	v50 =	vbroadcast v2, $0xB;
	[tilespmem:$0x1FB30] =	vst v49  }
0x80: {  	[tilespmem:$0x1FE80] =	vst v1;
	v1 =	vbroadcast v54, $0x1  }
0x81: {  	v51 =	vbroadcast v3, $0xB;
	[tilespmem:$0x1FB40] =	vst v50  }
0x82: {  	[tilespmem:$0x1FE90] =	vst v1;
	v1 =	vbroadcast v54, $0x2  }
0x83: {  	[tilespmem:$0x1FB50] =	vst v51  }
0x84: {  	[tilespmem:$0x1FEA0] =	vst v1;
	v1 =	vbroadcast v54, $0x3  }
0x85: {  	v53 =	vbroadcast v4, $0xB;
	[tilespmem:$0x1FB60] =	vst v52  }
0x86: {  	[tilespmem:$0x1FEB0] =	vst v1;
	v1 =	vbroadcast v54, $0x4  }
0x87: {  	v55 =	vbroadcast v2, $0xC;
	[tilespmem:$0x1FB70] =	vst v53  }
0x88: {  	[tilespmem:$0x1FEC0] =	vst v1;
	v1 =	vbroadcast v54, $0x5  }
0x89: {  	v56 =	vbroadcast v3, $0xC;
	[tilespmem:$0x1FB80] =	vst v55  }
0x8a: {  	[tilespmem:$0x1FED0] =	vst v1;
	v1 =	vbroadcast v54, $0x6  }
0x8b: {  	[tilespmem:$0x1FB90] =	vst v56  }
0x8c: {  	[tilespmem:$0x1FEE0] =	vst v1;
	v1 =	vbroadcast v54, $0x7  }
0x8d: {  	v58 =	vbroadcast v2, $0xD;
	[tilespmem:$0x1FBA0] =	vst v57  }
0x8e: {  	[tilespmem:$0x1FEF0] =	vst v1;
	v1 =	vbroadcast v54, $0x8  }
0x8f: {  	v59 =	vbroadcast v3, $0xD;
	[tilespmem:$0x1FBB0] =	vst v58  }
0x90: {  	[tilespmem:$0x1FF00] =	vst v1;
	v1 =	vbroadcast v54, $0x9  }
0x91: {  	[tilespmem:$0x1FBC0] =	vst v59  }
0x92: {  	[tilespmem:$0x1FF10] =	vst v1;
	v1 =	vbroadcast v54, $0xA  }
0x93: {  	[tilespmem:$0x1FBD0] =	vst v60;
	v61 =	vbroadcast v2, $0xE  }
0x94: {  	[tilespmem:$0x1FF20] =	vst v1;
	v1 =	vbroadcast v54, $0xB  }
0x95: {  	v62 =	vbroadcast v3, $0xE;
	[tilespmem:$0x1FBE0] =	vst v61  }
0x96: {  	[tilespmem:$0x1FF30] =	vst v1;
	v1 =	vbroadcast v54, $0xC  }
0x97: {  	[tilespmem:$0x1FBF0] =	vst v62  }
0x98: {  	[tilespmem:$0x1FF40] =	vst v1;
	v1 =	vbroadcast v54, $0xD  }
0x99: {  	v2 =	vbroadcast v2, $0xF;
	[tilespmem:$0x1FC00] =	vst v63  }
0x9a: {  	[tilespmem:$0x1FF50] =	vst v1;
	v1 =	vbroadcast v54, $0xE  }
0x9b: {  	[tilespmem:$0x1FC10] =	vst v2;
	v2 =	vbroadcast v3, $0xF  }
0x9c: {  	[tilespmem:$0x1FF60] =	vst v1;
	v1 =	vbroadcast v54, $0xF  }
0x9d: {  	[tilespmem:$0x1FC20] =	vst v2  }
0x9e: {  	s13 =	simm.s32 $0x0;
	s14 =	simm.s32 $0x30;
	[tilespmem:$0x1FF70] =	vst v1  }
.LBB2_4:
0x9f: {  	v56 =	vld [tilespmem:s14+$0xFFFFFFD0]  }
0xa0: {  	v1 =	vld [tilespmem:$0x1F880];
	_ =	sdelay $0x4  }
0xa1: {  	v58 =	vmul.f32 v56, v1;
	v1 =	vld [tilespmem:$0x1F890];
	_ =	sdelay $0x3  }
0xa2: {  	v57 =	vld [tilespmem:s14+$0xFFFFFFF0]  }
0xa3: {  	v58 =	vadd.f32 v58, v1;
	v1 =	vld [tilespmem:$0x1F8A0];
	_ =	sdelay $0x3  }
0xa4: {  	v55 =	vld [tilespmem:s14+$0x10]  }
0xa5: {  	v59 =	vmul.f32 v57, v1;
	v1 =	vld [tilespmem:$0x1F8B0];
	_ =	sdelay $0x4  }
0xa6: {  	v11 =	vmul.f32 v55, v1;
	v1 =	vld [tilespmem:$0x1F8C0];
	_ =	sdelay $0x4  }
0xa7: {  	v60 =	vmul.f32 v56, v1;
	v1 =	vld [tilespmem:$0x1FC80];
	_ =	sdelay $0x4  }
0xa8: {  	v12 =	vmul.f32 v56, v1;
	v1 =	vld [tilespmem:$0x1FD80];
	_ =	sdelay $0x4  }
0xa9: {  	v61 =	vmul.f32 v57, v1;
	v1 =	vld [tilespmem:$0x1FE80];
	_ =	sdelay $0x4  }
0xaa: {  	v62 =	vmul.f32 v55, v1;
	v1 =	vld [tilespmem:$0x1F8D0];
	_ =	sdelay $0x4  }
0xab: {  	v60 =	vadd.f32 v60, v1;
	v1 =	vld [tilespmem:$0x1F8E0];
	_ =	sdelay $0x1  }
0xac: {  	v2 =	vld [tilespmem:$0x1F950]  }
0xad: {  	v3 =	vld [tilespmem:$0x1FCB0]  }
0xae: {  	v4 =	vld [tilespmem:$0x1F970]  }
0xaf: {  	v63 =	vmul.f32 v57, v1;
	v1 =	vld [tilespmem:$0x1F8F0]  }
0xb0: {  	v6 =	vld [tilespmem:$0x1F990]  }
0xb1: {  	v28 =	vld [tilespmem:$0x1F9A0]  }
0xb2: {  	v7 =	vld [tilespmem:$0x1FEB0]  }
0xb3: {  	v30 =	vld [tilespmem:$0x1F9B0]  }
0xb4: {  	v13 =	vmul.f32 v55, v1;
	v1 =	vld [tilespmem:$0x1F900]  }
0xb5: {  	v31 =	vld [tilespmem:$0x1FCC0]  }
0xb6: {  	v33 =	vld [tilespmem:$0x1F9C0]  }
0xb7: {  	v35 =	vld [tilespmem:$0x1FDC0]  }
0xb8: {  	v36 =	vld [tilespmem:$0x1FEC0]  }
0xb9: {  	v21 =	vmul.f32 v56, v1;
	v1 =	vld [tilespmem:$0x1FC90]  }
0xba: {  	v38 =	vld [tilespmem:$0x1F9D0]  }
0xbb: {  	v39 =	vld [tilespmem:$0x1F9E0]  }
0xbc: {  	v8 =	vld [tilespmem:$0x1FA00]  }
0xbd: {  	v9 =	vld [tilespmem:$0x1FCD0]  }
0xbe: {  	v14 =	vmul.f32 v56, v1;
	v1 =	vld [tilespmem:$0x1FD90]  }
0xbf: {  	v41 =	vld [tilespmem:$0x1FDD0]  }
0xc0: {  	v10 =	vld [tilespmem:$0x1FA10]  }
0xc1: {  	v42 =	vld [tilespmem:$0x1FA20]  }
0xc2: {  	v44 =	vld [tilespmem:$0x1F9F0]  }
0xc3: {  	v5 =	vmul.f32 v57, v1;
	v1 =	vld [tilespmem:$0x1F910]  }
0xc4: {  	v46 =	vld [tilespmem:$0x1FA30]  }
0xc5: {  	v48 =	vld [tilespmem:$0x1FA40]  }
0xc6: {  	v49 =	vld [tilespmem:$0x1FCE0]  }
0xc7: {  	v51 =	vld [tilespmem:$0x1FDE0]  }
0xc8: {  	v21 =	vadd.f32 v21, v1;
	v1 =	vld [tilespmem:$0x1F920]  }
0xc9: {  	v53 =	vld [tilespmem:$0x1FEE0]  }
0xca: {  	v22 =	vld [tilespmem:$0x1FEF0]  }
0xcb: {  	v27 =	vmul.f32 v56, v3;
	v3 =	vld [tilespmem:$0x1FDB0]  }
0xcc: {  	v52 =	vmul.f32 v57, v51;
	v51 =	vld [tilespmem:$0x1FAC0]  }
0xcd: {  	v29 =	vmul.f32 v55, v7;
	v15 =	vmul.f32 v57, v1;
	v1 =	vld [tilespmem:$0x1FE90]  }
0xce: {  	v7 =	vmul.f32 v57, v39;
	v8 =	vmul.f32 v56, v8;
	v39 =	vld [tilespmem:$0x1FD00]  }
0xcf: {  	v40 =	vmul.f32 v56, v9;
	v54 =	vmul.f32 v55, v53;
	v53 =	vld [tilespmem:$0x1FAE0]  }
0xd0: {  	v9 =	vmul.f32 v57, v41;
	v43 =	vmul.f32 v57, v42;
	v41 =	vld [tilespmem:$0x1FD20];
	v8 =	vadd.f32 v8, v10  }
0xd1: {  	v50 =	vmul.f32 v56, v49;
	v49 =	vld [tilespmem:$0x1FE20]  }
0xd2: {  	v47 =	vmul.f32 v55, v46;
	v8 =	vadd.f32 v43, v8;
	v16 =	vmul.f32 v55, v1;
	v1 =	vld [tilespmem:$0x1F930]  }
0xd3: {  	v9 =	vadd.f32 v9, v40;
	v40 =	vld [tilespmem:$0x1FD10];
	v58 =	vadd.f32 v59, v58  }
0xd4: {  	v8 =	vadd.f32 v47, v8;
	v47 =	vld [tilespmem:$0x1FE00]  }
0xd5: {  	v58 =	vadd.f32 v11, v58;
	v11 =	vld [tilespmem:$0x1FED0]  }
0xd6: {  	v59 =	vadd.f32 v61, v12;
	v12 =	vld [tilespmem:$0x1FA70]  }
0xd7: {  	v17 =	vmul.f32 v55, v1;
	v1 =	vld [tilespmem:$0x1F940]  }
0xd8: {  	v61 =	vadd.f32 v52, v50;
	v50 =	vld [tilespmem:$0x1FAB0]  }
0xd9: {  	v52 =	vld [tilespmem:$0x1FAD0];
	v60 =	vadd.f32 v63, v60  }
0xda: {  	v61 =	vadd.f32 v54, v61;
	v54 =	vld [tilespmem:$0x1FAF0]  }
0xdb: {  	v60 =	vadd.f32 v13, v60;
	v13 =	vld [tilespmem:$0x1FDF0]  }
0xdc: {  	v18 =	vmul.f32 v56, v1;
	v1 =	vld [tilespmem:$0x1FCA0]  }
0xdd: {  	v21 =	vadd.f32 v15, v21;
	v15 =	vld [tilespmem:$0x1FA60]  }
0xde: {  	v24 =	vadd.f32 v18, v2;
	v2 =	vld [tilespmem:$0x1F960]  }
0xdf: {  	v5 =	vadd.f32 v5, v14;
	v14 =	vld [tilespmem:$0x1FA50]  }
0xe0: {  	v10 =	vmul.f32 v55, v44;
	v42 =	vmul.f32 v56, v41;
	v21 =	vadd.f32 v17, v21;
	v17 =	vld [tilespmem:$0x1FA80]  }
0xe1: {  	v44 =	vmul.f32 v57, v49;
	v19 =	vmul.f32 v56, v1;
	v1 =	vld [tilespmem:$0x1FDA0]  }
0xe2: {  	v45 =	vmul.f32 v55, v11;
	v5 =	vadd.f32 v16, v5;
	v11 =	vmul.f32 v57, v15;
	v15 =	vld [tilespmem:$0x1FB10]  }
0xe3: {  	s15 =	sshra.s32 s13, $0x2;
	v4 =	vmul.f32 v55, v4;
	v25 =	vmul.f32 v57, v2;
	v2 =	vld [tilespmem:$0x1FEA0]  }
0xe4: {  	v34 =	vmul.f32 v56, v33;
	v3 =	vmul.f32 v57, v3;
	[tilespmem:s15+$0xF920] =	vst v5;
	v5 =	vadd.f32 v44, v42;
	v42 =	vld [tilespmem:$0x1FD30]  }
0xe5: {  	v59 =	vadd.f32 v62, v59;
	v16 =	vmul.f32 v55, v12;
	v44 =	vld [tilespmem:$0x1FD50];
	v62 =	vadd.f32 v25, v24  }
0xe6: {  	v12 =	vmul.f32 v56, v17;
	v18 =	vld [tilespmem:$0x1FCF0];
	v1 =	vmul.f32 v57, v1  }
0xe7: {  	v17 =	vld [tilespmem:$0x1FB30];
	v24 =	vmul.f32 v56, v51;
	v4 =	vadd.f32 v4, v62;
	v62 =	vadd.f32 v34, v38  }
0xe8: {  	v3 =	vadd.f32 v3, v27;
	v1 =	vadd.f32 v1, v19;
	v26 =	vmul.f32 v55, v2;
	v2 =	vld [tilespmem:$0x1F980]  }
0xe9: {  	v27 =	vadd.f32 v24, v52;
	v24 =	vld [tilespmem:$0x1FB90];
	v7 =	vadd.f32 v7, v62  }
0xea: {  	v25 =	vmul.f32 v56, v39;
	v19 =	vld [tilespmem:$0x1FAA0];
	v1 =	vadd.f32 v26, v1;
	v26 =	vmul.f32 v57, v47  }
0xeb: {  	v7 =	vadd.f32 v10, v7;
	v10 =	vmul.f32 v56, v48;
	v48 =	vld [tilespmem:$0x1FE10]  }
0xec: {  	v3 =	vadd.f32 v29, v3;
	v29 =	vadd.f32 v26, v25;
	v25 =	vld [tilespmem:$0x1FBA0]  }
0xed: {  	v26 =	vld [tilespmem:$0x1FBB0];
	v2 =	vmul.f32 v56, v2  }
0xee: {  	v10 =	vadd.f32 v10, v14;
	v14 =	vld [tilespmem:$0x1FA90]  }
0xef: {  	v20 =	vmul.f32 v57, v19;
	v19 =	vld [tilespmem:$0x1FF20];
	v2 =	vadd.f32 v2, v6;
	v6 =	vmul.f32 v57, v28  }
0xf0: {  	v10 =	vadd.f32 v11, v10;
	v11 =	vmul.f32 v56, v18;
	v18 =	vld [tilespmem:$0x1FB40]  }
0xf1: {  	v13 =	vmul.f32 v57, v13;
	v2 =	vadd.f32 v6, v2;
	v6 =	vmul.f32 v55, v30;
	v30 =	vld [tilespmem:$0x1FF00]  }
0xf2: {  	v10 =	vadd.f32 v16, v10;
	v16 =	vld [tilespmem:$0x1FB20]  }
0xf3: {  	v11 =	vadd.f32 v13, v11;
	v13 =	vmul.f32 v55, v22;
	v22 =	vld [tilespmem:$0x1FB70]  }
0xf4: {  	v32 =	vmul.f32 v56, v31;
	v12 =	vadd.f32 v12, v14;
	v14 =	vld [tilespmem:$0x1FB00]  }
0xf5: {  	v9 =	vadd.f32 v45, v9;
	v28 =	vmul.f32 v57, v53;
	v45 =	vmul.f32 v55, v19;
	v19 =	vld [tilespmem:$0x1FB50]  }
0xf6: {  	v2 =	vadd.f32 v6, v2;
	v6 =	vmul.f32 v57, v35;
	v12 =	vadd.f32 v20, v12;
	v20 =	vld [tilespmem:$0x1FB60]  }
0xf7: {  	v23 =	vmul.f32 v55, v50;
	v5 =	vadd.f32 v45, v5;
	v45 =	vld [tilespmem:$0x1FD60]  }
0xf8: {  	v37 =	vmul.f32 v55, v36;
	v6 =	vadd.f32 v6, v32;
	v32 =	vadd.f32 v28, v27;
	v27 =	vld [tilespmem:$0x1FE30]  }
0xf9: {  	v43 =	vmul.f32 v56, v18;
	v12 =	vadd.f32 v23, v12;
	v23 =	vld [tilespmem:$0x1FB80]  }
0xfa: {  	[tilespmem:s15+$0x79C0] =	vst v8;
	v6 =	vadd.f32 v37, v6;
	v31 =	vmul.f32 v56, v14;
	v37 =	vld [tilespmem:$0x1FF10]  }
0xfb: {  	v33 =	vmul.f32 v56, v40;
	[tilespmem:s15+$0xF960] =	vst v3;
	v46 =	vadd.f32 v43, v19;
	v43 =	vld [tilespmem:$0x1FD40]  }
0xfc: {  	[tilespmem:s15+$0xF900] =	vst v59;
	v34 =	vmul.f32 v57, v48;
	v35 =	vmul.f32 v57, v16;
	v59 =	vadd.f32 v31, v15;
	v31 =	vld [tilespmem:$0x1FF30]  }
0xfd: {  	[tilespmem:s15+$0xF9A0] =	vst v9;
	v11 =	vadd.f32 v13, v11;
	v13 =	vmul.f32 v55, v30;
	v9 =	vmul.f32 v57, v27;
	v27 =	vld [tilespmem:$0x1FBC0]  }
0xfe: {  	[tilespmem:s15+$0x7920] =	vst v60;
	v60 =	vmul.f32 v57, v20;
	v3 =	vadd.f32 v35, v59;
	v62 =	vmul.f32 v56, v23;
	v35 =	vld [tilespmem:$0x1FC40]  }
0xff: {  	[tilespmem:s15+$0x7960] =	vst v4;
	v36 =	vadd.f32 v34, v33;
	v4 =	vadd.f32 v13, v29;
	v59 =	vld [tilespmem:$0x1FE50];
	v13 =	vmul.f32 v55, v37  }
0x100: {  	[tilespmem:s15+$0x79A0] =	vst v7;
	v29 =	vmul.f32 v57, v25;
	v7 =	vadd.f32 v60, v46;
	v46 =	vld [tilespmem:$0x1FE60];
	v28 =	vadd.f32 v62, v24  }
0x101: {  	[tilespmem:s15+$0x7980] =	vst v2;
	v2 =	vadd.f32 v13, v36;
	v36 =	vld [tilespmem:$0x1FE40]  }
0x102: {  	v63 =	vmul.f32 v56, v42;
	[tilespmem:s15+$0xF940] =	vst v1;
	v1 =	vmul.f32 v55, v54;
	v8 =	vadd.f32 v29, v28;
	v28 =	vld [tilespmem:$0x1FBD0]  }
0x103: {  	[tilespmem:s15+$0x7900] =	vst v58;
	v58 =	vmul.f32 v56, v44;
	v30 =	vmul.f32 v55, v22;
	v29 =	vld [tilespmem:$0x1FBE0]  }
0x104: {  	v38 =	vmul.f32 v55, v17;
	v33 =	vmul.f32 v56, v26;
	v1 =	vadd.f32 v1, v32;
	v37 =	vld [tilespmem:$0x1FF40]  }
0x105: {  	[tilespmem:s15+$0xF980] =	vst v6;
	v6 =	vadd.f32 v9, v63;
	v7 =	vadd.f32 v30, v7;
	v30 =	vld [tilespmem:$0x1FBF0];
	v9 =	vmul.f32 v55, v31  }
0x106: {  	[tilespmem:s15+$0xF9C0] =	vst v61;
	v34 =	vmul.f32 v56, v43;
	v3 =	vadd.f32 v38, v3;
	v62 =	vld [tilespmem:$0x1FF50];
	v32 =	vmul.f32 v55, v35  }
0x107: {  	[tilespmem:s15+$0xF9E0] =	vst v11;
	v31 =	vld [tilespmem:$0x1FC00];
	v6 =	vadd.f32 v9, v6;
	v9 =	vadd.f32 v33, v27;
	v38 =	vmul.f32 v57, v28  }
0x108: {  	[tilespmem:s15+$0xFA00] =	vst v4;
	v11 =	vmul.f32 v57, v36;
	v36 =	vld [tilespmem:$0x1FC50];
	v61 =	vmul.f32 v56, v29  }
0x109: {  	[tilespmem:s15+$0xFA20] =	vst v2;
	v4 =	vmul.f32 v55, v37;
	v2 =	vadd.f32 v38, v9;
	v9 =	vmul.f32 v57, v46;
	v46 =	vld [tilespmem:$0x1FD70]  }
0x10a: {  	[tilespmem:s15+$0x7A20] =	vst v1;
	v1 =	vadd.f32 v11, v34;
	v11 =	vmul.f32 v57, v59;
	v63 =	vadd.f32 v61, v30;
	v61 =	vld [tilespmem:$0x1FE70]  }
0x10b: {  	v33 =	vld [tilespmem:$0x1FC20];
	v8 =	vadd.f32 v32, v8;
	v38 =	vmul.f32 v56, v45  }
0x10c: {  	[tilespmem:s15+$0x7A40] =	vst v3;
	v32 =	vld [tilespmem:$0x1FC10];
	v1 =	vadd.f32 v4, v1;
	v3 =	vadd.f32 v11, v58;
	v4 =	vmul.f32 v55, v62  }
0x10d: {  	[tilespmem:s15+$0x7940] =	vst v21;
	v37 =	vld [tilespmem:$0x1FC60];
	v60 =	vmul.f32 v55, v36  }
0x10e: {  	v34 =	vld [tilespmem:$0x1FC30];
	v3 =	vadd.f32 v4, v3;
	[tilespmem:s15+$0xFA80] =	vst v1;
	v1 =	vadd.f32 v9, v38  }
0x10f: {  	[tilespmem:s15+$0x79E0] =	vst v10;
	v58 =	vld [tilespmem:$0x1FF60];
	v2 =	vadd.f32 v60, v2;
	v60 =	vmul.f32 v56, v46;
	v9 =	vmul.f32 v57, v61  }
0x110: {  	[tilespmem:s15+$0x7A00] =	vst v12;
	v38 =	vld [tilespmem:$0x1FC70]  }
0x111: {  	v12 =	vmul.f32 v57, v31;
	v21 =	vmul.f32 v56, v32;
	[tilespmem:s15+$0xFAA0] =	vst v3;
	v3 =	vadd.f32 v9, v60;
	v9 =	vld [tilespmem:$0x1FF70]  }
0x112: {  	[tilespmem:s15+$0xFA40] =	vst v5;
	v13 =	vmul.f32 v55, v37  }
0x113: {  	[tilespmem:s15+$0x7A60] =	vst v7;
	v5 =	vadd.f32 v12, v63;
	v7 =	vadd.f32 v21, v33;
	v59 =	vmul.f32 v57, v34  }
0x114: {  	[tilespmem:s15+$0x7A80] =	vst v8;
	v8 =	vmul.f32 v55, v58  }
0x115: {  	[tilespmem:s15+$0x7AA0] =	vst v2;
	v2 =	vadd.f32 v13, v5;
	v62 =	vadd.f32 v59, v7;
	v63 =	vmul.f32 v55, v38  }
0x116: {  	[tilespmem:s15+$0xFA60] =	vst v6;
	v1 =	vadd.f32 v8, v1;
	v6 =	vmul.f32 v55, v9  }
0x117: {  	[tilespmem:s15+$0x7AC0] =	vst v2;
	v2 =	vadd.f32 v63, v62  }
0x118: {  	[tilespmem:s15+$0xFAC0] =	vst v1;
	v1 =	vadd.f32 v6, v3  }
0x119: {  	[tilespmem:s15+$0x7AE0] =	vst v2  }
0x11a: {  	[tilespmem:s15+$0xFAE0] =	vst v1;
	v1 =	vld [tilespmem:$0x1F880]  }
0x11b: {  	v56 =	vld [tilespmem:s14+$0xFFFFFFE0];
	_ =	sdelay $0x1  }
0x11c: {  	v2 =	vld [tilespmem:$0x1F890];
	_ =	sdelay $0x2  }
0x11d: {  	v1 =	vmul.f32 v56, v1  }
0x11e: {  	v57 =	vld [tilespmem:s14+$0x0]  }
0x11f: {  	v1 =	vadd.f32 v1, v2;
	v2 =	vld [tilespmem:$0x1F8A0]  }
0x120: {  	v10 =	vld [tilespmem:$0x1FD80]  }
0x121: {  	v11 =	vld [tilespmem:$0x1FE80]  }
0x122: {  	v12 =	vld [tilespmem:$0x1F8D0]  }
0x123: {  	v21 =	vld [tilespmem:$0x1F8F0]  }
0x124: {  	v61 =	vld [tilespmem:$0x1F910];
	v2 =	vmul.f32 v57, v2  }
0x125: {  	v55 =	vld [tilespmem:s14+$0x20]  }
0x126: {  	v1 =	vadd.f32 v2, v1;
	v2 =	vld [tilespmem:$0x1F8B0]  }
0x127: {  	v3 =	vld [tilespmem:$0x1F8C0]  }
0x128: {  	v13 =	vld [tilespmem:$0x1F8E0]  }
0x129: {  	v58 =	vld [tilespmem:$0x1F900]  }
0x12a: {  	v59 =	vld [tilespmem:$0x1FC90]  }
0x12b: {  	v60 =	vld [tilespmem:$0x1FD90];
	v2 =	vmul.f32 v55, v2  }
0x12c: {  	v62 =	vld [tilespmem:$0x1F920];
	v3 =	vmul.f32 v56, v3  }
0x12d: {  	v1 =	vadd.f32 v2, v1;
	v2 =	vld [tilespmem:$0x1FC80]  }
0x12e: {  	v6 =	vmul.f32 v57, v13;
	v3 =	vadd.f32 v3, v12;
	v12 =	vld [tilespmem:$0x1FE90]  }
0x12f: {  	v13 =	vld [tilespmem:$0x1F930]  }
0x130: {  	v3 =	vadd.f32 v6, v3;
	v6 =	vmul.f32 v56, v59;
	v59 =	vld [tilespmem:$0x1FDA0]  }
0x131: {  	v7 =	vmul.f32 v56, v58;
	v8 =	vmul.f32 v57, v60;
	v58 =	vld [tilespmem:$0x1FCA0]  }
0x132: {  	v4 =	vmul.f32 v57, v10;
	v60 =	vld [tilespmem:$0x1F950];
	v2 =	vmul.f32 v56, v2  }
0x133: {  	v63 =	vadd.f32 v8, v6;
	v6 =	vmul.f32 v55, v12;
	v12 =	vld [tilespmem:$0x1FCB0]  }
0x134: {  	v5 =	vmul.f32 v55, v11;
	v2 =	vadd.f32 v4, v2;
	v4 =	vmul.f32 v55, v21;
	v21 =	vld [tilespmem:$0x1F940]  }
0x135: {  	v9 =	vmul.f32 v57, v59;
	v59 =	vld [tilespmem:$0x1F9A0]  }
0x136: {  	v2 =	vadd.f32 v5, v2;
	v5 =	vadd.f32 v7, v61;
	v61 =	vld [tilespmem:$0x1F960]  }
0x137: {  	v7 =	vmul.f32 v57, v62;
	v62 =	vld [tilespmem:$0x1FEA0]  }
0x138: {  	v3 =	vadd.f32 v4, v3;
	v4 =	vadd.f32 v6, v63;
	v63 =	vld [tilespmem:$0x1F980]  }
0x139: {  	v5 =	vadd.f32 v7, v5;
	v7 =	vmul.f32 v55, v13;
	v13 =	vld [tilespmem:$0x1FDB0];
	v8 =	vmul.f32 v56, v21  }
0x13a: {  	v21 =	vld [tilespmem:$0x1F970]  }
0x13b: {  	v5 =	vadd.f32 v7, v5;
	v7 =	vadd.f32 v8, v60;
	v60 =	vld [tilespmem:$0x1FEB0]  }
0x13c: {  	v6 =	vmul.f32 v56, v58;
	v58 =	vld [tilespmem:$0x1F990]  }
0x13d: {  	v8 =	vmul.f32 v57, v61;
	v61 =	vld [tilespmem:$0x1F9B0]  }
0x13e: {  	v6 =	vadd.f32 v9, v6;
	v9 =	vmul.f32 v55, v62;
	v10 =	vmul.f32 v56, v63;
	v63 =	vld [tilespmem:$0x1F9C0]  }
0x13f: {  	v7 =	vadd.f32 v8, v7;
	v8 =	vmul.f32 v56, v12;
	v12 =	vmul.f32 v55, v21;
	v21 =	vld [tilespmem:$0x1FDC0]  }
0x140: {  	v11 =	vmul.f32 v57, v13;
	v6 =	vadd.f32 v9, v6;
	v9 =	vmul.f32 v55, v60;
	v60 =	vld [tilespmem:$0x1F9E0]  }
0x141: {  	v10 =	vadd.f32 v10, v58;
	v13 =	vmul.f32 v57, v59;
	v58 =	vld [tilespmem:$0x1FEC0]  }
0x142: {  	v8 =	vadd.f32 v11, v8;
	v11 =	vmul.f32 v55, v61;
	v61 =	vld [tilespmem:$0x1FA00]  }
0x143: {  	v59 =	vld [tilespmem:$0x1F9D0];
	v10 =	vadd.f32 v13, v10  }
0x144: {  	v62 =	vld [tilespmem:$0x1FCC0]  }
0x145: {  	v10 =	vadd.f32 v11, v10;
	v11 =	vmul.f32 v57, v21;
	v21 =	vmul.f32 v57, v60;
	v60 =	vld [tilespmem:$0x1FA10]  }
0x146: {  	v7 =	vadd.f32 v12, v7;
	v12 =	vmul.f32 v56, v63  }
0x147: {  	v13 =	vmul.f32 v55, v58;
	v58 =	vmul.f32 v56, v61;
	v61 =	vld [tilespmem:$0x1FA20]  }
0x148: {  	v63 =	vld [tilespmem:$0x1FDD0];
	v12 =	vadd.f32 v12, v59  }
0x149: {  	v8 =	vadd.f32 v9, v8;
	v9 =	vmul.f32 v56, v62;
	v62 =	vld [tilespmem:$0x1FCD0]  }
0x14a: {  	v12 =	vadd.f32 v21, v12;
	v21 =	vadd.f32 v58, v60;
	v60 =	vld [tilespmem:$0x1F9F0];
	_ =	sdelay $0x1  }
0x14b: {  	v58 =	vmul.f32 v57, v61;
	_ =	sdelay $0x1  }
0x14c: {  	v59 =	vmul.f32 v57, v63;
	v63 =	vadd.f32 v58, v21;
	v58 =	vld [tilespmem:$0x1FA30]  }
0x14d: {  	v9 =	vadd.f32 v11, v9;
	v11 =	vmul.f32 v56, v62;
	v62 =	vld [tilespmem:$0x1FED0];
	v60 =	vmul.f32 v55, v60  }
0x14e: {  	v61 =	vld [tilespmem:$0x1FCE0]  }
0x14f: {  	v12 =	vadd.f32 v60, v12;
	v60 =	vld [tilespmem:$0x1FA40];
	_ =	sdelay $0x1  }
0x150: {  	v21 =	vmul.f32 v55, v58  }
0x151: {  	v11 =	vadd.f32 v59, v11;
	v59 =	vmul.f32 v55, v62;
	v62 =	vld [tilespmem:$0x1FDE0]  }
0x152: {  	v9 =	vadd.f32 v13, v9;
	v13 =	vadd.f32 v21, v63;
	v21 =	vmul.f32 v56, v61;
	v61 =	vld [tilespmem:$0x1FA50]  }
0x153: {  	v58 =	vmul.f32 v56, v60;
	v60 =	vld [tilespmem:$0x1FEE0];
	_ =	sdelay $0x2  }
0x154: {  	v11 =	vadd.f32 v59, v11;
	v59 =	vmul.f32 v57, v62;
	v62 =	vld [tilespmem:$0x1FA80]  }
0x155: {  	v58 =	vadd.f32 v58, v61;
	v61 =	vld [tilespmem:$0x1FA60]  }
0x156: {  	v63 =	vld [tilespmem:$0x1FA70];
	v21 =	vadd.f32 v59, v21;
	v60 =	vmul.f32 v55, v60;
	_ =	sdelay $0x1  }
0x157: {  	v21 =	vadd.f32 v60, v21;
	v60 =	vld [tilespmem:$0x1FA90];
	_ =	sdelay $0x1  }
0x158: {  	v61 =	vmul.f32 v57, v61  }
0x159: {  	v62 =	vmul.f32 v56, v62;
	v59 =	vmul.f32 v55, v63;
	v63 =	vld [tilespmem:$0x1FDF0]  }
0x15a: {  	v58 =	vadd.f32 v61, v58;
	v61 =	vld [tilespmem:$0x1FCF0]  }
0x15b: {  	v60 =	vadd.f32 v62, v60;
	v62 =	vld [tilespmem:$0x1FAA0];
	_ =	sdelay $0x3  }
0x15c: {  	v63 =	vmul.f32 v57, v63;
	v61 =	vmul.f32 v56, v61  }
0x15d: {  	v62 =	vmul.f32 v57, v62  }
0x15e: {  	v58 =	vadd.f32 v59, v58;
	v59 =	vadd.f32 v63, v61  }
0x15f: {  	[tilespmem:s15+$0x7910] =	vst v1;
	v61 =	vld [tilespmem:$0x1FEF0];
	v1 =	vadd.f32 v62, v60;
	v60 =	vmul.f32 v55, v50;
	v50 =	vmul.f32 v56, v51  }
0x160: {  	v51 =	vmul.f32 v56, v39;
	v39 =	vmul.f32 v57, v47  }
0x161: {  	v63 =	vmul.f32 v56, v42;
	v47 =	vmul.f32 v57, v53  }
0x162: {  	[tilespmem:s15+$0x7930] =	vst v3;
	v53 =	vmul.f32 v56, v14;
	v3 =	vadd.f32 v50, v52;
	v50 =	vadd.f32 v39, v51;
	v51 =	vld [tilespmem:$0x1FF00]  }
0x163: {  	v14 =	vmul.f32 v56, v40;
	v40 =	vmul.f32 v55, v54  }
0x164: {  	[tilespmem:s15+$0xF910] =	vst v2;
	v54 =	vmul.f32 v57, v49;
	v61 =	vmul.f32 v55, v61  }
0x165: {  	[tilespmem:s15+$0xF930] =	vst v4;
	v62 =	vmul.f32 v56, v23;
	v23 =	vmul.f32 v55, v35  }
0x166: {  	[tilespmem:s15+$0x7950] =	vst v5;
	v39 =	vmul.f32 v57, v48;
	v48 =	vld [tilespmem:$0x1FF10];
	v2 =	vadd.f32 v61, v59;
	v3 =	vadd.f32 v47, v3  }
0x167: {  	[tilespmem:s15+$0xF950] =	vst v6;
	v61 =	vadd.f32 v53, v15;
	v47 =	vmul.f32 v57, v16;
	v16 =	vld [tilespmem:$0x1FE30];
	v52 =	vmul.f32 v55, v51  }
0x168: {  	[tilespmem:s15+$0x7970] =	vst v7;
	v1 =	vadd.f32 v60, v1;
	v5 =	vadd.f32 v39, v14;
	v53 =	vmul.f32 v56, v18  }
0x169: {  	[tilespmem:s15+$0xF970] =	vst v8;
	v4 =	vadd.f32 v52, v50;
	v50 =	vadd.f32 v47, v61;
	v61 =	vmul.f32 v57, v20;
	v20 =	vld [tilespmem:$0x1FF30]  }
0x16a: {  	[tilespmem:s15+$0x7990] =	vst v10;
	v18 =	vmul.f32 v57, v25;
	v25 =	vmul.f32 v56, v43;
	v3 =	vadd.f32 v40, v3  }
0x16b: {  	[tilespmem:s15+$0xF990] =	vst v9;
	v51 =	vmul.f32 v55, v17;
	v17 =	vadd.f32 v62, v24;
	v24 =	vmul.f32 v56, v26;
	v26 =	vld [tilespmem:$0x1FE40]  }
0x16c: {  	[tilespmem:s15+$0xF9B0] =	vst v11;
	v60 =	vld [tilespmem:$0x1FF20];
	v10 =	vadd.f32 v53, v19;
	v7 =	vmul.f32 v55, v48;
	v11 =	vmul.f32 v57, v16  }
0x16d: {  	[tilespmem:s15+$0x79B0] =	vst v12;
	v35 =	vld [tilespmem:$0x1FF40];
	v19 =	vmul.f32 v55, v22;
	v52 =	vmul.f32 v56, v41;
	v22 =	vadd.f32 v18, v17  }
0x16e: {  	[tilespmem:s15+$0x79D0] =	vst v13;
	v5 =	vadd.f32 v7, v5;
	v8 =	vadd.f32 v11, v63;
	v11 =	vmul.f32 v55, v20  }
0x16f: {  	[tilespmem:s15+$0x7A10] =	vst v1;
	v40 =	vmul.f32 v56, v44;
	v7 =	vadd.f32 v54, v52;
	v1 =	vadd.f32 v23, v22;
	v54 =	vld [tilespmem:$0x1FE60]  }
0x170: {  	v44 =	vmul.f32 v56, v29;
	[tilespmem:s15+$0x7A30] =	vst v3;
	v41 =	vld [tilespmem:$0x1FE50];
	v8 =	vadd.f32 v11, v8;
	v11 =	vmul.f32 v57, v26  }
0x171: {  	v39 =	vmul.f32 v57, v28;
	v9 =	vmul.f32 v55, v60;
	[tilespmem:s15+$0x7A90] =	vst v1;
	v1 =	vld [tilespmem:$0x1FF60]  }
0x172: {  	v49 =	vadd.f32 v44, v30;
	[tilespmem:s15+$0xFA10] =	vst v4;
	v4 =	vmul.f32 v55, v35;
	v3 =	vadd.f32 v11, v25  }
0x173: {  	[tilespmem:s15+$0xF9D0] =	vst v21;
	v53 =	vmul.f32 v56, v45;
	v48 =	vld [tilespmem:$0x1FF50];
	v6 =	vadd.f32 v51, v50;
	v10 =	vadd.f32 v61, v10  }
0x174: {  	[tilespmem:s15+$0x79F0] =	vst v58;
	v7 =	vadd.f32 v9, v7;
	v9 =	vmul.f32 v57, v54;
	v3 =	vadd.f32 v4, v3  }
0x175: {  	v43 =	vmul.f32 v55, v36;
	[tilespmem:s15+$0xF9F0] =	vst v2;
	v2 =	vadd.f32 v19, v10;
	v10 =	vadd.f32 v24, v27  }
0x176: {  	v60 =	vld [tilespmem:$0x1FE70];
	v11 =	vmul.f32 v57, v41;
	v1 =	vmul.f32 v55, v1;
	[tilespmem:s15+$0xFA90] =	vst v3;
	v3 =	vadd.f32 v9, v53  }
0x177: {  	[tilespmem:s15+$0xFA30] =	vst v5;
	v50 =	vmul.f32 v57, v31;
	v52 =	vmul.f32 v56, v32;
	v42 =	vadd.f32 v39, v10  }
0x178: {  	[tilespmem:s15+$0x7A50] =	vst v6;
	v6 =	vmul.f32 v55, v48;
	v47 =	vadd.f32 v11, v40;
	v1 =	vadd.f32 v1, v3;
	v3 =	vld [tilespmem:$0x1FF70]  }
0x179: {  	v58 =	vmul.f32 v57, v34;
	[tilespmem:s15+$0xFA50] =	vst v7;
	v7 =	vadd.f32 v50, v49;
	v5 =	vadd.f32 v43, v42  }
0x17a: {  	v51 =	vmul.f32 v55, v37;
	[tilespmem:s15+$0x7A70] =	vst v2;
	v2 =	vadd.f32 v6, v47;
	v6 =	vadd.f32 v52, v33  }
0x17b: {  	v59 =	vmul.f32 v56, v46;
	[tilespmem:s15+$0xFA70] =	vst v8;
	v9 =	vmul.f32 v57, v60  }
0x17c: {  	p0 =	seq.s32 s13, $0x1F800;
	v62 =	vmul.f32 v55, v38;
	[tilespmem:s15+$0x7AB0] =	vst v5;
	v4 =	vadd.f32 v51, v7;
	v61 =	vadd.f32 v58, v6  }
.Ltmp1:
0x17d: {  	[tilespmem:s15+$0xFAB0] =	vst v2;
	v2 =	vadd.f32 v9, v59;
	v3 =	vmul.f32 v55, v3;
	(pc) =	sbr.rel @!p0 .LBB2_4-.Ltmp1, $4  }
0x17e: {  	[tilespmem:s15+$0x7AD0] =	vst v4;
	v63 =	vadd.f32 v62, v61  }
0x17f: {  	[tilespmem:s15+$0xFAD0] =	vst v1;
	v1 =	vadd.f32 v3, v2  }
0x180: {  	[tilespmem:s15+$0x7AF0] =	vst v63  }
0x181: {  	s13 =	sadd.s32 $0x800, s13;
	s14 =	sadd.s32 $0x60, s14;
	[tilespmem:s15+$0xFAF0] =	vst v1  }
0x182: {  	v2 =	vld [tilespmem:$0x1FF80];
	_ =	sdelay $0x4  }
0x183: {  	v1 =	vbroadcast v2, $0x0;
	_ =	sdelay $0x1  }
0x184: {  	[tilespmem:$0x1F340] =	vst v1;
	v1 =	vbroadcast v2, $0x1;
	_ =	sdelay $0x1  }
0x185: {  	[tilespmem:$0x1F350] =	vst v1;
	v1 =	vbroadcast v2, $0x2;
	_ =	sdelay $0x1  }
0x186: {  	[tilespmem:$0x1F360] =	vst v1;
	v1 =	vbroadcast v2, $0x3;
	_ =	sdelay $0x1  }
0x187: {  	[tilespmem:$0x1F370] =	vst v1;
	v1 =	vbroadcast v2, $0x4;
	_ =	sdelay $0x1  }
0x188: {  	[tilespmem:$0x1F380] =	vst v1;
	v1 =	vbroadcast v2, $0x5;
	_ =	sdelay $0x1  }
0x189: {  	[tilespmem:$0x1F390] =	vst v1;
	v1 =	vbroadcast v2, $0x6;
	_ =	sdelay $0x1  }
0x18a: {  	[tilespmem:$0x1F3A0] =	vst v1;
	v1 =	vbroadcast v2, $0x7;
	_ =	sdelay $0x1  }
0x18b: {  	[tilespmem:$0x1F3B0] =	vst v1;
	v1 =	vbroadcast v2, $0x8;
	_ =	sdelay $0x1  }
0x18c: {  	[tilespmem:$0x1F3C0] =	vst v1;
	v1 =	vbroadcast v2, $0x9;
	_ =	sdelay $0x1  }
0x18d: {  	[tilespmem:$0x1F3D0] =	vst v1;
	v1 =	vbroadcast v2, $0xA;
	_ =	sdelay $0x1  }
0x18e: {  	[tilespmem:$0x1F3E0] =	vst v1;
	v1 =	vbroadcast v2, $0xB;
	_ =	sdelay $0x1  }
0x18f: {  	[tilespmem:$0x1F3F0] =	vst v1;
	v1 =	vbroadcast v2, $0xC;
	_ =	sdelay $0x1  }
0x190: {  	[tilespmem:$0x1F400] =	vst v1;
	v1 =	vbroadcast v2, $0xD  }
0x191: {  	v4 =	vld [tilespmem:$0x1FF90]  }
0x192: {  	[tilespmem:$0x1F410] =	vst v1;
	v1 =	vbroadcast v2, $0xE;
	_ =	sdelay $0x1  }
0x193: {  	[tilespmem:$0x1F420] =	vst v1;
	v1 =	vbroadcast v2, $0xF;
	_ =	sdelay $0x1  }
0x194: {  	[tilespmem:$0x1F430] =	vst v1;
	v1 =	vbroadcast v4, $0x0;
	_ =	sdelay $0x1  }
0x195: {  	[tilespmem:$0x1F440] =	vst v1;
	v1 =	vbroadcast v4, $0x4  }
0x196: {  	v3 =	vld [tilespmem:$0x1FFA0]  }
0x197: {  	[tilespmem:$0x1F450] =	vst v1;
	v1 =	vbroadcast v4, $0x8;
	_ =	sdelay $0x1  }
0x198: {  	[tilespmem:$0x1F460] =	vst v1;
	v1 =	vbroadcast v4, $0xC;
	_ =	sdelay $0x1  }
0x199: {  	[tilespmem:$0x1F470] =	vst v1;
	v1 =	vbroadcast v3, $0x0;
	_ =	sdelay $0x1  }
0x19a: {  	[tilespmem:$0x1F480] =	vst v1;
	v1 =	vbroadcast v3, $0x4  }
0x19b: {  	v2 =	vld [tilespmem:$0x1FFB0]  }
0x19c: {  	[tilespmem:$0x1F490] =	vst v1;
	v1 =	vbroadcast v3, $0x8;
	_ =	sdelay $0x1  }
0x19d: {  	[tilespmem:$0x1F4A0] =	vst v1;
	v1 =	vbroadcast v3, $0xC;
	_ =	sdelay $0x1  }
0x19e: {  	[tilespmem:$0x1F4B0] =	vst v1;
	v1 =	vbroadcast v2, $0x0;
	_ =	sdelay $0x1  }
0x19f: {  	[tilespmem:$0x1F4C0] =	vst v1;
	v1 =	vbroadcast v2, $0x4;
	_ =	sdelay $0x1  }
0x1a0: {  	[tilespmem:$0x1F4D0] =	vst v1;
	v1 =	vbroadcast v2, $0x8;
	_ =	sdelay $0x1  }
0x1a1: {  	[tilespmem:$0x1F4E0] =	vst v1;
	v1 =	vbroadcast v2, $0xC;
	_ =	sdelay $0x1  }
0x1a2: {  	[tilespmem:$0x1F4F0] =	vst v1;
	v1 =	vbroadcast v4, $0x1;
	_ =	sdelay $0x1  }
0x1a3: {  	[tilespmem:$0x1F500] =	vst v1;
	v1 =	vbroadcast v4, $0x5;
	_ =	sdelay $0x1  }
0x1a4: {  	[tilespmem:$0x1F510] =	vst v1;
	v1 =	vbroadcast v4, $0x9;
	_ =	sdelay $0x1  }
0x1a5: {  	[tilespmem:$0x1F520] =	vst v1;
	v1 =	vbroadcast v4, $0xD;
	_ =	sdelay $0x1  }
0x1a6: {  	[tilespmem:$0x1F530] =	vst v1;
	v1 =	vbroadcast v3, $0x1;
	_ =	sdelay $0x1  }
0x1a7: {  	[tilespmem:$0x1F540] =	vst v1;
	v1 =	vbroadcast v3, $0x5;
	_ =	sdelay $0x1  }
0x1a8: {  	[tilespmem:$0x1F550] =	vst v1;
	v1 =	vbroadcast v3, $0x9;
	_ =	sdelay $0x1  }
0x1a9: {  	[tilespmem:$0x1F560] =	vst v1;
	v1 =	vbroadcast v3, $0xD;
	_ =	sdelay $0x1  }
0x1aa: {  	[tilespmem:$0x1F570] =	vst v1;
	v1 =	vbroadcast v2, $0x1;
	_ =	sdelay $0x1  }
0x1ab: {  	[tilespmem:$0x1F580] =	vst v1;
	v1 =	vbroadcast v2, $0x5;
	_ =	sdelay $0x1  }
0x1ac: {  	[tilespmem:$0x1F590] =	vst v1;
	v1 =	vbroadcast v2, $0x9;
	_ =	sdelay $0x1  }
0x1ad: {  	[tilespmem:$0x1F5A0] =	vst v1;
	v1 =	vbroadcast v2, $0xD;
	_ =	sdelay $0x1  }
0x1ae: {  	[tilespmem:$0x1F5B0] =	vst v1;
	v1 =	vbroadcast v4, $0x2;
	_ =	sdelay $0x1  }
0x1af: {  	[tilespmem:$0x1F5C0] =	vst v1;
	v1 =	vbroadcast v4, $0x6;
	_ =	sdelay $0x1  }
0x1b0: {  	[tilespmem:$0x1F5D0] =	vst v1;
	v1 =	vbroadcast v4, $0xA;
	_ =	sdelay $0x1  }
0x1b1: {  	[tilespmem:$0x1F5E0] =	vst v1;
	v1 =	vbroadcast v4, $0xE;
	_ =	sdelay $0x1  }
0x1b2: {  	[tilespmem:$0x1F5F0] =	vst v1;
	v1 =	vbroadcast v3, $0x2;
	_ =	sdelay $0x1  }
0x1b3: {  	[tilespmem:$0x1F600] =	vst v1;
	v1 =	vbroadcast v3, $0x6;
	_ =	sdelay $0x1  }
0x1b4: {  	[tilespmem:$0x1F610] =	vst v1;
	v1 =	vbroadcast v3, $0xA;
	_ =	sdelay $0x1  }
0x1b5: {  	[tilespmem:$0x1F620] =	vst v1;
	v1 =	vbroadcast v3, $0xE;
	_ =	sdelay $0x1  }
0x1b6: {  	[tilespmem:$0x1F630] =	vst v1;
	v1 =	vbroadcast v2, $0x2;
	_ =	sdelay $0x1  }
0x1b7: {  	[tilespmem:$0x1F640] =	vst v1;
	v1 =	vbroadcast v2, $0x6;
	_ =	sdelay $0x1  }
0x1b8: {  	[tilespmem:$0x1F650] =	vst v1;
	v1 =	vbroadcast v2, $0xA;
	_ =	sdelay $0x1  }
0x1b9: {  	[tilespmem:$0x1F660] =	vst v1;
	v1 =	vbroadcast v2, $0xE;
	_ =	sdelay $0x1  }
0x1ba: {  	[tilespmem:$0x1F670] =	vst v1;
	v1 =	vbroadcast v4, $0x3;
	_ =	sdelay $0x1  }
0x1bb: {  	[tilespmem:$0x1F680] =	vst v1;
	v1 =	vbroadcast v4, $0x7;
	_ =	sdelay $0x1  }
0x1bc: {  	[tilespmem:$0x1F690] =	vst v1;
	v1 =	vbroadcast v4, $0xB;
	_ =	sdelay $0x1  }
0x1bd: {  	[tilespmem:$0x1F6A0] =	vst v1;
	v1 =	vbroadcast v4, $0xF;
	_ =	sdelay $0x1  }
0x1be: {  	[tilespmem:$0x1F6B0] =	vst v1;
	v1 =	vbroadcast v3, $0x3;
	_ =	sdelay $0x1  }
0x1bf: {  	[tilespmem:$0x1F6C0] =	vst v1;
	v1 =	vbroadcast v3, $0x7;
	_ =	sdelay $0x1  }
0x1c0: {  	[tilespmem:$0x1F6D0] =	vst v1;
	v1 =	vbroadcast v3, $0xB;
	_ =	sdelay $0x1  }
0x1c1: {  	[tilespmem:$0x1F6E0] =	vst v1;
	v1 =	vbroadcast v3, $0xF;
	_ =	sdelay $0x1  }
0x1c2: {  	[tilespmem:$0x1F6F0] =	vst v1;
	v1 =	vbroadcast v2, $0x3;
	_ =	sdelay $0x1  }
0x1c3: {  	[tilespmem:$0x1F700] =	vst v1;
	v1 =	vbroadcast v2, $0x7;
	_ =	sdelay $0x1  }
0x1c4: {  	[tilespmem:$0x1F710] =	vst v1;
	v1 =	vbroadcast v2, $0xB;
	_ =	sdelay $0x1  }
0x1c5: {  	[tilespmem:$0x1F720] =	vst v1;
	v1 =	vbroadcast v2, $0xF;
	v2 =	vld [tilespmem:$0x1FFC0];
	_ =	sdelay $0x4  }
0x1c6: {  	[tilespmem:$0x1F730] =	vst v1;
	v1 =	vbroadcast v2, $0x0;
	_ =	sdelay $0x1  }
0x1c7: {  	[tilespmem:$0x1F740] =	vst v1;
	v1 =	vbroadcast v2, $0x4;
	_ =	sdelay $0x1  }
0x1c8: {  	[tilespmem:$0x1F750] =	vst v1;
	v1 =	vbroadcast v2, $0x8;
	_ =	sdelay $0x1  }
0x1c9: {  	[tilespmem:$0x1F760] =	vst v1;
	v1 =	vbroadcast v2, $0xC;
	_ =	sdelay $0x1  }
0x1ca: {  	[tilespmem:$0x1F770] =	vst v1;
	v1 =	vbroadcast v2, $0x1;
	_ =	sdelay $0x1  }
0x1cb: {  	[tilespmem:$0x1F780] =	vst v1;
	v1 =	vbroadcast v2, $0x5;
	_ =	sdelay $0x1  }
0x1cc: {  	[tilespmem:$0x1F790] =	vst v1;
	v1 =	vbroadcast v2, $0x9;
	_ =	sdelay $0x1  }
0x1cd: {  	[tilespmem:$0x1F7A0] =	vst v1;
	v1 =	vbroadcast v2, $0xD;
	_ =	sdelay $0x1  }
0x1ce: {  	[tilespmem:$0x1F7B0] =	vst v1;
	v1 =	vbroadcast v2, $0x2;
	_ =	sdelay $0x1  }
0x1cf: {  	[tilespmem:$0x1F7C0] =	vst v1;
	v1 =	vbroadcast v2, $0x6;
	_ =	sdelay $0x1  }
0x1d0: {  	[tilespmem:$0x1F7D0] =	vst v1;
	v1 =	vbroadcast v2, $0xA;
	_ =	sdelay $0x1  }
0x1d1: {  	[tilespmem:$0x1F7E0] =	vst v1;
	v1 =	vbroadcast v2, $0xE;
	_ =	sdelay $0x1  }
0x1d2: {  	[tilespmem:$0x1F7F0] =	vst v1;
	v1 =	vbroadcast v2, $0x3;
	_ =	sdelay $0x1  }
0x1d3: {  	[tilespmem:$0x1F800] =	vst v1;
	v1 =	vbroadcast v2, $0x7  }
0x1d4: {  	v25 =	vld [tilespmem:$0x1FFD0]  }
0x1d5: {  	[tilespmem:$0x1F810] =	vst v1;
	v1 =	vbroadcast v2, $0xB;
	_ =	sdelay $0x1  }
0x1d6: {  	[tilespmem:$0x1F820] =	vst v1;
	v1 =	vbroadcast v2, $0xF;
	_ =	sdelay $0x1  }
0x1d7: {  	[tilespmem:$0x1F830] =	vst v1;
	v1 =	vbroadcast v25, $0x0;
	_ =	sdelay $0x1  }
0x1d8: {  	[tilespmem:$0x1F840] =	vst v1;
	v1 =	vbroadcast v25, $0x1;
	_ =	sdelay $0x1  }
0x1d9: {  	[tilespmem:$0x1F850] =	vst v1;
	v1 =	vbroadcast v25, $0x2;
	_ =	sdelay $0x1  }
0x1da: {  	[tilespmem:$0x1F860] =	vst v1;
	v1 =	vbroadcast v25, $0x3;
	_ =	sdelay $0x1  }
0x1db: {  	s13 =	simm.s32 $0x0;
	[tilespmem:$0x1F870] =	vst v1  }
.LBB2_6:
0x1dc: {  	s14 =	sshra.s32 s13, $0x2  }
0x1dd: {  	v26 =	vld [tilespmem:s14+$0x1800];
	_ =	sdelay $0x4  }
0x1de: {  	(v2sf) =	vpush v26, $0x0;
	_ =	sdelay $0x1  }
0x1df: {  	(v2sf) =	vpush v26, $0x1;
	_ =	sdelay $0xc  }
0x1e0: {  	s29 =	spop (v2sf)  }
0x1e1: {  	s15 =	smul.u32 $0x180, s29  }
0x1e2: {  	s16 =	spop (v2sf)  }
0x1e3: {  	s30 =	smul.u32 $0x180, s16;
	s17 =	sshra.s32 s15, $0x2  }
0x1e4: {  	v46 =	vld [tilespmem:s17+$0x0]  }
0x1e5: {  	v27 =	vld [tilespmem:s17+$0x20];
	s18 =	sshra.s32 s30, $0x2  }
0x1e6: {  	v28 =	vld [tilespmem:s18+$0x0]  }
0x1e7: {  	v29 =	vld [tilespmem:s18+$0x20]  }
0x1e8: {  	v30 =	vld [tilespmem:s17+$0x40]  }
0x1e9: {  	v31 =	vld [tilespmem:s18+$0x40];
	_ =	sdelay $0x2  }
0x1ea: {  	v26 =	vsub.f32 v46, v28;
	v27 =	vsub.f32 v27, v29;
	_ =	sdelay $0x1  }
0x1eb: {  	v47 =	vsub.f32 v30, v31;
	v26 =	vmul.f32 v26, v26;
	v27 =	vmul.f32 v27, v27;
	_ =	sdelay $0x1  }
0x1ec: {  	v48 =	vmul.f32 v47, v47;
	v26 =	vadd.f32 v27, v26;
	_ =	sdelay $0x1  }
0x1ed: {  	v26 =	vadd.f32 v48, v26;
	_ =	sdelay $0x1  }
0x1ee: {  	v26 =	vadd.f32 $9.999999930e-09, v26;
	_ =	sdelay $0x1  }
0x1ef: {  	v49 =	vmul.f32 $1.525878910e-05, v26  }
0x1f0: {  	vm9 =	vgt.f32 v26, $6.553600000e+04  }
0x1f1: {  	v26 =	vsel vm9, v49, v26  }
0x1f2: {  	v27 =	vmul.f32 $3.906250000e-03, v26  }
0x1f3: {  	vm7 =	vgt.f32 v26, $2.560000000e+02  }
0x1f4: {  	v26 =	vsel vm7, v27, v26  }
0x1f5: {  	v27 =	vmul.f32 $6.250000000e-02, v26  }
0x1f6: {  	vm8 =	vgt.f32 v26, $1.600000000e+01  }
0x1f7: {  	v26 =	vsel vm8, v27, v26  }
0x1f8: {  	v27 =	vmul.f32 $2.500000000e-01, v26  }
0x1f9: {  	vm5 =	vgt.f32 v26, $4.000000000e+00  }
0x1fa: {  	v26 =	vsel vm5, v27, v26  }
0x1fb: {  	v27 =	vmul.f32 $5.000000000e-01, v26  }
0x1fc: {  	vm6 =	vgt.f32 v26, $2.000000000e+00  }
0x1fd: {  	v26 =	vsel vm6, v27, v26  }
0x1fe: {  	v27 =	vmul.f32 $6.553600000e+04, v26  }
0x1ff: {  	vm3 =	vlt.f32 v26, $1.525878910e-05  }
0x200: {  	v26 =	vsel vm3, v27, v26  }
0x201: {  	v27 =	vmul.f32 $2.560000000e+02, v26  }
0x202: {  	vm4 =	vlt.f32 v26, $3.906250000e-03  }
0x203: {  	v26 =	vsel vm4, v27, v26  }
0x204: {  	v27 =	vmul.f32 $1.600000000e+01, v26  }
0x205: {  	vm2 =	vlt.f32 v26, $6.250000000e-02  }
0x206: {  	v26 =	vsel vm2, v27, v26  }
0x207: {  	v27 =	vmul.f32 $4.000000000e+00, v26  }
0x208: {  	vm1 =	vlt.f32 v26, $2.500000000e-01  }
0x209: {  	v26 =	vsel vm1, v27, v26  }
0x20a: {  	v27 =	vadd.f32 v26, v26  }
0x20b: {  	vm0 =	vlt.f32 v26, $5.000000000e-01  }
0x20c: {  	v26 =	vsel vm0, v27, v26  }
0x20d: {  	v27 =	vmul.f32 $5.350000260e-01, v26;
	_ =	sdelay $0x1  }
0x20e: {  	v50 =	vmul.f32 $5.000000000e-01, v26;
	v27 =	vsub.f32 $1.690000060e+00, v27;
	_ =	sdelay $0x1  }
0x20f: {  	v51 =	vmul.f32 v27, v50  }
0x210: {  	v1 =	vimm.f32 $1.000000000e+00  }
0x211: {  	v52 =	vsel vm9, $0x43800000, v1;
	v29 =	vmul.f32 v51, v27  }
0x212: {  	v53 =	vmul.f32 $1.600000000e+01, v52  }
0x213: {  	v29 =	vsub.f32 $1.500000000e+00, v29  }
0x214: {  	v30 =	vsel vm7, v53, v52  }
0x215: {  	v31 =	vmul.f32 $4.000000000e+00, v30;
	v27 =	vmul.f32 v29, v27;
	_ =	sdelay $0x1  }
0x216: {  	v54 =	vsel vm8, v31, v30;
	v55 =	vmul.f32 v27, v50  }
0x217: {  	v31 =	vadd.f32 v54, v54  }
0x218: {  	v30 =	vmul.f32 v55, v27  }
0x219: {  	v29 =	vsel vm5, v31, v54  }
0x21a: {  	v31 =	vmul.f32 $1.414213540e+00, v29;
	v30 =	vsub.f32 $1.500000000e+00, v30;
	_ =	sdelay $0x1  }
0x21b: {  	v29 =	vsel vm6, v31, v29;
	v27 =	vmul.f32 v30, v27  }
0x21c: {  	v56 =	vmul.f32 $3.906250000e-03, v29  }
0x21d: {  	v57 =	vmul.f32 v27, v50  }
0x21e: {  	v29 =	vsel vm3, v56, v29  }
0x21f: {  	v30 =	vmul.f32 $6.250000000e-02, v29;
	v31 =	vmul.f32 v57, v27;
	_ =	sdelay $0x1  }
0x220: {  	v29 =	vsel vm4, v30, v29;
	v58 =	vsub.f32 $1.500000000e+00, v31  }
0x221: {  	v59 =	vmul.f32 $2.500000000e-01, v29  }
0x222: {  	v27 =	vmul.f32 v58, v27  }
0x223: {  	v29 =	vsel vm2, v59, v29  }
0x224: {  	v32 =	vmul.f32 $5.000000000e-01, v29;
	v28 =	vmul.f32 v27, v50;
	_ =	sdelay $0x1  }
0x225: {  	v29 =	vsel vm1, v32, v29;
	v28 =	vmul.f32 v28, v27  }
0x226: {  	v35 =	vmul.f32 $7.071067690e-01, v29  }
0x227: {  	v28 =	vsub.f32 $1.500000000e+00, v28  }
0x228: {  	v1 =	vld [tilespmem:$0x1F340];
	v29 =	vsel vm0, v35, v29  }
0x229: {  	v26 =	vmul.f32 v26, v29;
	v27 =	vmul.f32 v28, v27;
	_ =	sdelay $0x1  }
0x22a: {  	v26 =	vmul.f32 v27, v26;
	_ =	sdelay $0x1  }
0x22b: {  	v7 =	vmul.f32 v26, v1;
	v1 =	vld [tilespmem:$0x1F350];
	_ =	sdelay $0x4  }
0x22c: {  	v8 =	vmul.f32 v26, v1;
	v1 =	vld [tilespmem:$0x1F360];
	_ =	sdelay $0x3  }
0x22d: {  	v2 =	vld [tilespmem:$0x1F4B0];
	s14 =	sshll.u32 s29, $0xB  }
0x22e: {  	s14 =	sshra.s32 s14, $0x2;
	v10 =	vmul.f32 v26, v1;
	v1 =	vld [tilespmem:$0x1F380]  }
0x22f: {  	v60 =	vld [tilespmem:s14+$0x7900]  }
0x230: {  	v33 =	vld [tilespmem:s14+$0x7920]  }
0x231: {  	v62 =	vld [tilespmem:s14+$0x7940]  }
0x232: {  	v37 =	vld [tilespmem:s14+$0x7960]  }
0x233: {  	v15 =	vmul.f32 v26, v1;
	v1 =	vld [tilespmem:$0x1F390]  }
0x234: {  	v4 =	vld [tilespmem:s14+$0x7980]  }
0x235: {  	s31 =	sshll.u32 s16, $0xB;
	v6 =	vld [tilespmem:s14+$0x79A0]  }
0x236: {  	s15 =	sshra.s32 s31, $0x2;
	v39 =	vld [tilespmem:s14+$0x79C0]  }
0x237: {  	v61 =	vld [tilespmem:s15+$0xF900]  }
0x238: {  	v16 =	vmul.f32 v26, v1;
	v1 =	vld [tilespmem:$0x1F3B0]  }
0x239: {  	v11 =	vld [tilespmem:s14+$0x79E0]  }
0x23a: {  	v13 =	vld [tilespmem:s14+$0x7A00]  }
0x23b: {  	v42 =	vld [tilespmem:s14+$0x7A20]  }
0x23c: {  	v20 =	vld [tilespmem:s14+$0x7A40]  }
0x23d: {  	v30 =	vadd.f32 v61, v60;
	v21 =	vmul.f32 v26, v1;
	v1 =	vld [tilespmem:$0x1F440]  }
0x23e: {  	v34 =	vld [tilespmem:s15+$0xF920]  }
0x23f: {  	v36 =	vld [tilespmem:s15+$0xF940];
	v30 =	vadd.f32 v7, v30  }
0x240: {  	v63 =	vld [tilespmem:s15+$0xF960]  }
0x241: {  	v5 =	vld [tilespmem:s15+$0xF980];
	v30 =	vmax.f32 v30, $0.0e+00  }
0x242: {  	v43 =	vmul.f32 v30, v1;
	v1 =	vld [tilespmem:$0x1F840]  }
0x243: {  	v38 =	vld [tilespmem:s15+$0xF9A0]  }
0x244: {  	v40 =	vld [tilespmem:s15+$0xF9C0]  }
0x245: {  	v12 =	vld [tilespmem:s15+$0xF9E0]  }
0x246: {  	v41 =	vld [tilespmem:s15+$0xFA00]  }
0x247: {  	v33 =	vadd.f32 v34, v33;
	v43 =	vadd.f32 v43, v1;
	v1 =	vld [tilespmem:$0x1F450]  }
0x248: {  	v17 =	vld [tilespmem:s15+$0xFA20]  }
0x249: {  	v9 =	vadd.f32 v36, v62;
	v62 =	vld [tilespmem:$0x1F410];
	v33 =	vadd.f32 v8, v33  }
0x24a: {  	v52 =	vld [tilespmem:$0x1F370]  }
0x24b: {  	v34 =	vadd.f32 v12, v11;
	v57 =	vld [tilespmem:$0x1F3C0];
	v33 =	vmax.f32 v33, $0.0e+00  }
0x24c: {  	v44 =	vmul.f32 v33, v1;
	v1 =	vld [tilespmem:$0x1F460]  }
0x24d: {  	v55 =	vld [tilespmem:$0x1F3A0];
	v34 =	vadd.f32 v21, v34  }
0x24e: {  	v60 =	vld [tilespmem:$0x1F3F0];
	v31 =	vadd.f32 v10, v9  }
0x24f: {  	v59 =	vld [tilespmem:$0x1F3E0];
	v32 =	vadd.f32 v41, v13;
	v34 =	vmax.f32 v34, $0.0e+00  }
0x250: {  	v49 =	vmul.f32 v26, v57;
	v31 =	vmax.f32 v31, $0.0e+00;
	v24 =	vmul.f32 v34, v2;
	v2 =	vld [tilespmem:$0x1F4C0]  }
0x251: {  	v35 =	vadd.f32 v63, v37;
	v14 =	vmul.f32 v26, v52;
	v54 =	vmul.f32 v31, v1;
	v1 =	vld [tilespmem:$0x1F470]  }
0x252: {  	v58 =	vld [tilespmem:$0x1F3D0];
	v32 =	vadd.f32 v49, v32  }
0x253: {  	v61 =	vld [tilespmem:$0x1F400];
	v35 =	vadd.f32 v14, v35  }
0x254: {  	v18 =	vadd.f32 v40, v39;
	v63 =	vld [tilespmem:$0x1F420];
	v28 =	vadd.f32 v5, v4;
	v32 =	vmax.f32 v32, $0.0e+00  }
0x255: {  	v27 =	vadd.f32 v38, v6;
	v35 =	vmax.f32 v35, $0.0e+00;
	v56 =	vmul.f32 v32, v2;
	v2 =	vld [tilespmem:$0x1F430]  }
0x256: {  	v38 =	vadd.f32 v17, v42;
	v19 =	vmul.f32 v26, v55;
	v6 =	vmul.f32 v35, v1;
	v1 =	vld [tilespmem:$0x1F480]  }
0x257: {  	v22 =	vld [tilespmem:s15+$0xFA40];
	v50 =	vmul.f32 v26, v58;
	v45 =	vmul.f32 v26, v59;
	v28 =	vadd.f32 v15, v28  }
0x258: {  	v46 =	vld [tilespmem:s14+$0x7AA0];
	v4 =	vmul.f32 v26, v60;
	v29 =	vadd.f32 v19, v18;
	v43 =	vadd.f32 v43, v44  }
0x259: {  	v5 =	vld [tilespmem:s15+$0xFAA0];
	v19 =	vmul.f32 v26, v62;
	v10 =	vmul.f32 v26, v61;
	v28 =	vmax.f32 v28, $0.0e+00  }
0x25a: {  	v43 =	vadd.f32 v43, v54;
	v54 =	vmul.f32 v26, v63;
	v26 =	vmul.f32 v26, v2;
	v2 =	vld [tilespmem:$0x1F4D0]  }
0x25b: {  	v8 =	vmul.f32 v28, v1;
	v1 =	vld [tilespmem:$0x1F490]  }
0x25c: {  	v23 =	vld [tilespmem:s14+$0x7A60];
	v38 =	vadd.f32 v50, v38  }
0x25d: {  	v48 =	vld [tilespmem:s15+$0xFA60];
	v27 =	vadd.f32 v16, v27  }
0x25e: {  	v53 =	vld [tilespmem:s15+$0xFA80];
	v37 =	vadd.f32 v22, v20;
	v38 =	vmax.f32 v38, $0.0e+00  }
0x25f: {  	v41 =	vadd.f32 v5, v46;
	v27 =	vmax.f32 v27, $0.0e+00;
	v5 =	vmul.f32 v38, v2;
	v2 =	vld [tilespmem:$0x1F4E0]  }
0x260: {  	v18 =	vmul.f32 v27, v1;
	v1 =	vld [tilespmem:$0x1F4A0]  }
0x261: {  	v51 =	vld [tilespmem:s14+$0x7A80];
	v37 =	vadd.f32 v45, v37  }
0x262: {  	v14 =	vld [tilespmem:$0x1F500];
	v7 =	vadd.f32 v43, v6  }
0x263: {  	v37 =	vmax.f32 v37, $0.0e+00;
	v15 =	vld [tilespmem:$0x1F510]  }
0x264: {  	v29 =	vmax.f32 v29, $0.0e+00;
	v39 =	vadd.f32 v7, v8;
	v7 =	vmul.f32 v37, v2;
	v2 =	vld [tilespmem:$0x1F5C0]  }
0x265: {  	v21 =	vmul.f32 v29, v1;
	v1 =	vld [tilespmem:$0x1F850];
	_ =	sdelay $0x1  }
0x266: {  	v40 =	vadd.f32 v53, v51;
	v16 =	vld [tilespmem:$0x1F520]  }
0x267: {  	v36 =	vadd.f32 v48, v23;
	v48 =	vmul.f32 v30, v14  }
0x268: {  	v40 =	vadd.f32 v10, v40;
	v10 =	vmul.f32 v30, v2;
	v2 =	vld [tilespmem:$0x1F860]  }
0x269: {  	v23 =	vmul.f32 v33, v15;
	v22 =	vadd.f32 v48, v1;
	_ =	sdelay $0x1  }
0x26a: {  	v53 =	vmul.f32 v31, v16;
	v25 =	vadd.f32 v22, v23;
	_ =	sdelay $0x1  }
0x26b: {  	v45 =	vadd.f32 v25, v53;
	v25 =	vadd.f32 v10, v2;
	v2 =	vld [tilespmem:$0x1F5D0];
	_ =	sdelay $0x1  }
0x26c: {  	v11 =	vld [tilespmem:s15+$0xFAC0]  }
0x26d: {  	v9 =	vld [tilespmem:s14+$0x7AC0];
	_ =	sdelay $0x1  }
0x26e: {  	v53 =	vmul.f32 v33, v2;
	v2 =	vld [tilespmem:$0x1F4F0];
	_ =	sdelay $0x1  }
0x26f: {  	v36 =	vadd.f32 v4, v36  }
0x270: {  	v13 =	vld [tilespmem:$0x1F680];
	v42 =	vadd.f32 v11, v9  }
0x271: {  	v36 =	vmax.f32 v36, $0.0e+00  }
0x272: {  	v42 =	vadd.f32 v54, v42;
	v54 =	vmul.f32 v36, v2;
	v2 =	vld [tilespmem:$0x1F870];
	_ =	sdelay $0x2  }
0x273: {  	v17 =	vld [tilespmem:$0x1F530];
	v30 =	vmul.f32 v30, v13  }
0x274: {  	v47 =	vld [tilespmem:s14+$0x7AE0]  }
0x275: {  	v30 =	vadd.f32 v30, v2;
	v2 =	vld [tilespmem:$0x1F5E0]  }
0x276: {  	v39 =	vadd.f32 v39, v18;
	v18 =	vld [tilespmem:$0x1F540]  }
0x277: {  	v20 =	vld [tilespmem:s15+$0xFAE0]  }
0x278: {  	v41 =	vadd.f32 v19, v41;
	v19 =	vld [tilespmem:$0x1F550];
	v4 =	vmul.f32 v35, v17;
	_ =	sdelay $0x1  }
0x279: {  	v45 =	vadd.f32 v45, v4;
	v4 =	vmul.f32 v31, v2;
	v2 =	vld [tilespmem:$0x1F5F0]  }
0x27a: {  	v6 =	vmul.f32 v28, v18;
	_ =	sdelay $0x1  }
0x27b: {  	v9 =	vmul.f32 v27, v19;
	v44 =	vadd.f32 v20, v47;
	v20 =	vld [tilespmem:$0x1F560];
	v8 =	vadd.f32 v45, v6;
	_ =	sdelay $0x1  }
0x27c: {  	v11 =	vadd.f32 v8, v9;
	v8 =	vmul.f32 v35, v2;
	v2 =	vld [tilespmem:$0x1F600]  }
0x27d: {  	v39 =	vadd.f32 v39, v21;
	_ =	sdelay $0x1  }
0x27e: {  	v39 =	vadd.f32 v39, v24;
	v24 =	vmul.f32 v29, v20;
	_ =	sdelay $0x1  }
0x27f: {  	v43 =	vadd.f32 v11, v24;
	v11 =	vmul.f32 v28, v2;
	v2 =	vld [tilespmem:$0x1F740];
	_ =	sdelay $0x3  }
0x280: {  	v40 =	vmax.f32 v40, $0.0e+00  }
0x281: {  	v12 =	vmul.f32 v40, v2;
	v2 =	vld [tilespmem:$0x1F610];
	_ =	sdelay $0x3  }
0x282: {  	v39 =	vadd.f32 v39, v56  }
0x283: {  	v48 =	vmul.f32 v27, v2;
	v2 =	vld [tilespmem:$0x1F620]  }
0x284: {  	v21 =	vld [tilespmem:$0x1F570];
	v39 =	vadd.f32 v39, v5;
	v56 =	vadd.f32 v25, v53;
	_ =	sdelay $0x1  }
0x285: {  	v22 =	vld [tilespmem:$0x1F580];
	v39 =	vadd.f32 v39, v7;
	v7 =	vadd.f32 v56, v4;
	_ =	sdelay $0x1  }
0x286: {  	v6 =	vadd.f32 v39, v54;
	v39 =	vadd.f32 v7, v8;
	v7 =	vmul.f32 v29, v2;
	v2 =	vld [tilespmem:$0x1F630]  }
0x287: {  	v5 =	vmul.f32 v34, v21  }
0x288: {  	v49 =	vld [tilespmem:$0x1F690]  }
0x289: {  	v10 =	vmul.f32 v32, v22;
	v43 =	vadd.f32 v43, v5  }
0x28a: {  	v50 =	vld [tilespmem:$0x1F6A0]  }
0x28b: {  	v46 =	vadd.f32 v43, v10;
	v10 =	vmul.f32 v34, v2;
	v2 =	vld [tilespmem:$0x1F750]  }
0x28c: {  	v51 =	vld [tilespmem:$0x1F6B0]  }
0x28d: {  	v3 =	vld [tilespmem:$0x1F660];
	v33 =	vmul.f32 v33, v49  }
0x28e: {  	v53 =	vld [tilespmem:$0x1F6C0]  }
0x28f: {  	v41 =	vmax.f32 v41, $0.0e+00;
	v54 =	vld [tilespmem:$0x1F6D0];
	v30 =	vadd.f32 v30, v33;
	v31 =	vmul.f32 v31, v50  }
0x290: {  	v47 =	vadd.f32 v39, v11;
	v11 =	vmul.f32 v41, v2;
	v2 =	vld [tilespmem:$0x1F6F0]  }
0x291: {  	v9 =	vmul.f32 v35, v51;
	v30 =	vadd.f32 v30, v31  }
0x292: {  	v56 =	vld [tilespmem:$0x1F6E0];
	v5 =	vadd.f32 v6, v12;
	v6 =	vadd.f32 v47, v48  }
0x293: {  	v23 =	vld [tilespmem:$0x1F590];
	v30 =	vadd.f32 v30, v9;
	v28 =	vmul.f32 v28, v53  }
0x294: {  	v33 =	vadd.f32 v6, v7;
	v7 =	vmul.f32 v37, v3;
	v3 =	vld [tilespmem:$0x1F760]  }
0x295: {  	v28 =	vadd.f32 v30, v28;
	v27 =	vmul.f32 v27, v54;
	v12 =	vmul.f32 v34, v2;
	v2 =	vld [tilespmem:$0x1F640];
	_ =	sdelay $0x1  }
0x296: {  	v24 =	vld [tilespmem:$0x1F5A0];
	v8 =	vmul.f32 v29, v56;
	v27 =	vadd.f32 v28, v27  }
0x297: {  	v42 =	vmax.f32 v42, $0.0e+00  }
0x298: {  	v27 =	vadd.f32 v27, v8;
	v8 =	vmul.f32 v42, v3;
	v3 =	vld [tilespmem:$0x1F720]  }
0x299: {  	v26 =	vadd.f32 v26, v44;
	v4 =	vmul.f32 v38, v23;
	v44 =	vmul.f32 v32, v2;
	v2 =	vld [tilespmem:$0x1F700];
	_ =	sdelay $0x1  }
0x29a: {  	v31 =	vadd.f32 v46, v4;
	v9 =	vmul.f32 v37, v24;
	_ =	sdelay $0x1  }
0x29b: {  	v29 =	vadd.f32 v31, v9;
	v9 =	vmul.f32 v37, v3;
	v3 =	vld [tilespmem:$0x1F670]  }
0x29c: {  	v46 =	vmul.f32 v32, v2;
	v2 =	vld [tilespmem:$0x1F650];
	_ =	sdelay $0x3  }
0x29d: {  	v43 =	vadd.f32 v33, v10;
	v10 =	vmul.f32 v36, v3;
	v3 =	vld [tilespmem:$0x1F790]  }
0x29e: {  	v47 =	vmul.f32 v38, v2;
	v2 =	vld [tilespmem:$0x1F710];
	_ =	sdelay $0x2  }
0x29f: {  	v27 =	vadd.f32 v27, v12  }
0x2a0: {  	v30 =	vadd.f32 v5, v11;
	v11 =	vmul.f32 v41, v3;
	v3 =	vld [tilespmem:$0x1F730]  }
0x2a1: {  	v27 =	vadd.f32 v27, v46;
	v48 =	vmul.f32 v38, v2;
	_ =	sdelay $0x1  }
0x2a2: {  	v27 =	vadd.f32 v27, v48;
	_ =	sdelay $0x1  }
0x2a3: {  	v25 =	vld [tilespmem:$0x1F5B0];
	v12 =	vmul.f32 v36, v3;
	v27 =	vadd.f32 v27, v9  }
0x2a4: {  	v2 =	vld [tilespmem:$0x1F780]  }
0x2a5: {  	v27 =	vadd.f32 v27, v12;
	v12 =	vld [tilespmem:$0x1F800]  }
0x2a6: {  	v3 =	vld [tilespmem:$0x1F7C0]  }
0x2a7: {  	v30 =	vadd.f32 v30, v8;
	v8 =	vld [tilespmem:$0x1F810];
	v31 =	vadd.f32 v43, v44  }
0x2a8: {  	v45 =	vmul.f32 v36, v25  }
0x2a9: {  	v31 =	vadd.f32 v31, v47;
	v9 =	vld [tilespmem:$0x1F820]  }
0x2aa: {  	v29 =	vadd.f32 v29, v45;
	v5 =	vld [tilespmem:$0x1F7D0];
	v6 =	vmul.f32 v40, v2;
	v37 =	vmul.f32 v40, v12  }
0x2ab: {  	v36 =	vmul.f32 v40, v3;
	v3 =	vld [tilespmem:$0x1F7A0];
	v31 =	vadd.f32 v31, v7  }
0x2ac: {  	v4 =	vld [tilespmem:$0x1F7B0];
	v44 =	vmul.f32 v41, v8;
	v29 =	vadd.f32 v29, v6;
	v27 =	vadd.f32 v27, v37  }
0x2ad: {  	v31 =	vadd.f32 v31, v10;
	v6 =	vld [tilespmem:$0x1F7E0]  }
0x2ae: {  	v29 =	vadd.f32 v29, v11;
	v11 =	vld [tilespmem:$0x1F770];
	v10 =	vmul.f32 v42, v9;
	v27 =	vadd.f32 v27, v44  }
0x2af: {  	s16 =	sshll.u32 s16, $0x9;
	v26 =	vmax.f32 v26, $0.0e+00;
	v39 =	vmul.f32 v41, v5;
	v7 =	vld [tilespmem:$0x1F7F0]  }
0x2b0: {  	s16 =	sshra.s32 s16, $0x2;
	v38 =	vmul.f32 v42, v3;
	v31 =	vadd.f32 v31, v36;
	v27 =	vadd.f32 v27, v10;
	v10 =	vld [tilespmem:$0x1F830]  }
0x2b1: {  	v45 =	vld [tilespmem:s16+$0x5820];
	v47 =	vmul.f32 v26, v4  }
0x2b2: {  	v43 =	vld [tilespmem:s16+$0x5800];
	v31 =	vadd.f32 v31, v39;
	v29 =	vadd.f32 v29, v38;
	v46 =	vmul.f32 v42, v6  }
0x2b3: {  	v48 =	vld [tilespmem:s16+$0x5840];
	v40 =	vmul.f32 v26, v11  }
0x2b4: {  	v39 =	vld [tilespmem:s16+$0x5860];
	v38 =	vmul.f32 v26, v7;
	v29 =	vadd.f32 v29, v47;
	v31 =	vadd.f32 v31, v46  }
0x2b5: {  	v30 =	vadd.f32 v30, v40;
	v26 =	vmul.f32 v26, v10  }
0x2b6: {  	v29 =	vadd.f32 v29, v45;
	v41 =	vadd.f32 v31, v38  }
0x2b7: {  	v40 =	vadd.f32 v30, v43;
	v26 =	vadd.f32 v27, v26  }
0x2b8: {  	[tilespmem:s16+$0x5820] =	vst v29;
	v42 =	vadd.f32 v41, v48  }
0x2b9: {  	[tilespmem:s16+$0x5800] =	vst v40;
	v26 =	vadd.f32 v26, v39  }
0x2ba: {  	[tilespmem:s16+$0x5840] =	vst v42  }
0x2bb: {  	[tilespmem:s16+$0x5860] =	vst v26  }
0x2bc: {  	v26 =	vld [tilespmem:s17+$0x10]  }
0x2bd: {  	v27 =	vld [tilespmem:s17+$0x30]  }
0x2be: {  	v28 =	vld [tilespmem:s18+$0x10]  }
0x2bf: {  	v29 =	vld [tilespmem:s18+$0x30]  }
0x2c0: {  	v43 =	vld [tilespmem:s17+$0x50]  }
0x2c1: {  	v44 =	vld [tilespmem:s18+$0x50];
	_ =	sdelay $0x2  }
0x2c2: {  	v26 =	vsub.f32 v26, v28;
	v27 =	vsub.f32 v27, v29;
	_ =	sdelay $0x1  }
0x2c3: {  	v45 =	vsub.f32 v43, v44;
	v26 =	vmul.f32 v26, v26;
	v27 =	vmul.f32 v27, v27;
	_ =	sdelay $0x1  }
0x2c4: {  	v46 =	vmul.f32 v45, v45;
	v26 =	vadd.f32 v27, v26;
	_ =	sdelay $0x1  }
0x2c5: {  	v26 =	vadd.f32 v46, v26;
	_ =	sdelay $0x1  }
0x2c6: {  	v26 =	vadd.f32 $9.999999930e-09, v26;
	_ =	sdelay $0x1  }
0x2c7: {  	v47 =	vmul.f32 $1.525878910e-05, v26  }
0x2c8: {  	vm9 =	vgt.f32 v26, $6.553600000e+04  }
0x2c9: {  	v26 =	vsel vm9, v47, v26  }
0x2ca: {  	v27 =	vmul.f32 $3.906250000e-03, v26  }
0x2cb: {  	vm7 =	vgt.f32 v26, $2.560000000e+02  }
0x2cc: {  	v26 =	vsel vm7, v27, v26  }
0x2cd: {  	v27 =	vmul.f32 $6.250000000e-02, v26  }
0x2ce: {  	vm8 =	vgt.f32 v26, $1.600000000e+01  }
0x2cf: {  	v26 =	vsel vm8, v27, v26  }
0x2d0: {  	v27 =	vmul.f32 $2.500000000e-01, v26  }
0x2d1: {  	vm5 =	vgt.f32 v26, $4.000000000e+00  }
0x2d2: {  	v26 =	vsel vm5, v27, v26  }
0x2d3: {  	v27 =	vmul.f32 $5.000000000e-01, v26  }
0x2d4: {  	vm10 =	vgt.f32 v26, $2.000000000e+00  }
0x2d5: {  	v26 =	vsel vm10, v27, v26  }
0x2d6: {  	v27 =	vmul.f32 $6.553600000e+04, v26  }
0x2d7: {  	vm11 =	vlt.f32 v26, $1.525878910e-05  }
0x2d8: {  	v26 =	vsel vm11, v27, v26  }
0x2d9: {  	v27 =	vmul.f32 $2.560000000e+02, v26  }
0x2da: {  	vm12 =	vlt.f32 v26, $3.906250000e-03  }
0x2db: {  	v26 =	vsel vm12, v27, v26  }
0x2dc: {  	v27 =	vmul.f32 $1.600000000e+01, v26  }
0x2dd: {  	vm13 =	vlt.f32 v26, $6.250000000e-02  }
0x2de: {  	v26 =	vsel vm13, v27, v26  }
0x2df: {  	v27 =	vmul.f32 $4.000000000e+00, v26  }
0x2e0: {  	vm14 =	vlt.f32 v26, $2.500000000e-01  }
0x2e1: {  	v26 =	vsel vm14, v27, v26  }
0x2e2: {  	v27 =	vadd.f32 v26, v26  }
0x2e3: {  	vm15 =	vlt.f32 v26, $5.000000000e-01  }
0x2e4: {  	v26 =	vsel vm15, v27, v26  }
0x2e5: {  	v27 =	vmul.f32 $5.350000260e-01, v26;
	_ =	sdelay $0x1  }
0x2e6: {  	v48 =	vmul.f32 $5.000000000e-01, v26;
	v27 =	vsub.f32 $1.690000060e+00, v27;
	_ =	sdelay $0x1  }
0x2e7: {  	v36 =	vmul.f32 v27, v48  }
0x2e8: {  	v37 =	vimm.f32 $1.000000000e+00  }
0x2e9: {  	v30 =	vsel vm9, $0x43800000, v37;
	v29 =	vmul.f32 v36, v27  }
0x2ea: {  	v38 =	vmul.f32 $1.600000000e+01, v30  }
0x2eb: {  	v29 =	vsub.f32 $1.500000000e+00, v29  }
0x2ec: {  	v30 =	vsel vm7, v38, v30  }
0x2ed: {  	v31 =	vmul.f32 $4.000000000e+00, v30;
	v27 =	vmul.f32 v29, v27;
	_ =	sdelay $0x1  }
0x2ee: {  	v39 =	vsel vm8, v31, v30;
	v40 =	vmul.f32 v27, v48  }
0x2ef: {  	v31 =	vadd.f32 v39, v39  }
0x2f0: {  	v30 =	vmul.f32 v40, v27  }
0x2f1: {  	v29 =	vsel vm5, v31, v39  }
0x2f2: {  	v32 =	vld [tilespmem:s14+$0x7910];
	v31 =	vmul.f32 $1.414213540e+00, v29;
	v30 =	vsub.f32 $1.500000000e+00, v30  }
0x2f3: {  	v35 =	vld [tilespmem:s15+$0xF970]  }
0x2f4: {  	v37 =	vld [tilespmem:s14+$0x7970];
	v29 =	vsel vm10, v31, v29;
	v27 =	vmul.f32 v30, v27  }
0x2f5: {  	v34 =	vld [tilespmem:s14+$0x7930];
	v41 =	vmul.f32 $3.906250000e-03, v29  }
0x2f6: {  	v33 =	vld [tilespmem:s14+$0x7950];
	v42 =	vmul.f32 v27, v48  }
0x2f7: {  	v44 =	vld [tilespmem:s15+$0xF910];
	v29 =	vsel vm11, v41, v29  }
0x2f8: {  	v38 =	vld [tilespmem:s14+$0x79B0];
	v30 =	vmul.f32 $6.250000000e-02, v29;
	v31 =	vmul.f32 v42, v27  }
0x2f9: {  	v35 =	vadd.f32 v35, v37;
	v37 =	vld [tilespmem:s15+$0xFA50]  }
0x2fa: {  	v36 =	vld [tilespmem:s14+$0x7A30];
	v29 =	vsel vm12, v30, v29;
	v43 =	vsub.f32 $1.500000000e+00, v31  }
0x2fb: {  	v39 =	vld [tilespmem:s14+$0x7990];
	v46 =	vmul.f32 $2.500000000e-01, v29  }
0x2fc: {  	v40 =	vld [tilespmem:s15+$0xF990];
	v27 =	vmul.f32 v43, v27  }
0x2fd: {  	v41 =	vld [tilespmem:s14+$0x79F0];
	v29 =	vsel vm13, v46, v29  }
0x2fe: {  	v47 =	vmul.f32 $5.000000000e-01, v29;
	v28 =	vmul.f32 v27, v48;
	v48 =	vld [tilespmem:s15+$0xF950]  }
0x2ff: {  	v30 =	vld [tilespmem:s15+$0xF930]  }
0x300: {  	v42 =	vld [tilespmem:s15+$0xF9F0];
	v29 =	vsel vm14, v47, v29;
	v28 =	vmul.f32 v28, v27  }
0x301: {  	v46 =	vld [tilespmem:$0x1F340];
	v45 =	vmul.f32 $7.071067690e-01, v29  }
0x302: {  	v43 =	vld [tilespmem:s14+$0x7A10];
	v28 =	vsub.f32 $1.500000000e+00, v28  }
0x303: {  	v29 =	vsel vm15, v45, v29;
	v33 =	vadd.f32 v48, v33;
	v48 =	vld [tilespmem:$0x1F360]  }
0x304: {  	v47 =	vld [tilespmem:$0x1F350];
	v26 =	vmul.f32 v26, v29;
	v27 =	vmul.f32 v28, v27  }
0x305: {  	v29 =	vld [tilespmem:s14+$0x79D0]  }
0x306: {  	v28 =	vld [tilespmem:s15+$0xF9B0];
	v26 =	vmul.f32 v27, v26  }
0x307: {  	v27 =	vld [tilespmem:s15+$0xF9D0]  }
0x308: {  	v31 =	vadd.f32 v44, v32;
	v44 =	vmul.f32 v26, v48;
	v52 =	vmul.f32 v26, v52;
	v48 =	vld [tilespmem:$0x1F380]  }
0x309: {  	v32 =	vmul.f32 v26, v46;
	v46 =	vld [tilespmem:s15+$0xFA70]  }
0x30a: {  	v35 =	vadd.f32 v52, v35;
	v52 =	vld [tilespmem:$0x1F390]  }
0x30b: {  	v30 =	vadd.f32 v30, v34;
	v34 =	vmul.f32 v26, v47;
	v28 =	vadd.f32 v28, v38;
	v38 =	vld [tilespmem:s14+$0x7A70]  }
0x30c: {  	v31 =	vadd.f32 v32, v31;
	v32 =	vld [tilespmem:s15+$0xFA10]  }
0x30d: {  	v39 =	vadd.f32 v40, v39;
	v30 =	vadd.f32 v34, v30;
	v34 =	vld [tilespmem:s14+$0x7A50];
	v40 =	vmul.f32 v26, v48  }
0x30e: {  	v60 =	vmul.f32 v26, v60;
	v27 =	vadd.f32 v27, v29;
	v29 =	vld [tilespmem:s15+$0xFA90]  }
0x30f: {  	v33 =	vadd.f32 v44, v33;
	v44 =	vmul.f32 v26, v52;
	v39 =	vadd.f32 v40, v39;
	v40 =	vld [tilespmem:s14+$0x7A90]  }
0x310: {  	v45 =	vld [tilespmem:s15+$0xFA30];
	v52 =	vmul.f32 v26, v57;
	v57 =	vmul.f32 v26, v59;
	v59 =	vadd.f32 v46, v38  }
0x311: {  	v55 =	vmul.f32 v26, v55;
	v31 =	vmax.f32 v31, $0.0e+00;
	v48 =	vld [tilespmem:$0x1F3B0]  }
0x312: {  	v34 =	vadd.f32 v37, v34;
	v37 =	vadd.f32 v60, v59;
	v59 =	vmul.f32 v31, v14  }
0x313: {  	v27 =	vadd.f32 v55, v27;
	v55 =	vmul.f32 v26, v58;
	v58 =	vld [tilespmem:$0x1F440];
	v32 =	vadd.f32 v32, v43  }
0x314: {  	v29 =	vadd.f32 v29, v40;
	v40 =	vadd.f32 v59, v1;
	v1 =	vld [tilespmem:$0x1F480]  }
0x315: {  	v36 =	vadd.f32 v45, v36  }
0x316: {  	v41 =	vadd.f32 v42, v41;
	v32 =	vadd.f32 v52, v32;
	v52 =	vld [tilespmem:$0x1F450];
	v42 =	vmul.f32 v26, v48  }
0x317: {  	v36 =	vadd.f32 v55, v36;
	v55 =	vmul.f32 v26, v61;
	v48 =	vld [tilespmem:$0x1F840]  }
0x318: {  	v39 =	vmax.f32 v39, $0.0e+00;
	v41 =	vadd.f32 v42, v41;
	v42 =	vmul.f32 v31, v58;
	v58 =	vld [tilespmem:$0x1F460]  }
0x319: {  	v29 =	vadd.f32 v55, v29;
	v55 =	vmul.f32 v39, v1;
	v1 =	vld [tilespmem:$0x1F490];
	_ =	sdelay $0x1  }
0x31a: {  	v30 =	vmax.f32 v30, $0.0e+00;
	v28 =	vadd.f32 v44, v28  }
0x31b: {  	v60 =	vld [tilespmem:s14+$0x7AF0];
	v46 =	vmul.f32 v30, v52;
	v42 =	vadd.f32 v42, v48  }
0x31c: {  	v33 =	vmax.f32 v33, $0.0e+00;
	v14 =	vld [tilespmem:s15+$0xFAF0];
	v28 =	vmax.f32 v28, $0.0e+00  }
0x31d: {  	v42 =	vadd.f32 v42, v46;
	v46 =	vmul.f32 v33, v58;
	v58 =	vmul.f32 v28, v1;
	v1 =	vld [tilespmem:$0x1F4A0];
	_ =	sdelay $0x2  }
0x31e: {  	v61 =	vld [tilespmem:$0x1F470]  }
0x31f: {  	v27 =	vmax.f32 v27, $0.0e+00  }
0x320: {  	v44 =	vadd.f32 v14, v60;
	v60 =	vmul.f32 v27, v1;
	v1 =	vld [tilespmem:$0x1F4B0];
	_ =	sdelay $0x1  }
0x321: {  	v35 =	vmax.f32 v35, $0.0e+00;
	v34 =	vadd.f32 v57, v34  }
0x322: {  	v57 =	vmul.f32 v26, v62;
	v62 =	vmul.f32 v35, v61;
	v42 =	vadd.f32 v42, v46  }
0x323: {  	v41 =	vmax.f32 v41, $0.0e+00  }
0x324: {  	v42 =	vadd.f32 v42, v62;
	v62 =	vmul.f32 v41, v1;
	v1 =	vld [tilespmem:$0x1F4C0];
	_ =	sdelay $0x3  }
0x325: {  	v32 =	vmax.f32 v32, $0.0e+00  }
0x326: {  	v14 =	vmul.f32 v32, v1;
	v1 =	vld [tilespmem:$0x1F430];
	_ =	sdelay $0x1  }
0x327: {  	v47 =	vld [tilespmem:s15+$0xFAB0]  }
0x328: {  	v43 =	vld [tilespmem:s14+$0x7AB0];
	_ =	sdelay $0x1  }
0x329: {  	v52 =	vmul.f32 v26, v63;
	v26 =	vmul.f32 v26, v1;
	v1 =	vld [tilespmem:$0x1F4D0];
	_ =	sdelay $0x2  }
0x32a: {  	v43 =	vadd.f32 v47, v43  }
0x32b: {  	v36 =	vmax.f32 v36, $0.0e+00  }
0x32c: {  	v43 =	vadd.f32 v57, v43;
	v57 =	vmul.f32 v33, v16;
	v16 =	vmul.f32 v36, v1;
	v1 =	vld [tilespmem:$0x1F4E0];
	_ =	sdelay $0x3  }
0x32d: {  	v34 =	vmax.f32 v34, $0.0e+00  }
0x32e: {  	v61 =	vmul.f32 v39, v18;
	v18 =	vmul.f32 v34, v1;
	v1 =	vld [tilespmem:$0x1F5C0];
	_ =	sdelay $0x4  }
0x32f: {  	v63 =	vmul.f32 v28, v19;
	v19 =	vmul.f32 v31, v1;
	v1 =	vld [tilespmem:$0x1F860];
	_ =	sdelay $0x4  }
0x330: {  	v59 =	vmul.f32 v35, v17;
	v17 =	vmul.f32 v41, v21;
	v21 =	vadd.f32 v19, v1;
	v1 =	vld [tilespmem:$0x1F5D0];
	_ =	sdelay $0x1  }
0x331: {  	v15 =	vmul.f32 v30, v15;
	_ =	sdelay $0x1  }
0x332: {  	v40 =	vadd.f32 v40, v15;
	v15 =	vmul.f32 v27, v20  }
0x333: {  	v20 =	vmul.f32 v32, v22;
	v22 =	vmul.f32 v30, v1;
	v1 =	vld [tilespmem:$0x1F870];
	_ =	sdelay $0x2  }
0x334: {  	v31 =	vmul.f32 v31, v13;
	_ =	sdelay $0x1  }
0x335: {  	v31 =	vadd.f32 v31, v1;
	v1 =	vld [tilespmem:$0x1F4F0];
	_ =	sdelay $0x3  }
0x336: {  	v37 =	vmax.f32 v37, $0.0e+00  }
0x337: {  	v48 =	vmul.f32 v37, v1;
	v1 =	vld [tilespmem:$0x1F5E0];
	_ =	sdelay $0x4  }
0x338: {  	v30 =	vmul.f32 v30, v49;
	v49 =	vmul.f32 v33, v1;
	v1 =	vld [tilespmem:$0x1F5F0];
	_ =	sdelay $0x4  }
0x339: {  	v40 =	vadd.f32 v40, v57;
	v57 =	vmul.f32 v35, v1;
	v1 =	vld [tilespmem:$0x1F600];
	_ =	sdelay $0x2  }
0x33a: {  	v40 =	vadd.f32 v40, v59;
	_ =	sdelay $0x1  }
0x33b: {  	v40 =	vadd.f32 v40, v61;
	v61 =	vmul.f32 v39, v1;
	v1 =	vld [tilespmem:$0x1F610];
	_ =	sdelay $0x1  }
0x33c: {  	v42 =	vadd.f32 v42, v55;
	_ =	sdelay $0x1  }
0x33d: {  	v42 =	vadd.f32 v42, v58  }
0x33e: {  	v13 =	vmul.f32 v28, v1;
	v1 =	vld [tilespmem:$0x1F740]  }
0x33f: {  	v42 =	vadd.f32 v42, v60;
	_ =	sdelay $0x1  }
0x340: {  	v42 =	vadd.f32 v42, v62  }
0x341: {  	v29 =	vmax.f32 v29, $0.0e+00  }
0x342: {  	v42 =	vadd.f32 v42, v14;
	v14 =	vmul.f32 v29, v1;
	v1 =	vld [tilespmem:$0x1F620];
	_ =	sdelay $0x4  }
0x343: {  	v42 =	vadd.f32 v42, v16;
	v16 =	vmul.f32 v27, v1;
	v1 =	vld [tilespmem:$0x1F630];
	_ =	sdelay $0x2  }
0x344: {  	v45 =	vld [tilespmem:s15+$0xFAD0]  }
0x345: {  	v38 =	vld [tilespmem:s14+$0x7AD0]  }
0x346: {  	v19 =	vmul.f32 v41, v1;
	v1 =	vld [tilespmem:$0x1F6F0];
	_ =	sdelay $0x2  }
0x347: {  	v40 =	vadd.f32 v40, v63  }
0x348: {  	v38 =	vadd.f32 v45, v38  }
0x349: {  	v40 =	vadd.f32 v40, v15;
	v45 =	vadd.f32 v21, v22;
	v21 =	vmul.f32 v41, v1;
	v1 =	vld [tilespmem:$0x1F750];
	_ =	sdelay $0x1  }
0x34a: {  	v40 =	vadd.f32 v40, v17;
	_ =	sdelay $0x1  }
0x34b: {  	v40 =	vadd.f32 v40, v20;
	v20 =	vmax.f32 v43, $0.0e+00  }
0x34c: {  	v22 =	vmul.f32 v20, v1;
	v1 =	vld [tilespmem:$0x1F640];
	_ =	sdelay $0x4  }
0x34d: {  	v38 =	vadd.f32 v52, v38;
	v52 =	vmul.f32 v36, v23;
	v23 =	vmul.f32 v32, v1;
	v1 =	vld [tilespmem:$0x1F700];
	_ =	sdelay $0x4  }
0x34e: {  	v32 =	vmul.f32 v32, v1;
	v1 =	vld [tilespmem:$0x1F650];
	_ =	sdelay $0x4  }
0x34f: {  	v41 =	vmul.f32 v36, v1;
	v1 =	vld [tilespmem:$0x1F710]  }
0x350: {  	v42 =	vadd.f32 v42, v18;
	_ =	sdelay $0x1  }
0x351: {  	v42 =	vadd.f32 v42, v48  }
0x352: {  	v30 =	vadd.f32 v31, v30  }
0x353: {  	v31 =	vadd.f32 v40, v52;
	v40 =	vadd.f32 v42, v14;
	v42 =	vmul.f32 v36, v1;
	v1 =	vld [tilespmem:$0x1F660];
	_ =	sdelay $0x4  }
0x354: {  	v26 =	vadd.f32 v26, v44;
	v44 =	vmul.f32 v34, v1;
	v1 =	vld [tilespmem:$0x1F720];
	_ =	sdelay $0x4  }
0x355: {  	v55 =	vadd.f32 v45, v49;
	v45 =	vmul.f32 v34, v1;
	v1 =	vld [tilespmem:$0x1F760];
	_ =	sdelay $0x3  }
0x356: {  	v43 =	vmax.f32 v38, $0.0e+00  }
0x357: {  	v46 =	vmul.f32 v43, v1;
	v1 =	vld [tilespmem:$0x1F670]  }
0x358: {  	v33 =	vmul.f32 v33, v50;
	_ =	sdelay $0x1  }
0x359: {  	v58 =	vmul.f32 v35, v51;
	v30 =	vadd.f32 v30, v33  }
0x35a: {  	v60 =	vadd.f32 v55, v57  }
0x35b: {  	v62 =	vmul.f32 v39, v53;
	v30 =	vadd.f32 v30, v58;
	v47 =	vmul.f32 v37, v1;
	v1 =	vld [tilespmem:$0x1F790]  }
0x35c: {  	v63 =	vadd.f32 v60, v61  }
0x35d: {  	v30 =	vadd.f32 v30, v62;
	v28 =	vmul.f32 v28, v54  }
0x35e: {  	v59 =	vmul.f32 v34, v24;
	v35 =	vadd.f32 v63, v13  }
0x35f: {  	v15 =	vmul.f32 v37, v25;
	v28 =	vadd.f32 v30, v28;
	v27 =	vmul.f32 v27, v56  }
0x360: {  	v31 =	vadd.f32 v31, v59;
	v18 =	vadd.f32 v35, v16;
	v48 =	vmul.f32 v20, v1;
	v1 =	vld [tilespmem:$0x1F730]  }
0x361: {  	v27 =	vadd.f32 v28, v27  }
0x362: {  	v17 =	vadd.f32 v31, v15;
	v31 =	vadd.f32 v18, v19  }
0x363: {  	v27 =	vadd.f32 v27, v21  }
0x364: {  	v31 =	vadd.f32 v31, v23  }
0x365: {  	v27 =	vadd.f32 v27, v32;
	v49 =	vmul.f32 v37, v1;
	v1 =	vld [tilespmem:$0x1F7C0]  }
0x366: {  	v31 =	vadd.f32 v31, v41  }
0x367: {  	v27 =	vadd.f32 v27, v42  }
0x368: {  	v25 =	vmul.f32 v29, v2;
	v26 =	vmax.f32 v26, $0.0e+00;
	v31 =	vadd.f32 v31, v44  }
0x369: {  	v51 =	vmul.f32 v43, v3;
	v53 =	vmul.f32 v26, v11;
	v27 =	vadd.f32 v27, v45  }
0x36a: {  	v52 =	vmul.f32 v20, v5;
	v31 =	vadd.f32 v31, v47;
	v50 =	vmul.f32 v29, v1  }
0x36b: {  	v28 =	vadd.f32 v17, v25;
	v27 =	vadd.f32 v27, v49;
	v29 =	vmul.f32 v29, v12  }
0x36c: {  	v58 =	vmul.f32 v26, v4;
	v39 =	vadd.f32 v40, v22;
	v31 =	vadd.f32 v31, v50  }
0x36d: {  	v55 =	vmul.f32 v20, v8;
	v54 =	vld [tilespmem:s16+$0x5810];
	v28 =	vadd.f32 v28, v48;
	v27 =	vadd.f32 v27, v29  }
0x36e: {  	v57 =	vmul.f32 v43, v6;
	v56 =	vld [tilespmem:s16+$0x5830];
	v34 =	vadd.f32 v39, v46;
	v31 =	vadd.f32 v31, v52  }
0x36f: {  	v59 =	vld [tilespmem:s16+$0x5850];
	v32 =	vmul.f32 v43, v9;
	v28 =	vadd.f32 v28, v51;
	v27 =	vadd.f32 v27, v55  }
0x370: {  	v60 =	vmul.f32 v26, v7;
	v61 =	vld [tilespmem:s16+$0x5870];
	v34 =	vadd.f32 v34, v53;
	v31 =	vadd.f32 v31, v57  }
0x371: {  	v26 =	vmul.f32 v26, v10;
	v28 =	vadd.f32 v28, v58;
	v27 =	vadd.f32 v27, v32  }
0x372: {  	p0 =	seq.s32 s13, $0xFFC0;
	v62 =	vadd.f32 v34, v54;
	v31 =	vadd.f32 v31, v60  }
.Ltmp2:
0x373: {  	v28 =	vadd.f32 v28, v56;
	v26 =	vadd.f32 v27, v26;
	(pc) =	sbr.rel @!p0 .LBB2_6-.Ltmp2, $4  }
0x374: {  	[tilespmem:s16+$0x5810] =	vst v62;
	v63 =	vadd.f32 v31, v59  }
0x375: {  	[tilespmem:s16+$0x5830] =	vst v28;
	v26 =	vadd.f32 v26, v61  }
0x376: {  	[tilespmem:s16+$0x5850] =	vst v63  }
0x377: {  	s13 =	sadd.s32 $0x40, s13;
	[tilespmem:s16+$0x5870] =	vst v26  }
0x378: {  	v28 =	vld [tilespmem:$0x1FFD0]  }
0x379: {  	v26 =	vld [tilespmem:$0x1FFF0];
	_ =	sdelay $0x1  }
0x37a: {  	v32 =	vld [tilespmem:$0x1FFE0];
	_ =	sdelay $0x2  }
0x37b: {  	v1 =	vbroadcast v28, $0x4;
	v2 =	vbroadcast v26, $0x0  }
0x37c: {  	v3 =	vbroadcast v28, $0x8;
	v4 =	vbroadcast v28, $0xC  }
0x37d: {  	v5 =	vbroadcast v32, $0x0;
	v6 =	vbroadcast v32, $0x4  }
0x37e: {  	v7 =	vbroadcast v32, $0x8;
	v8 =	vbroadcast v32, $0xC  }
0x37f: {  	v9 =	vbroadcast v28, $0x5;
	v10 =	vbroadcast v26, $0x1  }
0x380: {  	v11 =	vbroadcast v28, $0x9;
	v12 =	vbroadcast v28, $0xD  }
0x381: {  	v13 =	vbroadcast v32, $0x1;
	v14 =	vbroadcast v32, $0x5  }
0x382: {  	v15 =	vbroadcast v32, $0x9;
	v16 =	vbroadcast v32, $0xD  }
0x383: {  	v17 =	vbroadcast v28, $0x6;
	v18 =	vbroadcast v26, $0x2  }
0x384: {  	s13 =	simm.s32 $0x5840;
	v19 =	vbroadcast v28, $0xA;
	v20 =	vbroadcast v28, $0xE  }
0x385: {  	v33 =	vld [tilespmem:s13+$0x0];
	v21 =	vbroadcast v32, $0x2;
	v22 =	vbroadcast v32, $0x6  }
0x386: {  	v34 =	vld [tilespmem:s13+$0xFFFFFFE0];
	v23 =	vbroadcast v32, $0xA;
	v24 =	vbroadcast v32, $0xE  }
0x387: {  	s14 =	simm.s32 $0x0;
	v35 =	vld [tilespmem:s13+$0xFFFFFFC0];
	v25 =	vbroadcast v28, $0x7;
	v26 =	vbroadcast v26, $0x3  }
0x388: {  	v36 =	vld [tilespmem:s14+$0x0];
	v27 =	vbroadcast v28, $0xB;
	v28 =	vbroadcast v28, $0xF  }
0x389: {  	v37 =	vld [tilespmem:s14+$0x20];
	v29 =	vbroadcast v32, $0x3;
	v30 =	vbroadcast v32, $0x7  }
0x38a: {  	v31 =	vbroadcast v32, $0xB;
	v32 =	vbroadcast v32, $0xF  }
0x38b: {  	v38 =	vmul.f32 v33, v15;
	v39 =	vmul.f32 v34, v22  }
0x38c: {  	v40 =	vmul.f32 v35, v21;
	v41 =	vmul.f32 v34, v14  }
0x38d: {  	v44 =	vld [tilespmem:s14+$0x40];
	v42 =	vmul.f32 v36, v25;
	v43 =	vmul.f32 v35, v5  }
0x38e: {  	v45 =	vmul.f32 v37, v11;
	v46 =	vmul.f32 v36, v17  }
0x38f: {  	v47 =	vmul.f32 v35, v29;
	v48 =	vmul.f32 v36, v1  }
0x390: {  	v49 =	vmul.f32 v34, v6;
	v50 =	vmul.f32 v37, v27  }
0x391: {  	v36 =	vmul.f32 v36, v9;
	v51 =	vmul.f32 v37, v3;
	v42 =	vadd.f32 v42, v26  }
0x392: {  	v37 =	vmul.f32 v37, v19;
	v55 =	vmul.f32 v44, v28;
	v48 =	vadd.f32 v48, v2  }
0x393: {  	v56 =	vmul.f32 v44, v4;
	v36 =	vadd.f32 v36, v10;
	v42 =	vadd.f32 v50, v42  }
0x394: {  	v34 =	vmul.f32 v34, v30;
	v46 =	vadd.f32 v46, v18;
	v48 =	vadd.f32 v51, v48  }
0x395: {  	v57 =	vld [tilespmem:s13+$0x20];
	v52 =	vmul.f32 v44, v12;
	v36 =	vadd.f32 v45, v36;
	v42 =	vadd.f32 v55, v42  }
0x396: {  	v44 =	vmul.f32 v44, v20;
	v37 =	vadd.f32 v37, v46;
	v58 =	vadd.f32 v56, v48  }
0x397: {  	v35 =	vmul.f32 v35, v13;
	v36 =	vadd.f32 v52, v36;
	v42 =	vadd.f32 v47, v42  }
0x398: {  	v59 =	vmul.f32 v33, v31;
	v37 =	vadd.f32 v44, v37;
	v43 =	vadd.f32 v43, v58  }
0x399: {  	v60 =	vmul.f32 v33, v7;
	v35 =	vadd.f32 v35, v36;
	v34 =	vadd.f32 v34, v42  }
0x39a: {  	v62 =	vmul.f32 v57, v32;
	v37 =	vadd.f32 v40, v37;
	v61 =	vadd.f32 v49, v43  }
0x39b: {  	v63 =	vmul.f32 v57, v8;
	v35 =	vadd.f32 v41, v35;
	v34 =	vadd.f32 v59, v34  }
0x39c: {  	v33 =	vmul.f32 v33, v23;
	v37 =	vadd.f32 v39, v37;
	v36 =	vadd.f32 v60, v61  }
0x39d: {  	v42 =	vmul.f32 v57, v16;
	v35 =	vadd.f32 v38, v35;
	v34 =	vadd.f32 v62, v34  }
0x39e: {  	v43 =	vmul.f32 v57, v24;
	v33 =	vadd.f32 v33, v37;
	v36 =	vadd.f32 v63, v36  }
0x39f: {  	v35 =	vadd.f32 v42, v35;
	v44 =	vand.u32 $0x7FFFFFFF, v34  }
0x3a0: {  	v38 =	vadd.f32 v43, v33;
	v45 =	vand.u32 $0x7FFFFFFF, v36;
	v37 =	vmul.f32 $-2.000000000e+00, v44  }
0x3a1: {  	v47 =	vand.u32 $0x7FFFFFFF, v35;
	v46 =	vmul.f32 $-2.000000000e+00, v45  }
0x3a2: {  	v48 =	vand.u32 $0x7FFFFFFF, v38;
	v39 =	vmul.f32 $-2.000000000e+00, v47;
	v37 =	vmul.f32 $1.442695020e+00, v37  }
0x3a3: {  	v40 =	vmul.f32 $-2.000000000e+00, v48;
	v33 =	vmul.f32 $1.442695020e+00, v46  }
0x3a4: {  	v49 =	vmul.f32 $1.442695020e+00, v39;
	(erf) = vpow2.f32 v37  }
0x3a5: {  	v50 =	vmul.f32 $1.442695020e+00, v40;
	(erf) = vpow2.f32 v33  }
0x3a6: {  	(erf) = vpow2.f32 v49  }
0x3a7: {  	(erf) = vpow2.f32 v50;
	_ =	sdelay $0x5  }
0x3a8: {  	v52 =	vimm.f32 $1.000000000e+00;
	v55 =	vand.u32 $0x80000000, v35;
	vm0 =	vgt.f32 v36, $0.0e+00;
	v51 =	vpop (erf)  }
0x3a9: {  	vm1 =	vlt.f32 v35, $0.0e+00;
	vm2 =	vgt.f32 v35, $0.0e+00;
	v53 =	vadd.f32 $1.000000000e+00, v51;
	v54 =	vpop (erf)  }
0x3aa: {  	v61 =	vand.u32 $0x80000000, v38;
	v63 =	vand.u32 $0x80000000, v34;
	v56 =	vadd.f32 $1.000000000e+00, v54;
	v57 =	vpop (erf)  }
0x3ab: {  	vm3 =	vgt.f32 v34, $0.0e+00;
	(erf) = vrcp.f32 v53;
	v59 =	vadd.f32 $1.000000000e+00, v57;
	v60 =	vpop (erf)  }
0x3ac: {  	vm1 =	vmor vm2, vm1;
	(erf) = vrcp.f32 v56;
	v62 =	vadd.f32 $1.000000000e+00, v60  }
0x3ad: {  	v45 =	vand.u32 $0x80000000, v36;
	vm2 =	vlt.f32 v36, $0.0e+00;
	(erf) = vrcp.f32 v59  }
0x3ae: {  	vm0 =	vmor vm0, vm2;
	v33 =	vand.u32 $0x7FFFFFFF, v52;
	(erf) = vrcp.f32 v62  }
0x3af: {  	v58 =	vor.u32 v55, v33;
	v39 =	vor.u32 v63, v33;
	v41 =	vor.u32 v45, v33  }
0x3b0: {  	v46 =	vor.u32 v61, v33;
	v35 =	vsel vm1, v58, v35;
	vm1 =	vlt.f32 v34, $0.0e+00  }
0x3b1: {  	v36 =	vsel vm0, v41, v36;
	vm1 =	vmor vm3, vm1;
	v37 =	vsub.f32 $1.000000000e+00, v51  }
0x3b2: {  	vm0 =	vlt.f32 v38, $0.0e+00;
	v34 =	vsel vm1, v39, v34;
	v40 =	vsub.f32 $1.000000000e+00, v54  }
0x3b3: {  	vm1 =	vgt.f32 v38, $0.0e+00;
	v47 =	vsub.f32 $1.000000000e+00, v57;
	v34 =	vmul.f32 v37, v34  }
0x3b4: {  	vm0 =	vmor vm1, vm0;
	v36 =	vmul.f32 v40, v36;
	v49 =	vsub.f32 $1.000000000e+00, v60;
	v48 =	vpop (erf)  }
0x3b5: {  	v38 =	vsel vm0, v46, v38;
	v35 =	vmul.f32 v47, v35;
	v50 =	vpop (erf);
	v34 =	vmul.f32 v48, v34  }
0x3b6: {  	v37 =	vmul.f32 v49, v38;
	v36 =	vmul.f32 v50, v36;
	v51 =	vpop (erf)  }
0x3b7: {  	v45 =	vld [tilespmem:s13+$0xFFFFFFF0];
	v35 =	vmul.f32 v51, v35;
	v52 =	vpop (erf);
	[tilespmem:s13+$0x20] =	vst v34  }
0x3b8: {  	v48 =	vld [tilespmem:s13+$0x10];
	[tilespmem:s13+$0xFFFFFFC0] =	vst v36;
	v53 =	vmul.f32 v52, v37  }
0x3b9: {  	v36 =	vld [tilespmem:s13+$0xFFFFFFD0];
	[tilespmem:s13+$0xFFFFFFE0] =	vst v35  }
0x3ba: {  	[tilespmem:s13+$0x0] =	vst v53  }
0x3bb: {  	v34 =	vld [tilespmem:s14+$0x10]  }
0x3bc: {  	v35 =	vld [tilespmem:s14+$0x30]  }
0x3bd: {  	v53 =	vmul.f32 v45, v22;
	v49 =	vmul.f32 v48, v7  }
0x3be: {  	v54 =	vld [tilespmem:s14+$0x50];
	v38 =	vmul.f32 v36, v13;
	v39 =	vmul.f32 v36, v5  }
0x3bf: {  	v56 =	vmul.f32 v36, v21;
	v36 =	vmul.f32 v36, v29  }
0x3c0: {  	v55 =	vmul.f32 v34, v17;
	v57 =	vmul.f32 v34, v1  }
0x3c1: {  	v58 =	vmul.f32 v34, v9;
	v59 =	vmul.f32 v35, v19  }
0x3c2: {  	v60 =	vmul.f32 v35, v3;
	v61 =	vmul.f32 v35, v11  }
0x3c3: {  	v62 =	vmul.f32 v54, v20;
	v34 =	vmul.f32 v34, v25  }
0x3c4: {  	v63 =	vmul.f32 v54, v4;
	v52 =	vmul.f32 v54, v12  }
0x3c5: {  	v35 =	vmul.f32 v35, v27;
	v40 =	vadd.f32 v55, v18;
	v43 =	vadd.f32 v58, v10  }
0x3c6: {  	v37 =	vmul.f32 v54, v28;
	v42 =	vadd.f32 v57, v2;
	v34 =	vadd.f32 v34, v26  }
0x3c7: {  	v55 =	vmul.f32 v45, v14;
	v40 =	vadd.f32 v59, v40;
	v43 =	vadd.f32 v61, v43  }
0x3c8: {  	v54 =	vld [tilespmem:s13+$0x30];
	v58 =	vmul.f32 v48, v23;
	v42 =	vadd.f32 v60, v42;
	v34 =	vadd.f32 v35, v34  }
0x3c9: {  	v59 =	vmul.f32 v48, v15;
	v40 =	vadd.f32 v62, v40;
	v43 =	vadd.f32 v52, v43  }
0x3ca: {  	v60 =	vmul.f32 v48, v31;
	v42 =	vadd.f32 v63, v42;
	v34 =	vadd.f32 v37, v34  }
0x3cb: {  	v61 =	vmul.f32 v45, v6;
	v40 =	vadd.f32 v56, v40;
	v56 =	vadd.f32 v38, v43  }
0x3cc: {  	v63 =	vmul.f32 v45, v30;
	v39 =	vadd.f32 v39, v42;
	v34 =	vadd.f32 v36, v34  }
0x3cd: {  	v50 =	vmul.f32 v54, v24;
	v57 =	vadd.f32 v53, v40;
	v35 =	vadd.f32 v55, v56  }
0x3ce: {  	v51 =	vmul.f32 v54, v32;
	v39 =	vadd.f32 v61, v39;
	v34 =	vadd.f32 v63, v34  }
0x3cf: {  	v62 =	vmul.f32 v54, v16;
	v38 =	vadd.f32 v58, v57;
	v35 =	vadd.f32 v59, v35  }
0x3d0: {  	v54 =	vmul.f32 v54, v8;
	v53 =	vadd.f32 v49, v39;
	v56 =	vadd.f32 v60, v34  }
0x3d1: {  	v52 =	vadd.f32 v62, v35;
	v36 =	vadd.f32 v50, v38  }
0x3d2: {  	v34 =	vadd.f32 v54, v53;
	v35 =	vadd.f32 v51, v56  }
0x3d3: {  	v55 =	vand.u32 $0x7FFFFFFF, v52;
	vm0 =	vlt.f32 v52, $0.0e+00;
	v58 =	vand.u32 $0x7FFFFFFF, v36  }
0x3d4: {  	v57 =	vand.u32 $0x80000000, v52;
	v60 =	vand.u32 $0x7FFFFFFF, v34;
	v59 =	vmul.f32 $-2.000000000e+00, v58  }
0x3d5: {  	vm1 =	vgt.f32 v52, $0.0e+00;
	v61 =	vand.u32 $0x7FFFFFFF, v35;
	v38 =	vmul.f32 $-2.000000000e+00, v55  }
0x3d6: {  	v62 =	vand.u32 $0x80000000, v35;
	v39 =	vmul.f32 $-2.000000000e+00, v60;
	v40 =	vmul.f32 $1.442695020e+00, v59  }
0x3d7: {  	v37 =	vor.u32 v57, v33;
	v41 =	vmul.f32 $-2.000000000e+00, v61;
	v38 =	vmul.f32 $1.442695020e+00, v38  }
0x3d8: {  	vm0 =	vmor vm1, vm0;
	v39 =	vmul.f32 $1.442695020e+00, v39;
	(erf) = vpow2.f32 v40  }
0x3d9: {  	vm1 =	vgt.f32 v35, $0.0e+00;
	v63 =	vmul.f32 $1.442695020e+00, v41;
	(erf) = vpow2.f32 v38  }
0x3da: {  	v37 =	vsel vm0, v37, v52;
	vm0 =	vlt.f32 v35, $0.0e+00;
	(erf) = vpow2.f32 v39  }
0x3db: {  	s15 =	simm.s32 $0x180;
	s14 =	simm.s32 $0x5840;
	vm0 =	vmor vm1, vm0;
	v38 =	vor.u32 v62, v33;
	(erf) = vpow2.f32 v63  }
.LBB2_8:
0x3dc: {  	p0 =	sne.s32 s15, $0x5E80  }
0x3dd: {  	v39 =	vand.u32 $0x80000000, v34;
	vm1 =	vlt.f32 v34, $0.0e+00;
	v40 =	vand.u32 $0x80000000, v36;
	s13 =	sadd.s32 $0x80, s13;
	s16 =	smov.u32 s15;
	s15 =	sadd.s32 $0x180, s15  }
0x3de: {  	vm2 =	vlt.f32 v36, $0.0e+00;
	vm3 =	vgt.f32 v36, $0.0e+00;
	v40 =	vor.u32 v40, v33  }
0x3df: {  	v39 =	vor.u32 v39, v33;
	vm2 =	vmor vm3, vm2  }
0x3e0: {  	v36 =	vsel vm2, v40, v36;
	_ =	sdelay $0x1  }
0x3e1: {  	v40 =	vpop (erf)  }
0x3e2: {  	v41 =	vsub.f32 $1.000000000e+00, v40;
	v46 =	vadd.f32 $1.000000000e+00, v40;
	v42 =	vpop (erf)  }
0x3e3: {  	v43 =	vsub.f32 $1.000000000e+00, v42;
	v42 =	vadd.f32 $1.000000000e+00, v42;
	v44 =	vpop (erf)  }
0x3e4: {  	v45 =	vsub.f32 $1.000000000e+00, v44;
	v44 =	vadd.f32 $1.000000000e+00, v44;
	(erf) = vrcp.f32 v46;
	v40 =	vpop (erf)  }
0x3e5: {  	v46 =	vsub.f32 $1.000000000e+00, v40;
	v40 =	vadd.f32 $1.000000000e+00, v40;
	(erf) = vrcp.f32 v42  }
0x3e6: {  	(erf) = vrcp.f32 v44  }
0x3e7: {  	(erf) = vrcp.f32 v40;
	_ =	sdelay $0x1  }
0x3e8: {  	vm2 =	vgt.f32 v34, $0.0e+00;
	v40 =	vld [tilespmem:s13+$0x20]  }
0x3e9: {  	vm1 =	vmor vm2, vm1;
	v42 =	vld [tilespmem:s13+$0x0]  }
0x3ea: {  	s16 =	sshra.s32 s16, $0x2;
	v34 =	vsel vm1, v39, v34;
	v44 =	vld [tilespmem:s13+$0xFFFFFFE0]  }
0x3eb: {  	v35 =	vsel vm0, v38, v35;
	v36 =	vmul.f32 v41, v36;
	v37 =	vmul.f32 v43, v37  }
0x3ec: {  	v34 =	vmul.f32 v45, v34;
	v35 =	vmul.f32 v46, v35;
	v38 =	vpop (erf)  }
0x3ed: {  	v39 =	vmul.f32 v40, v16;
	v45 =	vmul.f32 v38, v36;
	v38 =	vpop (erf)  }
0x3ee: {  	v41 =	vmul.f32 v42, v15;
	v37 =	vmul.f32 v38, v37;
	v38 =	vpop (erf)  }
0x3ef: {  	v43 =	vmul.f32 v44, v22;
	v34 =	vmul.f32 v38, v34;
	[tilespmem:s14+$0x10] =	vst v45;
	v36 =	vpop (erf)  }
0x3f0: {  	[tilespmem:s14+$0xFFFFFFF0] =	vst v37;
	v35 =	vmul.f32 v36, v35  }
0x3f1: {  	[tilespmem:s14+$0xFFFFFFD0] =	vst v34  }
0x3f2: {  	v34 =	vld [tilespmem:s13+$0xFFFFFFC0];
	[tilespmem:s14+$0x30] =	vst v35;
	s14 =	smov.u32 s13;
	_ =	sdelay $0x1  }
0x3f3: {  	v35 =	vld [tilespmem:s16+$0x0]  }
0x3f4: {  	v36 =	vld [tilespmem:s16+$0x20];
	_ =	sdelay $0x1  }
0x3f5: {  	v37 =	vmul.f32 v34, v21;
	_ =	sdelay $0x1  }
0x3f6: {  	v38 =	vmul.f32 v44, v14;
	v45 =	vmul.f32 v35, v25  }
0x3f7: {  	v46 =	vmul.f32 v34, v5;
	v47 =	vmul.f32 v36, v11  }
0x3f8: {  	v50 =	vmul.f32 v34, v29;
	v49 =	vmul.f32 v35, v17;
	v48 =	vld [tilespmem:s16+$0x40]  }
0x3f9: {  	v51 =	vmul.f32 v44, v6;
	v52 =	vmul.f32 v36, v19  }
0x3fa: {  	v44 =	vmul.f32 v44, v30;
	v53 =	vmul.f32 v35, v9;
	v45 =	vadd.f32 v45, v26  }
0x3fb: {  	v54 =	vmul.f32 v42, v7;
	v55 =	vmul.f32 v36, v27;
	v49 =	vadd.f32 v49, v18  }
0x3fc: {  	v56 =	vmul.f32 v42, v31;
	v35 =	vmul.f32 v35, v1;
	v53 =	vadd.f32 v53, v10  }
0x3fd: {  	v57 =	vmul.f32 v40, v8;
	v49 =	vadd.f32 v52, v49;
	v58 =	vmul.f32 v48, v12  }
0x3fe: {  	v36 =	vmul.f32 v36, v3;
	v35 =	vadd.f32 v35, v2;
	v52 =	vmul.f32 v48, v20  }
0x3ff: {  	v47 =	vadd.f32 v47, v53;
	v45 =	vadd.f32 v55, v45;
	v53 =	vmul.f32 v48, v28  }
0x400: {  	v34 =	vmul.f32 v34, v13;
	v35 =	vadd.f32 v36, v35;
	v36 =	vmul.f32 v48, v4  }
0x401: {  	v47 =	vadd.f32 v58, v47;
	v45 =	vadd.f32 v53, v45  }
0x402: {  	v35 =	vadd.f32 v36, v35;
	v36 =	vadd.f32 v52, v49  }
0x403: {  	v42 =	vmul.f32 v42, v23;
	v34 =	vadd.f32 v34, v47;
	v45 =	vadd.f32 v50, v45  }
0x404: {  	v35 =	vadd.f32 v46, v35;
	v36 =	vadd.f32 v37, v36  }
0x405: {  	v37 =	vmul.f32 v40, v24;
	v34 =	vadd.f32 v38, v34;
	v38 =	vadd.f32 v44, v45  }
0x406: {  	v35 =	vadd.f32 v51, v35;
	v36 =	vadd.f32 v43, v36  }
0x407: {  	v40 =	vmul.f32 v40, v32;
	v34 =	vadd.f32 v41, v34;
	v38 =	vadd.f32 v56, v38  }
0x408: {  	v35 =	vadd.f32 v54, v35;
	v36 =	vadd.f32 v42, v36  }
0x409: {  	v34 =	vadd.f32 v39, v34;
	v38 =	vadd.f32 v40, v38  }
0x40a: {  	v35 =	vadd.f32 v57, v35;
	v36 =	vadd.f32 v37, v36  }
0x40b: {  	v37 =	vand.u32 $0x7FFFFFFF, v34;
	v39 =	vand.u32 $0x80000000, v34;
	v40 =	vand.u32 $0x7FFFFFFF, v38  }
0x40c: {  	v41 =	vand.u32 $0x7FFFFFFF, v35;
	v37 =	vmul.f32 $-2.000000000e+00, v37;
	v40 =	vmul.f32 $-2.000000000e+00, v40  }
0x40d: {  	vm0 =	vgt.f32 v35, $0.0e+00;
	v42 =	vand.u32 $0x7FFFFFFF, v36;
	v41 =	vmul.f32 $-2.000000000e+00, v41  }
0x40e: {  	vm1 =	vlt.f32 v34, $0.0e+00;
	v37 =	vmul.f32 $1.442695020e+00, v37;
	v40 =	vmul.f32 $1.442695020e+00, v40  }
0x40f: {  	vm2 =	vgt.f32 v34, $0.0e+00;
	v42 =	vmul.f32 $-2.000000000e+00, v42;
	v41 =	vmul.f32 $1.442695020e+00, v41  }
0x410: {  	v39 =	vor.u32 v39, v33;
	vm1 =	vmor vm2, vm1;
	(erf) = vpow2.f32 v40  }
0x411: {  	v40 =	vmul.f32 $1.442695020e+00, v42;
	v42 =	vand.u32 $0x80000000, v36;
	(erf) = vpow2.f32 v41  }
0x412: {  	v34 =	vsel vm1, v39, v34;
	v39 =	vand.u32 $0x80000000, v38;
	(erf) = vpow2.f32 v37  }
0x413: {  	vm1 =	vlt.f32 v38, $0.0e+00;
	v37 =	vor.u32 v39, v33;
	(erf) = vpow2.f32 v40  }
0x414: {  	vm3 =	vgt.f32 v38, $0.0e+00;
	vm2 =	vlt.f32 v35, $0.0e+00;
	v39 =	vand.u32 $0x80000000, v35  }
0x415: {  	vm0 =	vmor vm0, vm2;
	vm1 =	vmor vm3, vm1;
	v39 =	vor.u32 v39, v33  }
0x416: {  	v37 =	vsel vm1, v37, v38;
	v35 =	vsel vm0, v39, v35;
	vm0 =	vlt.f32 v36, $0.0e+00  }
0x417: {  	v38 =	vor.u32 v42, v33;
	_ =	sdelay $0x1  }
0x418: {  	v39 =	vpop (erf)  }
0x419: {  	v40 =	vsub.f32 $1.000000000e+00, v39;
	v39 =	vadd.f32 $1.000000000e+00, v39;
	v41 =	vpop (erf)  }
0x41a: {  	v42 =	vsub.f32 $1.000000000e+00, v41;
	v41 =	vadd.f32 $1.000000000e+00, v41;
	v43 =	vpop (erf)  }
0x41b: {  	v44 =	vsub.f32 $1.000000000e+00, v43;
	v43 =	vadd.f32 $1.000000000e+00, v43;
	v45 =	vpop (erf);
	(erf) = vrcp.f32 v39  }
0x41c: {  	v37 =	vmul.f32 v40, v37;
	v39 =	vadd.f32 $1.000000000e+00, v45;
	(erf) = vrcp.f32 v41  }
0x41d: {  	v35 =	vmul.f32 v42, v35;
	v40 =	vsub.f32 $1.000000000e+00, v45;
	(erf) = vrcp.f32 v43  }
0x41e: {  	(erf) = vrcp.f32 v39;
	_ =	sdelay $0x4  }
0x41f: {  	vm1 =	vgt.f32 v36, $0.0e+00  }
0x420: {  	vm0 =	vmor vm1, vm0;
	v39 =	vpop (erf)  }
0x421: {  	v36 =	vsel vm0, v38, v36;
	v34 =	vmul.f32 v44, v34;
	v39 =	vmul.f32 v39, v37;
	v38 =	vpop (erf)  }
0x422: {  	v36 =	vmul.f32 v40, v36;
	v35 =	vmul.f32 v38, v35;
	v38 =	vpop (erf)  }
0x423: {  	v34 =	vmul.f32 v38, v34;
	[tilespmem:s13+$0x20] =	vst v39;
	v37 =	vpop (erf)  }
0x424: {  	[tilespmem:s13+$0xFFFFFFC0] =	vst v35;
	v35 =	vmul.f32 v37, v36;
	v36 =	vld [tilespmem:s13+$0xFFFFFFD0]  }
0x425: {  	[tilespmem:s13+$0xFFFFFFE0] =	vst v34  }
0x426: {  	[tilespmem:s13+$0x0] =	vst v35  }
0x427: {  	v34 =	vld [tilespmem:s16+$0x10]  }
0x428: {  	v35 =	vld [tilespmem:s16+$0x30]  }
0x429: {  	v37 =	vld [tilespmem:s16+$0x50];
	v38 =	vmul.f32 v36, v13  }
0x42a: {  	v39 =	vmul.f32 v36, v29  }
0x42b: {  	v40 =	vmul.f32 v36, v5  }
0x42c: {  	v36 =	vmul.f32 v36, v21;
	v41 =	vmul.f32 v34, v17  }
0x42d: {  	v42 =	vmul.f32 v34, v1;
	v43 =	vmul.f32 v34, v25  }
0x42e: {  	v34 =	vmul.f32 v34, v9;
	v44 =	vmul.f32 v35, v19;
	v41 =	vadd.f32 v41, v18  }
0x42f: {  	v46 =	vmul.f32 v35, v3;
	v47 =	vmul.f32 v35, v11;
	v42 =	vadd.f32 v42, v2;
	v45 =	vld [tilespmem:s13+$0xFFFFFFF0]  }
0x430: {  	v34 =	vadd.f32 v34, v10;
	v41 =	vadd.f32 v44, v41;
	v44 =	vmul.f32 v37, v20  }
0x431: {  	v49 =	vmul.f32 v37, v12;
	v42 =	vadd.f32 v46, v42;
	v46 =	vmul.f32 v37, v4;
	v48 =	vld [tilespmem:s13+$0x10]  }
0x432: {  	v35 =	vmul.f32 v35, v27;
	v34 =	vadd.f32 v47, v34;
	v41 =	vadd.f32 v44, v41  }
0x433: {  	v43 =	vadd.f32 v43, v26;
	v37 =	vmul.f32 v37, v28;
	v42 =	vadd.f32 v46, v42  }
0x434: {  	v34 =	vadd.f32 v49, v34;
	v44 =	vld [tilespmem:s13+$0x30];
	v36 =	vadd.f32 v36, v41;
	v41 =	vmul.f32 v45, v22  }
0x435: {  	v35 =	vadd.f32 v35, v43;
	v40 =	vadd.f32 v40, v42;
	v42 =	vmul.f32 v45, v14  }
0x436: {  	v34 =	vadd.f32 v38, v34;
	v36 =	vadd.f32 v41, v36;
	v38 =	vmul.f32 v48, v23  }
0x437: {  	v35 =	vadd.f32 v37, v35;
	v41 =	vmul.f32 v48, v15  }
0x438: {  	v34 =	vadd.f32 v42, v34;
	v37 =	vmul.f32 v48, v31;
	v36 =	vadd.f32 v38, v36  }
0x439: {  	v35 =	vadd.f32 v39, v35;
	v38 =	vmul.f32 v45, v6;
	v39 =	vmul.f32 v44, v32  }
0x43a: {  	v42 =	vmul.f32 v45, v30;
	v34 =	vadd.f32 v41, v34;
	v41 =	vmul.f32 v44, v16  }
0x43b: {  	v43 =	vmul.f32 v44, v24;
	v38 =	vadd.f32 v38, v40;
	v40 =	vmul.f32 v48, v7  }
0x43c: {  	v41 =	vadd.f32 v41, v34;
	v34 =	vadd.f32 v42, v35  }
0x43d: {  	v36 =	vadd.f32 v43, v36;
	v35 =	vadd.f32 v40, v38;
	v38 =	vmul.f32 v44, v8  }
0x43e: {  	v40 =	vand.u32 $0x7FFFFFFF, v41;
	vm0 =	vlt.f32 v41, $0.0e+00;
	v37 =	vadd.f32 v37, v34  }
0x43f: {  	v34 =	vadd.f32 v38, v35;
	v38 =	vand.u32 $0x80000000, v41;
	v35 =	vand.u32 $0x7FFFFFFF, v36  }
0x440: {  	v40 =	vmul.f32 $-2.000000000e+00, v40;
	v42 =	vmul.f32 $-2.000000000e+00, v35;
	v35 =	vadd.f32 v39, v37  }
0x441: {  	vm1 =	vgt.f32 v41, $0.0e+00;
	v38 =	vor.u32 v38, v33;
	v37 =	vand.u32 $0x7FFFFFFF, v34  }
0x442: {  	v37 =	vmul.f32 $-2.000000000e+00, v37;
	v39 =	vmul.f32 $1.442695020e+00, v42;
	v42 =	vand.u32 $0x7FFFFFFF, v35  }
.Ltmp3:
0x443: {  	vm0 =	vmor vm1, vm0;
	v40 =	vmul.f32 $1.442695020e+00, v40;
	v42 =	vmul.f32 $-2.000000000e+00, v42;
	(pc) =	sbr.rel @p0 .LBB2_8-.Ltmp3, $4  }
0x444: {  	v44 =	vand.u32 $0x80000000, v35;
	v43 =	vmul.f32 $1.442695020e+00, v37;
	(erf) = vpow2.f32 v39  }
0x445: {  	v37 =	vsel vm0, v38, v41;
	v39 =	vmul.f32 $1.442695020e+00, v42;
	(erf) = vpow2.f32 v40  }
0x446: {  	vm1 =	vgt.f32 v35, $0.0e+00;
	vm0 =	vlt.f32 v35, $0.0e+00;
	(erf) = vpow2.f32 v43  }
0x447: {  	v38 =	vor.u32 v44, v33;
	vm0 =	vmor vm1, vm0;
	(erf) = vpow2.f32 v39  }
0x448: {  	_ =	sdelay $0x4  }
0x449: {  	v1 =	vpop (erf)  }
0x44a: {  	v2 =	vadd.f32 $1.000000000e+00, v1;
	_ =	sdelay $0x1  }
0x44b: {  	v3 =	vpop (erf);
	(erf) = vrcp.f32 v2  }
0x44c: {  	v4 =	vadd.f32 $1.000000000e+00, v3;
	v5 =	vpop (erf)  }
0x44d: {  	v6 =	vadd.f32 $1.000000000e+00, v5;
	v2 =	vpop (erf)  }
0x44e: {  	(erf) = vrcp.f32 v4;
	v7 =	vadd.f32 $1.000000000e+00, v2  }
0x44f: {  	v57 =	vand.u32 $0x80000000, v36;
	(erf) = vrcp.f32 v6  }
0x450: {  	vm1 =	vlt.f32 v36, $0.0e+00;
	vm2 =	vgt.f32 v36, $0.0e+00;
	(erf) = vrcp.f32 v7  }
0x451: {  	vm1 =	vmor vm2, vm1;
	v1 =	vsub.f32 $1.000000000e+00, v1;
	v4 =	vor.u32 v57, v33  }
0x452: {  	v4 =	vsel vm1, v4, v36  }
0x453: {  	v58 =	vand.u32 $0x80000000, v34;
	vm3 =	vlt.f32 v34, $0.0e+00;
	v1 =	vmul.f32 v1, v4  }
0x454: {  	vm15 =	vgt.f32 v34, $0.0e+00;
	v3 =	vsub.f32 $1.000000000e+00, v3;
	v5 =	vsub.f32 $1.000000000e+00, v5;
	v60 =	vpop (erf)  }
0x455: {  	v6 =	vor.u32 v58, v33;
	vm1 =	vmor vm15, vm3;
	v1 =	vmul.f32 v60, v1  }
0x456: {  	v3 =	vmul.f32 v3, v37;
	v2 =	vsub.f32 $1.000000000e+00, v2;
	v59 =	vsel vm1, v6, v34  }
0x457: {  	v61 =	vsel vm0, v38, v35;
	v4 =	vmul.f32 v5, v59;
	v62 =	vpop (erf)  }
0x458: {  	v2 =	vmul.f32 v2, v61;
	v3 =	vmul.f32 v62, v3;
	v63 =	vpop (erf)  }
0x459: {  	v4 =	vmul.f32 v63, v4;
	[tilespmem:s14+$0x10] =	vst v1;
	v1 =	vpop (erf)  }
0x45a: {  	s12 =	sadd.s32 $0x1, s12;
	[tilespmem:s14+$0xFFFFFFF0] =	vst v3;
	v1 =	vmul.f32 v1, v2  }
0x45b: {  	p0 =	sne.s32 s12, s7;
	[tilespmem:s14+$0xFFFFFFD0] =	vst v4  }
.Ltmp4:
0x45c: {  	[tilespmem:s14+$0x30] =	vst v1;
	(pc) =	sbr.rel @p0 .LBB2_1-.Ltmp4, $4  }
0x45d: {  	[hbm4b:s6+s2] =	stream.linear.scatter [tilespmem:s11], [sflag:$0x1], $0x2000, $0x38;
	[tilespmem:$0x17900] =	vst v63  }
0x45e: {  	_ =	swait.ge [sflag:s8], $0x2000  }
0x45f: {  	[sflag:s8] =	ssyncset.done $0x0  }
0x460: {  	[sflag:s8] =	ssyncadd.s32 $0xFFFFE000  }
0x461: {  	_ =	sfence.sel $0x180000  }
0x462: {  	[bflag:$0x0] =	sbarrier.arrive $0xFFFF  }
0x463: {  	p0 =	sne.s32 s0, $0x0;
	_ =	strace $0x90000047  }
0x464: {  	s0 =	sadd.s32 @!p0 $0x100000, s1;
	[bflag:$0x2] =	sbarrier.arrive $0xFFFF  }
0x465: {  	[sflag:s0] =	ssyncadd.tile.s32 @!p0 $0x1;
	_ =	shalt  }
.Lfunc_end2:
_tile_overlayer_lowered:
.L_overlay_start_2:
0x466: {  	(tag) =	ssettag $0x2  }
0x467: {  	s0 =	rddreg [dreg:$0x0];
	s2 =	stileid.u32  }
0x468: {  	s1 =	rddreg [dreg:$0x1];
	p0 =	sne.s32 s2, $0x0  }
0x469: {  	s3 =	rddreg [dreg:$0x2];
	[bflag:$0x3] =	sbarrier.arrive $0xFFFF;
	s2 =	simm.s32 @!p0 $0x1C01  }
0x46a: {  	[timem:s3], [sflag:s2] =	dma.local @!p0 [hbm:s0], s1  }
0x46b: {  	s0 =	simm.s32 @!p0 $0x1  }
0x46c: {  	_ =	swait.ge @!p0 [sflag:s0], s1  }
0x46d: {  	s1 =	ssub.s32 @!p0 $0x0, s1;
	[sflag:s0] =	ssyncset.done @!p0 $0x0  }
0x46e: {  	[sflag:s0] =	ssyncadd.s32 @!p0 s1  }
0x46f: {  	[bflag:$0x3] =	sbarrier.arrive $0xFFFF  }
0x470: {  	_ =	shalt  }

</sc_bundles>
